<compile_context>
chip_gen: v7x
topology: tpu7x:2x2x1
jax: 0.10.2.dev20260603
libtpu: 0.0.44.dev20260713+nightly
codegen_flags: <defaults>
</compile_context>

<pallas_src>
import functools

import jax
import jax.numpy as jnp
from jax import lax
from jax.experimental import pallas as pl
from jax.experimental.pallas import tpu as pltpu
from jax.experimental.pallas import tpu_sc as plsc

N = 100000
E = 3200000
NC = 2
NS = 16
NW = NC * NS
L = 16
NRP = 6256

_MESH = plsc.VectorSubcoreMesh(core_axis_name="c", subcore_axis_name="s")


def _zero_rows(ref, nrows):
    def body(i, _):
        ref[i, :] = jnp.zeros((L,), jnp.float32)
        return 0
    lax.fori_loop(0, nrows, body, 0)


def _fill_iota(idxr, nrows):
    iota = lax.iota(jnp.int32, L)

    def body(i, _):
        idxr[pl.ds(i * L, L)] = i * L + iota
        return 0

    lax.fori_loop(0, nrows // L, body, 0)
    idxr[pl.ds(nrows - L, L)] = (nrows - L) + iota


HM = NRP // 8


def _merge_writeback(acc, accsh, idxr, zb, out_hbm, cid, sid):
    for half in range(8):
        @pl.when(sid < 2)
        def _():
            pltpu.sync_copy(zb, accsh.at[pl.ds(sid * WB, WB)])

        plsc.subcore_barrier()
        pltpu.sync_copy(acc.at[pl.ds(half * HM, HM)], accsh.at[idxr],
                        add=True)
        plsc.subcore_barrier()

        @pl.when(sid < 2)
        def _():
            pltpu.sync_copy(
                accsh.at[pl.ds(sid * WB, WB)],
                out_hbm.at[pl.ds(cid * NRP + half * HM + sid * WB, WB)])

        plsc.subcore_barrier()


CH1 = 4000
EPT1 = E // NW
WB = NRP // NS


def _sc_deg_body(src_hbm, dst_hbm, attr_hbm, out_hbm,
                 acc, srcb, dstb, attrb, idxr, zb, accsh):
    cid = lax.axis_index("c")
    sid = lax.axis_index("s")
    wid = sid * NC + cid

    _zero_rows(acc, NRP)
    _fill_iota(idxr, HM)
    _zero_rows(zb, WB)

    base = wid * EPT1

    def chunk(j, _):
        off = base + j * CH1
        pltpu.sync_copy(src_hbm.at[pl.ds(off, CH1)], srcb)
        pltpu.sync_copy(dst_hbm.at[pl.ds(off, CH1)], dstb)
        pltpu.sync_copy(attr_hbm.at[pl.ds(off, CH1)], attrb)

        def step(i, _):
            sv = srcb[pl.ds(i * L, L)]
            dv = dstb[pl.ds(i * L, L)]
            av = attrb[pl.ds(i * L, L)]
            wv = jnp.where(sv != dv, av, jnp.zeros((L,), jnp.float32))
            plsc.addupdate_scatter(
                acc, [lax.shift_right_logical(sv, 4), jnp.bitwise_and(sv, 15)],
                wv)
            return 0

        lax.fori_loop(0, CH1 // L, step, 0)
        return 0

    lax.fori_loop(0, EPT1 // CH1, chunk, 0)
    _merge_writeback(acc, accsh, idxr, zb, out_hbm, cid, sid)


_sc_deg = functools.partial(
    pl.kernel,
    out_type=jax.ShapeDtypeStruct((2 * NRP, L), jnp.float32),
    mesh=_MESH,
    compiler_params=pltpu.CompilerParams(needs_layout_passes=False, use_tc_tiling_on_sc=False, internal_scratch_in_bytes=65536),
    scratch_types=[
        pltpu.VMEM((NRP, L), jnp.float32),
        pltpu.VMEM((CH1,), jnp.int32),
        pltpu.VMEM((CH1,), jnp.int32),
        pltpu.VMEM((CH1,), jnp.float32),
        pltpu.VMEM((HM,), jnp.int32),
        pltpu.VMEM((WB, L), jnp.float32),
        pltpu.VMEM_SHARED((HM, L), jnp.float32),
    ],
)(_sc_deg_body)

CH3 = 400
NCH3 = EPT1 // CH3


def _sc_t_body(src_hbm, dst_hbm, attr_hbm, dis_hbm, out_hbm,
               acc, srcb, dstb, attrb, disb, idxr, zb, accsh, esem, gsem):
    cid = lax.axis_index("c")
    sid = lax.axis_index("s")
    wid = sid * NC + cid

    _zero_rows(acc, NRP)
    _fill_iota(idxr, HM)
    _zero_rows(zb, WB)

    base = wid * EPT1
    iota = lax.iota(jnp.int32, L)
    z16 = jnp.zeros((L,), jnp.int32)

    def issue_edges(j, s):
        off = base + j * CH3
        pltpu.async_copy(src_hbm.at[pl.ds(off, CH3)], srcb.at[s], esem.at[s])
        pltpu.async_copy(dst_hbm.at[pl.ds(off, CH3)], dstb.at[s], esem.at[s])
        pltpu.async_copy(attr_hbm.at[pl.ds(off, CH3)], attrb.at[s], esem.at[s])

    def wait_edges(s):
        pltpu.make_async_copy(src_hbm.at[pl.ds(0, CH3)], srcb.at[s],
                              esem.at[s]).wait()
        pltpu.make_async_copy(dst_hbm.at[pl.ds(0, CH3)], dstb.at[s],
                              esem.at[s]).wait()
        pltpu.make_async_copy(attr_hbm.at[pl.ds(0, CH3)], attrb.at[s],
                              esem.at[s]).wait()

    def issue_gather(s2, s3):
        pltpu.async_copy(dis_hbm.at[dstb.at[s3]], disb.at[s2], gsem.at[s2])

    def wait_gather(s2):
        pltpu.make_async_copy(dis_hbm.at[pl.ds(0, CH3)], disb.at[s2],
                              gsem.at[s2]).wait()

    issue_edges(0, 0)
    issue_edges(1, 1)
    wait_edges(0)
    issue_gather(0, 0)

    def chunk(j, _):
        b2 = lax.rem(j, 2)
        b3 = lax.rem(j, 3)
        nb2 = lax.rem(j + 1, 2)
        nb3 = lax.rem(j + 1, 3)

        @pl.when(j + 1 < NCH3)
        def _():
            wait_edges(nb3)
            issue_gather(nb2, nb3)

        @pl.when(j + 2 < NCH3)
        def _():
            issue_edges(j + 2, lax.rem(j + 2, 3))

        wait_gather(b2)

        def step(i, _):
            sv = srcb[b3, pl.ds(i * L, L)]
            dv = dstb[b3, pl.ds(i * L, L)]
            av = attrb[b3, pl.ds(i * L, L)]
            wv = jnp.where(sv != dv, av, jnp.zeros((L,), jnp.float32))
            ev = i * L + iota
            gv = plsc.load_gather(disb.at[b2], [ev, z16])
            plsc.addupdate_scatter(
                acc, [lax.shift_right_logical(sv, 4), jnp.bitwise_and(sv, 15)],
                wv * gv)
            return 0

        lax.fori_loop(0, CH3 // L, step, 0)
        return 0

    lax.fori_loop(0, NCH3, chunk, 0)
    _merge_writeback(acc, accsh, idxr, zb, out_hbm, cid, sid)


_sc_t = functools.partial(
    pl.kernel,
    out_type=jax.ShapeDtypeStruct((2 * NRP, L), jnp.float32),
    mesh=_MESH,
    compiler_params=pltpu.CompilerParams(needs_layout_passes=False, use_tc_tiling_on_sc=False, internal_scratch_in_bytes=65536),
    scratch_types=[
        pltpu.VMEM((NRP, L), jnp.float32),
        pltpu.VMEM((3, CH3), jnp.int32),
        pltpu.VMEM((3, CH3), jnp.int32),
        pltpu.VMEM((3, CH3), jnp.float32),
        pltpu.VMEM((2, CH3, 16), jnp.float32),
        pltpu.VMEM((HM,), jnp.int32),
        pltpu.VMEM((WB, L), jnp.float32),
        pltpu.VMEM_SHARED((HM, L), jnp.float32),
        pltpu.SemaphoreType.DMA((3,)),
        pltpu.SemaphoreType.DMA((2,)),
    ],
)(_sc_t_body)

CH2 = 400
EPC = E // NC
EPT2 = EPC // NS
NCH2 = EPT2 // CH2
NP2 = 100096
RPT = NP2 // NS


def _sc_prop_body(src_hbm, dst_hbm, attr_hbm, u_hbm, z_hbm, out_hbm,
                  accsh, srcb, dstb, attrb, rows, wbuf, esem, gsem):
    cid = lax.axis_index("c")
    sid = lax.axis_index("s")

    pltpu.sync_copy(z_hbm, accsh.at[pl.ds(sid * RPT, RPT)])
    plsc.subcore_barrier()

    base = cid * EPC + sid * EPT2

    def issue_edges(j, s):
        off = base + j * CH2
        pltpu.async_copy(src_hbm.at[pl.ds(off, CH2)], srcb.at[s], esem.at[s])
        pltpu.async_copy(dst_hbm.at[pl.ds(off, CH2)], dstb.at[s], esem.at[s])
        pltpu.async_copy(attr_hbm.at[pl.ds(off, CH2)], attrb.at[s], esem.at[s])

    def wait_edges(s):
        pltpu.make_async_copy(src_hbm.at[pl.ds(0, CH2)], srcb.at[s],
                              esem.at[s]).wait()
        pltpu.make_async_copy(dst_hbm.at[pl.ds(0, CH2)], dstb.at[s],
                              esem.at[s]).wait()
        pltpu.make_async_copy(attr_hbm.at[pl.ds(0, CH2)], attrb.at[s],
                              esem.at[s]).wait()

    def issue_gather(s2, s3):
        pltpu.async_copy(u_hbm.at[srcb.at[s3]], rows.at[s2], gsem.at[s2])

    def wait_gather(s2):
        pltpu.make_async_copy(u_hbm.at[pl.ds(0, CH2)], rows.at[s2],
                              gsem.at[s2]).wait()

    issue_edges(0, 0)
    issue_edges(1, 1)
    wait_edges(0)
    issue_gather(0, 0)

    def chunk(j, _):
        b2 = lax.rem(j, 2)
        b3 = lax.rem(j, 3)
        nb2 = lax.rem(j + 1, 2)
        nb3 = lax.rem(j + 1, 3)

        @pl.when(j + 1 < NCH2)
        def _():
            wait_edges(nb3)
            issue_gather(nb2, nb3)

        @pl.when(j + 2 < NCH2)
        def _():
            issue_edges(j + 2, lax.rem(j + 2, 3))

        wait_gather(b2)

        def step(i, _):
            sv = srcb[b3, pl.ds(i * L, L)]
            dv = dstb[b3, pl.ds(i * L, L)]
            av = attrb[b3, pl.ds(i * L, L)]
            wv = jnp.where(sv != dv, av, jnp.zeros((L,), jnp.float32))
            wbuf[...] = wv
            for e in range(16):
                ce = jnp.full((L,), e, jnp.int32)
                wsp = plsc.load_gather(wbuf, [ce])
                wb = plsc.pack(wsp, wsp, format=plsc.PackFormat.INTERLEAVED)
                row = rows[b2, i * L + e, :]
                rows[b2, i * L + e, :] = row * wb
            return 0

        lax.fori_loop(0, CH2 // L, step, 0)
        pltpu.sync_copy(rows.at[b2], accsh.at[dstb.at[b3]], add=True)
        return 0

    lax.fori_loop(0, NCH2, chunk, 0)
    plsc.subcore_barrier()
    pltpu.sync_copy(accsh.at[pl.ds(sid * RPT, RPT)],
                    out_hbm.at[pl.ds(cid * NP2 + sid * RPT, RPT)])


_sc_prop = functools.partial(
    pl.kernel,
    out_type=jax.ShapeDtypeStruct((2 * NP2, 32), jnp.bfloat16),
    mesh=_MESH,
    compiler_params=pltpu.CompilerParams(needs_layout_passes=False, use_tc_tiling_on_sc=False, internal_scratch_in_bytes=65536),
    scratch_types=[
        pltpu.VMEM_SHARED((NP2, 32), jnp.bfloat16),
        pltpu.VMEM((3, CH2), jnp.int32),
        pltpu.VMEM((3, CH2), jnp.int32),
        pltpu.VMEM((3, CH2), jnp.float32),
        pltpu.VMEM((2, CH2, 32), jnp.bfloat16),
        pltpu.VMEM((L,), jnp.float32),
        pltpu.SemaphoreType.DMA((3,)),
        pltpu.SemaphoreType.DMA((2,)),
    ],
)(_sc_prop_body)

BN = 2000
GA = N // BN


def _tc_a_body(d0_ref, d1_ref, x_ref, w1_ref, b1_ref,
               dis_ref, h_ref, u_ref):
    deg = d0_ref[...] + d1_ref[...]
    safe = jnp.where(deg > 0, deg, 1.0)
    dis = jnp.where(deg > 0, lax.rsqrt(safe), 0.0)
    z1 = jnp.dot(x_ref[...], w1_ref[...],
                 preferred_element_type=jnp.float32) + b1_ref[...]
    h = jnp.where(z1 >= 0, z1, 0.01 * z1)
    u = dis * h
    dis_ref[...] = jnp.broadcast_to(dis, dis_ref.shape)
    h_ref[...] = h
    u_ref[...] = u.astype(jnp.bfloat16)


def _tc_a(d0, d1, x, W1_0, b1r):
    return pl.pallas_call(
        _tc_a_body,
        grid=(GA,),
        in_specs=[
            pl.BlockSpec((BN, 1), lambda i: (i, 0)),
            pl.BlockSpec((BN, 1), lambda i: (i, 0)),
            pl.BlockSpec((BN, 20), lambda i: (i, 0)),
            pl.BlockSpec((20, 32), lambda i: (0, 0)),
            pl.BlockSpec((1, 32), lambda i: (0, 0)),
        ],
        out_specs=[
            pl.BlockSpec((BN, 16), lambda i: (i, 0)),
            pl.BlockSpec((BN, 32), lambda i: (i, 0)),
            pl.BlockSpec((BN, 32), lambda i: (i, 0)),
        ],
        out_shape=[
            jax.ShapeDtypeStruct((N, 16), jnp.float32),
            jax.ShapeDtypeStruct((N, 32), jnp.float32),
            jax.ShapeDtypeStruct((N, 32), jnp.bfloat16),
        ],
    )(d0, d1, x, W1_0, b1r)

GB = N // BN


def _tc_b_body(h_ref, p0_ref, p1_ref, dis_ref, t0_ref, t1_ref, w20_ref,
               w21_ref, b2_ref, w30_ref, w31_ref, b3_ref, out_ref, acc):
    i = pl.program_id(0)

    @pl.when(i == 0)
    def _():
        acc[...] = jnp.zeros_like(acc)

    dis = dis_ref[...][:, 0:1]
    P = p0_ref[...].astype(jnp.float32) + p1_ref[...].astype(jnp.float32)
    pm = P * (-dis)
    z2 = (jnp.dot(h_ref[...], w20_ref[...], preferred_element_type=jnp.float32)
          + jnp.dot(pm, w21_ref[...], preferred_element_type=jnp.float32)
          + b2_ref[...])
    h2 = jnp.where(z2 >= 0, z2, 0.01 * z2)
    t = t0_ref[...] + t1_ref[...]
    cvec = -dis * t
    msum = jnp.sum(h2, axis=0)[None, :]
    csum = jnp.sum(cvec * h2, axis=0)[None, :]
    acc[0:1, 0:64] += msum
    acc[1:2, 0:64] += csum

    @pl.when(i == GB - 1)
    def _():
        ms = acc[0:1, 0:64]
        cs = acc[1:2, 0:64]
        pooled = (jnp.dot(ms, w30_ref[...], preferred_element_type=jnp.float32)
                  + jnp.dot(cs, w31_ref[...], preferred_element_type=jnp.float32)
                  ) / N + b3_ref[...]
        m = jnp.max(pooled, axis=1, keepdims=True)
        e = jnp.exp(pooled - m)
        out_ref[...] = pooled - m - jnp.log(jnp.sum(e, axis=1, keepdims=True))


def _tc_b(h, p0, p1, dis, t0, t1, W2_0, W2_1, b2r, W3_0, W3_1, b3r):
    return pl.pallas_call(
        _tc_b_body,
        grid=(GB,),
        in_specs=[
            pl.BlockSpec((BN, 32), lambda i: (i, 0)),
            pl.BlockSpec((BN, 32), lambda i: (i, 0)),
            pl.BlockSpec((BN, 32), lambda i: (i, 0)),
            pl.BlockSpec((BN, 16), lambda i: (i, 0)),
            pl.BlockSpec((BN, 1), lambda i: (i, 0)),
            pl.BlockSpec((BN, 1), lambda i: (i, 0)),
            pl.BlockSpec((32, 64), lambda i: (0, 0)),
            pl.BlockSpec((32, 64), lambda i: (0, 0)),
            pl.BlockSpec((1, 64), lambda i: (0, 0)),
            pl.BlockSpec((64, 2), lambda i: (0, 0)),
            pl.BlockSpec((64, 2), lambda i: (0, 0)),
            pl.BlockSpec((1, 2), lambda i: (0, 0)),
        ],
        out_specs=pl.BlockSpec((1, 2), lambda i: (0, 0)),
        out_shape=jax.ShapeDtypeStruct((1, 2), jnp.float32),
        scratch_shapes=[pltpu.VMEM((8, 128), jnp.float32)],
    )(h, p0, p1, dis, t0, t1, W2_0, W2_1, b2r, W3_0, W3_1, b3r)


def kernel(x, edge_index, attr, W1_0, b1, W2_0, W2_1, b2, W3_0, W3_1, b3):
    src = edge_index[0]
    dst = edge_index[1]
    b1r = b1.reshape(1, 32)
    b2r = b2.reshape(1, 64)
    b3r = b3.reshape(1, 2)

    degf = _sc_deg(src, dst, attr).reshape(2 * NRP * L)
    d0 = degf[0:N].reshape(N, 1)
    d1 = degf[NRP * L:NRP * L + N].reshape(N, 1)
    dis, h, u = _tc_a(d0, d1, x, W1_0, b1r)
    zrows = jnp.zeros((RPT, 32), jnp.bfloat16)
    prop = _sc_prop(src, dst, attr, u, zrows)
    p0 = prop[0:N]
    p1 = prop[NP2:NP2 + N]
    tf = _sc_t(src, dst, attr, dis).reshape(2 * NRP * L)
    t0 = tf[0:N].reshape(N, 1)
    t1 = tf[NRP * L:NRP * L + N].reshape(N, 1)
    return _tc_b(h, p0, p1, dis, t0, t1, W2_0, W2_1, b2r, W3_0, W3_1, b3r)

# --- scband reference (transcript-rebuilt; emitter-appended) ---
"""Pipeline reference for scband-net-84344567759246 (READ-ONLY COPY).

The authoritative reference and input builder live on the scoring server;
editing this copy changes nothing except your own understanding.
"""

import jax, jax.numpy as jnp
import numpy as np

N = 100000
E = 3200000


def _edge_norm(src, dst, attr):
    # ChebConv.__norm__: remove_self_loops -> get_laplacian(sym) -> scale by 2/lambda_max (=1 for lambda_max=2)
    # -> add_self_loops(fill=-1). Diagonal entries (1 from L, -1 added) cancel in scatter, leaving
    # effective L_hat = -D^{-1/2} A D^{-1/2} on the off-diagonal edges.
    w = jnp.where(src == dst, 0.0, attr)  # remove_self_loops
    deg = jax.ops.segment_sum(w, src, num_segments=N)
    safe = jnp.where(deg > 0, deg, 1.0)
    dis = jnp.where(deg > 0, safe ** -0.5, 0.0)
    return -dis[src] * w * dis[dst]


def _cheb_prop(x, src, dst, norm):
    # MessagePassing.propagate with aggr='add': out[dst] += norm_e * x[src]
    return jax.ops.segment_sum(norm[:, None] * x[src], dst, num_segments=N)


def leaky_relu(x):
    return jnp.where(x >= 0, x, 0.01 * x)


def setup_inputs(seed: int = 0):
    key = jax.random.key(seed)
    ks = jax.random.split(key, 12)
    x = jax.random.normal(ks[0], (N, 20), dtype=jnp.float32)
    edge_index = jax.random.randint(ks[1], (2, E), 0, N, dtype=jnp.int32)
    attr = jax.random.uniform(ks[2], (E,), dtype=jnp.float32)
    s = 0.1
    W1_0 = jax.random.normal(ks[3], (20, 32), dtype=jnp.float32) * s
    b1 = jnp.zeros((32,), dtype=jnp.float32)
    W2_0 = jax.random.normal(ks[4], (32, 64), dtype=jnp.float32) * s
    W2_1 = jax.random.normal(ks[5], (32, 64), dtype=jnp.float32) * s
    b2 = jnp.zeros((64,), dtype=jnp.float32)
    W3_0 = jax.random.normal(ks[6], (64, 2), dtype=jnp.float32) * s
    W3_1 = jax.random.normal(ks[7], (64, 2), dtype=jnp.float32) * s
    b3 = jnp.zeros((2,), dtype=jnp.float32)
    return {"x": x, "edge_index": edge_index, "attr": attr,
            "W1_0": W1_0, "b1": b1, "W2_0": W2_0, "W2_1": W2_1, "b2": b2,
            "W3_0": W3_0, "W3_1": W3_1, "b3": b3}


def reference(x, edge_index, attr, W1_0, b1, W2_0, W2_1, b2, W3_0, W3_1, b3):
    src, dst = edge_index[0], edge_index[1]
    norm = _edge_norm(src, dst, attr)
    # conv1: ChebConv(20, 32, K=1): out = T0(x) @ W0 + b = x @ W0 + b
    h = x @ W1_0 + b1
    h = leaky_relu(h)
    # conv2: ChebConv(32, 64, K=2): out = x @ W0 + (L_hat x) @ W1 + b
    h2 = h @ W2_0 + _cheb_prop(h, src, dst, norm) @ W2_1 + b2
    h2 = leaky_relu(h2)
    # conv3: ChebConv(64, 2, K=2)
    h3 = h2 @ W3_0 + _cheb_prop(h2, src, dst, norm) @ W3_1 + b3
    # global_mean_pool with batch = all zeros -> mean over all nodes, shape [1, 2]
    pooled = jnp.mean(h3, axis=0, keepdims=True)
    return jax.nn.log_softmax(pooled, axis=1)

if __name__ == "__main__":
    import jax
    _d = setup_inputs()
    print(jax.jit(kernel)(*tuple(_d.values())))

</pallas_src>

<mosaic_0001>
#map = affine_map<(d0, d1) -> (0)>
#map1 = affine_map<(d0, d1) -> (0, 0)>
module attributes {stable_mosaic.version = 14 : i64} {
  func.func @_sc_t_body(%arg0: i32, %arg1: i32, %arg2: memref<3200000xi32, #tpu.memory_space<hbm>>, %arg3: memref<3200000xi32, #tpu.memory_space<hbm>>, %arg4: memref<3200000xf32, #tpu.memory_space<hbm>>, %arg5: memref<100000x16xf32, #tpu.memory_space<hbm>>, %arg6: memref<12512x16xf32, #tpu.memory_space<hbm>>, %arg7: memref<6256x16xf32, #tpu.memory_space<vmem>>, %arg8: memref<3x400xi32, #tpu.memory_space<vmem>>, %arg9: memref<3x400xi32, #tpu.memory_space<vmem>>, %arg10: memref<3x400xf32, #tpu.memory_space<vmem>>, %arg11: memref<2x400x16xf32, #tpu.memory_space<vmem>>, %arg12: memref<782xi32, #tpu.memory_space<vmem>>, %arg13: memref<391x16xf32, #tpu.memory_space<vmem>>, %arg14: memref<782x16xf32, #tpu.memory_space<vmem_shared>>, %arg15: memref<3x!tpu.dma_semaphore, #tpu.memory_space<semaphore_mem>>, %arg16: memref<2x!tpu.dma_semaphore, #tpu.memory_space<semaphore_mem>>) attributes {dimension_semantics = [#tpu.dimension_semantics<core_parallel>, #tpu.dimension_semantics<subcore_parallel>], iteration_bounds = array<i64: 2, 16>, scalar_prefetch = 0 : i64, scratch_operands = 10 : i64, tpu.core_type = #tpu.core_type<sc_vector_subcore>, window_params = [{transform_indices = #map}, {transform_indices = #map}, {transform_indices = #map}, {transform_indices = #map1}, {transform_indices = #map1}]} {
    %mul3A = arith.constant 2 : i32
    %mul3A_0 = arith.muli %arg1, %mul3A : i32
    %add3A = arith.addi %mul3A_0, %arg0 : i32
    %scan3A = arith.constant 0 : i32
    %scan3A_1 = arith.constant 0 : i32
    %scan3A_2 = arith.constant 6256 : i32
    %scan3A_3 = arith.addi %scan3A_1, %scan3A_2 : i32
    %scan3A_4 = arith.constant 1 : i32
    %scan3A_5 = scf.for %scan3A_267 = %scan3A_1 to %scan3A_3 step %scan3A_4 iter_args(%scan3A_268 = %scan3A) -> (i32)  : i32 {
      %broadcast_in_dim3A_269 = arith.constant 0.000000e+00 : f32
      %broadcast_in_dim3A_270 = vector.broadcast %broadcast_in_dim3A_269 : f32 to vector<16xf32>
      %swap3A_271 = arith.index_cast %scan3A_267 : i32 to index
      %swap3A_272 = arith.constant 0 : index
      %swap3A_273 = tpu.vector_load %arg7[%swap3A_271, %swap3A_272] {strides = array<i32>} : memref<6256x16xf32, #tpu.memory_space<vmem>>, vector<16xf32>,
      tpu.vector_store %arg7[%swap3A_271, %swap3A_272], %broadcast_in_dim3A_270 {strides = array<i32>} : memref<6256x16xf32, #tpu.memory_space<vmem>>, vector<16xf32>,
      %scan3A_274 = arith.constant 0 : i32
      scf.yield %scan3A_274 : i32
    }
    %scan3A_6 = arith.constant 6256 : i32
    %iota3A = tpu.iota {dimensions = array<i32: 0>} : vector<16xi32>
    %scan3A_7 = arith.constant 0 : i32
    %scan3A_8 = arith.constant 0 : i32
    %scan3A_9 = arith.constant 48 : i32
    %scan3A_10 = arith.addi %scan3A_8, %scan3A_9 : i32
    %scan3A_11 = arith.constant 1 : i32
    %scan3A_12 = scf.for %scan3A_267 = %scan3A_8 to %scan3A_10 step %scan3A_11 iter_args(%scan3A_268 = %scan3A_7) -> (i32)  : i32 {
      %mul3A_269 = arith.constant 16 : i32
      %mul3A_270 = arith.muli %scan3A_267, %mul3A_269 : i32
      %add3A_271 = vector.broadcast %mul3A_270 : i32 to vector<16xi32>
      %add3A_272 = arith.addi %add3A_271, %iota3A : vector<16xi32>
      %mul3A_273 = arith.constant 16 : i32
      %mul3A_274 = arith.muli %scan3A_267, %mul3A_273 : i32
      %swap3A_275 = arith.index_cast %mul3A_274 : i32 to index
      %swap3A_276 = tpu.vector_load %arg12[%swap3A_275] {strides = array<i32>} : memref<782xi32, #tpu.memory_space<vmem>>, vector<16xi32>,
      tpu.vector_store %arg12[%swap3A_275], %add3A_272 {strides = array<i32>} : memref<782xi32, #tpu.memory_space<vmem>>, vector<16xi32>,
      %scan3A_277 = arith.constant 0 : i32
      scf.yield %scan3A_277 : i32
    }
    %scan3A_13 = arith.constant 48 : i32
    %add3A_14 = arith.constant 766 : i32
    %add3A_15 = vector.broadcast %add3A_14 : i32 to vector<16xi32>
    %add3A_16 = arith.addi %add3A_15, %iota3A : vector<16xi32>
    %swap3A = arith.constant 766 : index
    %swap3A_17 = tpu.vector_load %arg12[%swap3A] {strides = array<i32>} : memref<782xi32, #tpu.memory_space<vmem>>, vector<16xi32>,
    tpu.vector_store %arg12[%swap3A], %add3A_16 {strides = array<i32>} : memref<782xi32, #tpu.memory_space<vmem>>, vector<16xi32>,
    %scan3A_18 = arith.constant 0 : i32
    %scan3A_19 = arith.constant 0 : i32
    %scan3A_20 = arith.constant 391 : i32
    %scan3A_21 = arith.addi %scan3A_19, %scan3A_20 : i32
    %scan3A_22 = arith.constant 1 : i32
    %scan3A_23 = scf.for %scan3A_267 = %scan3A_19 to %scan3A_21 step %scan3A_22 iter_args(%scan3A_268 = %scan3A_18) -> (i32)  : i32 {
      %broadcast_in_dim3A_269 = arith.constant 0.000000e+00 : f32
      %broadcast_in_dim3A_270 = vector.broadcast %broadcast_in_dim3A_269 : f32 to vector<16xf32>
      %swap3A_271 = arith.index_cast %scan3A_267 : i32 to index
      %swap3A_272 = arith.constant 0 : index
      %swap3A_273 = tpu.vector_load %arg13[%swap3A_271, %swap3A_272] {strides = array<i32>} : memref<391x16xf32, #tpu.memory_space<vmem>>, vector<16xf32>,
      tpu.vector_store %arg13[%swap3A_271, %swap3A_272], %broadcast_in_dim3A_270 {strides = array<i32>} : memref<391x16xf32, #tpu.memory_space<vmem>>, vector<16xf32>,
      %scan3A_274 = arith.constant 0 : i32
      scf.yield %scan3A_274 : i32
    }
    %scan3A_24 = arith.constant 391 : i32
    %mul3A_25 = arith.constant 100000 : i32
    %mul3A_26 = arith.muli %add3A, %mul3A_25 : i32
    %iota3A_27 = tpu.iota {dimensions = array<i32: 0>} : vector<16xi32>
    %broadcast_in_dim3A = arith.constant 0 : i32
    %broadcast_in_dim3A_28 = vector.broadcast %broadcast_in_dim3A : i32 to vector<16xi32>
    %add3A_29 = arith.constant 0 : i32
    %add3A_30 = arith.addi %mul3A_26, %add3A_29 : i32
    %dma_start3A = arith.constant 0 : i32
    %dma_start3A_31 = arith.constant 0 : i32
    %dma_start3A_32 = arith.constant 0 : i32
    %dma_start3A_33 = tpu.memref_slice %arg8[%dma_start3A, %dma_start3A_32] : memref<3x400xi32, #tpu.memory_space<vmem>> -> memref<1x400xi32, #tpu.memory_space<vmem>>
    %dma_start3A_34 = tpu.memref_squeeze %dma_start3A_33 : memref<1x400xi32, #tpu.memory_space<vmem>> -> memref<400xi32, #tpu.memory_space<vmem>>
    %dma_start3A_35 = tpu.memref_slice %arg2[%add3A_30] : memref<3200000xi32, #tpu.memory_space<hbm>> -> memref<400xi32, #tpu.memory_space<hbm>>
    %dma_start3A_36 = tpu.memref_slice %arg15[%dma_start3A_31] : memref<3x!tpu.dma_semaphore, #tpu.memory_space<semaphore_mem>> -> memref<1x!tpu.dma_semaphore, #tpu.memory_space<semaphore_mem>>
    %dma_start3A_37 = tpu.memref_squeeze %dma_start3A_36 : memref<1x!tpu.dma_semaphore, #tpu.memory_space<semaphore_mem>> -> memref<!tpu.dma_semaphore, #tpu.memory_space<semaphore_mem>>
    %dma_start3A_38 = arith.constant 0 : i32
    %dma_start3A_39 = tpu.memref_slice %arg8[%dma_start3A, %dma_start3A_38] : memref<3x400xi32, #tpu.memory_space<vmem>> -> memref<1x400xi32, #tpu.memory_space<vmem>>
    %dma_start3A_40 = tpu.memref_squeeze %dma_start3A_39 : memref<1x400xi32, #tpu.memory_space<vmem>> -> memref<400xi32, #tpu.memory_space<vmem>>
    %dma_start3A_41 = tpu.memref_slice %arg2[%add3A_30] : memref<3200000xi32, #tpu.memory_space<hbm>> -> memref<400xi32, #tpu.memory_space<hbm>>
    tpu.enqueue_dma source(%dma_start3A_41 : memref<400xi32, #tpu.memory_space<hbm>>) target(%dma_start3A_40 : memref<400xi32, #tpu.memory_space<vmem>>) target_semaphore(%dma_start3A_37 : memref<!tpu.dma_semaphore, #tpu.memory_space<semaphore_mem>>)
    %dma_start3A_42 = arith.constant 0 : i32
    %dma_start3A_43 = arith.constant 0 : i32
    %dma_start3A_44 = arith.constant 0 : i32
    %dma_start3A_45 = tpu.memref_slice %arg9[%dma_start3A_42, %dma_start3A_44] : memref<3x400xi32, #tpu.memory_space<vmem>> -> memref<1x400xi32, #tpu.memory_space<vmem>>
    %dma_start3A_46 = tpu.memref_squeeze %dma_start3A_45 : memref<1x400xi32, #tpu.memory_space<vmem>> -> memref<400xi32, #tpu.memory_space<vmem>>
    %dma_start3A_47 = tpu.memref_slice %arg3[%add3A_30] : memref<3200000xi32, #tpu.memory_space<hbm>> -> memref<400xi32, #tpu.memory_space<hbm>>
    %dma_start3A_48 = tpu.memref_slice %arg15[%dma_start3A_43] : memref<3x!tpu.dma_semaphore, #tpu.memory_space<semaphore_mem>> -> memref<1x!tpu.dma_semaphore, #tpu.memory_space<semaphore_mem>>
    %dma_start3A_49 = tpu.memref_squeeze %dma_start3A_48 : memref<1x!tpu.dma_semaphore, #tpu.memory_space<semaphore_mem>> -> memref<!tpu.dma_semaphore, #tpu.memory_space<semaphore_mem>>
    %dma_start3A_50 = arith.constant 0 : i32
    %dma_start3A_51 = tpu.memref_slice %arg9[%dma_start3A_42, %dma_start3A_50] : memref<3x400xi32, #tpu.memory_space<vmem>> -> memref<1x400xi32, #tpu.memory_space<vmem>>
    %dma_start3A_52 = tpu.memref_squeeze %dma_start3A_51 : memref<1x400xi32, #tpu.memory_space<vmem>> -> memref<400xi32, #tpu.memory_space<vmem>>
    %dma_start3A_53 = tpu.memref_slice %arg3[%add3A_30] : memref<3200000xi32, #tpu.memory_space<hbm>> -> memref<400xi32, #tpu.memory_space<hbm>>
    tpu.enqueue_dma source(%dma_start3A_53 : memref<400xi32, #tpu.memory_space<hbm>>) target(%dma_start3A_52 : memref<400xi32, #tpu.memory_space<vmem>>) target_semaphore(%dma_start3A_49 : memref<!tpu.dma_semaphore, #tpu.memory_space<semaphore_mem>>)
    %dma_start3A_54 = arith.constant 0 : i32
    %dma_start3A_55 = arith.constant 0 : i32
    %dma_start3A_56 = arith.constant 0 : i32
    %dma_start3A_57 = tpu.memref_slice %arg10[%dma_start3A_54, %dma_start3A_56] : memref<3x400xf32, #tpu.memory_space<vmem>> -> memref<1x400xf32, #tpu.memory_space<vmem>>
    %dma_start3A_58 = tpu.memref_squeeze %dma_start3A_57 : memref<1x400xf32, #tpu.memory_space<vmem>> -> memref<400xf32, #tpu.memory_space<vmem>>
    %dma_start3A_59 = tpu.memref_slice %arg4[%add3A_30] : memref<3200000xf32, #tpu.memory_space<hbm>> -> memref<400xf32, #tpu.memory_space<hbm>>
    %dma_start3A_60 = tpu.memref_slice %arg15[%dma_start3A_55] : memref<3x!tpu.dma_semaphore, #tpu.memory_space<semaphore_mem>> -> memref<1x!tpu.dma_semaphore, #tpu.memory_space<semaphore_mem>>
    %dma_start3A_61 = tpu.memref_squeeze %dma_start3A_60 : memref<1x!tpu.dma_semaphore, #tpu.memory_space<semaphore_mem>> -> memref<!tpu.dma_semaphore, #tpu.memory_space<semaphore_mem>>
    %dma_start3A_62 = arith.constant 0 : i32
    %dma_start3A_63 = tpu.memref_slice %arg10[%dma_start3A_54, %dma_start3A_62] : memref<3x400xf32, #tpu.memory_space<vmem>> -> memref<1x400xf32, #tpu.memory_space<vmem>>
    %dma_start3A_64 = tpu.memref_squeeze %dma_start3A_63 : memref<1x400xf32, #tpu.memory_space<vmem>> -> memref<400xf32, #tpu.memory_space<vmem>>
    %dma_start3A_65 = tpu.memref_slice %arg4[%add3A_30] : memref<3200000xf32, #tpu.memory_space<hbm>> -> memref<400xf32, #tpu.memory_space<hbm>>
    tpu.enqueue_dma source(%dma_start3A_65 : memref<400xf32, #tpu.memory_space<hbm>>) target(%dma_start3A_64 : memref<400xf32, #tpu.memory_space<vmem>>) target_semaphore(%dma_start3A_61 : memref<!tpu.dma_semaphore, #tpu.memory_space<semaphore_mem>>)
    %add3A_66 = arith.constant 400 : i32
    %add3A_67 = arith.addi %mul3A_26, %add3A_66 : i32
    %dma_start3A_68 = arith.constant 1 : i32
    %dma_start3A_69 = arith.constant 1 : i32
    %dma_start3A_70 = arith.constant 0 : i32
    %dma_start3A_71 = tpu.memref_slice %arg8[%dma_start3A_68, %dma_start3A_70] : memref<3x400xi32, #tpu.memory_space<vmem>> -> memref<1x400xi32, #tpu.memory_space<vmem>>
    %dma_start3A_72 = tpu.memref_squeeze %dma_start3A_71 : memref<1x400xi32, #tpu.memory_space<vmem>> -> memref<400xi32, #tpu.memory_space<vmem>>
    %dma_start3A_73 = tpu.memref_slice %arg2[%add3A_67] : memref<3200000xi32, #tpu.memory_space<hbm>> -> memref<400xi32, #tpu.memory_space<hbm>>
    %dma_start3A_74 = tpu.memref_slice %arg15[%dma_start3A_69] : memref<3x!tpu.dma_semaphore, #tpu.memory_space<semaphore_mem>> -> memref<1x!tpu.dma_semaphore, #tpu.memory_space<semaphore_mem>>
    %dma_start3A_75 = tpu.memref_squeeze %dma_start3A_74 : memref<1x!tpu.dma_semaphore, #tpu.memory_space<semaphore_mem>> -> memref<!tpu.dma_semaphore, #tpu.memory_space<semaphore_mem>>
    %dma_start3A_76 = arith.constant 0 : i32
    %dma_start3A_77 = tpu.memref_slice %arg8[%dma_start3A_68, %dma_start3A_76] : memref<3x400xi32, #tpu.memory_space<vmem>> -> memref<1x400xi32, #tpu.memory_space<vmem>>
    %dma_start3A_78 = tpu.memref_squeeze %dma_start3A_77 : memref<1x400xi32, #tpu.memory_space<vmem>> -> memref<400xi32, #tpu.memory_space<vmem>>
    %dma_start3A_79 = tpu.memref_slice %arg2[%add3A_67] : memref<3200000xi32, #tpu.memory_space<hbm>> -> memref<400xi32, #tpu.memory_space<hbm>>
    tpu.enqueue_dma source(%dma_start3A_79 : memref<400xi32, #tpu.memory_space<hbm>>) target(%dma_start3A_78 : memref<400xi32, #tpu.memory_space<vmem>>) target_semaphore(%dma_start3A_75 : memref<!tpu.dma_semaphore, #tpu.memory_space<semaphore_mem>>)
    %dma_start3A_80 = arith.constant 1 : i32
    %dma_start3A_81 = arith.constant 1 : i32
    %dma_start3A_82 = arith.constant 0 : i32
    %dma_start3A_83 = tpu.memref_slice %arg9[%dma_start3A_80, %dma_start3A_82] : memref<3x400xi32, #tpu.memory_space<vmem>> -> memref<1x400xi32, #tpu.memory_space<vmem>>
    %dma_start3A_84 = tpu.memref_squeeze %dma_start3A_83 : memref<1x400xi32, #tpu.memory_space<vmem>> -> memref<400xi32, #tpu.memory_space<vmem>>
    %dma_start3A_85 = tpu.memref_slice %arg3[%add3A_67] : memref<3200000xi32, #tpu.memory_space<hbm>> -> memref<400xi32, #tpu.memory_space<hbm>>
    %dma_start3A_86 = tpu.memref_slice %arg15[%dma_start3A_81] : memref<3x!tpu.dma_semaphore, #tpu.memory_space<semaphore_mem>> -> memref<1x!tpu.dma_semaphore, #tpu.memory_space<semaphore_mem>>
    %dma_start3A_87 = tpu.memref_squeeze %dma_start3A_86 : memref<1x!tpu.dma_semaphore, #tpu.memory_space<semaphore_mem>> -> memref<!tpu.dma_semaphore, #tpu.memory_space<semaphore_mem>>
    %dma_start3A_88 = arith.constant 0 : i32
    %dma_start3A_89 = tpu.memref_slice %arg9[%dma_start3A_80, %dma_start3A_88] : memref<3x400xi32, #tpu.memory_space<vmem>> -> memref<1x400xi32, #tpu.memory_space<vmem>>
    %dma_start3A_90 = tpu.memref_squeeze %dma_start3A_89 : memref<1x400xi32, #tpu.memory_space<vmem>> -> memref<400xi32, #tpu.memory_space<vmem>>
    %dma_start3A_91 = tpu.memref_slice %arg3[%add3A_67] : memref<3200000xi32, #tpu.memory_space<hbm>> -> memref<400xi32, #tpu.memory_space<hbm>>
    tpu.enqueue_dma source(%dma_start3A_91 : memref<400xi32, #tpu.memory_space<hbm>>) target(%dma_start3A_90 : memref<400xi32, #tpu.memory_space<vmem>>) target_semaphore(%dma_start3A_87 : memref<!tpu.dma_semaphore, #tpu.memory_space<semaphore_mem>>)
    %dma_start3A_92 = arith.constant 1 : i32
    %dma_start3A_93 = arith.constant 1 : i32
    %dma_start3A_94 = arith.constant 0 : i32
    %dma_start3A_95 = tpu.memref_slice %arg10[%dma_start3A_92, %dma_start3A_94] : memref<3x400xf32, #tpu.memory_space<vmem>> -> memref<1x400xf32, #tpu.memory_space<vmem>>
    %dma_start3A_96 = tpu.memref_squeeze %dma_start3A_95 : memref<1x400xf32, #tpu.memory_space<vmem>> -> memref<400xf32, #tpu.memory_space<vmem>>
    %dma_start3A_97 = tpu.memref_slice %arg4[%add3A_67] : memref<3200000xf32, #tpu.memory_space<hbm>> -> memref<400xf32, #tpu.memory_space<hbm>>
    %dma_start3A_98 = tpu.memref_slice %arg15[%dma_start3A_93] : memref<3x!tpu.dma_semaphore, #tpu.memory_space<semaphore_mem>> -> memref<1x!tpu.dma_semaphore, #tpu.memory_space<semaphore_mem>>
    %dma_start3A_99 = tpu.memref_squeeze %dma_start3A_98 : memref<1x!tpu.dma_semaphore, #tpu.memory_space<semaphore_mem>> -> memref<!tpu.dma_semaphore, #tpu.memory_space<semaphore_mem>>
    %dma_start3A_100 = arith.constant 0 : i32
    %dma_start3A_101 = tpu.memref_slice %arg10[%dma_start3A_92, %dma_start3A_100] : memref<3x400xf32, #tpu.memory_space<vmem>> -> memref<1x400xf32, #tpu.memory_space<vmem>>
    %dma_start3A_102 = tpu.memref_squeeze %dma_start3A_101 : memref<1x400xf32, #tpu.memory_space<vmem>> -> memref<400xf32, #tpu.memory_space<vmem>>
    %dma_start3A_103 = tpu.memref_slice %arg4[%add3A_67] : memref<3200000xf32, #tpu.memory_space<hbm>> -> memref<400xf32, #tpu.memory_space<hbm>>
    tpu.enqueue_dma source(%dma_start3A_103 : memref<400xf32, #tpu.memory_space<hbm>>) target(%dma_start3A_102 : memref<400xf32, #tpu.memory_space<vmem>>) target_semaphore(%dma_start3A_99 : memref<!tpu.dma_semaphore, #tpu.memory_space<semaphore_mem>>)
    %dma_wait3A = arith.constant 0 : i32
    %dma_wait3A_104 = arith.constant 0 : i32
    %dma_wait3A_105 = arith.constant 0 : i32
    %dma_wait3A_106 = tpu.memref_slice %arg8[%dma_wait3A, %dma_wait3A_105] : memref<3x400xi32, #tpu.memory_space<vmem>> -> memref<1x400xi32, #tpu.memory_space<vmem>>
    %dma_wait3A_107 = tpu.memref_squeeze %dma_wait3A_106 : memref<1x400xi32, #tpu.memory_space<vmem>> -> memref<400xi32, #tpu.memory_space<vmem>>
    %dma_wait3A_108 = arith.constant 0 : i32
    %dma_wait3A_109 = tpu.memref_slice %arg2[%dma_wait3A_108] : memref<3200000xi32, #tpu.memory_space<hbm>> -> memref<400xi32, #tpu.memory_space<hbm>>
    %dma_wait3A_110 = tpu.memref_slice %arg15[%dma_wait3A_104] : memref<3x!tpu.dma_semaphore, #tpu.memory_space<semaphore_mem>> -> memref<1x!tpu.dma_semaphore, #tpu.memory_space<semaphore_mem>>
    %dma_wait3A_111 = tpu.memref_squeeze %dma_wait3A_110 : memref<1x!tpu.dma_semaphore, #tpu.memory_space<semaphore_mem>> -> memref<!tpu.dma_semaphore, #tpu.memory_space<semaphore_mem>>
    %dma_wait3A_112 = arith.constant 0 : i32
    %dma_wait3A_113 = tpu.memref_slice %arg8[%dma_wait3A, %dma_wait3A_112] : memref<3x400xi32, #tpu.memory_space<vmem>> -> memref<1x400xi32, #tpu.memory_space<vmem>>
    %dma_wait3A_114 = tpu.memref_squeeze %dma_wait3A_113 : memref<1x400xi32, #tpu.memory_space<vmem>> -> memref<400xi32, #tpu.memory_space<vmem>>
    %dma_wait3A_115 = arith.constant 0 : i32
    %dma_wait3A_116 = tpu.memref_slice %arg2[%dma_wait3A_115] : memref<3200000xi32, #tpu.memory_space<hbm>> -> memref<400xi32, #tpu.memory_space<hbm>>
    tpu.wait_dma2 semaphore(%dma_wait3A_111 : memref<!tpu.dma_semaphore, #tpu.memory_space<semaphore_mem>>) src(%dma_wait3A_116 : memref<400xi32, #tpu.memory_space<hbm>>) dst(%dma_wait3A_114 : memref<400xi32, #tpu.memory_space<vmem>>)
    %dma_wait3A_117 = arith.constant 0 : i32
    %dma_wait3A_118 = arith.constant 0 : i32
    %dma_wait3A_119 = arith.constant 0 : i32
    %dma_wait3A_120 = tpu.memref_slice %arg9[%dma_wait3A_117, %dma_wait3A_119] : memref<3x400xi32, #tpu.memory_space<vmem>> -> memref<1x400xi32, #tpu.memory_space<vmem>>
    %dma_wait3A_121 = tpu.memref_squeeze %dma_wait3A_120 : memref<1x400xi32, #tpu.memory_space<vmem>> -> memref<400xi32, #tpu.memory_space<vmem>>
    %dma_wait3A_122 = arith.constant 0 : i32
    %dma_wait3A_123 = tpu.memref_slice %arg3[%dma_wait3A_122] : memref<3200000xi32, #tpu.memory_space<hbm>> -> memref<400xi32, #tpu.memory_space<hbm>>
    %dma_wait3A_124 = tpu.memref_slice %arg15[%dma_wait3A_118] : memref<3x!tpu.dma_semaphore, #tpu.memory_space<semaphore_mem>> -> memref<1x!tpu.dma_semaphore, #tpu.memory_space<semaphore_mem>>
    %dma_wait3A_125 = tpu.memref_squeeze %dma_wait3A_124 : memref<1x!tpu.dma_semaphore, #tpu.memory_space<semaphore_mem>> -> memref<!tpu.dma_semaphore, #tpu.memory_space<semaphore_mem>>
    %dma_wait3A_126 = arith.constant 0 : i32
    %dma_wait3A_127 = tpu.memref_slice %arg9[%dma_wait3A_117, %dma_wait3A_126] : memref<3x400xi32, #tpu.memory_space<vmem>> -> memref<1x400xi32, #tpu.memory_space<vmem>>
    %dma_wait3A_128 = tpu.memref_squeeze %dma_wait3A_127 : memref<1x400xi32, #tpu.memory_space<vmem>> -> memref<400xi32, #tpu.memory_space<vmem>>
    %dma_wait3A_129 = arith.constant 0 : i32
    %dma_wait3A_130 = tpu.memref_slice %arg3[%dma_wait3A_129] : memref<3200000xi32, #tpu.memory_space<hbm>> -> memref<400xi32, #tpu.memory_space<hbm>>
    tpu.wait_dma2 semaphore(%dma_wait3A_125 : memref<!tpu.dma_semaphore, #tpu.memory_space<semaphore_mem>>) src(%dma_wait3A_130 : memref<400xi32, #tpu.memory_space<hbm>>) dst(%dma_wait3A_128 : memref<400xi32, #tpu.memory_space<vmem>>)
    %dma_wait3A_131 = arith.constant 0 : i32
    %dma_wait3A_132 = arith.constant 0 : i32
    %dma_wait3A_133 = arith.constant 0 : i32
    %dma_wait3A_134 = tpu.memref_slice %arg10[%dma_wait3A_131, %dma_wait3A_133] : memref<3x400xf32, #tpu.memory_space<vmem>> -> memref<1x400xf32, #tpu.memory_space<vmem>>
    %dma_wait3A_135 = tpu.memref_squeeze %dma_wait3A_134 : memref<1x400xf32, #tpu.memory_space<vmem>> -> memref<400xf32, #tpu.memory_space<vmem>>
    %dma_wait3A_136 = arith.constant 0 : i32
    %dma_wait3A_137 = tpu.memref_slice %arg4[%dma_wait3A_136] : memref<3200000xf32, #tpu.memory_space<hbm>> -> memref<400xf32, #tpu.memory_space<hbm>>
    %dma_wait3A_138 = tpu.memref_slice %arg15[%dma_wait3A_132] : memref<3x!tpu.dma_semaphore, #tpu.memory_space<semaphore_mem>> -> memref<1x!tpu.dma_semaphore, #tpu.memory_space<semaphore_mem>>
    %dma_wait3A_139 = tpu.memref_squeeze %dma_wait3A_138 : memref<1x!tpu.dma_semaphore, #tpu.memory_space<semaphore_mem>> -> memref<!tpu.dma_semaphore, #tpu.memory_space<semaphore_mem>>
    %dma_wait3A_140 = arith.constant 0 : i32
    %dma_wait3A_141 = tpu.memref_slice %arg10[%dma_wait3A_131, %dma_wait3A_140] : memref<3x400xf32, #tpu.memory_space<vmem>> -> memref<1x400xf32, #tpu.memory_space<vmem>>
    %dma_wait3A_142 = tpu.memref_squeeze %dma_wait3A_141 : memref<1x400xf32, #tpu.memory_space<vmem>> -> memref<400xf32, #tpu.memory_space<vmem>>
    %dma_wait3A_143 = arith.constant 0 : i32
    %dma_wait3A_144 = tpu.memref_slice %arg4[%dma_wait3A_143] : memref<3200000xf32, #tpu.memory_space<hbm>> -> memref<400xf32, #tpu.memory_space<hbm>>
    tpu.wait_dma2 semaphore(%dma_wait3A_139 : memref<!tpu.dma_semaphore, #tpu.memory_space<semaphore_mem>>) src(%dma_wait3A_144 : memref<400xf32, #tpu.memory_space<hbm>>) dst(%dma_wait3A_142 : memref<400xf32, #tpu.memory_space<vmem>>)
    %dma_start3A_145 = arith.constant 0 : i32
    %dma_start3A_146 = arith.constant 0 : i32
    %dma_start3A_147 = arith.constant 0 : i32
    %dma_start3A_148 = arith.constant 0 : i32
    %dma_start3A_149 = arith.constant 0 : i32
    %dma_start3A_150 = tpu.memref_slice %arg11[%dma_start3A_146, %dma_start3A_148, %dma_start3A_149] : memref<2x400x16xf32, #tpu.memory_space<vmem>> -> memref<1x400x16xf32, #tpu.memory_space<vmem>>
    %dma_start3A_151 = tpu.memref_squeeze %dma_start3A_150 : memref<1x400x16xf32, #tpu.memory_space<vmem>> -> memref<400x16xf32, #tpu.memory_space<vmem>>
    %dma_start3A_152 = arith.constant 0 : i32
    %dma_start3A_153 = tpu.memref_slice %arg9[%dma_start3A_145, %dma_start3A_152] : memref<3x400xi32, #tpu.memory_space<vmem>> -> memref<1x400xi32, #tpu.memory_space<vmem>>
    %dma_start3A_154 = tpu.memref_squeeze %dma_start3A_153 : memref<1x400xi32, #tpu.memory_space<vmem>> -> memref<400xi32, #tpu.memory_space<vmem>>
    %dma_start3A_155 = arith.constant 0 : i32
    %dma_start3A_156 = arith.constant 0 : i32
    %dma_start3A_157 = tpu.memref_slice %arg5[%dma_start3A_155, %dma_start3A_156] : memref<100000x16xf32, #tpu.memory_space<hbm>> -> memref<100000x16xf32, #tpu.memory_space<hbm>>
    %dma_start3A_158 = tpu.memref_slice %arg16[%dma_start3A_147] : memref<2x!tpu.dma_semaphore, #tpu.memory_space<semaphore_mem>> -> memref<1x!tpu.dma_semaphore, #tpu.memory_space<semaphore_mem>>
    %dma_start3A_159 = tpu.memref_squeeze %dma_start3A_158 : memref<1x!tpu.dma_semaphore, #tpu.memory_space<semaphore_mem>> -> memref<!tpu.dma_semaphore, #tpu.memory_space<semaphore_mem>>
    tpu.enqueue_indirect_dma source(%dma_start3A_157 : memref<100000x16xf32, #tpu.memory_space<hbm>>) target(%dma_start3A_151 : memref<400x16xf32, #tpu.memory_space<vmem>>) offsets(%dma_start3A_154 : memref<400xi32, #tpu.memory_space<vmem>>) semaphore(%dma_start3A_159 : memref<!tpu.dma_semaphore, #tpu.memory_space<semaphore_mem>>)
    %scan3A_160 = arith.constant 0 : i32
    %scan3A_161 = arith.constant 0 : i32
    %scan3A_162 = arith.constant 250 : i32
    %scan3A_163 = arith.addi %scan3A_161, %scan3A_162 : i32
    %scan3A_164 = arith.constant 1 : i32
    %scan3A_165 = scf.for %scan3A_267 = %scan3A_161 to %scan3A_163 step %scan3A_164 iter_args(%scan3A_268 = %scan3A_160) -> (i32)  : i32 {
      %rem3A = arith.constant 2 : i32
      %rem3A_269 = arith.remsi %scan3A_267, %rem3A : i32
      %rem3A_270 = arith.constant 3 : i32
      %rem3A_271 = arith.remsi %scan3A_267, %rem3A_270 : i32
      %add3A_272 = arith.constant 1 : i32
      %add3A_273 = arith.addi %scan3A_267, %add3A_272 : i32
      %rem3A_274 = arith.constant 2 : i32
      %rem3A_275 = arith.remsi %add3A_273, %rem3A_274 : i32
      %add3A_276 = arith.constant 1 : i32
      %add3A_277 = arith.addi %scan3A_267, %add3A_276 : i32
      %rem3A_278 = arith.constant 3 : i32
      %rem3A_279 = arith.remsi %add3A_277, %rem3A_278 : i32
      %add3A_280 = arith.constant 1 : i32
      %add3A_281 = arith.addi %scan3A_267, %add3A_280 : i32
      %lt3A_282 = arith.constant 250 : i32
      %lt3A_283 = arith.cmpi slt, %add3A_281, %lt3A_282 : i32
      %convert_element_type3A_284 = arith.extui %lt3A_283 : i1 to i32
      %cond3A_285 = arith.constant 0 : i32
      %cond3A_286 = arith.cmpi ne, %convert_element_type3A_284, %cond3A_285 : i32
      scf.if %cond3A_286 {
        %dma_wait3A_318 = arith.constant 0 : i32
        %dma_wait3A_319 = tpu.memref_slice %arg8[%rem3A_279, %dma_wait3A_318] : memref<3x400xi32, #tpu.memory_space<vmem>> -> memref<1x400xi32, #tpu.memory_space<vmem>>
        %dma_wait3A_320 = tpu.memref_squeeze %dma_wait3A_319 : memref<1x400xi32, #tpu.memory_space<vmem>> -> memref<400xi32, #tpu.memory_space<vmem>>
        %dma_wait3A_321 = arith.constant 0 : i32
        %dma_wait3A_322 = tpu.memref_slice %arg2[%dma_wait3A_321] : memref<3200000xi32, #tpu.memory_space<hbm>> -> memref<400xi32, #tpu.memory_space<hbm>>
        %dma_wait3A_323 = tpu.memref_slice %arg15[%rem3A_279] : memref<3x!tpu.dma_semaphore, #tpu.memory_space<semaphore_mem>> -> memref<1x!tpu.dma_semaphore, #tpu.memory_space<semaphore_mem>>
        %dma_wait3A_324 = tpu.memref_squeeze %dma_wait3A_323 : memref<1x!tpu.dma_semaphore, #tpu.memory_space<semaphore_mem>> -> memref<!tpu.dma_semaphore, #tpu.memory_space<semaphore_mem>>
        %dma_wait3A_325 = arith.constant 0 : i32
        %dma_wait3A_326 = tpu.memref_slice %arg8[%rem3A_279, %dma_wait3A_325] : memref<3x400xi32, #tpu.memory_space<vmem>> -> memref<1x400xi32, #tpu.memory_space<vmem>>
        %dma_wait3A_327 = tpu.memref_squeeze %dma_wait3A_326 : memref<1x400xi32, #tpu.memory_space<vmem>> -> memref<400xi32, #tpu.memory_space<vmem>>
        %dma_wait3A_328 = arith.constant 0 : i32
        %dma_wait3A_329 = tpu.memref_slice %arg2[%dma_wait3A_328] : memref<3200000xi32, #tpu.memory_space<hbm>> -> memref<400xi32, #tpu.memory_space<hbm>>
        tpu.wait_dma2 semaphore(%dma_wait3A_324 : memref<!tpu.dma_semaphore, #tpu.memory_space<semaphore_mem>>) src(%dma_wait3A_329 : memref<400xi32, #tpu.memory_space<hbm>>) dst(%dma_wait3A_327 : memref<400xi32, #tpu.memory_space<vmem>>)
        %dma_wait3A_330 = arith.constant 0 : i32
        %dma_wait3A_331 = tpu.memref_slice %arg9[%rem3A_279, %dma_wait3A_330] : memref<3x400xi32, #tpu.memory_space<vmem>> -> memref<1x400xi32, #tpu.memory_space<vmem>>
        %dma_wait3A_332 = tpu.memref_squeeze %dma_wait3A_331 : memref<1x400xi32, #tpu.memory_space<vmem>> -> memref<400xi32, #tpu.memory_space<vmem>>
        %dma_wait3A_333 = arith.constant 0 : i32
        %dma_wait3A_334 = tpu.memref_slice %arg3[%dma_wait3A_333] : memref<3200000xi32, #tpu.memory_space<hbm>> -> memref<400xi32, #tpu.memory_space<hbm>>
        %dma_wait3A_335 = tpu.memref_slice %arg15[%rem3A_279] : memref<3x!tpu.dma_semaphore, #tpu.memory_space<semaphore_mem>> -> memref<1x!tpu.dma_semaphore, #tpu.memory_space<semaphore_mem>>
        %dma_wait3A_336 = tpu.memref_squeeze %dma_wait3A_335 : memref<1x!tpu.dma_semaphore, #tpu.memory_space<semaphore_mem>> -> memref<!tpu.dma_semaphore, #tpu.memory_space<semaphore_mem>>
        %dma_wait3A_337 = arith.constant 0 : i32
        %dma_wait3A_338 = tpu.memref_slice %arg9[%rem3A_279, %dma_wait3A_337] : memref<3x400xi32, #tpu.memory_space<vmem>> -> memref<1x400xi32, #tpu.memory_space<vmem>>
        %dma_wait3A_339 = tpu.memref_squeeze %dma_wait3A_338 : memref<1x400xi32, #tpu.memory_space<vmem>> -> memref<400xi32, #tpu.memory_space<vmem>>
        %dma_wait3A_340 = arith.constant 0 : i32
        %dma_wait3A_341 = tpu.memref_slice %arg3[%dma_wait3A_340] : memref<3200000xi32, #tpu.memory_space<hbm>> -> memref<400xi32, #tpu.memory_space<hbm>>
        tpu.wait_dma2 semaphore(%dma_wait3A_336 : memref<!tpu.dma_semaphore, #tpu.memory_space<semaphore_mem>>) src(%dma_wait3A_341 : memref<400xi32, #tpu.memory_space<hbm>>) dst(%dma_wait3A_339 : memref<400xi32, #tpu.memory_space<vmem>>)
        %dma_wait3A_342 = arith.constant 0 : i32
        %dma_wait3A_343 = tpu.memref_slice %arg10[%rem3A_279, %dma_wait3A_342] : memref<3x400xf32, #tpu.memory_space<vmem>> -> memref<1x400xf32, #tpu.memory_space<vmem>>
        %dma_wait3A_344 = tpu.memref_squeeze %dma_wait3A_343 : memref<1x400xf32, #tpu.memory_space<vmem>> -> memref<400xf32, #tpu.memory_space<vmem>>
        %dma_wait3A_345 = arith.constant 0 : i32
        %dma_wait3A_346 = tpu.memref_slice %arg4[%dma_wait3A_345] : memref<3200000xf32, #tpu.memory_space<hbm>> -> memref<400xf32, #tpu.memory_space<hbm>>
        %dma_wait3A_347 = tpu.memref_slice %arg15[%rem3A_279] : memref<3x!tpu.dma_semaphore, #tpu.memory_space<semaphore_mem>> -> memref<1x!tpu.dma_semaphore, #tpu.memory_space<semaphore_mem>>
        %dma_wait3A_348 = tpu.memref_squeeze %dma_wait3A_347 : memref<1x!tpu.dma_semaphore, #tpu.memory_space<semaphore_mem>> -> memref<!tpu.dma_semaphore, #tpu.memory_space<semaphore_mem>>
        %dma_wait3A_349 = arith.constant 0 : i32
        %dma_wait3A_350 = tpu.memref_slice %arg10[%rem3A_279, %dma_wait3A_349] : memref<3x400xf32, #tpu.memory_space<vmem>> -> memref<1x400xf32, #tpu.memory_space<vmem>>
        %dma_wait3A_351 = tpu.memref_squeeze %dma_wait3A_350 : memref<1x400xf32, #tpu.memory_space<vmem>> -> memref<400xf32, #tpu.memory_space<vmem>>
        %dma_wait3A_352 = arith.constant 0 : i32
        %dma_wait3A_353 = tpu.memref_slice %arg4[%dma_wait3A_352] : memref<3200000xf32, #tpu.memory_space<hbm>> -> memref<400xf32, #tpu.memory_space<hbm>>
        tpu.wait_dma2 semaphore(%dma_wait3A_348 : memref<!tpu.dma_semaphore, #tpu.memory_space<semaphore_mem>>) src(%dma_wait3A_353 : memref<400xf32, #tpu.memory_space<hbm>>) dst(%dma_wait3A_351 : memref<400xf32, #tpu.memory_space<vmem>>)
        %dma_start3A_354 = arith.constant 0 : i32
        %dma_start3A_355 = arith.constant 0 : i32
        %dma_start3A_356 = tpu.memref_slice %arg11[%rem3A_275, %dma_start3A_354, %dma_start3A_355] : memref<2x400x16xf32, #tpu.memory_space<vmem>> -> memref<1x400x16xf32, #tpu.memory_space<vmem>>
        %dma_start3A_357 = tpu.memref_squeeze %dma_start3A_356 : memref<1x400x16xf32, #tpu.memory_space<vmem>> -> memref<400x16xf32, #tpu.memory_space<vmem>>
        %dma_start3A_358 = arith.constant 0 : i32
        %dma_start3A_359 = tpu.memref_slice %arg9[%rem3A_279, %dma_start3A_358] : memref<3x400xi32, #tpu.memory_space<vmem>> -> memref<1x400xi32, #tpu.memory_space<vmem>>
        %dma_start3A_360 = tpu.memref_squeeze %dma_start3A_359 : memref<1x400xi32, #tpu.memory_space<vmem>> -> memref<400xi32, #tpu.memory_space<vmem>>
        %dma_start3A_361 = arith.constant 0 : i32
        %dma_start3A_362 = arith.constant 0 : i32
        %dma_start3A_363 = tpu.memref_slice %arg5[%dma_start3A_361, %dma_start3A_362] : memref<100000x16xf32, #tpu.memory_space<hbm>> -> memref<100000x16xf32, #tpu.memory_space<hbm>>
        %dma_start3A_364 = tpu.memref_slice %arg16[%rem3A_275] : memref<2x!tpu.dma_semaphore, #tpu.memory_space<semaphore_mem>> -> memref<1x!tpu.dma_semaphore, #tpu.memory_space<semaphore_mem>>
        %dma_start3A_365 = tpu.memref_squeeze %dma_start3A_364 : memref<1x!tpu.dma_semaphore, #tpu.memory_space<semaphore_mem>> -> memref<!tpu.dma_semaphore, #tpu.memory_space<semaphore_mem>>
        tpu.enqueue_indirect_dma source(%dma_start3A_363 : memref<100000x16xf32, #tpu.memory_space<hbm>>) target(%dma_start3A_357 : memref<400x16xf32, #tpu.memory_space<vmem>>) offsets(%dma_start3A_360 : memref<400xi32, #tpu.memory_space<vmem>>) semaphore(%dma_start3A_365 : memref<!tpu.dma_semaphore, #tpu.memory_space<semaphore_mem>>)
      } else {
      }
      %add3A_287 = arith.constant 2 : i32
      %add3A_288 = arith.addi %scan3A_267, %add3A_287 : i32
      %lt3A_289 = arith.constant 250 : i32
      %lt3A_290 = arith.cmpi slt, %add3A_288, %lt3A_289 : i32
      %convert_element_type3A_291 = arith.extui %lt3A_290 : i1 to i32
      %cond3A_292 = arith.constant 0 : i32
      %cond3A_293 = arith.cmpi ne, %convert_element_type3A_291, %cond3A_292 : i32
      scf.if %cond3A_293 {
        %add3A_318 = arith.constant 2 : i32
        %add3A_319 = arith.addi %scan3A_267, %add3A_318 : i32
        %add3A_320 = arith.constant 2 : i32
        %add3A_321 = arith.addi %scan3A_267, %add3A_320 : i32
        %rem3A_322 = arith.constant 3 : i32
        %rem3A_323 = arith.remsi %add3A_321, %rem3A_322 : i32
        %mul3A_324 = arith.constant 400 : i32
        %mul3A_325 = arith.muli %add3A_319, %mul3A_324 : i32
        %add3A_326 = arith.addi %mul3A_26, %mul3A_325 : i32
        %dma_start3A_327 = arith.constant 0 : i32
        %dma_start3A_328 = tpu.memref_slice %arg8[%rem3A_323, %dma_start3A_327] : memref<3x400xi32, #tpu.memory_space<vmem>> -> memref<1x400xi32, #tpu.memory_space<vmem>>
        %dma_start3A_329 = tpu.memref_squeeze %dma_start3A_328 : memref<1x400xi32, #tpu.memory_space<vmem>> -> memref<400xi32, #tpu.memory_space<vmem>>
        %dma_start3A_330 = tpu.memref_slice %arg2[%add3A_326] : memref<3200000xi32, #tpu.memory_space<hbm>> -> memref<400xi32, #tpu.memory_space<hbm>>
        %dma_start3A_331 = tpu.memref_slice %arg15[%rem3A_323] : memref<3x!tpu.dma_semaphore, #tpu.memory_space<semaphore_mem>> -> memref<1x!tpu.dma_semaphore, #tpu.memory_space<semaphore_mem>>
        %dma_start3A_332 = tpu.memref_squeeze %dma_start3A_331 : memref<1x!tpu.dma_semaphore, #tpu.memory_space<semaphore_mem>> -> memref<!tpu.dma_semaphore, #tpu.memory_space<semaphore_mem>>
        %dma_start3A_333 = arith.constant 0 : i32
        %dma_start3A_334 = tpu.memref_slice %arg8[%rem3A_323, %dma_start3A_333] : memref<3x400xi32, #tpu.memory_space<vmem>> -> memref<1x400xi32, #tpu.memory_space<vmem>>
        %dma_start3A_335 = tpu.memref_squeeze %dma_start3A_334 : memref<1x400xi32, #tpu.memory_space<vmem>> -> memref<400xi32, #tpu.memory_space<vmem>>
        %dma_start3A_336 = tpu.memref_slice %arg2[%add3A_326] : memref<3200000xi32, #tpu.memory_space<hbm>> -> memref<400xi32, #tpu.memory_space<hbm>>
        tpu.enqueue_dma source(%dma_start3A_336 : memref<400xi32, #tpu.memory_space<hbm>>) target(%dma_start3A_335 : memref<400xi32, #tpu.memory_space<vmem>>) target_semaphore(%dma_start3A_332 : memref<!tpu.dma_semaphore, #tpu.memory_space<semaphore_mem>>)
        %dma_start3A_337 = arith.constant 0 : i32
        %dma_start3A_338 = tpu.memref_slice %arg9[%rem3A_323, %dma_start3A_337] : memref<3x400xi32, #tpu.memory_space<vmem>> -> memref<1x400xi32, #tpu.memory_space<vmem>>
        %dma_start3A_339 = tpu.memref_squeeze %dma_start3A_338 : memref<1x400xi32, #tpu.memory_space<vmem>> -> memref<400xi32, #tpu.memory_space<vmem>>
        %dma_start3A_340 = tpu.memref_slice %arg3[%add3A_326] : memref<3200000xi32, #tpu.memory_space<hbm>> -> memref<400xi32, #tpu.memory_space<hbm>>
        %dma_start3A_341 = tpu.memref_slice %arg15[%rem3A_323] : memref<3x!tpu.dma_semaphore, #tpu.memory_space<semaphore_mem>> -> memref<1x!tpu.dma_semaphore, #tpu.memory_space<semaphore_mem>>
        %dma_start3A_342 = tpu.memref_squeeze %dma_start3A_341 : memref<1x!tpu.dma_semaphore, #tpu.memory_space<semaphore_mem>> -> memref<!tpu.dma_semaphore, #tpu.memory_space<semaphore_mem>>
        %dma_start3A_343 = arith.constant 0 : i32
        %dma_start3A_344 = tpu.memref_slice %arg9[%rem3A_323, %dma_start3A_343] : memref<3x400xi32, #tpu.memory_space<vmem>> -> memref<1x400xi32, #tpu.memory_space<vmem>>
        %dma_start3A_345 = tpu.memref_squeeze %dma_start3A_344 : memref<1x400xi32, #tpu.memory_space<vmem>> -> memref<400xi32, #tpu.memory_space<vmem>>
        %dma_start3A_346 = tpu.memref_slice %arg3[%add3A_326] : memref<3200000xi32, #tpu.memory_space<hbm>> -> memref<400xi32, #tpu.memory_space<hbm>>
        tpu.enqueue_dma source(%dma_start3A_346 : memref<400xi32, #tpu.memory_space<hbm>>) target(%dma_start3A_345 : memref<400xi32, #tpu.memory_space<vmem>>) target_semaphore(%dma_start3A_342 : memref<!tpu.dma_semaphore, #tpu.memory_space<semaphore_mem>>)
        %dma_start3A_347 = arith.constant 0 : i32
        %dma_start3A_348 = tpu.memref_slice %arg10[%rem3A_323, %dma_start3A_347] : memref<3x400xf32, #tpu.memory_space<vmem>> -> memref<1x400xf32, #tpu.memory_space<vmem>>
        %dma_start3A_349 = tpu.memref_squeeze %dma_start3A_348 : memref<1x400xf32, #tpu.memory_space<vmem>> -> memref<400xf32, #tpu.memory_space<vmem>>
        %dma_start3A_350 = tpu.memref_slice %arg4[%add3A_326] : memref<3200000xf32, #tpu.memory_space<hbm>> -> memref<400xf32, #tpu.memory_space<hbm>>
        %dma_start3A_351 = tpu.memref_slice %arg15[%rem3A_323] : memref<3x!tpu.dma_semaphore, #tpu.memory_space<semaphore_mem>> -> memref<1x!tpu.dma_semaphore, #tpu.memory_space<semaphore_mem>>
        %dma_start3A_352 = tpu.memref_squeeze %dma_start3A_351 : memref<1x!tpu.dma_semaphore, #tpu.memory_space<semaphore_mem>> -> memref<!tpu.dma_semaphore, #tpu.memory_space<semaphore_mem>>
        %dma_start3A_353 = arith.constant 0 : i32
        %dma_start3A_354 = tpu.memref_slice %arg10[%rem3A_323, %dma_start3A_353] : memref<3x400xf32, #tpu.memory_space<vmem>> -> memref<1x400xf32, #tpu.memory_space<vmem>>
        %dma_start3A_355 = tpu.memref_squeeze %dma_start3A_354 : memref<1x400xf32, #tpu.memory_space<vmem>> -> memref<400xf32, #tpu.memory_space<vmem>>
        %dma_start3A_356 = tpu.memref_slice %arg4[%add3A_326] : memref<3200000xf32, #tpu.memory_space<hbm>> -> memref<400xf32, #tpu.memory_space<hbm>>
        tpu.enqueue_dma source(%dma_start3A_356 : memref<400xf32, #tpu.memory_space<hbm>>) target(%dma_start3A_355 : memref<400xf32, #tpu.memory_space<vmem>>) target_semaphore(%dma_start3A_352 : memref<!tpu.dma_semaphore, #tpu.memory_space<semaphore_mem>>)
      } else {
      }
      %dma_wait3A_294 = arith.constant 0 : i32
      %dma_wait3A_295 = arith.constant 0 : i32
      %dma_wait3A_296 = tpu.memref_slice %arg11[%rem3A_269, %dma_wait3A_294, %dma_wait3A_295] : memref<2x400x16xf32, #tpu.memory_space<vmem>> -> memref<1x400x16xf32, #tpu.memory_space<vmem>>
      %dma_wait3A_297 = tpu.memref_squeeze %dma_wait3A_296 : memref<1x400x16xf32, #tpu.memory_space<vmem>> -> memref<400x16xf32, #tpu.memory_space<vmem>>
      %dma_wait3A_298 = arith.constant 0 : i32
      %dma_wait3A_299 = arith.constant 0 : i32
      %dma_wait3A_300 = tpu.memref_slice %arg5[%dma_wait3A_298, %dma_wait3A_299] : memref<100000x16xf32, #tpu.memory_space<hbm>> -> memref<400x16xf32, #tpu.memory_space<hbm>>
      %dma_wait3A_301 = tpu.memref_slice %arg16[%rem3A_269] : memref<2x!tpu.dma_semaphore, #tpu.memory_space<semaphore_mem>> -> memref<1x!tpu.dma_semaphore, #tpu.memory_space<semaphore_mem>>
      %dma_wait3A_302 = tpu.memref_squeeze %dma_wait3A_301 : memref<1x!tpu.dma_semaphore, #tpu.memory_space<semaphore_mem>> -> memref<!tpu.dma_semaphore, #tpu.memory_space<semaphore_mem>>
      %dma_wait3A_303 = arith.constant 0 : i32
      %dma_wait3A_304 = arith.constant 0 : i32
      %dma_wait3A_305 = tpu.memref_slice %arg11[%rem3A_269, %dma_wait3A_303, %dma_wait3A_304] : memref<2x400x16xf32, #tpu.memory_space<vmem>> -> memref<1x400x16xf32, #tpu.memory_space<vmem>>
      %dma_wait3A_306 = tpu.memref_squeeze %dma_wait3A_305 : memref<1x400x16xf32, #tpu.memory_space<vmem>> -> memref<400x16xf32, #tpu.memory_space<vmem>>
      %dma_wait3A_307 = arith.constant 0 : i32
      %dma_wait3A_308 = arith.constant 0 : i32
      %dma_wait3A_309 = tpu.memref_slice %arg5[%dma_wait3A_307, %dma_wait3A_308] : memref<100000x16xf32, #tpu.memory_space<hbm>> -> memref<400x16xf32, #tpu.memory_space<hbm>>
      tpu.wait_dma2 semaphore(%dma_wait3A_302 : memref<!tpu.dma_semaphore, #tpu.memory_space<semaphore_mem>>) src(%dma_wait3A_309 : memref<400x16xf32, #tpu.memory_space<hbm>>) dst(%dma_wait3A_306 : memref<400x16xf32, #tpu.memory_space<vmem>>)
      %scan3A_310 = arith.constant 0 : i32
      %scan3A_311 = arith.constant 0 : i32
      %scan3A_312 = arith.constant 25 : i32
      %scan3A_313 = arith.addi %scan3A_311, %scan3A_312 : i32
      %scan3A_314 = arith.constant 1 : i32
      %scan3A_315 = scf.for %scan3A_318 = %scan3A_311 to %scan3A_313 step %scan3A_314 iter_args(%scan3A_319 = %scan3A_310) -> (i32)  : i32 {
        %mul3A_320 = arith.constant 16 : i32
        %mul3A_321 = arith.muli %scan3A_318, %mul3A_320 : i32
        %get3A = arith.index_cast %rem3A_271 : i32 to index
        %get3A_322 = arith.index_cast %mul3A_321 : i32 to index
        %get3A_323 = tpu.vector_load %arg8[%get3A, %get3A_322] {strides = array<i32>} : memref<3x400xi32, #tpu.memory_space<vmem>>, vector<16xi32>,
        %mul3A_324 = arith.constant 16 : i32
        %mul3A_325 = arith.muli %scan3A_318, %mul3A_324 : i32
        %get3A_326 = arith.index_cast %rem3A_271 : i32 to index
        %get3A_327 = arith.index_cast %mul3A_325 : i32 to index
        %get3A_328 = tpu.vector_load %arg9[%get3A_326, %get3A_327] {strides = array<i32>} : memref<3x400xi32, #tpu.memory_space<vmem>>, vector<16xi32>,
        %mul3A_329 = arith.constant 16 : i32
        %mul3A_330 = arith.muli %scan3A_318, %mul3A_329 : i32
        %get3A_331 = arith.index_cast %rem3A_271 : i32 to index
        %get3A_332 = arith.index_cast %mul3A_330 : i32 to index
        %get3A_333 = tpu.vector_load %arg10[%get3A_331, %get3A_332] {strides = array<i32>} : memref<3x400xf32, #tpu.memory_space<vmem>>, vector<16xf32>,
        %ne3A = arith.cmpi ne, %get3A_323, %get3A_328 : vector<16xi32>
        %broadcast_in_dim3A_334 = arith.constant 0.000000e+00 : f32
        %broadcast_in_dim3A_335 = vector.broadcast %broadcast_in_dim3A_334 : f32 to vector<16xf32>
        %select_n3A = arith.select %ne3A, %get3A_333, %broadcast_in_dim3A_335 : vector<16xi1>, vector<16xf32>
        %mul3A_336 = arith.constant 16 : i32
        %mul3A_337 = arith.muli %scan3A_318, %mul3A_336 : i32
        %add3A_338 = vector.broadcast %mul3A_337 : i32 to vector<16xi32>
        %add3A_339 = arith.addi %add3A_338, %iota3A_27 : vector<16xi32>
        %gather3A = arith.constant 0 : i32
        %gather3A_340 = arith.constant 0 : i32
        %gather3A_341 = tpu.memref_slice %arg11[%rem3A_269, %gather3A, %gather3A_340] : memref<2x400x16xf32, #tpu.memory_space<vmem>> -> memref<1x400x16xf32, #tpu.memory_space<vmem>>
        %gather3A_342 = tpu.memref_squeeze %gather3A_341 : memref<1x400x16xf32, #tpu.memory_space<vmem>> -> memref<400x16xf32, #tpu.memory_space<vmem>>
        %gather3A_343 = tpu.vector_load_idx %gather3A_342[%add3A_339, %broadcast_in_dim3A_28] : memref<400x16xf32, #tpu.memory_space<vmem>>[vector<16xi32>, vector<16xi32>], vector<16xf32>,
        %shift_right_logical3A = arith.constant 4 : i32
        %shift_right_logical3A_344 = vector.broadcast %shift_right_logical3A : i32 to vector<16xi32>
        %shift_right_logical3A_345 = arith.shrui %get3A_323, %shift_right_logical3A_344 : vector<16xi32>
        %and3A = arith.constant 15 : i32
        %and3A_346 = vector.broadcast %and3A : i32 to vector<16xi32>
        %and3A_347 = arith.andi %get3A_323, %and3A_346 : vector<16xi32>
        %mul3A_348 = arith.mulf %select_n3A, %gather3A_343 : vector<16xf32>
        tpu.vector_store_idx %arg7[%shift_right_logical3A_345, %and3A_347], %mul3A_348 {add = true} : memref<6256x16xf32, #tpu.memory_space<vmem>>[vector<16xi32>, vector<16xi32>], vector<16xf32>,
        %scan3A_349 = arith.constant 0 : i32
        scf.yield %scan3A_349 : i32
      }
      %scan3A_316 = arith.constant 25 : i32
      %scan3A_317 = arith.constant 0 : i32
      scf.yield %scan3A_317 : i32
    }
    %scan3A_166 = arith.constant 250 : i32
    %lt3A = arith.constant 2 : i32
    %lt3A_167 = arith.cmpi slt, %arg1, %lt3A : i32
    %convert_element_type3A = arith.extui %lt3A_167 : i1 to i32
    %cond3A = arith.constant 0 : i32
    %cond3A_168 = arith.cmpi ne, %convert_element_type3A, %cond3A : i32
    scf.if %cond3A_168 {
      %mul3A_267 = arith.constant 391 : i32
      %mul3A_268 = arith.muli %arg1, %mul3A_267 : i32
      "tpu.region"() ({
        %run_scoped3A = tpu.sem_alloc : memref<!tpu.dma_semaphore, #tpu.memory_space<semaphore_mem>>
        %dma_start3A_269 = arith.constant 0 : i32
        %dma_start3A_270 = tpu.memref_slice %arg14[%mul3A_268, %dma_start3A_269] : memref<782x16xf32, #tpu.memory_space<vmem_shared>> -> memref<391x16xf32, #tpu.memory_space<vmem_shared>>
        %dma_start3A_271 = arith.constant 0 : i32
        %dma_start3A_272 = tpu.memref_slice %arg14[%mul3A_268, %dma_start3A_271] : memref<782x16xf32, #tpu.memory_space<vmem_shared>> -> memref<391x16xf32, #tpu.memory_space<vmem_shared>>
        tpu.enqueue_dma source(%arg13 : memref<391x16xf32, #tpu.memory_space<vmem>>) target(%dma_start3A_272 : memref<391x16xf32, #tpu.memory_space<vmem_shared>>) target_semaphore(%run_scoped3A : memref<!tpu.dma_semaphore, #tpu.memory_space<semaphore_mem>>)
        %dma_wait3A_273 = arith.constant 0 : i32
        %dma_wait3A_274 = tpu.memref_slice %arg14[%mul3A_268, %dma_wait3A_273] : memref<782x16xf32, #tpu.memory_space<vmem_shared>> -> memref<391x16xf32, #tpu.memory_space<vmem_shared>>
        %dma_wait3A_275 = arith.constant 0 : i32
        %dma_wait3A_276 = tpu.memref_slice %arg14[%mul3A_268, %dma_wait3A_275] : memref<782x16xf32, #tpu.memory_space<vmem_shared>> -> memref<391x16xf32, #tpu.memory_space<vmem_shared>>
        tpu.wait_dma2 semaphore(%run_scoped3A : memref<!tpu.dma_semaphore, #tpu.memory_space<semaphore_mem>>) src(%arg13 : memref<391x16xf32, #tpu.memory_space<vmem>>) dst(%dma_wait3A_276 : memref<391x16xf32, #tpu.memory_space<vmem_shared>>)
        tpu.yield
      }) : () -> ()
    } else {
    }
    %barrier3A = arith.constant 0 : index
    tpu.barrier barrier_id(%barrier3A)
    "tpu.region"() ({
      %run_scoped3A = tpu.sem_alloc : memref<!tpu.dma_semaphore, #tpu.memory_space<semaphore_mem>>
      %dma_start3A_267 = arith.constant 0 : i32
      %dma_start3A_268 = arith.constant 0 : i32
      %dma_start3A_269 = tpu.memref_slice %arg7[%dma_start3A_267, %dma_start3A_268] : memref<6256x16xf32, #tpu.memory_space<vmem>> -> memref<782x16xf32, #tpu.memory_space<vmem>>
      %dma_start3A_270 = arith.constant 0 : i32
      %dma_start3A_271 = arith.constant 0 : i32
      %dma_start3A_272 = tpu.memref_slice %arg14[%dma_start3A_270, %dma_start3A_271] : memref<782x16xf32, #tpu.memory_space<vmem_shared>> -> memref<782x16xf32, #tpu.memory_space<vmem_shared>>
      tpu.enqueue_indirect_dma source(%dma_start3A_269 : memref<782x16xf32, #tpu.memory_space<vmem>>) target(%dma_start3A_272 : memref<782x16xf32, #tpu.memory_space<vmem_shared>>) offsets(%arg12 : memref<782xi32, #tpu.memory_space<vmem>>) semaphore(%run_scoped3A : memref<!tpu.dma_semaphore, #tpu.memory_space<semaphore_mem>>) {add = true}
      %dma_wait3A_273 = arith.constant 0 : i32
      %dma_wait3A_274 = arith.constant 0 : i32
      %dma_wait3A_275 = tpu.memref_slice %arg7[%dma_wait3A_273, %dma_wait3A_274] : memref<6256x16xf32, #tpu.memory_space<vmem>> -> memref<782x16xf32, #tpu.memory_space<vmem>>
      %dma_wait3A_276 = arith.constant 0 : i32
      %dma_wait3A_277 = arith.constant 0 : i32
      %dma_wait3A_278 = tpu.memref_slice %arg14[%dma_wait3A_276, %dma_wait3A_277] : memref<782x16xf32, #tpu.memory_space<vmem_shared>> -> memref<782x16xf32, #tpu.memory_space<vmem_shared>>
      tpu.wait_indirect_dma semaphore(%run_scoped3A : memref<!tpu.dma_semaphore, #tpu.memory_space<semaphore_mem>>) src(%dma_wait3A_275 : memref<782x16xf32, #tpu.memory_space<vmem>>) dst(%dma_wait3A_278 : memref<782x16xf32, #tpu.memory_space<vmem_shared>>)
      tpu.yield
    }) : () -> ()
    %barrier3A_169 = arith.constant 0 : index
    tpu.barrier barrier_id(%barrier3A_169)
    %lt3A_170 = arith.constant 2 : i32
    %lt3A_171 = arith.cmpi slt, %arg1, %lt3A_170 : i32
    %convert_element_type3A_172 = arith.extui %lt3A_171 : i1 to i32
    %cond3A_173 = arith.constant 0 : i32
    %cond3A_174 = arith.cmpi ne, %convert_element_type3A_172, %cond3A_173 : i32
    scf.if %cond3A_174 {
      %mul3A_267 = arith.constant 391 : i32
      %mul3A_268 = arith.muli %arg1, %mul3A_267 : i32
      %mul3A_269 = arith.constant 6256 : i32
      %mul3A_270 = arith.muli %arg0, %mul3A_269 : i32
      %add3A_271 = arith.constant 0 : i32
      %add3A_272 = arith.addi %mul3A_270, %add3A_271 : i32
      %mul3A_273 = arith.constant 391 : i32
      %mul3A_274 = arith.muli %arg1, %mul3A_273 : i32
      %add3A_275 = arith.addi %add3A_272, %mul3A_274 : i32
      "tpu.region"() ({
        %run_scoped3A = tpu.sem_alloc : memref<!tpu.dma_semaphore, #tpu.memory_space<semaphore_mem>>
        %dma_start3A_276 = arith.constant 0 : i32
        %dma_start3A_277 = tpu.memref_slice %arg6[%add3A_275, %dma_start3A_276] : memref<12512x16xf32, #tpu.memory_space<hbm>> -> memref<391x16xf32, #tpu.memory_space<hbm>>
        %dma_start3A_278 = arith.constant 0 : i32
        %dma_start3A_279 = tpu.memref_slice %arg14[%mul3A_268, %dma_start3A_278] : memref<782x16xf32, #tpu.memory_space<vmem_shared>> -> memref<391x16xf32, #tpu.memory_space<vmem_shared>>
        tpu.enqueue_dma source(%dma_start3A_279 : memref<391x16xf32, #tpu.memory_space<vmem_shared>>) target(%dma_start3A_277 : memref<391x16xf32, #tpu.memory_space<hbm>>) target_semaphore(%run_scoped3A : memref<!tpu.dma_semaphore, #tpu.memory_space<semaphore_mem>>)
        %dma_wait3A_280 = arith.constant 0 : i32
        %dma_wait3A_281 = tpu.memref_slice %arg6[%add3A_275, %dma_wait3A_280] : memref<12512x16xf32, #tpu.memory_space<hbm>> -> memref<391x16xf32, #tpu.memory_space<hbm>>
        %dma_wait3A_282 = arith.constant 0 : i32
        %dma_wait3A_283 = tpu.memref_slice %arg14[%mul3A_268, %dma_wait3A_282] : memref<782x16xf32, #tpu.memory_space<vmem_shared>> -> memref<391x16xf32, #tpu.memory_space<vmem_shared>>
        tpu.wait_dma2 semaphore(%run_scoped3A : memref<!tpu.dma_semaphore, #tpu.memory_space<semaphore_mem>>) src(%dma_wait3A_283 : memref<391x16xf32, #tpu.memory_space<vmem_shared>>) dst(%dma_wait3A_281 : memref<391x16xf32, #tpu.memory_space<hbm>>)
        tpu.yield
      }) : () -> ()
    } else {
    }
    %barrier3A_175 = arith.constant 0 : index
    tpu.barrier barrier_id(%barrier3A_175)
    %lt3A_176 = arith.constant 2 : i32
    %lt3A_177 = arith.cmpi slt, %arg1, %lt3A_176 : i32
    %convert_element_type3A_178 = arith.extui %lt3A_177 : i1 to i32
    %cond3A_179 = arith.constant 0 : i32
    %cond3A_180 = arith.cmpi ne, %convert_element_type3A_178, %cond3A_179 : i32
    scf.if %cond3A_180 {
      %mul3A_267 = arith.constant 391 : i32
      %mul3A_268 = arith.muli %arg1, %mul3A_267 : i32
      "tpu.region"() ({
        %run_scoped3A = tpu.sem_alloc : memref<!tpu.dma_semaphore, #tpu.memory_space<semaphore_mem>>
        %dma_start3A_269 = arith.constant 0 : i32
        %dma_start3A_270 = tpu.memref_slice %arg14[%mul3A_268, %dma_start3A_269] : memref<782x16xf32, #tpu.memory_space<vmem_shared>> -> memref<391x16xf32, #tpu.memory_space<vmem_shared>>
        %dma_start3A_271 = arith.constant 0 : i32
        %dma_start3A_272 = tpu.memref_slice %arg14[%mul3A_268, %dma_start3A_271] : memref<782x16xf32, #tpu.memory_space<vmem_shared>> -> memref<391x16xf32, #tpu.memory_space<vmem_shared>>
        tpu.enqueue_dma source(%arg13 : memref<391x16xf32, #tpu.memory_space<vmem>>) target(%dma_start3A_272 : memref<391x16xf32, #tpu.memory_space<vmem_shared>>) target_semaphore(%run_scoped3A : memref<!tpu.dma_semaphore, #tpu.memory_space<semaphore_mem>>)
        %dma_wait3A_273 = arith.constant 0 : i32
        %dma_wait3A_274 = tpu.memref_slice %arg14[%mul3A_268, %dma_wait3A_273] : memref<782x16xf32, #tpu.memory_space<vmem_shared>> -> memref<391x16xf32, #tpu.memory_space<vmem_shared>>
        %dma_wait3A_275 = arith.constant 0 : i32
        %dma_wait3A_276 = tpu.memref_slice %arg14[%mul3A_268, %dma_wait3A_275] : memref<782x16xf32, #tpu.memory_space<vmem_shared>> -> memref<391x16xf32, #tpu.memory_space<vmem_shared>>
        tpu.wait_dma2 semaphore(%run_scoped3A : memref<!tpu.dma_semaphore, #tpu.memory_space<semaphore_mem>>) src(%arg13 : memref<391x16xf32, #tpu.memory_space<vmem>>) dst(%dma_wait3A_276 : memref<391x16xf32, #tpu.memory_space<vmem_shared>>)
        tpu.yield
      }) : () -> ()
    } else {
    }
    %barrier3A_181 = arith.constant 0 : index
    tpu.barrier barrier_id(%barrier3A_181)
    "tpu.region"() ({
      %run_scoped3A = tpu.sem_alloc : memref<!tpu.dma_semaphore, #tpu.memory_space<semaphore_mem>>
      %dma_start3A_267 = arith.constant 782 : i32
      %dma_start3A_268 = arith.constant 0 : i32
      %dma_start3A_269 = tpu.memref_slice %arg7[%dma_start3A_267, %dma_start3A_268] : memref<6256x16xf32, #tpu.memory_space<vmem>> -> memref<782x16xf32, #tpu.memory_space<vmem>>
      %dma_start3A_270 = arith.constant 0 : i32
      %dma_start3A_271 = arith.constant 0 : i32
      %dma_start3A_272 = tpu.memref_slice %arg14[%dma_start3A_270, %dma_start3A_271] : memref<782x16xf32, #tpu.memory_space<vmem_shared>> -> memref<782x16xf32, #tpu.memory_space<vmem_shared>>
      tpu.enqueue_indirect_dma source(%dma_start3A_269 : memref<782x16xf32, #tpu.memory_space<vmem>>) target(%dma_start3A_272 : memref<782x16xf32, #tpu.memory_space<vmem_shared>>) offsets(%arg12 : memref<782xi32, #tpu.memory_space<vmem>>) semaphore(%run_scoped3A : memref<!tpu.dma_semaphore, #tpu.memory_space<semaphore_mem>>) {add = true}
      %dma_wait3A_273 = arith.constant 782 : i32
      %dma_wait3A_274 = arith.constant 0 : i32
      %dma_wait3A_275 = tpu.memref_slice %arg7[%dma_wait3A_273, %dma_wait3A_274] : memref<6256x16xf32, #tpu.memory_space<vmem>> -> memref<782x16xf32, #tpu.memory_space<vmem>>
      %dma_wait3A_276 = arith.constant 0 : i32
      %dma_wait3A_277 = arith.constant 0 : i32
      %dma_wait3A_278 = tpu.memref_slice %arg14[%dma_wait3A_276, %dma_wait3A_277] : memref<782x16xf32, #tpu.memory_space<vmem_shared>> -> memref<782x16xf32, #tpu.memory_space<vmem_shared>>
      tpu.wait_indirect_dma semaphore(%run_scoped3A : memref<!tpu.dma_semaphore, #tpu.memory_space<semaphore_mem>>) src(%dma_wait3A_275 : memref<782x16xf32, #tpu.memory_space<vmem>>) dst(%dma_wait3A_278 : memref<782x16xf32, #tpu.memory_space<vmem_shared>>)
      tpu.yield
    }) : () -> ()
    %barrier3A_182 = arith.constant 0 : index
    tpu.barrier barrier_id(%barrier3A_182)
    %lt3A_183 = arith.constant 2 : i32
    %lt3A_184 = arith.cmpi slt, %arg1, %lt3A_183 : i32
    %convert_element_type3A_185 = arith.extui %lt3A_184 : i1 to i32
    %cond3A_186 = arith.constant 0 : i32
    %cond3A_187 = arith.cmpi ne, %convert_element_type3A_185, %cond3A_186 : i32
    scf.if %cond3A_187 {
      %mul3A_267 = arith.constant 391 : i32
      %mul3A_268 = arith.muli %arg1, %mul3A_267 : i32
      %mul3A_269 = arith.constant 6256 : i32
      %mul3A_270 = arith.muli %arg0, %mul3A_269 : i32
      %add3A_271 = arith.constant 782 : i32
      %add3A_272 = arith.addi %mul3A_270, %add3A_271 : i32
      %mul3A_273 = arith.constant 391 : i32
      %mul3A_274 = arith.muli %arg1, %mul3A_273 : i32
      %add3A_275 = arith.addi %add3A_272, %mul3A_274 : i32
      "tpu.region"() ({
        %run_scoped3A = tpu.sem_alloc : memref<!tpu.dma_semaphore, #tpu.memory_space<semaphore_mem>>
        %dma_start3A_276 = arith.constant 0 : i32
        %dma_start3A_277 = tpu.memref_slice %arg6[%add3A_275, %dma_start3A_276] : memref<12512x16xf32, #tpu.memory_space<hbm>> -> memref<391x16xf32, #tpu.memory_space<hbm>>
        %dma_start3A_278 = arith.constant 0 : i32
        %dma_start3A_279 = tpu.memref_slice %arg14[%mul3A_268, %dma_start3A_278] : memref<782x16xf32, #tpu.memory_space<vmem_shared>> -> memref<391x16xf32, #tpu.memory_space<vmem_shared>>
        tpu.enqueue_dma source(%dma_start3A_279 : memref<391x16xf32, #tpu.memory_space<vmem_shared>>) target(%dma_start3A_277 : memref<391x16xf32, #tpu.memory_space<hbm>>) target_semaphore(%run_scoped3A : memref<!tpu.dma_semaphore, #tpu.memory_space<semaphore_mem>>)
        %dma_wait3A_280 = arith.constant 0 : i32
        %dma_wait3A_281 = tpu.memref_slice %arg6[%add3A_275, %dma_wait3A_280] : memref<12512x16xf32, #tpu.memory_space<hbm>> -> memref<391x16xf32, #tpu.memory_space<hbm>>
        %dma_wait3A_282 = arith.constant 0 : i32
        %dma_wait3A_283 = tpu.memref_slice %arg14[%mul3A_268, %dma_wait3A_282] : memref<782x16xf32, #tpu.memory_space<vmem_shared>> -> memref<391x16xf32, #tpu.memory_space<vmem_shared>>
        tpu.wait_dma2 semaphore(%run_scoped3A : memref<!tpu.dma_semaphore, #tpu.memory_space<semaphore_mem>>) src(%dma_wait3A_283 : memref<391x16xf32, #tpu.memory_space<vmem_shared>>) dst(%dma_wait3A_281 : memref<391x16xf32, #tpu.memory_space<hbm>>)
        tpu.yield
      }) : () -> ()
    } else {
    }
    %barrier3A_188 = arith.constant 0 : index
    tpu.barrier barrier_id(%barrier3A_188)
    %lt3A_189 = arith.constant 2 : i32
    %lt3A_190 = arith.cmpi slt, %arg1, %lt3A_189 : i32
    %convert_element_type3A_191 = arith.extui %lt3A_190 : i1 to i32
    %cond3A_192 = arith.constant 0 : i32
    %cond3A_193 = arith.cmpi ne, %convert_element_type3A_191, %cond3A_192 : i32
    scf.if %cond3A_193 {
      %mul3A_267 = arith.constant 391 : i32
      %mul3A_268 = arith.muli %arg1, %mul3A_267 : i32
      "tpu.region"() ({
        %run_scoped3A = tpu.sem_alloc : memref<!tpu.dma_semaphore, #tpu.memory_space<semaphore_mem>>
        %dma_start3A_269 = arith.constant 0 : i32
        %dma_start3A_270 = tpu.memref_slice %arg14[%mul3A_268, %dma_start3A_269] : memref<782x16xf32, #tpu.memory_space<vmem_shared>> -> memref<391x16xf32, #tpu.memory_space<vmem_shared>>
        %dma_start3A_271 = arith.constant 0 : i32
        %dma_start3A_272 = tpu.memref_slice %arg14[%mul3A_268, %dma_start3A_271] : memref<782x16xf32, #tpu.memory_space<vmem_shared>> -> memref<391x16xf32, #tpu.memory_space<vmem_shared>>
        tpu.enqueue_dma source(%arg13 : memref<391x16xf32, #tpu.memory_space<vmem>>) target(%dma_start3A_272 : memref<391x16xf32, #tpu.memory_space<vmem_shared>>) target_semaphore(%run_scoped3A : memref<!tpu.dma_semaphore, #tpu.memory_space<semaphore_mem>>)
        %dma_wait3A_273 = arith.constant 0 : i32
        %dma_wait3A_274 = tpu.memref_slice %arg14[%mul3A_268, %dma_wait3A_273] : memref<782x16xf32, #tpu.memory_space<vmem_shared>> -> memref<391x16xf32, #tpu.memory_space<vmem_shared>>
        %dma_wait3A_275 = arith.constant 0 : i32
        %dma_wait3A_276 = tpu.memref_slice %arg14[%mul3A_268, %dma_wait3A_275] : memref<782x16xf32, #tpu.memory_space<vmem_shared>> -> memref<391x16xf32, #tpu.memory_space<vmem_shared>>
        tpu.wait_dma2 semaphore(%run_scoped3A : memref<!tpu.dma_semaphore, #tpu.memory_space<semaphore_mem>>) src(%arg13 : memref<391x16xf32, #tpu.memory_space<vmem>>) dst(%dma_wait3A_276 : memref<391x16xf32, #tpu.memory_space<vmem_shared>>)
        tpu.yield
      }) : () -> ()
    } else {
    }
    %barrier3A_194 = arith.constant 0 : index
    tpu.barrier barrier_id(%barrier3A_194)
    "tpu.region"() ({
      %run_scoped3A = tpu.sem_alloc : memref<!tpu.dma_semaphore, #tpu.memory_space<semaphore_mem>>
      %dma_start3A_267 = arith.constant 1564 : i32
      %dma_start3A_268 = arith.constant 0 : i32
      %dma_start3A_269 = tpu.memref_slice %arg7[%dma_start3A_267, %dma_start3A_268] : memref<6256x16xf32, #tpu.memory_space<vmem>> -> memref<782x16xf32, #tpu.memory_space<vmem>>
      %dma_start3A_270 = arith.constant 0 : i32
      %dma_start3A_271 = arith.constant 0 : i32
      %dma_start3A_272 = tpu.memref_slice %arg14[%dma_start3A_270, %dma_start3A_271] : memref<782x16xf32, #tpu.memory_space<vmem_shared>> -> memref<782x16xf32, #tpu.memory_space<vmem_shared>>
      tpu.enqueue_indirect_dma source(%dma_start3A_269 : memref<782x16xf32, #tpu.memory_space<vmem>>) target(%dma_start3A_272 : memref<782x16xf32, #tpu.memory_space<vmem_shared>>) offsets(%arg12 : memref<782xi32, #tpu.memory_space<vmem>>) semaphore(%run_scoped3A : memref<!tpu.dma_semaphore, #tpu.memory_space<semaphore_mem>>) {add = true}
      %dma_wait3A_273 = arith.constant 1564 : i32
      %dma_wait3A_274 = arith.constant 0 : i32
      %dma_wait3A_275 = tpu.memref_slice %arg7[%dma_wait3A_273, %dma_wait3A_274] : memref<6256x16xf32, #tpu.memory_space<vmem>> -> memref<782x16xf32, #tpu.memory_space<vmem>>
      %dma_wait3A_276 = arith.constant 0 : i32
      %dma_wait3A_277 = arith.constant 0 : i32
      %dma_wait3A_278 = tpu.memref_slice %arg14[%dma_wait3A_276, %dma_wait3A_277] : memref<782x16xf32, #tpu.memory_space<vmem_shared>> -> memref<782x16xf32, #tpu.memory_space<vmem_shared>>
      tpu.wait_indirect_dma semaphore(%run_scoped3A : memref<!tpu.dma_semaphore, #tpu.memory_space<semaphore_mem>>) src(%dma_wait3A_275 : memref<782x16xf32, #tpu.memory_space<vmem>>) dst(%dma_wait3A_278 : memref<782x16xf32, #tpu.memory_space<vmem_shared>>)
      tpu.yield
    }) : () -> ()
    %barrier3A_195 = arith.constant 0 : index
    tpu.barrier barrier_id(%barrier3A_195)
    %lt3A_196 = arith.constant 2 : i32
    %lt3A_197 = arith.cmpi slt, %arg1, %lt3A_196 : i32
    %convert_element_type3A_198 = arith.extui %lt3A_197 : i1 to i32
    %cond3A_199 = arith.constant 0 : i32
    %cond3A_200 = arith.cmpi ne, %convert_element_type3A_198, %cond3A_199 : i32
    scf.if %cond3A_200 {
      %mul3A_267 = arith.constant 391 : i32
      %mul3A_268 = arith.muli %arg1, %mul3A_267 : i32
      %mul3A_269 = arith.constant 6256 : i32
      %mul3A_270 = arith.muli %arg0, %mul3A_269 : i32
      %add3A_271 = arith.constant 1564 : i32
      %add3A_272 = arith.addi %mul3A_270, %add3A_271 : i32
      %mul3A_273 = arith.constant 391 : i32
      %mul3A_274 = arith.muli %arg1, %mul3A_273 : i32
      %add3A_275 = arith.addi %add3A_272, %mul3A_274 : i32
      "tpu.region"() ({
        %run_scoped3A = tpu.sem_alloc : memref<!tpu.dma_semaphore, #tpu.memory_space<semaphore_mem>>
        %dma_start3A_276 = arith.constant 0 : i32
        %dma_start3A_277 = tpu.memref_slice %arg6[%add3A_275, %dma_start3A_276] : memref<12512x16xf32, #tpu.memory_space<hbm>> -> memref<391x16xf32, #tpu.memory_space<hbm>>
        %dma_start3A_278 = arith.constant 0 : i32
        %dma_start3A_279 = tpu.memref_slice %arg14[%mul3A_268, %dma_start3A_278] : memref<782x16xf32, #tpu.memory_space<vmem_shared>> -> memref<391x16xf32, #tpu.memory_space<vmem_shared>>
        tpu.enqueue_dma source(%dma_start3A_279 : memref<391x16xf32, #tpu.memory_space<vmem_shared>>) target(%dma_start3A_277 : memref<391x16xf32, #tpu.memory_space<hbm>>) target_semaphore(%run_scoped3A : memref<!tpu.dma_semaphore, #tpu.memory_space<semaphore_mem>>)
        %dma_wait3A_280 = arith.constant 0 : i32
        %dma_wait3A_281 = tpu.memref_slice %arg6[%add3A_275, %dma_wait3A_280] : memref<12512x16xf32, #tpu.memory_space<hbm>> -> memref<391x16xf32, #tpu.memory_space<hbm>>
        %dma_wait3A_282 = arith.constant 0 : i32
        %dma_wait3A_283 = tpu.memref_slice %arg14[%mul3A_268, %dma_wait3A_282] : memref<782x16xf32, #tpu.memory_space<vmem_shared>> -> memref<391x16xf32, #tpu.memory_space<vmem_shared>>
        tpu.wait_dma2 semaphore(%run_scoped3A : memref<!tpu.dma_semaphore, #tpu.memory_space<semaphore_mem>>) src(%dma_wait3A_283 : memref<391x16xf32, #tpu.memory_space<vmem_shared>>) dst(%dma_wait3A_281 : memref<391x16xf32, #tpu.memory_space<hbm>>)
        tpu.yield
      }) : () -> ()
    } else {
    }
    %barrier3A_201 = arith.constant 0 : index
    tpu.barrier barrier_id(%barrier3A_201)
    %lt3A_202 = arith.constant 2 : i32
    %lt3A_203 = arith.cmpi slt, %arg1, %lt3A_202 : i32
    %convert_element_type3A_204 = arith.extui %lt3A_203 : i1 to i32
    %cond3A_205 = arith.constant 0 : i32
    %cond3A_206 = arith.cmpi ne, %convert_element_type3A_204, %cond3A_205 : i32
    scf.if %cond3A_206 {
      %mul3A_267 = arith.constant 391 : i32
      %mul3A_268 = arith.muli %arg1, %mul3A_267 : i32
      "tpu.region"() ({
        %run_scoped3A = tpu.sem_alloc : memref<!tpu.dma_semaphore, #tpu.memory_space<semaphore_mem>>
        %dma_start3A_269 = arith.constant 0 : i32
        %dma_start3A_270 = tpu.memref_slice %arg14[%mul3A_268, %dma_start3A_269] : memref<782x16xf32, #tpu.memory_space<vmem_shared>> -> memref<391x16xf32, #tpu.memory_space<vmem_shared>>
        %dma_start3A_271 = arith.constant 0 : i32
        %dma_start3A_272 = tpu.memref_slice %arg14[%mul3A_268, %dma_start3A_271] : memref<782x16xf32, #tpu.memory_space<vmem_shared>> -> memref<391x16xf32, #tpu.memory_space<vmem_shared>>
        tpu.enqueue_dma source(%arg13 : memref<391x16xf32, #tpu.memory_space<vmem>>) target(%dma_start3A_272 : memref<391x16xf32, #tpu.memory_space<vmem_shared>>) target_semaphore(%run_scoped3A : memref<!tpu.dma_semaphore, #tpu.memory_space<semaphore_mem>>)
        %dma_wait3A_273 = arith.constant 0 : i32
        %dma_wait3A_274 = tpu.memref_slice %arg14[%mul3A_268, %dma_wait3A_273] : memref<782x16xf32, #tpu.memory_space<vmem_shared>> -> memref<391x16xf32, #tpu.memory_space<vmem_shared>>
        %dma_wait3A_275 = arith.constant 0 : i32
        %dma_wait3A_276 = tpu.memref_slice %arg14[%mul3A_268, %dma_wait3A_275] : memref<782x16xf32, #tpu.memory_space<vmem_shared>> -> memref<391x16xf32, #tpu.memory_space<vmem_shared>>
        tpu.wait_dma2 semaphore(%run_scoped3A : memref<!tpu.dma_semaphore, #tpu.memory_space<semaphore_mem>>) src(%arg13 : memref<391x16xf32, #tpu.memory_space<vmem>>) dst(%dma_wait3A_276 : memref<391x16xf32, #tpu.memory_space<vmem_shared>>)
        tpu.yield
      }) : () -> ()
    } else {
    }
    %barrier3A_207 = arith.constant 0 : index
    tpu.barrier barrier_id(%barrier3A_207)
    "tpu.region"() ({
      %run_scoped3A = tpu.sem_alloc : memref<!tpu.dma_semaphore, #tpu.memory_space<semaphore_mem>>
      %dma_start3A_267 = arith.constant 2346 : i32
      %dma_start3A_268 = arith.constant 0 : i32
      %dma_start3A_269 = tpu.memref_slice %arg7[%dma_start3A_267, %dma_start3A_268] : memref<6256x16xf32, #tpu.memory_space<vmem>> -> memref<782x16xf32, #tpu.memory_space<vmem>>
      %dma_start3A_270 = arith.constant 0 : i32
      %dma_start3A_271 = arith.constant 0 : i32
      %dma_start3A_272 = tpu.memref_slice %arg14[%dma_start3A_270, %dma_start3A_271] : memref<782x16xf32, #tpu.memory_space<vmem_shared>> -> memref<782x16xf32, #tpu.memory_space<vmem_shared>>
      tpu.enqueue_indirect_dma source(%dma_start3A_269 : memref<782x16xf32, #tpu.memory_space<vmem>>) target(%dma_start3A_272 : memref<782x16xf32, #tpu.memory_space<vmem_shared>>) offsets(%arg12 : memref<782xi32, #tpu.memory_space<vmem>>) semaphore(%run_scoped3A : memref<!tpu.dma_semaphore, #tpu.memory_space<semaphore_mem>>) {add = true}
      %dma_wait3A_273 = arith.constant 2346 : i32
      %dma_wait3A_274 = arith.constant 0 : i32
      %dma_wait3A_275 = tpu.memref_slice %arg7[%dma_wait3A_273, %dma_wait3A_274] : memref<6256x16xf32, #tpu.memory_space<vmem>> -> memref<782x16xf32, #tpu.memory_space<vmem>>
      %dma_wait3A_276 = arith.constant 0 : i32
      %dma_wait3A_277 = arith.constant 0 : i32
      %dma_wait3A_278 = tpu.memref_slice %arg14[%dma_wait3A_276, %dma_wait3A_277] : memref<782x16xf32, #tpu.memory_space<vmem_shared>> -> memref<782x16xf32, #tpu.memory_space<vmem_shared>>
      tpu.wait_indirect_dma semaphore(%run_scoped3A : memref<!tpu.dma_semaphore, #tpu.memory_space<semaphore_mem>>) src(%dma_wait3A_275 : memref<782x16xf32, #tpu.memory_space<vmem>>) dst(%dma_wait3A_278 : memref<782x16xf32, #tpu.memory_space<vmem_shared>>)
      tpu.yield
    }) : () -> ()
    %barrier3A_208 = arith.constant 0 : index
    tpu.barrier barrier_id(%barrier3A_208)
    %lt3A_209 = arith.constant 2 : i32
    %lt3A_210 = arith.cmpi slt, %arg1, %lt3A_209 : i32
    %convert_element_type3A_211 = arith.extui %lt3A_210 : i1 to i32
    %cond3A_212 = arith.constant 0 : i32
    %cond3A_213 = arith.cmpi ne, %convert_element_type3A_211, %cond3A_212 : i32
    scf.if %cond3A_213 {
      %mul3A_267 = arith.constant 391 : i32
      %mul3A_268 = arith.muli %arg1, %mul3A_267 : i32
      %mul3A_269 = arith.constant 6256 : i32
      %mul3A_270 = arith.muli %arg0, %mul3A_269 : i32
      %add3A_271 = arith.constant 2346 : i32
      %add3A_272 = arith.addi %mul3A_270, %add3A_271 : i32
      %mul3A_273 = arith.constant 391 : i32
      %mul3A_274 = arith.muli %arg1, %mul3A_273 : i32
      %add3A_275 = arith.addi %add3A_272, %mul3A_274 : i32
      "tpu.region"() ({
        %run_scoped3A = tpu.sem_alloc : memref<!tpu.dma_semaphore, #tpu.memory_space<semaphore_mem>>
        %dma_start3A_276 = arith.constant 0 : i32
        %dma_start3A_277 = tpu.memref_slice %arg6[%add3A_275, %dma_start3A_276] : memref<12512x16xf32, #tpu.memory_space<hbm>> -> memref<391x16xf32, #tpu.memory_space<hbm>>
        %dma_start3A_278 = arith.constant 0 : i32
        %dma_start3A_279 = tpu.memref_slice %arg14[%mul3A_268, %dma_start3A_278] : memref<782x16xf32, #tpu.memory_space<vmem_shared>> -> memref<391x16xf32, #tpu.memory_space<vmem_shared>>
        tpu.enqueue_dma source(%dma_start3A_279 : memref<391x16xf32, #tpu.memory_space<vmem_shared>>) target(%dma_start3A_277 : memref<391x16xf32, #tpu.memory_space<hbm>>) target_semaphore(%run_scoped3A : memref<!tpu.dma_semaphore, #tpu.memory_space<semaphore_mem>>)
        %dma_wait3A_280 = arith.constant 0 : i32
        %dma_wait3A_281 = tpu.memref_slice %arg6[%add3A_275, %dma_wait3A_280] : memref<12512x16xf32, #tpu.memory_space<hbm>> -> memref<391x16xf32, #tpu.memory_space<hbm>>
        %dma_wait3A_282 = arith.constant 0 : i32
        %dma_wait3A_283 = tpu.memref_slice %arg14[%mul3A_268, %dma_wait3A_282] : memref<782x16xf32, #tpu.memory_space<vmem_shared>> -> memref<391x16xf32, #tpu.memory_space<vmem_shared>>
        tpu.wait_dma2 semaphore(%run_scoped3A : memref<!tpu.dma_semaphore, #tpu.memory_space<semaphore_mem>>) src(%dma_wait3A_283 : memref<391x16xf32, #tpu.memory_space<vmem_shared>>) dst(%dma_wait3A_281 : memref<391x16xf32, #tpu.memory_space<hbm>>)
        tpu.yield
      }) : () -> ()
    } else {
    }
    %barrier3A_214 = arith.constant 0 : index
    tpu.barrier barrier_id(%barrier3A_214)
    %lt3A_215 = arith.constant 2 : i32
    %lt3A_216 = arith.cmpi slt, %arg1, %lt3A_215 : i32
    %convert_element_type3A_217 = arith.extui %lt3A_216 : i1 to i32
    %cond3A_218 = arith.constant 0 : i32
    %cond3A_219 = arith.cmpi ne, %convert_element_type3A_217, %cond3A_218 : i32
    scf.if %cond3A_219 {
      %mul3A_267 = arith.constant 391 : i32
      %mul3A_268 = arith.muli %arg1, %mul3A_267 : i32
      "tpu.region"() ({
        %run_scoped3A = tpu.sem_alloc : memref<!tpu.dma_semaphore, #tpu.memory_space<semaphore_mem>>
        %dma_start3A_269 = arith.constant 0 : i32
        %dma_start3A_270 = tpu.memref_slice %arg14[%mul3A_268, %dma_start3A_269] : memref<782x16xf32, #tpu.memory_space<vmem_shared>> -> memref<391x16xf32, #tpu.memory_space<vmem_shared>>
        %dma_start3A_271 = arith.constant 0 : i32
        %dma_start3A_272 = tpu.memref_slice %arg14[%mul3A_268, %dma_start3A_271] : memref<782x16xf32, #tpu.memory_space<vmem_shared>> -> memref<391x16xf32, #tpu.memory_space<vmem_shared>>
        tpu.enqueue_dma source(%arg13 : memref<391x16xf32, #tpu.memory_space<vmem>>) target(%dma_start3A_272 : memref<391x16xf32, #tpu.memory_space<vmem_shared>>) target_semaphore(%run_scoped3A : memref<!tpu.dma_semaphore, #tpu.memory_space<semaphore_mem>>)
        %dma_wait3A_273 = arith.constant 0 : i32
        %dma_wait3A_274 = tpu.memref_slice %arg14[%mul3A_268, %dma_wait3A_273] : memref<782x16xf32, #tpu.memory_space<vmem_shared>> -> memref<391x16xf32, #tpu.memory_space<vmem_shared>>
        %dma_wait3A_275 = arith.constant 0 : i32
        %dma_wait3A_276 = tpu.memref_slice %arg14[%mul3A_268, %dma_wait3A_275] : memref<782x16xf32, #tpu.memory_space<vmem_shared>> -> memref<391x16xf32, #tpu.memory_space<vmem_shared>>
        tpu.wait_dma2 semaphore(%run_scoped3A : memref<!tpu.dma_semaphore, #tpu.memory_space<semaphore_mem>>) src(%arg13 : memref<391x16xf32, #tpu.memory_space<vmem>>) dst(%dma_wait3A_276 : memref<391x16xf32, #tpu.memory_space<vmem_shared>>)
        tpu.yield
      }) : () -> ()
    } else {
    }
    %barrier3A_220 = arith.constant 0 : index
    tpu.barrier barrier_id(%barrier3A_220)
    "tpu.region"() ({
      %run_scoped3A = tpu.sem_alloc : memref<!tpu.dma_semaphore, #tpu.memory_space<semaphore_mem>>
      %dma_start3A_267 = arith.constant 3128 : i32
      %dma_start3A_268 = arith.constant 0 : i32
      %dma_start3A_269 = tpu.memref_slice %arg7[%dma_start3A_267, %dma_start3A_268] : memref<6256x16xf32, #tpu.memory_space<vmem>> -> memref<782x16xf32, #tpu.memory_space<vmem>>
      %dma_start3A_270 = arith.constant 0 : i32
      %dma_start3A_271 = arith.constant 0 : i32
      %dma_start3A_272 = tpu.memref_slice %arg14[%dma_start3A_270, %dma_start3A_271] : memref<782x16xf32, #tpu.memory_space<vmem_shared>> -> memref<782x16xf32, #tpu.memory_space<vmem_shared>>
      tpu.enqueue_indirect_dma source(%dma_start3A_269 : memref<782x16xf32, #tpu.memory_space<vmem>>) target(%dma_start3A_272 : memref<782x16xf32, #tpu.memory_space<vmem_shared>>) offsets(%arg12 : memref<782xi32, #tpu.memory_space<vmem>>) semaphore(%run_scoped3A : memref<!tpu.dma_semaphore, #tpu.memory_space<semaphore_mem>>) {add = true}
      %dma_wait3A_273 = arith.constant 3128 : i32
      %dma_wait3A_274 = arith.constant 0 : i32
      %dma_wait3A_275 = tpu.memref_slice %arg7[%dma_wait3A_273, %dma_wait3A_274] : memref<6256x16xf32, #tpu.memory_space<vmem>> -> memref<782x16xf32, #tpu.memory_space<vmem>>
      %dma_wait3A_276 = arith.constant 0 : i32
      %dma_wait3A_277 = arith.constant 0 : i32
      %dma_wait3A_278 = tpu.memref_slice %arg14[%dma_wait3A_276, %dma_wait3A_277] : memref<782x16xf32, #tpu.memory_space<vmem_shared>> -> memref<782x16xf32, #tpu.memory_space<vmem_shared>>
      tpu.wait_indirect_dma semaphore(%run_scoped3A : memref<!tpu.dma_semaphore, #tpu.memory_space<semaphore_mem>>) src(%dma_wait3A_275 : memref<782x16xf32, #tpu.memory_space<vmem>>) dst(%dma_wait3A_278 : memref<782x16xf32, #tpu.memory_space<vmem_shared>>)
      tpu.yield
    }) : () -> ()
    %barrier3A_221 = arith.constant 0 : index
    tpu.barrier barrier_id(%barrier3A_221)
    %lt3A_222 = arith.constant 2 : i32
    %lt3A_223 = arith.cmpi slt, %arg1, %lt3A_222 : i32
    %convert_element_type3A_224 = arith.extui %lt3A_223 : i1 to i32
    %cond3A_225 = arith.constant 0 : i32
    %cond3A_226 = arith.cmpi ne, %convert_element_type3A_224, %cond3A_225 : i32
    scf.if %cond3A_226 {
      %mul3A_267 = arith.constant 391 : i32
      %mul3A_268 = arith.muli %arg1, %mul3A_267 : i32
      %mul3A_269 = arith.constant 6256 : i32
      %mul3A_270 = arith.muli %arg0, %mul3A_269 : i32
      %add3A_271 = arith.constant 3128 : i32
      %add3A_272 = arith.addi %mul3A_270, %add3A_271 : i32
      %mul3A_273 = arith.constant 391 : i32
      %mul3A_274 = arith.muli %arg1, %mul3A_273 : i32
      %add3A_275 = arith.addi %add3A_272, %mul3A_274 : i32
      "tpu.region"() ({
        %run_scoped3A = tpu.sem_alloc : memref<!tpu.dma_semaphore, #tpu.memory_space<semaphore_mem>>
        %dma_start3A_276 = arith.constant 0 : i32
        %dma_start3A_277 = tpu.memref_slice %arg6[%add3A_275, %dma_start3A_276] : memref<12512x16xf32, #tpu.memory_space<hbm>> -> memref<391x16xf32, #tpu.memory_space<hbm>>
        %dma_start3A_278 = arith.constant 0 : i32
        %dma_start3A_279 = tpu.memref_slice %arg14[%mul3A_268, %dma_start3A_278] : memref<782x16xf32, #tpu.memory_space<vmem_shared>> -> memref<391x16xf32, #tpu.memory_space<vmem_shared>>
        tpu.enqueue_dma source(%dma_start3A_279 : memref<391x16xf32, #tpu.memory_space<vmem_shared>>) target(%dma_start3A_277 : memref<391x16xf32, #tpu.memory_space<hbm>>) target_semaphore(%run_scoped3A : memref<!tpu.dma_semaphore, #tpu.memory_space<semaphore_mem>>)
        %dma_wait3A_280 = arith.constant 0 : i32
        %dma_wait3A_281 = tpu.memref_slice %arg6[%add3A_275, %dma_wait3A_280] : memref<12512x16xf32, #tpu.memory_space<hbm>> -> memref<391x16xf32, #tpu.memory_space<hbm>>
        %dma_wait3A_282 = arith.constant 0 : i32
        %dma_wait3A_283 = tpu.memref_slice %arg14[%mul3A_268, %dma_wait3A_282] : memref<782x16xf32, #tpu.memory_space<vmem_shared>> -> memref<391x16xf32, #tpu.memory_space<vmem_shared>>
        tpu.wait_dma2 semaphore(%run_scoped3A : memref<!tpu.dma_semaphore, #tpu.memory_space<semaphore_mem>>) src(%dma_wait3A_283 : memref<391x16xf32, #tpu.memory_space<vmem_shared>>) dst(%dma_wait3A_281 : memref<391x16xf32, #tpu.memory_space<hbm>>)
        tpu.yield
      }) : () -> ()
    } else {
    }
    %barrier3A_227 = arith.constant 0 : index
    tpu.barrier barrier_id(%barrier3A_227)
    %lt3A_228 = arith.constant 2 : i32
    %lt3A_229 = arith.cmpi slt, %arg1, %lt3A_228 : i32
    %convert_element_type3A_230 = arith.extui %lt3A_229 : i1 to i32
    %cond3A_231 = arith.constant 0 : i32
    %cond3A_232 = arith.cmpi ne, %convert_element_type3A_230, %cond3A_231 : i32
    scf.if %cond3A_232 {
      %mul3A_267 = arith.constant 391 : i32
      %mul3A_268 = arith.muli %arg1, %mul3A_267 : i32
      "tpu.region"() ({
        %run_scoped3A = tpu.sem_alloc : memref<!tpu.dma_semaphore, #tpu.memory_space<semaphore_mem>>
        %dma_start3A_269 = arith.constant 0 : i32
        %dma_start3A_270 = tpu.memref_slice %arg14[%mul3A_268, %dma_start3A_269] : memref<782x16xf32, #tpu.memory_space<vmem_shared>> -> memref<391x16xf32, #tpu.memory_space<vmem_shared>>
        %dma_start3A_271 = arith.constant 0 : i32
        %dma_start3A_272 = tpu.memref_slice %arg14[%mul3A_268, %dma_start3A_271] : memref<782x16xf32, #tpu.memory_space<vmem_shared>> -> memref<391x16xf32, #tpu.memory_space<vmem_shared>>
        tpu.enqueue_dma source(%arg13 : memref<391x16xf32, #tpu.memory_space<vmem>>) target(%dma_start3A_272 : memref<391x16xf32, #tpu.memory_space<vmem_shared>>) target_semaphore(%run_scoped3A : memref<!tpu.dma_semaphore, #tpu.memory_space<semaphore_mem>>)
        %dma_wait3A_273 = arith.constant 0 : i32
        %dma_wait3A_274 = tpu.memref_slice %arg14[%mul3A_268, %dma_wait3A_273] : memref<782x16xf32, #tpu.memory_space<vmem_shared>> -> memref<391x16xf32, #tpu.memory_space<vmem_shared>>
        %dma_wait3A_275 = arith.constant 0 : i32
        %dma_wait3A_276 = tpu.memref_slice %arg14[%mul3A_268, %dma_wait3A_275] : memref<782x16xf32, #tpu.memory_space<vmem_shared>> -> memref<391x16xf32, #tpu.memory_space<vmem_shared>>
        tpu.wait_dma2 semaphore(%run_scoped3A : memref<!tpu.dma_semaphore, #tpu.memory_space<semaphore_mem>>) src(%arg13 : memref<391x16xf32, #tpu.memory_space<vmem>>) dst(%dma_wait3A_276 : memref<391x16xf32, #tpu.memory_space<vmem_shared>>)
        tpu.yield
      }) : () -> ()
    } else {
    }
    %barrier3A_233 = arith.constant 0 : index
    tpu.barrier barrier_id(%barrier3A_233)
    "tpu.region"() ({
      %run_scoped3A = tpu.sem_alloc : memref<!tpu.dma_semaphore, #tpu.memory_space<semaphore_mem>>
      %dma_start3A_267 = arith.constant 3910 : i32
      %dma_start3A_268 = arith.constant 0 : i32
      %dma_start3A_269 = tpu.memref_slice %arg7[%dma_start3A_267, %dma_start3A_268] : memref<6256x16xf32, #tpu.memory_space<vmem>> -> memref<782x16xf32, #tpu.memory_space<vmem>>
      %dma_start3A_270 = arith.constant 0 : i32
      %dma_start3A_271 = arith.constant 0 : i32
      %dma_start3A_272 = tpu.memref_slice %arg14[%dma_start3A_270, %dma_start3A_271] : memref<782x16xf32, #tpu.memory_space<vmem_shared>> -> memref<782x16xf32, #tpu.memory_space<vmem_shared>>
      tpu.enqueue_indirect_dma source(%dma_start3A_269 : memref<782x16xf32, #tpu.memory_space<vmem>>) target(%dma_start3A_272 : memref<782x16xf32, #tpu.memory_space<vmem_shared>>) offsets(%arg12 : memref<782xi32, #tpu.memory_space<vmem>>) semaphore(%run_scoped3A : memref<!tpu.dma_semaphore, #tpu.memory_space<semaphore_mem>>) {add = true}
      %dma_wait3A_273 = arith.constant 3910 : i32
      %dma_wait3A_274 = arith.constant 0 : i32
      %dma_wait3A_275 = tpu.memref_slice %arg7[%dma_wait3A_273, %dma_wait3A_274] : memref<6256x16xf32, #tpu.memory_space<vmem>> -> memref<782x16xf32, #tpu.memory_space<vmem>>
      %dma_wait3A_276 = arith.constant 0 : i32
      %dma_wait3A_277 = arith.constant 0 : i32
      %dma_wait3A_278 = tpu.memref_slice %arg14[%dma_wait3A_276, %dma_wait3A_277] : memref<782x16xf32, #tpu.memory_space<vmem_shared>> -> memref<782x16xf32, #tpu.memory_space<vmem_shared>>
      tpu.wait_indirect_dma semaphore(%run_scoped3A : memref<!tpu.dma_semaphore, #tpu.memory_space<semaphore_mem>>) src(%dma_wait3A_275 : memref<782x16xf32, #tpu.memory_space<vmem>>) dst(%dma_wait3A_278 : memref<782x16xf32, #tpu.memory_space<vmem_shared>>)
      tpu.yield
    }) : () -> ()
    %barrier3A_234 = arith.constant 0 : index
    tpu.barrier barrier_id(%barrier3A_234)
    %lt3A_235 = arith.constant 2 : i32
    %lt3A_236 = arith.cmpi slt, %arg1, %lt3A_235 : i32
    %convert_element_type3A_237 = arith.extui %lt3A_236 : i1 to i32
    %cond3A_238 = arith.constant 0 : i32
    %cond3A_239 = arith.cmpi ne, %convert_element_type3A_237, %cond3A_238 : i32
    scf.if %cond3A_239 {
      %mul3A_267 = arith.constant 391 : i32
      %mul3A_268 = arith.muli %arg1, %mul3A_267 : i32
      %mul3A_269 = arith.constant 6256 : i32
      %mul3A_270 = arith.muli %arg0, %mul3A_269 : i32
      %add3A_271 = arith.constant 3910 : i32
      %add3A_272 = arith.addi %mul3A_270, %add3A_271 : i32
      %mul3A_273 = arith.constant 391 : i32
      %mul3A_274 = arith.muli %arg1, %mul3A_273 : i32
      %add3A_275 = arith.addi %add3A_272, %mul3A_274 : i32
      "tpu.region"() ({
        %run_scoped3A = tpu.sem_alloc : memref<!tpu.dma_semaphore, #tpu.memory_space<semaphore_mem>>
        %dma_start3A_276 = arith.constant 0 : i32
        %dma_start3A_277 = tpu.memref_slice %arg6[%add3A_275, %dma_start3A_276] : memref<12512x16xf32, #tpu.memory_space<hbm>> -> memref<391x16xf32, #tpu.memory_space<hbm>>
        %dma_start3A_278 = arith.constant 0 : i32
        %dma_start3A_279 = tpu.memref_slice %arg14[%mul3A_268, %dma_start3A_278] : memref<782x16xf32, #tpu.memory_space<vmem_shared>> -> memref<391x16xf32, #tpu.memory_space<vmem_shared>>
        tpu.enqueue_dma source(%dma_start3A_279 : memref<391x16xf32, #tpu.memory_space<vmem_shared>>) target(%dma_start3A_277 : memref<391x16xf32, #tpu.memory_space<hbm>>) target_semaphore(%run_scoped3A : memref<!tpu.dma_semaphore, #tpu.memory_space<semaphore_mem>>)
        %dma_wait3A_280 = arith.constant 0 : i32
        %dma_wait3A_281 = tpu.memref_slice %arg6[%add3A_275, %dma_wait3A_280] : memref<12512x16xf32, #tpu.memory_space<hbm>> -> memref<391x16xf32, #tpu.memory_space<hbm>>
        %dma_wait3A_282 = arith.constant 0 : i32
        %dma_wait3A_283 = tpu.memref_slice %arg14[%mul3A_268, %dma_wait3A_282] : memref<782x16xf32, #tpu.memory_space<vmem_shared>> -> memref<391x16xf32, #tpu.memory_space<vmem_shared>>
        tpu.wait_dma2 semaphore(%run_scoped3A : memref<!tpu.dma_semaphore, #tpu.memory_space<semaphore_mem>>) src(%dma_wait3A_283 : memref<391x16xf32, #tpu.memory_space<vmem_shared>>) dst(%dma_wait3A_281 : memref<391x16xf32, #tpu.memory_space<hbm>>)
        tpu.yield
      }) : () -> ()
    } else {
    }
    %barrier3A_240 = arith.constant 0 : index
    tpu.barrier barrier_id(%barrier3A_240)
    %lt3A_241 = arith.constant 2 : i32
    %lt3A_242 = arith.cmpi slt, %arg1, %lt3A_241 : i32
    %convert_element_type3A_243 = arith.extui %lt3A_242 : i1 to i32
    %cond3A_244 = arith.constant 0 : i32
    %cond3A_245 = arith.cmpi ne, %convert_element_type3A_243, %cond3A_244 : i32
    scf.if %cond3A_245 {
      %mul3A_267 = arith.constant 391 : i32
      %mul3A_268 = arith.muli %arg1, %mul3A_267 : i32
      "tpu.region"() ({
        %run_scoped3A = tpu.sem_alloc : memref<!tpu.dma_semaphore, #tpu.memory_space<semaphore_mem>>
        %dma_start3A_269 = arith.constant 0 : i32
        %dma_start3A_270 = tpu.memref_slice %arg14[%mul3A_268, %dma_start3A_269] : memref<782x16xf32, #tpu.memory_space<vmem_shared>> -> memref<391x16xf32, #tpu.memory_space<vmem_shared>>
        %dma_start3A_271 = arith.constant 0 : i32
        %dma_start3A_272 = tpu.memref_slice %arg14[%mul3A_268, %dma_start3A_271] : memref<782x16xf32, #tpu.memory_space<vmem_shared>> -> memref<391x16xf32, #tpu.memory_space<vmem_shared>>
        tpu.enqueue_dma source(%arg13 : memref<391x16xf32, #tpu.memory_space<vmem>>) target(%dma_start3A_272 : memref<391x16xf32, #tpu.memory_space<vmem_shared>>) target_semaphore(%run_scoped3A : memref<!tpu.dma_semaphore, #tpu.memory_space<semaphore_mem>>)
        %dma_wait3A_273 = arith.constant 0 : i32
        %dma_wait3A_274 = tpu.memref_slice %arg14[%mul3A_268, %dma_wait3A_273] : memref<782x16xf32, #tpu.memory_space<vmem_shared>> -> memref<391x16xf32, #tpu.memory_space<vmem_shared>>
        %dma_wait3A_275 = arith.constant 0 : i32
        %dma_wait3A_276 = tpu.memref_slice %arg14[%mul3A_268, %dma_wait3A_275] : memref<782x16xf32, #tpu.memory_space<vmem_shared>> -> memref<391x16xf32, #tpu.memory_space<vmem_shared>>
        tpu.wait_dma2 semaphore(%run_scoped3A : memref<!tpu.dma_semaphore, #tpu.memory_space<semaphore_mem>>) src(%arg13 : memref<391x16xf32, #tpu.memory_space<vmem>>) dst(%dma_wait3A_276 : memref<391x16xf32, #tpu.memory_space<vmem_shared>>)
        tpu.yield
      }) : () -> ()
    } else {
    }
    %barrier3A_246 = arith.constant 0 : index
    tpu.barrier barrier_id(%barrier3A_246)
    "tpu.region"() ({
      %run_scoped3A = tpu.sem_alloc : memref<!tpu.dma_semaphore, #tpu.memory_space<semaphore_mem>>
      %dma_start3A_267 = arith.constant 4692 : i32
      %dma_start3A_268 = arith.constant 0 : i32
      %dma_start3A_269 = tpu.memref_slice %arg7[%dma_start3A_267, %dma_start3A_268] : memref<6256x16xf32, #tpu.memory_space<vmem>> -> memref<782x16xf32, #tpu.memory_space<vmem>>
      %dma_start3A_270 = arith.constant 0 : i32
      %dma_start3A_271 = arith.constant 0 : i32
      %dma_start3A_272 = tpu.memref_slice %arg14[%dma_start3A_270, %dma_start3A_271] : memref<782x16xf32, #tpu.memory_space<vmem_shared>> -> memref<782x16xf32, #tpu.memory_space<vmem_shared>>
      tpu.enqueue_indirect_dma source(%dma_start3A_269 : memref<782x16xf32, #tpu.memory_space<vmem>>) target(%dma_start3A_272 : memref<782x16xf32, #tpu.memory_space<vmem_shared>>) offsets(%arg12 : memref<782xi32, #tpu.memory_space<vmem>>) semaphore(%run_scoped3A : memref<!tpu.dma_semaphore, #tpu.memory_space<semaphore_mem>>) {add = true}
      %dma_wait3A_273 = arith.constant 4692 : i32
      %dma_wait3A_274 = arith.constant 0 : i32
      %dma_wait3A_275 = tpu.memref_slice %arg7[%dma_wait3A_273, %dma_wait3A_274] : memref<6256x16xf32, #tpu.memory_space<vmem>> -> memref<782x16xf32, #tpu.memory_space<vmem>>
      %dma_wait3A_276 = arith.constant 0 : i32
      %dma_wait3A_277 = arith.constant 0 : i32
      %dma_wait3A_278 = tpu.memref_slice %arg14[%dma_wait3A_276, %dma_wait3A_277] : memref<782x16xf32, #tpu.memory_space<vmem_shared>> -> memref<782x16xf32, #tpu.memory_space<vmem_shared>>
      tpu.wait_indirect_dma semaphore(%run_scoped3A : memref<!tpu.dma_semaphore, #tpu.memory_space<semaphore_mem>>) src(%dma_wait3A_275 : memref<782x16xf32, #tpu.memory_space<vmem>>) dst(%dma_wait3A_278 : memref<782x16xf32, #tpu.memory_space<vmem_shared>>)
      tpu.yield
    }) : () -> ()
    %barrier3A_247 = arith.constant 0 : index
    tpu.barrier barrier_id(%barrier3A_247)
    %lt3A_248 = arith.constant 2 : i32
    %lt3A_249 = arith.cmpi slt, %arg1, %lt3A_248 : i32
    %convert_element_type3A_250 = arith.extui %lt3A_249 : i1 to i32
    %cond3A_251 = arith.constant 0 : i32
    %cond3A_252 = arith.cmpi ne, %convert_element_type3A_250, %cond3A_251 : i32
    scf.if %cond3A_252 {
      %mul3A_267 = arith.constant 391 : i32
      %mul3A_268 = arith.muli %arg1, %mul3A_267 : i32
      %mul3A_269 = arith.constant 6256 : i32
      %mul3A_270 = arith.muli %arg0, %mul3A_269 : i32
      %add3A_271 = arith.constant 4692 : i32
      %add3A_272 = arith.addi %mul3A_270, %add3A_271 : i32
      %mul3A_273 = arith.constant 391 : i32
      %mul3A_274 = arith.muli %arg1, %mul3A_273 : i32
      %add3A_275 = arith.addi %add3A_272, %mul3A_274 : i32
      "tpu.region"() ({
        %run_scoped3A = tpu.sem_alloc : memref<!tpu.dma_semaphore, #tpu.memory_space<semaphore_mem>>
        %dma_start3A_276 = arith.constant 0 : i32
        %dma_start3A_277 = tpu.memref_slice %arg6[%add3A_275, %dma_start3A_276] : memref<12512x16xf32, #tpu.memory_space<hbm>> -> memref<391x16xf32, #tpu.memory_space<hbm>>
        %dma_start3A_278 = arith.constant 0 : i32
        %dma_start3A_279 = tpu.memref_slice %arg14[%mul3A_268, %dma_start3A_278] : memref<782x16xf32, #tpu.memory_space<vmem_shared>> -> memref<391x16xf32, #tpu.memory_space<vmem_shared>>
        tpu.enqueue_dma source(%dma_start3A_279 : memref<391x16xf32, #tpu.memory_space<vmem_shared>>) target(%dma_start3A_277 : memref<391x16xf32, #tpu.memory_space<hbm>>) target_semaphore(%run_scoped3A : memref<!tpu.dma_semaphore, #tpu.memory_space<semaphore_mem>>)
        %dma_wait3A_280 = arith.constant 0 : i32
        %dma_wait3A_281 = tpu.memref_slice %arg6[%add3A_275, %dma_wait3A_280] : memref<12512x16xf32, #tpu.memory_space<hbm>> -> memref<391x16xf32, #tpu.memory_space<hbm>>
        %dma_wait3A_282 = arith.constant 0 : i32
        %dma_wait3A_283 = tpu.memref_slice %arg14[%mul3A_268, %dma_wait3A_282] : memref<782x16xf32, #tpu.memory_space<vmem_shared>> -> memref<391x16xf32, #tpu.memory_space<vmem_shared>>
        tpu.wait_dma2 semaphore(%run_scoped3A : memref<!tpu.dma_semaphore, #tpu.memory_space<semaphore_mem>>) src(%dma_wait3A_283 : memref<391x16xf32, #tpu.memory_space<vmem_shared>>) dst(%dma_wait3A_281 : memref<391x16xf32, #tpu.memory_space<hbm>>)
        tpu.yield
      }) : () -> ()
    } else {
    }
    %barrier3A_253 = arith.constant 0 : index
    tpu.barrier barrier_id(%barrier3A_253)
    %lt3A_254 = arith.constant 2 : i32
    %lt3A_255 = arith.cmpi slt, %arg1, %lt3A_254 : i32
    %convert_element_type3A_256 = arith.extui %lt3A_255 : i1 to i32
    %cond3A_257 = arith.constant 0 : i32
    %cond3A_258 = arith.cmpi ne, %convert_element_type3A_256, %cond3A_257 : i32
    scf.if %cond3A_258 {
      %mul3A_267 = arith.constant 391 : i32
      %mul3A_268 = arith.muli %arg1, %mul3A_267 : i32
      "tpu.region"() ({
        %run_scoped3A = tpu.sem_alloc : memref<!tpu.dma_semaphore, #tpu.memory_space<semaphore_mem>>
        %dma_start3A_269 = arith.constant 0 : i32
        %dma_start3A_270 = tpu.memref_slice %arg14[%mul3A_268, %dma_start3A_269] : memref<782x16xf32, #tpu.memory_space<vmem_shared>> -> memref<391x16xf32, #tpu.memory_space<vmem_shared>>
        %dma_start3A_271 = arith.constant 0 : i32
        %dma_start3A_272 = tpu.memref_slice %arg14[%mul3A_268, %dma_start3A_271] : memref<782x16xf32, #tpu.memory_space<vmem_shared>> -> memref<391x16xf32, #tpu.memory_space<vmem_shared>>
        tpu.enqueue_dma source(%arg13 : memref<391x16xf32, #tpu.memory_space<vmem>>) target(%dma_start3A_272 : memref<391x16xf32, #tpu.memory_space<vmem_shared>>) target_semaphore(%run_scoped3A : memref<!tpu.dma_semaphore, #tpu.memory_space<semaphore_mem>>)
        %dma_wait3A_273 = arith.constant 0 : i32
        %dma_wait3A_274 = tpu.memref_slice %arg14[%mul3A_268, %dma_wait3A_273] : memref<782x16xf32, #tpu.memory_space<vmem_shared>> -> memref<391x16xf32, #tpu.memory_space<vmem_shared>>
        %dma_wait3A_275 = arith.constant 0 : i32
        %dma_wait3A_276 = tpu.memref_slice %arg14[%mul3A_268, %dma_wait3A_275] : memref<782x16xf32, #tpu.memory_space<vmem_shared>> -> memref<391x16xf32, #tpu.memory_space<vmem_shared>>
        tpu.wait_dma2 semaphore(%run_scoped3A : memref<!tpu.dma_semaphore, #tpu.memory_space<semaphore_mem>>) src(%arg13 : memref<391x16xf32, #tpu.memory_space<vmem>>) dst(%dma_wait3A_276 : memref<391x16xf32, #tpu.memory_space<vmem_shared>>)
        tpu.yield
      }) : () -> ()
    } else {
    }
    %barrier3A_259 = arith.constant 0 : index
    tpu.barrier barrier_id(%barrier3A_259)
    "tpu.region"() ({
      %run_scoped3A = tpu.sem_alloc : memref<!tpu.dma_semaphore, #tpu.memory_space<semaphore_mem>>
      %dma_start3A_267 = arith.constant 5474 : i32
      %dma_start3A_268 = arith.constant 0 : i32
      %dma_start3A_269 = tpu.memref_slice %arg7[%dma_start3A_267, %dma_start3A_268] : memref<6256x16xf32, #tpu.memory_space<vmem>> -> memref<782x16xf32, #tpu.memory_space<vmem>>
      %dma_start3A_270 = arith.constant 0 : i32
      %dma_start3A_271 = arith.constant 0 : i32
      %dma_start3A_272 = tpu.memref_slice %arg14[%dma_start3A_270, %dma_start3A_271] : memref<782x16xf32, #tpu.memory_space<vmem_shared>> -> memref<782x16xf32, #tpu.memory_space<vmem_shared>>
      tpu.enqueue_indirect_dma source(%dma_start3A_269 : memref<782x16xf32, #tpu.memory_space<vmem>>) target(%dma_start3A_272 : memref<782x16xf32, #tpu.memory_space<vmem_shared>>) offsets(%arg12 : memref<782xi32, #tpu.memory_space<vmem>>) semaphore(%run_scoped3A : memref<!tpu.dma_semaphore, #tpu.memory_space<semaphore_mem>>) {add = true}
      %dma_wait3A_273 = arith.constant 5474 : i32
      %dma_wait3A_274 = arith.constant 0 : i32
      %dma_wait3A_275 = tpu.memref_slice %arg7[%dma_wait3A_273, %dma_wait3A_274] : memref<6256x16xf32, #tpu.memory_space<vmem>> -> memref<782x16xf32, #tpu.memory_space<vmem>>
      %dma_wait3A_276 = arith.constant 0 : i32
      %dma_wait3A_277 = arith.constant 0 : i32
      %dma_wait3A_278 = tpu.memref_slice %arg14[%dma_wait3A_276, %dma_wait3A_277] : memref<782x16xf32, #tpu.memory_space<vmem_shared>> -> memref<782x16xf32, #tpu.memory_space<vmem_shared>>
      tpu.wait_indirect_dma semaphore(%run_scoped3A : memref<!tpu.dma_semaphore, #tpu.memory_space<semaphore_mem>>) src(%dma_wait3A_275 : memref<782x16xf32, #tpu.memory_space<vmem>>) dst(%dma_wait3A_278 : memref<782x16xf32, #tpu.memory_space<vmem_shared>>)
      tpu.yield
    }) : () -> ()
    %barrier3A_260 = arith.constant 0 : index
    tpu.barrier barrier_id(%barrier3A_260)
    %lt3A_261 = arith.constant 2 : i32
    %lt3A_262 = arith.cmpi slt, %arg1, %lt3A_261 : i32
    %convert_element_type3A_263 = arith.extui %lt3A_262 : i1 to i32
    %cond3A_264 = arith.constant 0 : i32
    %cond3A_265 = arith.cmpi ne, %convert_element_type3A_263, %cond3A_264 : i32
    scf.if %cond3A_265 {
      %mul3A_267 = arith.constant 391 : i32
      %mul3A_268 = arith.muli %arg1, %mul3A_267 : i32
      %mul3A_269 = arith.constant 6256 : i32
      %mul3A_270 = arith.muli %arg0, %mul3A_269 : i32
      %add3A_271 = arith.constant 5474 : i32
      %add3A_272 = arith.addi %mul3A_270, %add3A_271 : i32
      %mul3A_273 = arith.constant 391 : i32
      %mul3A_274 = arith.muli %arg1, %mul3A_273 : i32
      %add3A_275 = arith.addi %add3A_272, %mul3A_274 : i32
      "tpu.region"() ({
        %run_scoped3A = tpu.sem_alloc : memref<!tpu.dma_semaphore, #tpu.memory_space<semaphore_mem>>
        %dma_start3A_276 = arith.constant 0 : i32
        %dma_start3A_277 = tpu.memref_slice %arg6[%add3A_275, %dma_start3A_276] : memref<12512x16xf32, #tpu.memory_space<hbm>> -> memref<391x16xf32, #tpu.memory_space<hbm>>
        %dma_start3A_278 = arith.constant 0 : i32
        %dma_start3A_279 = tpu.memref_slice %arg14[%mul3A_268, %dma_start3A_278] : memref<782x16xf32, #tpu.memory_space<vmem_shared>> -> memref<391x16xf32, #tpu.memory_space<vmem_shared>>
        tpu.enqueue_dma source(%dma_start3A_279 : memref<391x16xf32, #tpu.memory_space<vmem_shared>>) target(%dma_start3A_277 : memref<391x16xf32, #tpu.memory_space<hbm>>) target_semaphore(%run_scoped3A : memref<!tpu.dma_semaphore, #tpu.memory_space<semaphore_mem>>)
        %dma_wait3A_280 = arith.constant 0 : i32
        %dma_wait3A_281 = tpu.memref_slice %arg6[%add3A_275, %dma_wait3A_280] : memref<12512x16xf32, #tpu.memory_space<hbm>> -> memref<391x16xf32, #tpu.memory_space<hbm>>
        %dma_wait3A_282 = arith.constant 0 : i32
        %dma_wait3A_283 = tpu.memref_slice %arg14[%mul3A_268, %dma_wait3A_282] : memref<782x16xf32, #tpu.memory_space<vmem_shared>> -> memref<391x16xf32, #tpu.memory_space<vmem_shared>>
        tpu.wait_dma2 semaphore(%run_scoped3A : memref<!tpu.dma_semaphore, #tpu.memory_space<semaphore_mem>>) src(%dma_wait3A_283 : memref<391x16xf32, #tpu.memory_space<vmem_shared>>) dst(%dma_wait3A_281 : memref<391x16xf32, #tpu.memory_space<hbm>>)
        tpu.yield
      }) : () -> ()
    } else {
    }
    %barrier3A_266 = arith.constant 0 : index
    tpu.barrier barrier_id(%barrier3A_266)
    return
  }
}

#map = affine_map<(d0, d1) -> (0)>
#map1 = affine_map<(d0, d1) -> (0, 0)>
module attributes {stable_mosaic.version = 14 : i64} {
  func.func @_sc_prop_body(%arg0: i32, %arg1: i32, %arg2: memref<3200000xi32, #tpu.memory_space<hbm>>, %arg3: memref<3200000xi32, #tpu.memory_space<hbm>>, %arg4: memref<3200000xf32, #tpu.memory_space<hbm>>, %arg5: memref<100000x32xbf16, #tpu.memory_space<hbm>>, %arg6: memref<6256x32xbf16, #tpu.memory_space<hbm>>, %arg7: memref<200192x32xbf16, #tpu.memory_space<hbm>>, %arg8: memref<100096x32xbf16, #tpu.memory_space<vmem_shared>>, %arg9: memref<3x400xi32, #tpu.memory_space<vmem>>, %arg10: memref<3x400xi32, #tpu.memory_space<vmem>>, %arg11: memref<3x400xf32, #tpu.memory_space<vmem>>, %arg12: memref<2x400x32xbf16, #tpu.memory_space<vmem>>, %arg13: memref<16xf32, #tpu.memory_space<vmem>>, %arg14: memref<3x!tpu.dma_semaphore, #tpu.memory_space<semaphore_mem>>, %arg15: memref<2x!tpu.dma_semaphore, #tpu.memory_space<semaphore_mem>>) attributes {dimension_semantics = [#tpu.dimension_semantics<core_parallel>, #tpu.dimension_semantics<subcore_parallel>], iteration_bounds = array<i64: 2, 16>, scalar_prefetch = 0 : i64, scratch_operands = 8 : i64, tpu.core_type = #tpu.core_type<sc_vector_subcore>, window_params = [{transform_indices = #map}, {transform_indices = #map}, {transform_indices = #map}, {transform_indices = #map1}, {transform_indices = #map1}, {transform_indices = #map1}]} {
    %mul3A = arith.constant 6256 : i32
    %mul3A_0 = arith.muli %arg1, %mul3A : i32
    "tpu.region"() ({
      %run_scoped3A = tpu.sem_alloc : memref<!tpu.dma_semaphore, #tpu.memory_space<semaphore_mem>>
      %dma_start3A_150 = arith.constant 0 : i32
      %dma_start3A_151 = tpu.memref_slice %arg8[%mul3A_0, %dma_start3A_150] : memref<100096x32xbf16, #tpu.memory_space<vmem_shared>> -> memref<6256x32xbf16, #tpu.memory_space<vmem_shared>>
      tpu.enqueue_dma source(%arg6 : memref<6256x32xbf16, #tpu.memory_space<hbm>>) target(%dma_start3A_151 : memref<6256x32xbf16, #tpu.memory_space<vmem_shared>>) target_semaphore(%run_scoped3A : memref<!tpu.dma_semaphore, #tpu.memory_space<semaphore_mem>>)
      %dma_wait3A_152 = arith.constant 0 : i32
      %dma_wait3A_153 = tpu.memref_slice %arg8[%mul3A_0, %dma_wait3A_152] : memref<100096x32xbf16, #tpu.memory_space<vmem_shared>> -> memref<6256x32xbf16, #tpu.memory_space<vmem_shared>>
      tpu.wait_dma2 semaphore(%run_scoped3A : memref<!tpu.dma_semaphore, #tpu.memory_space<semaphore_mem>>) src(%arg6 : memref<6256x32xbf16, #tpu.memory_space<hbm>>) dst(%dma_wait3A_153 : memref<6256x32xbf16, #tpu.memory_space<vmem_shared>>)
      tpu.yield
    }) : () -> ()
    %barrier3A = arith.constant 0 : index
    tpu.barrier barrier_id(%barrier3A)
    %mul3A_1 = arith.constant 1600000 : i32
    %mul3A_2 = arith.muli %arg0, %mul3A_1 : i32
    %mul3A_3 = arith.constant 100000 : i32
    %mul3A_4 = arith.muli %arg1, %mul3A_3 : i32
    %add3A = arith.addi %mul3A_2, %mul3A_4 : i32
    %add3A_5 = arith.constant 0 : i32
    %add3A_6 = arith.addi %add3A, %add3A_5 : i32
    %dma_start3A = arith.constant 0 : i32
    %dma_start3A_7 = arith.constant 0 : i32
    %dma_start3A_8 = arith.constant 0 : i32
    %dma_start3A_9 = tpu.memref_slice %arg9[%dma_start3A, %dma_start3A_8] : memref<3x400xi32, #tpu.memory_space<vmem>> -> memref<1x400xi32, #tpu.memory_space<vmem>>
    %dma_start3A_10 = tpu.memref_squeeze %dma_start3A_9 : memref<1x400xi32, #tpu.memory_space<vmem>> -> memref<400xi32, #tpu.memory_space<vmem>>
    %dma_start3A_11 = tpu.memref_slice %arg2[%add3A_6] : memref<3200000xi32, #tpu.memory_space<hbm>> -> memref<400xi32, #tpu.memory_space<hbm>>
    %dma_start3A_12 = tpu.memref_slice %arg14[%dma_start3A_7] : memref<3x!tpu.dma_semaphore, #tpu.memory_space<semaphore_mem>> -> memref<1x!tpu.dma_semaphore, #tpu.memory_space<semaphore_mem>>
    %dma_start3A_13 = tpu.memref_squeeze %dma_start3A_12 : memref<1x!tpu.dma_semaphore, #tpu.memory_space<semaphore_mem>> -> memref<!tpu.dma_semaphore, #tpu.memory_space<semaphore_mem>>
    %dma_start3A_14 = arith.constant 0 : i32
    %dma_start3A_15 = tpu.memref_slice %arg9[%dma_start3A, %dma_start3A_14] : memref<3x400xi32, #tpu.memory_space<vmem>> -> memref<1x400xi32, #tpu.memory_space<vmem>>
    %dma_start3A_16 = tpu.memref_squeeze %dma_start3A_15 : memref<1x400xi32, #tpu.memory_space<vmem>> -> memref<400xi32, #tpu.memory_space<vmem>>
    %dma_start3A_17 = tpu.memref_slice %arg2[%add3A_6] : memref<3200000xi32, #tpu.memory_space<hbm>> -> memref<400xi32, #tpu.memory_space<hbm>>
    tpu.enqueue_dma source(%dma_start3A_17 : memref<400xi32, #tpu.memory_space<hbm>>) target(%dma_start3A_16 : memref<400xi32, #tpu.memory_space<vmem>>) target_semaphore(%dma_start3A_13 : memref<!tpu.dma_semaphore, #tpu.memory_space<semaphore_mem>>)
    %dma_start3A_18 = arith.constant 0 : i32
    %dma_start3A_19 = arith.constant 0 : i32
    %dma_start3A_20 = arith.constant 0 : i32
    %dma_start3A_21 = tpu.memref_slice %arg10[%dma_start3A_18, %dma_start3A_20] : memref<3x400xi32, #tpu.memory_space<vmem>> -> memref<1x400xi32, #tpu.memory_space<vmem>>
    %dma_start3A_22 = tpu.memref_squeeze %dma_start3A_21 : memref<1x400xi32, #tpu.memory_space<vmem>> -> memref<400xi32, #tpu.memory_space<vmem>>
    %dma_start3A_23 = tpu.memref_slice %arg3[%add3A_6] : memref<3200000xi32, #tpu.memory_space<hbm>> -> memref<400xi32, #tpu.memory_space<hbm>>
    %dma_start3A_24 = tpu.memref_slice %arg14[%dma_start3A_19] : memref<3x!tpu.dma_semaphore, #tpu.memory_space<semaphore_mem>> -> memref<1x!tpu.dma_semaphore, #tpu.memory_space<semaphore_mem>>
    %dma_start3A_25 = tpu.memref_squeeze %dma_start3A_24 : memref<1x!tpu.dma_semaphore, #tpu.memory_space<semaphore_mem>> -> memref<!tpu.dma_semaphore, #tpu.memory_space<semaphore_mem>>
    %dma_start3A_26 = arith.constant 0 : i32
    %dma_start3A_27 = tpu.memref_slice %arg10[%dma_start3A_18, %dma_start3A_26] : memref<3x400xi32, #tpu.memory_space<vmem>> -> memref<1x400xi32, #tpu.memory_space<vmem>>
    %dma_start3A_28 = tpu.memref_squeeze %dma_start3A_27 : memref<1x400xi32, #tpu.memory_space<vmem>> -> memref<400xi32, #tpu.memory_space<vmem>>
    %dma_start3A_29 = tpu.memref_slice %arg3[%add3A_6] : memref<3200000xi32, #tpu.memory_space<hbm>> -> memref<400xi32, #tpu.memory_space<hbm>>
    tpu.enqueue_dma source(%dma_start3A_29 : memref<400xi32, #tpu.memory_space<hbm>>) target(%dma_start3A_28 : memref<400xi32, #tpu.memory_space<vmem>>) target_semaphore(%dma_start3A_25 : memref<!tpu.dma_semaphore, #tpu.memory_space<semaphore_mem>>)
    %dma_start3A_30 = arith.constant 0 : i32
    %dma_start3A_31 = arith.constant 0 : i32
    %dma_start3A_32 = arith.constant 0 : i32
    %dma_start3A_33 = tpu.memref_slice %arg11[%dma_start3A_30, %dma_start3A_32] : memref<3x400xf32, #tpu.memory_space<vmem>> -> memref<1x400xf32, #tpu.memory_space<vmem>>
    %dma_start3A_34 = tpu.memref_squeeze %dma_start3A_33 : memref<1x400xf32, #tpu.memory_space<vmem>> -> memref<400xf32, #tpu.memory_space<vmem>>
    %dma_start3A_35 = tpu.memref_slice %arg4[%add3A_6] : memref<3200000xf32, #tpu.memory_space<hbm>> -> memref<400xf32, #tpu.memory_space<hbm>>
    %dma_start3A_36 = tpu.memref_slice %arg14[%dma_start3A_31] : memref<3x!tpu.dma_semaphore, #tpu.memory_space<semaphore_mem>> -> memref<1x!tpu.dma_semaphore, #tpu.memory_space<semaphore_mem>>
    %dma_start3A_37 = tpu.memref_squeeze %dma_start3A_36 : memref<1x!tpu.dma_semaphore, #tpu.memory_space<semaphore_mem>> -> memref<!tpu.dma_semaphore, #tpu.memory_space<semaphore_mem>>
    %dma_start3A_38 = arith.constant 0 : i32
    %dma_start3A_39 = tpu.memref_slice %arg11[%dma_start3A_30, %dma_start3A_38] : memref<3x400xf32, #tpu.memory_space<vmem>> -> memref<1x400xf32, #tpu.memory_space<vmem>>
    %dma_start3A_40 = tpu.memref_squeeze %dma_start3A_39 : memref<1x400xf32, #tpu.memory_space<vmem>> -> memref<400xf32, #tpu.memory_space<vmem>>
    %dma_start3A_41 = tpu.memref_slice %arg4[%add3A_6] : memref<3200000xf32, #tpu.memory_space<hbm>> -> memref<400xf32, #tpu.memory_space<hbm>>
    tpu.enqueue_dma source(%dma_start3A_41 : memref<400xf32, #tpu.memory_space<hbm>>) target(%dma_start3A_40 : memref<400xf32, #tpu.memory_space<vmem>>) target_semaphore(%dma_start3A_37 : memref<!tpu.dma_semaphore, #tpu.memory_space<semaphore_mem>>)
    %add3A_42 = arith.constant 400 : i32
    %add3A_43 = arith.addi %add3A, %add3A_42 : i32
    %dma_start3A_44 = arith.constant 1 : i32
    %dma_start3A_45 = arith.constant 1 : i32
    %dma_start3A_46 = arith.constant 0 : i32
    %dma_start3A_47 = tpu.memref_slice %arg9[%dma_start3A_44, %dma_start3A_46] : memref<3x400xi32, #tpu.memory_space<vmem>> -> memref<1x400xi32, #tpu.memory_space<vmem>>
    %dma_start3A_48 = tpu.memref_squeeze %dma_start3A_47 : memref<1x400xi32, #tpu.memory_space<vmem>> -> memref<400xi32, #tpu.memory_space<vmem>>
    %dma_start3A_49 = tpu.memref_slice %arg2[%add3A_43] : memref<3200000xi32, #tpu.memory_space<hbm>> -> memref<400xi32, #tpu.memory_space<hbm>>
    %dma_start3A_50 = tpu.memref_slice %arg14[%dma_start3A_45] : memref<3x!tpu.dma_semaphore, #tpu.memory_space<semaphore_mem>> -> memref<1x!tpu.dma_semaphore, #tpu.memory_space<semaphore_mem>>
    %dma_start3A_51 = tpu.memref_squeeze %dma_start3A_50 : memref<1x!tpu.dma_semaphore, #tpu.memory_space<semaphore_mem>> -> memref<!tpu.dma_semaphore, #tpu.memory_space<semaphore_mem>>
    %dma_start3A_52 = arith.constant 0 : i32
    %dma_start3A_53 = tpu.memref_slice %arg9[%dma_start3A_44, %dma_start3A_52] : memref<3x400xi32, #tpu.memory_space<vmem>> -> memref<1x400xi32, #tpu.memory_space<vmem>>
    %dma_start3A_54 = tpu.memref_squeeze %dma_start3A_53 : memref<1x400xi32, #tpu.memory_space<vmem>> -> memref<400xi32, #tpu.memory_space<vmem>>
    %dma_start3A_55 = tpu.memref_slice %arg2[%add3A_43] : memref<3200000xi32, #tpu.memory_space<hbm>> -> memref<400xi32, #tpu.memory_space<hbm>>
    tpu.enqueue_dma source(%dma_start3A_55 : memref<400xi32, #tpu.memory_space<hbm>>) target(%dma_start3A_54 : memref<400xi32, #tpu.memory_space<vmem>>) target_semaphore(%dma_start3A_51 : memref<!tpu.dma_semaphore, #tpu.memory_space<semaphore_mem>>)
    %dma_start3A_56 = arith.constant 1 : i32
    %dma_start3A_57 = arith.constant 1 : i32
    %dma_start3A_58 = arith.constant 0 : i32
    %dma_start3A_59 = tpu.memref_slice %arg10[%dma_start3A_56, %dma_start3A_58] : memref<3x400xi32, #tpu.memory_space<vmem>> -> memref<1x400xi32, #tpu.memory_space<vmem>>
    %dma_start3A_60 = tpu.memref_squeeze %dma_start3A_59 : memref<1x400xi32, #tpu.memory_space<vmem>> -> memref<400xi32, #tpu.memory_space<vmem>>
    %dma_start3A_61 = tpu.memref_slice %arg3[%add3A_43] : memref<3200000xi32, #tpu.memory_space<hbm>> -> memref<400xi32, #tpu.memory_space<hbm>>
    %dma_start3A_62 = tpu.memref_slice %arg14[%dma_start3A_57] : memref<3x!tpu.dma_semaphore, #tpu.memory_space<semaphore_mem>> -> memref<1x!tpu.dma_semaphore, #tpu.memory_space<semaphore_mem>>
    %dma_start3A_63 = tpu.memref_squeeze %dma_start3A_62 : memref<1x!tpu.dma_semaphore, #tpu.memory_space<semaphore_mem>> -> memref<!tpu.dma_semaphore, #tpu.memory_space<semaphore_mem>>
    %dma_start3A_64 = arith.constant 0 : i32
    %dma_start3A_65 = tpu.memref_slice %arg10[%dma_start3A_56, %dma_start3A_64] : memref<3x400xi32, #tpu.memory_space<vmem>> -> memref<1x400xi32, #tpu.memory_space<vmem>>
    %dma_start3A_66 = tpu.memref_squeeze %dma_start3A_65 : memref<1x400xi32, #tpu.memory_space<vmem>> -> memref<400xi32, #tpu.memory_space<vmem>>
    %dma_start3A_67 = tpu.memref_slice %arg3[%add3A_43] : memref<3200000xi32, #tpu.memory_space<hbm>> -> memref<400xi32, #tpu.memory_space<hbm>>
    tpu.enqueue_dma source(%dma_start3A_67 : memref<400xi32, #tpu.memory_space<hbm>>) target(%dma_start3A_66 : memref<400xi32, #tpu.memory_space<vmem>>) target_semaphore(%dma_start3A_63 : memref<!tpu.dma_semaphore, #tpu.memory_space<semaphore_mem>>)
    %dma_start3A_68 = arith.constant 1 : i32
    %dma_start3A_69 = arith.constant 1 : i32
    %dma_start3A_70 = arith.constant 0 : i32
    %dma_start3A_71 = tpu.memref_slice %arg11[%dma_start3A_68, %dma_start3A_70] : memref<3x400xf32, #tpu.memory_space<vmem>> -> memref<1x400xf32, #tpu.memory_space<vmem>>
    %dma_start3A_72 = tpu.memref_squeeze %dma_start3A_71 : memref<1x400xf32, #tpu.memory_space<vmem>> -> memref<400xf32, #tpu.memory_space<vmem>>
    %dma_start3A_73 = tpu.memref_slice %arg4[%add3A_43] : memref<3200000xf32, #tpu.memory_space<hbm>> -> memref<400xf32, #tpu.memory_space<hbm>>
    %dma_start3A_74 = tpu.memref_slice %arg14[%dma_start3A_69] : memref<3x!tpu.dma_semaphore, #tpu.memory_space<semaphore_mem>> -> memref<1x!tpu.dma_semaphore, #tpu.memory_space<semaphore_mem>>
    %dma_start3A_75 = tpu.memref_squeeze %dma_start3A_74 : memref<1x!tpu.dma_semaphore, #tpu.memory_space<semaphore_mem>> -> memref<!tpu.dma_semaphore, #tpu.memory_space<semaphore_mem>>
    %dma_start3A_76 = arith.constant 0 : i32
    %dma_start3A_77 = tpu.memref_slice %arg11[%dma_start3A_68, %dma_start3A_76] : memref<3x400xf32, #tpu.memory_space<vmem>> -> memref<1x400xf32, #tpu.memory_space<vmem>>
    %dma_start3A_78 = tpu.memref_squeeze %dma_start3A_77 : memref<1x400xf32, #tpu.memory_space<vmem>> -> memref<400xf32, #tpu.memory_space<vmem>>
    %dma_start3A_79 = tpu.memref_slice %arg4[%add3A_43] : memref<3200000xf32, #tpu.memory_space<hbm>> -> memref<400xf32, #tpu.memory_space<hbm>>
    tpu.enqueue_dma source(%dma_start3A_79 : memref<400xf32, #tpu.memory_space<hbm>>) target(%dma_start3A_78 : memref<400xf32, #tpu.memory_space<vmem>>) target_semaphore(%dma_start3A_75 : memref<!tpu.dma_semaphore, #tpu.memory_space<semaphore_mem>>)
    %dma_wait3A = arith.constant 0 : i32
    %dma_wait3A_80 = arith.constant 0 : i32
    %dma_wait3A_81 = arith.constant 0 : i32
    %dma_wait3A_82 = tpu.memref_slice %arg9[%dma_wait3A, %dma_wait3A_81] : memref<3x400xi32, #tpu.memory_space<vmem>> -> memref<1x400xi32, #tpu.memory_space<vmem>>
    %dma_wait3A_83 = tpu.memref_squeeze %dma_wait3A_82 : memref<1x400xi32, #tpu.memory_space<vmem>> -> memref<400xi32, #tpu.memory_space<vmem>>
    %dma_wait3A_84 = arith.constant 0 : i32
    %dma_wait3A_85 = tpu.memref_slice %arg2[%dma_wait3A_84] : memref<3200000xi32, #tpu.memory_space<hbm>> -> memref<400xi32, #tpu.memory_space<hbm>>
    %dma_wait3A_86 = tpu.memref_slice %arg14[%dma_wait3A_80] : memref<3x!tpu.dma_semaphore, #tpu.memory_space<semaphore_mem>> -> memref<1x!tpu.dma_semaphore, #tpu.memory_space<semaphore_mem>>
    %dma_wait3A_87 = tpu.memref_squeeze %dma_wait3A_86 : memref<1x!tpu.dma_semaphore, #tpu.memory_space<semaphore_mem>> -> memref<!tpu.dma_semaphore, #tpu.memory_space<semaphore_mem>>
    %dma_wait3A_88 = arith.constant 0 : i32
    %dma_wait3A_89 = tpu.memref_slice %arg9[%dma_wait3A, %dma_wait3A_88] : memref<3x400xi32, #tpu.memory_space<vmem>> -> memref<1x400xi32, #tpu.memory_space<vmem>>
    %dma_wait3A_90 = tpu.memref_squeeze %dma_wait3A_89 : memref<1x400xi32, #tpu.memory_space<vmem>> -> memref<400xi32, #tpu.memory_space<vmem>>
    %dma_wait3A_91 = arith.constant 0 : i32
    %dma_wait3A_92 = tpu.memref_slice %arg2[%dma_wait3A_91] : memref<3200000xi32, #tpu.memory_space<hbm>> -> memref<400xi32, #tpu.memory_space<hbm>>
    tpu.wait_dma2 semaphore(%dma_wait3A_87 : memref<!tpu.dma_semaphore, #tpu.memory_space<semaphore_mem>>) src(%dma_wait3A_92 : memref<400xi32, #tpu.memory_space<hbm>>) dst(%dma_wait3A_90 : memref<400xi32, #tpu.memory_space<vmem>>)
    %dma_wait3A_93 = arith.constant 0 : i32
    %dma_wait3A_94 = arith.constant 0 : i32
    %dma_wait3A_95 = arith.constant 0 : i32
    %dma_wait3A_96 = tpu.memref_slice %arg10[%dma_wait3A_93, %dma_wait3A_95] : memref<3x400xi32, #tpu.memory_space<vmem>> -> memref<1x400xi32, #tpu.memory_space<vmem>>
    %dma_wait3A_97 = tpu.memref_squeeze %dma_wait3A_96 : memref<1x400xi32, #tpu.memory_space<vmem>> -> memref<400xi32, #tpu.memory_space<vmem>>
    %dma_wait3A_98 = arith.constant 0 : i32
    %dma_wait3A_99 = tpu.memref_slice %arg3[%dma_wait3A_98] : memref<3200000xi32, #tpu.memory_space<hbm>> -> memref<400xi32, #tpu.memory_space<hbm>>
    %dma_wait3A_100 = tpu.memref_slice %arg14[%dma_wait3A_94] : memref<3x!tpu.dma_semaphore, #tpu.memory_space<semaphore_mem>> -> memref<1x!tpu.dma_semaphore, #tpu.memory_space<semaphore_mem>>
    %dma_wait3A_101 = tpu.memref_squeeze %dma_wait3A_100 : memref<1x!tpu.dma_semaphore, #tpu.memory_space<semaphore_mem>> -> memref<!tpu.dma_semaphore, #tpu.memory_space<semaphore_mem>>
    %dma_wait3A_102 = arith.constant 0 : i32
    %dma_wait3A_103 = tpu.memref_slice %arg10[%dma_wait3A_93, %dma_wait3A_102] : memref<3x400xi32, #tpu.memory_space<vmem>> -> memref<1x400xi32, #tpu.memory_space<vmem>>
    %dma_wait3A_104 = tpu.memref_squeeze %dma_wait3A_103 : memref<1x400xi32, #tpu.memory_space<vmem>> -> memref<400xi32, #tpu.memory_space<vmem>>
    %dma_wait3A_105 = arith.constant 0 : i32
    %dma_wait3A_106 = tpu.memref_slice %arg3[%dma_wait3A_105] : memref<3200000xi32, #tpu.memory_space<hbm>> -> memref<400xi32, #tpu.memory_space<hbm>>
    tpu.wait_dma2 semaphore(%dma_wait3A_101 : memref<!tpu.dma_semaphore, #tpu.memory_space<semaphore_mem>>) src(%dma_wait3A_106 : memref<400xi32, #tpu.memory_space<hbm>>) dst(%dma_wait3A_104 : memref<400xi32, #tpu.memory_space<vmem>>)
    %dma_wait3A_107 = arith.constant 0 : i32
    %dma_wait3A_108 = arith.constant 0 : i32
    %dma_wait3A_109 = arith.constant 0 : i32
    %dma_wait3A_110 = tpu.memref_slice %arg11[%dma_wait3A_107, %dma_wait3A_109] : memref<3x400xf32, #tpu.memory_space<vmem>> -> memref<1x400xf32, #tpu.memory_space<vmem>>
    %dma_wait3A_111 = tpu.memref_squeeze %dma_wait3A_110 : memref<1x400xf32, #tpu.memory_space<vmem>> -> memref<400xf32, #tpu.memory_space<vmem>>
    %dma_wait3A_112 = arith.constant 0 : i32
    %dma_wait3A_113 = tpu.memref_slice %arg4[%dma_wait3A_112] : memref<3200000xf32, #tpu.memory_space<hbm>> -> memref<400xf32, #tpu.memory_space<hbm>>
    %dma_wait3A_114 = tpu.memref_slice %arg14[%dma_wait3A_108] : memref<3x!tpu.dma_semaphore, #tpu.memory_space<semaphore_mem>> -> memref<1x!tpu.dma_semaphore, #tpu.memory_space<semaphore_mem>>
    %dma_wait3A_115 = tpu.memref_squeeze %dma_wait3A_114 : memref<1x!tpu.dma_semaphore, #tpu.memory_space<semaphore_mem>> -> memref<!tpu.dma_semaphore, #tpu.memory_space<semaphore_mem>>
    %dma_wait3A_116 = arith.constant 0 : i32
    %dma_wait3A_117 = tpu.memref_slice %arg11[%dma_wait3A_107, %dma_wait3A_116] : memref<3x400xf32, #tpu.memory_space<vmem>> -> memref<1x400xf32, #tpu.memory_space<vmem>>
    %dma_wait3A_118 = tpu.memref_squeeze %dma_wait3A_117 : memref<1x400xf32, #tpu.memory_space<vmem>> -> memref<400xf32, #tpu.memory_space<vmem>>
    %dma_wait3A_119 = arith.constant 0 : i32
    %dma_wait3A_120 = tpu.memref_slice %arg4[%dma_wait3A_119] : memref<3200000xf32, #tpu.memory_space<hbm>> -> memref<400xf32, #tpu.memory_space<hbm>>
    tpu.wait_dma2 semaphore(%dma_wait3A_115 : memref<!tpu.dma_semaphore, #tpu.memory_space<semaphore_mem>>) src(%dma_wait3A_120 : memref<400xf32, #tpu.memory_space<hbm>>) dst(%dma_wait3A_118 : memref<400xf32, #tpu.memory_space<vmem>>)
    %dma_start3A_121 = arith.constant 0 : i32
    %dma_start3A_122 = arith.constant 0 : i32
    %dma_start3A_123 = arith.constant 0 : i32
    %dma_start3A_124 = arith.constant 0 : i32
    %dma_start3A_125 = arith.constant 0 : i32
    %dma_start3A_126 = tpu.memref_slice %arg12[%dma_start3A_122, %dma_start3A_124, %dma_start3A_125] : memref<2x400x32xbf16, #tpu.memory_space<vmem>> -> memref<1x400x32xbf16, #tpu.memory_space<vmem>>
    %dma_start3A_127 = tpu.memref_squeeze %dma_start3A_126 : memref<1x400x32xbf16, #tpu.memory_space<vmem>> -> memref<400x32xbf16, #tpu.memory_space<vmem>>
    %dma_start3A_128 = arith.constant 0 : i32
    %dma_start3A_129 = tpu.memref_slice %arg9[%dma_start3A_121, %dma_start3A_128] : memref<3x400xi32, #tpu.memory_space<vmem>> -> memref<1x400xi32, #tpu.memory_space<vmem>>
    %dma_start3A_130 = tpu.memref_squeeze %dma_start3A_129 : memref<1x400xi32, #tpu.memory_space<vmem>> -> memref<400xi32, #tpu.memory_space<vmem>>
    %dma_start3A_131 = arith.constant 0 : i32
    %dma_start3A_132 = arith.constant 0 : i32
    %dma_start3A_133 = tpu.memref_slice %arg5[%dma_start3A_131, %dma_start3A_132] : memref<100000x32xbf16, #tpu.memory_space<hbm>> -> memref<100000x32xbf16, #tpu.memory_space<hbm>>
    %dma_start3A_134 = tpu.memref_slice %arg15[%dma_start3A_123] : memref<2x!tpu.dma_semaphore, #tpu.memory_space<semaphore_mem>> -> memref<1x!tpu.dma_semaphore, #tpu.memory_space<semaphore_mem>>
    %dma_start3A_135 = tpu.memref_squeeze %dma_start3A_134 : memref<1x!tpu.dma_semaphore, #tpu.memory_space<semaphore_mem>> -> memref<!tpu.dma_semaphore, #tpu.memory_space<semaphore_mem>>
    tpu.enqueue_indirect_dma source(%dma_start3A_133 : memref<100000x32xbf16, #tpu.memory_space<hbm>>) target(%dma_start3A_127 : memref<400x32xbf16, #tpu.memory_space<vmem>>) offsets(%dma_start3A_130 : memref<400xi32, #tpu.memory_space<vmem>>) semaphore(%dma_start3A_135 : memref<!tpu.dma_semaphore, #tpu.memory_space<semaphore_mem>>)
    %scan3A = arith.constant 0 : i32
    %scan3A_136 = arith.constant 0 : i32
    %scan3A_137 = arith.constant 250 : i32
    %scan3A_138 = arith.addi %scan3A_136, %scan3A_137 : i32
    %scan3A_139 = arith.constant 1 : i32
    %scan3A_140 = scf.for %scan3A_150 = %scan3A_136 to %scan3A_138 step %scan3A_139 iter_args(%scan3A_151 = %scan3A) -> (i32)  : i32 {
      %rem3A = arith.constant 2 : i32
      %rem3A_152 = arith.remsi %scan3A_150, %rem3A : i32
      %rem3A_153 = arith.constant 3 : i32
      %rem3A_154 = arith.remsi %scan3A_150, %rem3A_153 : i32
      %add3A_155 = arith.constant 1 : i32
      %add3A_156 = arith.addi %scan3A_150, %add3A_155 : i32
      %rem3A_157 = arith.constant 2 : i32
      %rem3A_158 = arith.remsi %add3A_156, %rem3A_157 : i32
      %add3A_159 = arith.constant 1 : i32
      %add3A_160 = arith.addi %scan3A_150, %add3A_159 : i32
      %rem3A_161 = arith.constant 3 : i32
      %rem3A_162 = arith.remsi %add3A_160, %rem3A_161 : i32
      %add3A_163 = arith.constant 1 : i32
      %add3A_164 = arith.addi %scan3A_150, %add3A_163 : i32
      %lt3A = arith.constant 250 : i32
      %lt3A_165 = arith.cmpi slt, %add3A_164, %lt3A : i32
      %convert_element_type3A = arith.extui %lt3A_165 : i1 to i32
      %cond3A = arith.constant 0 : i32
      %cond3A_166 = arith.cmpi ne, %convert_element_type3A, %cond3A : i32
      scf.if %cond3A_166 {
        %dma_wait3A_198 = arith.constant 0 : i32
        %dma_wait3A_199 = tpu.memref_slice %arg9[%rem3A_162, %dma_wait3A_198] : memref<3x400xi32, #tpu.memory_space<vmem>> -> memref<1x400xi32, #tpu.memory_space<vmem>>
        %dma_wait3A_200 = tpu.memref_squeeze %dma_wait3A_199 : memref<1x400xi32, #tpu.memory_space<vmem>> -> memref<400xi32, #tpu.memory_space<vmem>>
        %dma_wait3A_201 = arith.constant 0 : i32
        %dma_wait3A_202 = tpu.memref_slice %arg2[%dma_wait3A_201] : memref<3200000xi32, #tpu.memory_space<hbm>> -> memref<400xi32, #tpu.memory_space<hbm>>
        %dma_wait3A_203 = tpu.memref_slice %arg14[%rem3A_162] : memref<3x!tpu.dma_semaphore, #tpu.memory_space<semaphore_mem>> -> memref<1x!tpu.dma_semaphore, #tpu.memory_space<semaphore_mem>>
        %dma_wait3A_204 = tpu.memref_squeeze %dma_wait3A_203 : memref<1x!tpu.dma_semaphore, #tpu.memory_space<semaphore_mem>> -> memref<!tpu.dma_semaphore, #tpu.memory_space<semaphore_mem>>
        %dma_wait3A_205 = arith.constant 0 : i32
        %dma_wait3A_206 = tpu.memref_slice %arg9[%rem3A_162, %dma_wait3A_205] : memref<3x400xi32, #tpu.memory_space<vmem>> -> memref<1x400xi32, #tpu.memory_space<vmem>>
        %dma_wait3A_207 = tpu.memref_squeeze %dma_wait3A_206 : memref<1x400xi32, #tpu.memory_space<vmem>> -> memref<400xi32, #tpu.memory_space<vmem>>
        %dma_wait3A_208 = arith.constant 0 : i32
        %dma_wait3A_209 = tpu.memref_slice %arg2[%dma_wait3A_208] : memref<3200000xi32, #tpu.memory_space<hbm>> -> memref<400xi32, #tpu.memory_space<hbm>>
        tpu.wait_dma2 semaphore(%dma_wait3A_204 : memref<!tpu.dma_semaphore, #tpu.memory_space<semaphore_mem>>) src(%dma_wait3A_209 : memref<400xi32, #tpu.memory_space<hbm>>) dst(%dma_wait3A_207 : memref<400xi32, #tpu.memory_space<vmem>>)
        %dma_wait3A_210 = arith.constant 0 : i32
        %dma_wait3A_211 = tpu.memref_slice %arg10[%rem3A_162, %dma_wait3A_210] : memref<3x400xi32, #tpu.memory_space<vmem>> -> memref<1x400xi32, #tpu.memory_space<vmem>>
        %dma_wait3A_212 = tpu.memref_squeeze %dma_wait3A_211 : memref<1x400xi32, #tpu.memory_space<vmem>> -> memref<400xi32, #tpu.memory_space<vmem>>
        %dma_wait3A_213 = arith.constant 0 : i32
        %dma_wait3A_214 = tpu.memref_slice %arg3[%dma_wait3A_213] : memref<3200000xi32, #tpu.memory_space<hbm>> -> memref<400xi32, #tpu.memory_space<hbm>>
        %dma_wait3A_215 = tpu.memref_slice %arg14[%rem3A_162] : memref<3x!tpu.dma_semaphore, #tpu.memory_space<semaphore_mem>> -> memref<1x!tpu.dma_semaphore, #tpu.memory_space<semaphore_mem>>
        %dma_wait3A_216 = tpu.memref_squeeze %dma_wait3A_215 : memref<1x!tpu.dma_semaphore, #tpu.memory_space<semaphore_mem>> -> memref<!tpu.dma_semaphore, #tpu.memory_space<semaphore_mem>>
        %dma_wait3A_217 = arith.constant 0 : i32
        %dma_wait3A_218 = tpu.memref_slice %arg10[%rem3A_162, %dma_wait3A_217] : memref<3x400xi32, #tpu.memory_space<vmem>> -> memref<1x400xi32, #tpu.memory_space<vmem>>
        %dma_wait3A_219 = tpu.memref_squeeze %dma_wait3A_218 : memref<1x400xi32, #tpu.memory_space<vmem>> -> memref<400xi32, #tpu.memory_space<vmem>>
        %dma_wait3A_220 = arith.constant 0 : i32
        %dma_wait3A_221 = tpu.memref_slice %arg3[%dma_wait3A_220] : memref<3200000xi32, #tpu.memory_space<hbm>> -> memref<400xi32, #tpu.memory_space<hbm>>
        tpu.wait_dma2 semaphore(%dma_wait3A_216 : memref<!tpu.dma_semaphore, #tpu.memory_space<semaphore_mem>>) src(%dma_wait3A_221 : memref<400xi32, #tpu.memory_space<hbm>>) dst(%dma_wait3A_219 : memref<400xi32, #tpu.memory_space<vmem>>)
        %dma_wait3A_222 = arith.constant 0 : i32
        %dma_wait3A_223 = tpu.memref_slice %arg11[%rem3A_162, %dma_wait3A_222] : memref<3x400xf32, #tpu.memory_space<vmem>> -> memref<1x400xf32, #tpu.memory_space<vmem>>
        %dma_wait3A_224 = tpu.memref_squeeze %dma_wait3A_223 : memref<1x400xf32, #tpu.memory_space<vmem>> -> memref<400xf32, #tpu.memory_space<vmem>>
        %dma_wait3A_225 = arith.constant 0 : i32
        %dma_wait3A_226 = tpu.memref_slice %arg4[%dma_wait3A_225] : memref<3200000xf32, #tpu.memory_space<hbm>> -> memref<400xf32, #tpu.memory_space<hbm>>
        %dma_wait3A_227 = tpu.memref_slice %arg14[%rem3A_162] : memref<3x!tpu.dma_semaphore, #tpu.memory_space<semaphore_mem>> -> memref<1x!tpu.dma_semaphore, #tpu.memory_space<semaphore_mem>>
        %dma_wait3A_228 = tpu.memref_squeeze %dma_wait3A_227 : memref<1x!tpu.dma_semaphore, #tpu.memory_space<semaphore_mem>> -> memref<!tpu.dma_semaphore, #tpu.memory_space<semaphore_mem>>
        %dma_wait3A_229 = arith.constant 0 : i32
        %dma_wait3A_230 = tpu.memref_slice %arg11[%rem3A_162, %dma_wait3A_229] : memref<3x400xf32, #tpu.memory_space<vmem>> -> memref<1x400xf32, #tpu.memory_space<vmem>>
        %dma_wait3A_231 = tpu.memref_squeeze %dma_wait3A_230 : memref<1x400xf32, #tpu.memory_space<vmem>> -> memref<400xf32, #tpu.memory_space<vmem>>
        %dma_wait3A_232 = arith.constant 0 : i32
        %dma_wait3A_233 = tpu.memref_slice %arg4[%dma_wait3A_232] : memref<3200000xf32, #tpu.memory_space<hbm>> -> memref<400xf32, #tpu.memory_space<hbm>>
        tpu.wait_dma2 semaphore(%dma_wait3A_228 : memref<!tpu.dma_semaphore, #tpu.memory_space<semaphore_mem>>) src(%dma_wait3A_233 : memref<400xf32, #tpu.memory_space<hbm>>) dst(%dma_wait3A_231 : memref<400xf32, #tpu.memory_space<vmem>>)
        %dma_start3A_234 = arith.constant 0 : i32
        %dma_start3A_235 = arith.constant 0 : i32
        %dma_start3A_236 = tpu.memref_slice %arg12[%rem3A_158, %dma_start3A_234, %dma_start3A_235] : memref<2x400x32xbf16, #tpu.memory_space<vmem>> -> memref<1x400x32xbf16, #tpu.memory_space<vmem>>
        %dma_start3A_237 = tpu.memref_squeeze %dma_start3A_236 : memref<1x400x32xbf16, #tpu.memory_space<vmem>> -> memref<400x32xbf16, #tpu.memory_space<vmem>>
        %dma_start3A_238 = arith.constant 0 : i32
        %dma_start3A_239 = tpu.memref_slice %arg9[%rem3A_162, %dma_start3A_238] : memref<3x400xi32, #tpu.memory_space<vmem>> -> memref<1x400xi32, #tpu.memory_space<vmem>>
        %dma_start3A_240 = tpu.memref_squeeze %dma_start3A_239 : memref<1x400xi32, #tpu.memory_space<vmem>> -> memref<400xi32, #tpu.memory_space<vmem>>
        %dma_start3A_241 = arith.constant 0 : i32
        %dma_start3A_242 = arith.constant 0 : i32
        %dma_start3A_243 = tpu.memref_slice %arg5[%dma_start3A_241, %dma_start3A_242] : memref<100000x32xbf16, #tpu.memory_space<hbm>> -> memref<100000x32xbf16, #tpu.memory_space<hbm>>
        %dma_start3A_244 = tpu.memref_slice %arg15[%rem3A_158] : memref<2x!tpu.dma_semaphore, #tpu.memory_space<semaphore_mem>> -> memref<1x!tpu.dma_semaphore, #tpu.memory_space<semaphore_mem>>
        %dma_start3A_245 = tpu.memref_squeeze %dma_start3A_244 : memref<1x!tpu.dma_semaphore, #tpu.memory_space<semaphore_mem>> -> memref<!tpu.dma_semaphore, #tpu.memory_space<semaphore_mem>>
        tpu.enqueue_indirect_dma source(%dma_start3A_243 : memref<100000x32xbf16, #tpu.memory_space<hbm>>) target(%dma_start3A_237 : memref<400x32xbf16, #tpu.memory_space<vmem>>) offsets(%dma_start3A_240 : memref<400xi32, #tpu.memory_space<vmem>>) semaphore(%dma_start3A_245 : memref<!tpu.dma_semaphore, #tpu.memory_space<semaphore_mem>>)
      } else {
      }
      %add3A_167 = arith.constant 2 : i32
      %add3A_168 = arith.addi %scan3A_150, %add3A_167 : i32
      %lt3A_169 = arith.constant 250 : i32
      %lt3A_170 = arith.cmpi slt, %add3A_168, %lt3A_169 : i32
      %convert_element_type3A_171 = arith.extui %lt3A_170 : i1 to i32
      %cond3A_172 = arith.constant 0 : i32
      %cond3A_173 = arith.cmpi ne, %convert_element_type3A_171, %cond3A_172 : i32
      scf.if %cond3A_173 {
        %add3A_198 = arith.constant 2 : i32
        %add3A_199 = arith.addi %scan3A_150, %add3A_198 : i32
        %add3A_200 = arith.constant 2 : i32
        %add3A_201 = arith.addi %scan3A_150, %add3A_200 : i32
        %rem3A_202 = arith.constant 3 : i32
        %rem3A_203 = arith.remsi %add3A_201, %rem3A_202 : i32
        %mul3A_204 = arith.constant 400 : i32
        %mul3A_205 = arith.muli %add3A_199, %mul3A_204 : i32
        %add3A_206 = arith.addi %add3A, %mul3A_205 : i32
        %dma_start3A_207 = arith.constant 0 : i32
        %dma_start3A_208 = tpu.memref_slice %arg9[%rem3A_203, %dma_start3A_207] : memref<3x400xi32, #tpu.memory_space<vmem>> -> memref<1x400xi32, #tpu.memory_space<vmem>>
        %dma_start3A_209 = tpu.memref_squeeze %dma_start3A_208 : memref<1x400xi32, #tpu.memory_space<vmem>> -> memref<400xi32, #tpu.memory_space<vmem>>
        %dma_start3A_210 = tpu.memref_slice %arg2[%add3A_206] : memref<3200000xi32, #tpu.memory_space<hbm>> -> memref<400xi32, #tpu.memory_space<hbm>>
        %dma_start3A_211 = tpu.memref_slice %arg14[%rem3A_203] : memref<3x!tpu.dma_semaphore, #tpu.memory_space<semaphore_mem>> -> memref<1x!tpu.dma_semaphore, #tpu.memory_space<semaphore_mem>>
        %dma_start3A_212 = tpu.memref_squeeze %dma_start3A_211 : memref<1x!tpu.dma_semaphore, #tpu.memory_space<semaphore_mem>> -> memref<!tpu.dma_semaphore, #tpu.memory_space<semaphore_mem>>
        %dma_start3A_213 = arith.constant 0 : i32
        %dma_start3A_214 = tpu.memref_slice %arg9[%rem3A_203, %dma_start3A_213] : memref<3x400xi32, #tpu.memory_space<vmem>> -> memref<1x400xi32, #tpu.memory_space<vmem>>
        %dma_start3A_215 = tpu.memref_squeeze %dma_start3A_214 : memref<1x400xi32, #tpu.memory_space<vmem>> -> memref<400xi32, #tpu.memory_space<vmem>>
        %dma_start3A_216 = tpu.memref_slice %arg2[%add3A_206] : memref<3200000xi32, #tpu.memory_space<hbm>> -> memref<400xi32, #tpu.memory_space<hbm>>
        tpu.enqueue_dma source(%dma_start3A_216 : memref<400xi32, #tpu.memory_space<hbm>>) target(%dma_start3A_215 : memref<400xi32, #tpu.memory_space<vmem>>) target_semaphore(%dma_start3A_212 : memref<!tpu.dma_semaphore, #tpu.memory_space<semaphore_mem>>)
        %dma_start3A_217 = arith.constant 0 : i32
        %dma_start3A_218 = tpu.memref_slice %arg10[%rem3A_203, %dma_start3A_217] : memref<3x400xi32, #tpu.memory_space<vmem>> -> memref<1x400xi32, #tpu.memory_space<vmem>>
        %dma_start3A_219 = tpu.memref_squeeze %dma_start3A_218 : memref<1x400xi32, #tpu.memory_space<vmem>> -> memref<400xi32, #tpu.memory_space<vmem>>
        %dma_start3A_220 = tpu.memref_slice %arg3[%add3A_206] : memref<3200000xi32, #tpu.memory_space<hbm>> -> memref<400xi32, #tpu.memory_space<hbm>>
        %dma_start3A_221 = tpu.memref_slice %arg14[%rem3A_203] : memref<3x!tpu.dma_semaphore, #tpu.memory_space<semaphore_mem>> -> memref<1x!tpu.dma_semaphore, #tpu.memory_space<semaphore_mem>>
        %dma_start3A_222 = tpu.memref_squeeze %dma_start3A_221 : memref<1x!tpu.dma_semaphore, #tpu.memory_space<semaphore_mem>> -> memref<!tpu.dma_semaphore, #tpu.memory_space<semaphore_mem>>
        %dma_start3A_223 = arith.constant 0 : i32
        %dma_start3A_224 = tpu.memref_slice %arg10[%rem3A_203, %dma_start3A_223] : memref<3x400xi32, #tpu.memory_space<vmem>> -> memref<1x400xi32, #tpu.memory_space<vmem>>
        %dma_start3A_225 = tpu.memref_squeeze %dma_start3A_224 : memref<1x400xi32, #tpu.memory_space<vmem>> -> memref<400xi32, #tpu.memory_space<vmem>>
        %dma_start3A_226 = tpu.memref_slice %arg3[%add3A_206] : memref<3200000xi32, #tpu.memory_space<hbm>> -> memref<400xi32, #tpu.memory_space<hbm>>
        tpu.enqueue_dma source(%dma_start3A_226 : memref<400xi32, #tpu.memory_space<hbm>>) target(%dma_start3A_225 : memref<400xi32, #tpu.memory_space<vmem>>) target_semaphore(%dma_start3A_222 : memref<!tpu.dma_semaphore, #tpu.memory_space<semaphore_mem>>)
        %dma_start3A_227 = arith.constant 0 : i32
        %dma_start3A_228 = tpu.memref_slice %arg11[%rem3A_203, %dma_start3A_227] : memref<3x400xf32, #tpu.memory_space<vmem>> -> memref<1x400xf32, #tpu.memory_space<vmem>>
        %dma_start3A_229 = tpu.memref_squeeze %dma_start3A_228 : memref<1x400xf32, #tpu.memory_space<vmem>> -> memref<400xf32, #tpu.memory_space<vmem>>
        %dma_start3A_230 = tpu.memref_slice %arg4[%add3A_206] : memref<3200000xf32, #tpu.memory_space<hbm>> -> memref<400xf32, #tpu.memory_space<hbm>>
        %dma_start3A_231 = tpu.memref_slice %arg14[%rem3A_203] : memref<3x!tpu.dma_semaphore, #tpu.memory_space<semaphore_mem>> -> memref<1x!tpu.dma_semaphore, #tpu.memory_space<semaphore_mem>>
        %dma_start3A_232 = tpu.memref_squeeze %dma_start3A_231 : memref<1x!tpu.dma_semaphore, #tpu.memory_space<semaphore_mem>> -> memref<!tpu.dma_semaphore, #tpu.memory_space<semaphore_mem>>
        %dma_start3A_233 = arith.constant 0 : i32
        %dma_start3A_234 = tpu.memref_slice %arg11[%rem3A_203, %dma_start3A_233] : memref<3x400xf32, #tpu.memory_space<vmem>> -> memref<1x400xf32, #tpu.memory_space<vmem>>
        %dma_start3A_235 = tpu.memref_squeeze %dma_start3A_234 : memref<1x400xf32, #tpu.memory_space<vmem>> -> memref<400xf32, #tpu.memory_space<vmem>>
        %dma_start3A_236 = tpu.memref_slice %arg4[%add3A_206] : memref<3200000xf32, #tpu.memory_space<hbm>> -> memref<400xf32, #tpu.memory_space<hbm>>
        tpu.enqueue_dma source(%dma_start3A_236 : memref<400xf32, #tpu.memory_space<hbm>>) target(%dma_start3A_235 : memref<400xf32, #tpu.memory_space<vmem>>) target_semaphore(%dma_start3A_232 : memref<!tpu.dma_semaphore, #tpu.memory_space<semaphore_mem>>)
      } else {
      }
      %dma_wait3A_174 = arith.constant 0 : i32
      %dma_wait3A_175 = arith.constant 0 : i32
      %dma_wait3A_176 = tpu.memref_slice %arg12[%rem3A_152, %dma_wait3A_174, %dma_wait3A_175] : memref<2x400x32xbf16, #tpu.memory_space<vmem>> -> memref<1x400x32xbf16, #tpu.memory_space<vmem>>
      %dma_wait3A_177 = tpu.memref_squeeze %dma_wait3A_176 : memref<1x400x32xbf16, #tpu.memory_space<vmem>> -> memref<400x32xbf16, #tpu.memory_space<vmem>>
      %dma_wait3A_178 = arith.constant 0 : i32
      %dma_wait3A_179 = arith.constant 0 : i32
      %dma_wait3A_180 = tpu.memref_slice %arg5[%dma_wait3A_178, %dma_wait3A_179] : memref<100000x32xbf16, #tpu.memory_space<hbm>> -> memref<400x32xbf16, #tpu.memory_space<hbm>>
      %dma_wait3A_181 = tpu.memref_slice %arg15[%rem3A_152] : memref<2x!tpu.dma_semaphore, #tpu.memory_space<semaphore_mem>> -> memref<1x!tpu.dma_semaphore, #tpu.memory_space<semaphore_mem>>
      %dma_wait3A_182 = tpu.memref_squeeze %dma_wait3A_181 : memref<1x!tpu.dma_semaphore, #tpu.memory_space<semaphore_mem>> -> memref<!tpu.dma_semaphore, #tpu.memory_space<semaphore_mem>>
      %dma_wait3A_183 = arith.constant 0 : i32
      %dma_wait3A_184 = arith.constant 0 : i32
      %dma_wait3A_185 = tpu.memref_slice %arg12[%rem3A_152, %dma_wait3A_183, %dma_wait3A_184] : memref<2x400x32xbf16, #tpu.memory_space<vmem>> -> memref<1x400x32xbf16, #tpu.memory_space<vmem>>
      %dma_wait3A_186 = tpu.memref_squeeze %dma_wait3A_185 : memref<1x400x32xbf16, #tpu.memory_space<vmem>> -> memref<400x32xbf16, #tpu.memory_space<vmem>>
      %dma_wait3A_187 = arith.constant 0 : i32
      %dma_wait3A_188 = arith.constant 0 : i32
      %dma_wait3A_189 = tpu.memref_slice %arg5[%dma_wait3A_187, %dma_wait3A_188] : memref<100000x32xbf16, #tpu.memory_space<hbm>> -> memref<400x32xbf16, #tpu.memory_space<hbm>>
      tpu.wait_dma2 semaphore(%dma_wait3A_182 : memref<!tpu.dma_semaphore, #tpu.memory_space<semaphore_mem>>) src(%dma_wait3A_189 : memref<400x32xbf16, #tpu.memory_space<hbm>>) dst(%dma_wait3A_186 : memref<400x32xbf16, #tpu.memory_space<vmem>>)
      %scan3A_190 = arith.constant 0 : i32
      %scan3A_191 = arith.constant 0 : i32
      %scan3A_192 = arith.constant 25 : i32
      %scan3A_193 = arith.addi %scan3A_191, %scan3A_192 : i32
      %scan3A_194 = arith.constant 1 : i32
      %scan3A_195 = scf.for %scan3A_198 = %scan3A_191 to %scan3A_193 step %scan3A_194 iter_args(%scan3A_199 = %scan3A_190) -> (i32)  : i32 {
        %mul3A_200 = arith.constant 16 : i32
        %mul3A_201 = arith.muli %scan3A_198, %mul3A_200 : i32
        %get3A = arith.index_cast %rem3A_154 : i32 to index
        %get3A_202 = arith.index_cast %mul3A_201 : i32 to index
        %get3A_203 = tpu.vector_load %arg9[%get3A, %get3A_202] {strides = array<i32>} : memref<3x400xi32, #tpu.memory_space<vmem>>, vector<16xi32>,
        %mul3A_204 = arith.constant 16 : i32
        %mul3A_205 = arith.muli %scan3A_198, %mul3A_204 : i32
        %get3A_206 = arith.index_cast %rem3A_154 : i32 to index
        %get3A_207 = arith.index_cast %mul3A_205 : i32 to index
        %get3A_208 = tpu.vector_load %arg10[%get3A_206, %get3A_207] {strides = array<i32>} : memref<3x400xi32, #tpu.memory_space<vmem>>, vector<16xi32>,
        %mul3A_209 = arith.constant 16 : i32
        %mul3A_210 = arith.muli %scan3A_198, %mul3A_209 : i32
        %get3A_211 = arith.index_cast %rem3A_154 : i32 to index
        %get3A_212 = arith.index_cast %mul3A_210 : i32 to index
        %get3A_213 = tpu.vector_load %arg11[%get3A_211, %get3A_212] {strides = array<i32>} : memref<3x400xf32, #tpu.memory_space<vmem>>, vector<16xf32>,
        %ne3A = arith.cmpi ne, %get3A_203, %get3A_208 : vector<16xi32>
        %broadcast_in_dim3A = arith.constant 0.000000e+00 : f32
        %broadcast_in_dim3A_214 = vector.broadcast %broadcast_in_dim3A : f32 to vector<16xf32>
        %select_n3A = arith.select %ne3A, %get3A_213, %broadcast_in_dim3A_214 : vector<16xi1>, vector<16xf32>
        %swap3A = arith.constant 0 : index
        %swap3A_215 = tpu.vector_load %arg13[%swap3A] {strides = array<i32>} : memref<16xf32, #tpu.memory_space<vmem>>, vector<16xf32>,
        tpu.vector_store %arg13[%swap3A], %select_n3A {strides = array<i32>} : memref<16xf32, #tpu.memory_space<vmem>>, vector<16xf32>,
        %broadcast_in_dim3A_216 = arith.constant 0 : i32
        %broadcast_in_dim3A_217 = vector.broadcast %broadcast_in_dim3A_216 : i32 to vector<16xi32>
        %gather3A = tpu.vector_load_idx %arg13[%broadcast_in_dim3A_217] : memref<16xf32, #tpu.memory_space<vmem>>[vector<16xi32>], vector<16xf32>,
        %pack3A = tpu.pack_subelements %gather3A, %gather3A {pack_format = #tpu.pack_format<interleaved>, positions = array<i32: 0, 1>} : vector<16xf32>, vector<16xf32> -> vector<32xbf16>
        %mul3A_218 = arith.constant 16 : i32
        %mul3A_219 = arith.muli %scan3A_198, %mul3A_218 : i32
        %add3A_220 = arith.constant 0 : i32
        %add3A_221 = arith.addi %mul3A_219, %add3A_220 : i32
        %get3A_222 = arith.index_cast %rem3A_152 : i32 to index
        %get3A_223 = arith.index_cast %add3A_221 : i32 to index
        %get3A_224 = arith.constant 0 : index
        %get3A_225 = tpu.vector_load %arg12[%get3A_222, %get3A_223, %get3A_224] {strides = array<i32>} : memref<2x400x32xbf16, #tpu.memory_space<vmem>>, vector<32xbf16>,
        %mul3A_226 = arith.mulf %get3A_225, %pack3A : vector<32xbf16>
        %mul3A_227 = arith.constant 16 : i32
        %mul3A_228 = arith.muli %scan3A_198, %mul3A_227 : i32
        %add3A_229 = arith.constant 0 : i32
        %add3A_230 = arith.addi %mul3A_228, %add3A_229 : i32
        %swap3A_231 = arith.index_cast %rem3A_152 : i32 to index
        %swap3A_232 = arith.index_cast %add3A_230 : i32 to index
        %swap3A_233 = arith.constant 0 : index
        %swap3A_234 = tpu.vector_load %arg12[%swap3A_231, %swap3A_232, %swap3A_233] {strides = array<i32>} : memref<2x400x32xbf16, #tpu.memory_space<vmem>>, vector<32xbf16>,
        tpu.vector_store %arg12[%swap3A_231, %swap3A_232, %swap3A_233], %mul3A_226 {strides = array<i32>} : memref<2x400x32xbf16, #tpu.memory_space<vmem>>, vector<32xbf16>,
        %broadcast_in_dim3A_235 = arith.constant 1 : i32
        %broadcast_in_dim3A_236 = vector.broadcast %broadcast_in_dim3A_235 : i32 to vector<16xi32>
        %gather3A_237 = tpu.vector_load_idx %arg13[%broadcast_in_dim3A_236] : memref<16xf32, #tpu.memory_space<vmem>>[vector<16xi32>], vector<16xf32>,
        %pack3A_238 = tpu.pack_subelements %gather3A_237, %gather3A_237 {pack_format = #tpu.pack_format<interleaved>, positions = array<i32: 0, 1>} : vector<16xf32>, vector<16xf32> -> vector<32xbf16>
        %mul3A_239 = arith.constant 16 : i32
        %mul3A_240 = arith.muli %scan3A_198, %mul3A_239 : i32
        %add3A_241 = arith.constant 1 : i32
        %add3A_242 = arith.addi %mul3A_240, %add3A_241 : i32
        %get3A_243 = arith.index_cast %rem3A_152 : i32 to index
        %get3A_244 = arith.index_cast %add3A_242 : i32 to index
        %get3A_245 = arith.constant 0 : index
        %get3A_246 = tpu.vector_load %arg12[%get3A_243, %get3A_244, %get3A_245] {strides = array<i32>} : memref<2x400x32xbf16, #tpu.memory_space<vmem>>, vector<32xbf16>,
        %mul3A_247 = arith.mulf %get3A_246, %pack3A_238 : vector<32xbf16>
        %mul3A_248 = arith.constant 16 : i32
        %mul3A_249 = arith.muli %scan3A_198, %mul3A_248 : i32
        %add3A_250 = arith.constant 1 : i32
        %add3A_251 = arith.addi %mul3A_249, %add3A_250 : i32
        %swap3A_252 = arith.index_cast %rem3A_152 : i32 to index
        %swap3A_253 = arith.index_cast %add3A_251 : i32 to index
        %swap3A_254 = arith.constant 0 : index
        %swap3A_255 = tpu.vector_load %arg12[%swap3A_252, %swap3A_253, %swap3A_254] {strides = array<i32>} : memref<2x400x32xbf16, #tpu.memory_space<vmem>>, vector<32xbf16>,
        tpu.vector_store %arg12[%swap3A_252, %swap3A_253, %swap3A_254], %mul3A_247 {strides = array<i32>} : memref<2x400x32xbf16, #tpu.memory_space<vmem>>, vector<32xbf16>,
        %broadcast_in_dim3A_256 = arith.constant 2 : i32
        %broadcast_in_dim3A_257 = vector.broadcast %broadcast_in_dim3A_256 : i32 to vector<16xi32>
        %gather3A_258 = tpu.vector_load_idx %arg13[%broadcast_in_dim3A_257] : memref<16xf32, #tpu.memory_space<vmem>>[vector<16xi32>], vector<16xf32>,
        %pack3A_259 = tpu.pack_subelements %gather3A_258, %gather3A_258 {pack_format = #tpu.pack_format<interleaved>, positions = array<i32: 0, 1>} : vector<16xf32>, vector<16xf32> -> vector<32xbf16>
        %mul3A_260 = arith.constant 16 : i32
        %mul3A_261 = arith.muli %scan3A_198, %mul3A_260 : i32
        %add3A_262 = arith.constant 2 : i32
        %add3A_263 = arith.addi %mul3A_261, %add3A_262 : i32
        %get3A_264 = arith.index_cast %rem3A_152 : i32 to index
        %get3A_265 = arith.index_cast %add3A_263 : i32 to index
        %get3A_266 = arith.constant 0 : index
        %get3A_267 = tpu.vector_load %arg12[%get3A_264, %get3A_265, %get3A_266] {strides = array<i32>} : memref<2x400x32xbf16, #tpu.memory_space<vmem>>, vector<32xbf16>,
        %mul3A_268 = arith.mulf %get3A_267, %pack3A_259 : vector<32xbf16>
        %mul3A_269 = arith.constant 16 : i32
        %mul3A_270 = arith.muli %scan3A_198, %mul3A_269 : i32
        %add3A_271 = arith.constant 2 : i32
        %add3A_272 = arith.addi %mul3A_270, %add3A_271 : i32
        %swap3A_273 = arith.index_cast %rem3A_152 : i32 to index
        %swap3A_274 = arith.index_cast %add3A_272 : i32 to index
        %swap3A_275 = arith.constant 0 : index
        %swap3A_276 = tpu.vector_load %arg12[%swap3A_273, %swap3A_274, %swap3A_275] {strides = array<i32>} : memref<2x400x32xbf16, #tpu.memory_space<vmem>>, vector<32xbf16>,
        tpu.vector_store %arg12[%swap3A_273, %swap3A_274, %swap3A_275], %mul3A_268 {strides = array<i32>} : memref<2x400x32xbf16, #tpu.memory_space<vmem>>, vector<32xbf16>,
        %broadcast_in_dim3A_277 = arith.constant 3 : i32
        %broadcast_in_dim3A_278 = vector.broadcast %broadcast_in_dim3A_277 : i32 to vector<16xi32>
        %gather3A_279 = tpu.vector_load_idx %arg13[%broadcast_in_dim3A_278] : memref<16xf32, #tpu.memory_space<vmem>>[vector<16xi32>], vector<16xf32>,
        %pack3A_280 = tpu.pack_subelements %gather3A_279, %gather3A_279 {pack_format = #tpu.pack_format<interleaved>, positions = array<i32: 0, 1>} : vector<16xf32>, vector<16xf32> -> vector<32xbf16>
        %mul3A_281 = arith.constant 16 : i32
        %mul3A_282 = arith.muli %scan3A_198, %mul3A_281 : i32
        %add3A_283 = arith.constant 3 : i32
        %add3A_284 = arith.addi %mul3A_282, %add3A_283 : i32
        %get3A_285 = arith.index_cast %rem3A_152 : i32 to index
        %get3A_286 = arith.index_cast %add3A_284 : i32 to index
        %get3A_287 = arith.constant 0 : index
        %get3A_288 = tpu.vector_load %arg12[%get3A_285, %get3A_286, %get3A_287] {strides = array<i32>} : memref<2x400x32xbf16, #tpu.memory_space<vmem>>, vector<32xbf16>,
        %mul3A_289 = arith.mulf %get3A_288, %pack3A_280 : vector<32xbf16>
        %mul3A_290 = arith.constant 16 : i32
        %mul3A_291 = arith.muli %scan3A_198, %mul3A_290 : i32
        %add3A_292 = arith.constant 3 : i32
        %add3A_293 = arith.addi %mul3A_291, %add3A_292 : i32
        %swap3A_294 = arith.index_cast %rem3A_152 : i32 to index
        %swap3A_295 = arith.index_cast %add3A_293 : i32 to index
        %swap3A_296 = arith.constant 0 : index
        %swap3A_297 = tpu.vector_load %arg12[%swap3A_294, %swap3A_295, %swap3A_296] {strides = array<i32>} : memref<2x400x32xbf16, #tpu.memory_space<vmem>>, vector<32xbf16>,
        tpu.vector_store %arg12[%swap3A_294, %swap3A_295, %swap3A_296], %mul3A_289 {strides = array<i32>} : memref<2x400x32xbf16, #tpu.memory_space<vmem>>, vector<32xbf16>,
        %broadcast_in_dim3A_298 = arith.constant 4 : i32
        %broadcast_in_dim3A_299 = vector.broadcast %broadcast_in_dim3A_298 : i32 to vector<16xi32>
        %gather3A_300 = tpu.vector_load_idx %arg13[%broadcast_in_dim3A_299] : memref<16xf32, #tpu.memory_space<vmem>>[vector<16xi32>], vector<16xf32>,
        %pack3A_301 = tpu.pack_subelements %gather3A_300, %gather3A_300 {pack_format = #tpu.pack_format<interleaved>, positions = array<i32: 0, 1>} : vector<16xf32>, vector<16xf32> -> vector<32xbf16>
        %mul3A_302 = arith.constant 16 : i32
        %mul3A_303 = arith.muli %scan3A_198, %mul3A_302 : i32
        %add3A_304 = arith.constant 4 : i32
        %add3A_305 = arith.addi %mul3A_303, %add3A_304 : i32
        %get3A_306 = arith.index_cast %rem3A_152 : i32 to index
        %get3A_307 = arith.index_cast %add3A_305 : i32 to index
        %get3A_308 = arith.constant 0 : index
        %get3A_309 = tpu.vector_load %arg12[%get3A_306, %get3A_307, %get3A_308] {strides = array<i32>} : memref<2x400x32xbf16, #tpu.memory_space<vmem>>, vector<32xbf16>,
        %mul3A_310 = arith.mulf %get3A_309, %pack3A_301 : vector<32xbf16>
        %mul3A_311 = arith.constant 16 : i32
        %mul3A_312 = arith.muli %scan3A_198, %mul3A_311 : i32
        %add3A_313 = arith.constant 4 : i32
        %add3A_314 = arith.addi %mul3A_312, %add3A_313 : i32
        %swap3A_315 = arith.index_cast %rem3A_152 : i32 to index
        %swap3A_316 = arith.index_cast %add3A_314 : i32 to index
        %swap3A_317 = arith.constant 0 : index
        %swap3A_318 = tpu.vector_load %arg12[%swap3A_315, %swap3A_316, %swap3A_317] {strides = array<i32>} : memref<2x400x32xbf16, #tpu.memory_space<vmem>>, vector<32xbf16>,
        tpu.vector_store %arg12[%swap3A_315, %swap3A_316, %swap3A_317], %mul3A_310 {strides = array<i32>} : memref<2x400x32xbf16, #tpu.memory_space<vmem>>, vector<32xbf16>,
        %broadcast_in_dim3A_319 = arith.constant 5 : i32
        %broadcast_in_dim3A_320 = vector.broadcast %broadcast_in_dim3A_319 : i32 to vector<16xi32>
        %gather3A_321 = tpu.vector_load_idx %arg13[%broadcast_in_dim3A_320] : memref<16xf32, #tpu.memory_space<vmem>>[vector<16xi32>], vector<16xf32>,
        %pack3A_322 = tpu.pack_subelements %gather3A_321, %gather3A_321 {pack_format = #tpu.pack_format<interleaved>, positions = array<i32: 0, 1>} : vector<16xf32>, vector<16xf32> -> vector<32xbf16>
        %mul3A_323 = arith.constant 16 : i32
        %mul3A_324 = arith.muli %scan3A_198, %mul3A_323 : i32
        %add3A_325 = arith.constant 5 : i32
        %add3A_326 = arith.addi %mul3A_324, %add3A_325 : i32
        %get3A_327 = arith.index_cast %rem3A_152 : i32 to index
        %get3A_328 = arith.index_cast %add3A_326 : i32 to index
        %get3A_329 = arith.constant 0 : index
        %get3A_330 = tpu.vector_load %arg12[%get3A_327, %get3A_328, %get3A_329] {strides = array<i32>} : memref<2x400x32xbf16, #tpu.memory_space<vmem>>, vector<32xbf16>,
        %mul3A_331 = arith.mulf %get3A_330, %pack3A_322 : vector<32xbf16>
        %mul3A_332 = arith.constant 16 : i32
        %mul3A_333 = arith.muli %scan3A_198, %mul3A_332 : i32
        %add3A_334 = arith.constant 5 : i32
        %add3A_335 = arith.addi %mul3A_333, %add3A_334 : i32
        %swap3A_336 = arith.index_cast %rem3A_152 : i32 to index
        %swap3A_337 = arith.index_cast %add3A_335 : i32 to index
        %swap3A_338 = arith.constant 0 : index
        %swap3A_339 = tpu.vector_load %arg12[%swap3A_336, %swap3A_337, %swap3A_338] {strides = array<i32>} : memref<2x400x32xbf16, #tpu.memory_space<vmem>>, vector<32xbf16>,
        tpu.vector_store %arg12[%swap3A_336, %swap3A_337, %swap3A_338], %mul3A_331 {strides = array<i32>} : memref<2x400x32xbf16, #tpu.memory_space<vmem>>, vector<32xbf16>,
        %broadcast_in_dim3A_340 = arith.constant 6 : i32
        %broadcast_in_dim3A_341 = vector.broadcast %broadcast_in_dim3A_340 : i32 to vector<16xi32>
        %gather3A_342 = tpu.vector_load_idx %arg13[%broadcast_in_dim3A_341] : memref<16xf32, #tpu.memory_space<vmem>>[vector<16xi32>], vector<16xf32>,
        %pack3A_343 = tpu.pack_subelements %gather3A_342, %gather3A_342 {pack_format = #tpu.pack_format<interleaved>, positions = array<i32: 0, 1>} : vector<16xf32>, vector<16xf32> -> vector<32xbf16>
        %mul3A_344 = arith.constant 16 : i32
        %mul3A_345 = arith.muli %scan3A_198, %mul3A_344 : i32
        %add3A_346 = arith.constant 6 : i32
        %add3A_347 = arith.addi %mul3A_345, %add3A_346 : i32
        %get3A_348 = arith.index_cast %rem3A_152 : i32 to index
        %get3A_349 = arith.index_cast %add3A_347 : i32 to index
        %get3A_350 = arith.constant 0 : index
        %get3A_351 = tpu.vector_load %arg12[%get3A_348, %get3A_349, %get3A_350] {strides = array<i32>} : memref<2x400x32xbf16, #tpu.memory_space<vmem>>, vector<32xbf16>,
        %mul3A_352 = arith.mulf %get3A_351, %pack3A_343 : vector<32xbf16>
        %mul3A_353 = arith.constant 16 : i32
        %mul3A_354 = arith.muli %scan3A_198, %mul3A_353 : i32
        %add3A_355 = arith.constant 6 : i32
        %add3A_356 = arith.addi %mul3A_354, %add3A_355 : i32
        %swap3A_357 = arith.index_cast %rem3A_152 : i32 to index
        %swap3A_358 = arith.index_cast %add3A_356 : i32 to index
        %swap3A_359 = arith.constant 0 : index
        %swap3A_360 = tpu.vector_load %arg12[%swap3A_357, %swap3A_358, %swap3A_359] {strides = array<i32>} : memref<2x400x32xbf16, #tpu.memory_space<vmem>>, vector<32xbf16>,
        tpu.vector_store %arg12[%swap3A_357, %swap3A_358, %swap3A_359], %mul3A_352 {strides = array<i32>} : memref<2x400x32xbf16, #tpu.memory_space<vmem>>, vector<32xbf16>,
        %broadcast_in_dim3A_361 = arith.constant 7 : i32
        %broadcast_in_dim3A_362 = vector.broadcast %broadcast_in_dim3A_361 : i32 to vector<16xi32>
        %gather3A_363 = tpu.vector_load_idx %arg13[%broadcast_in_dim3A_362] : memref<16xf32, #tpu.memory_space<vmem>>[vector<16xi32>], vector<16xf32>,
        %pack3A_364 = tpu.pack_subelements %gather3A_363, %gather3A_363 {pack_format = #tpu.pack_format<interleaved>, positions = array<i32: 0, 1>} : vector<16xf32>, vector<16xf32> -> vector<32xbf16>
        %mul3A_365 = arith.constant 16 : i32
        %mul3A_366 = arith.muli %scan3A_198, %mul3A_365 : i32
        %add3A_367 = arith.constant 7 : i32
        %add3A_368 = arith.addi %mul3A_366, %add3A_367 : i32
        %get3A_369 = arith.index_cast %rem3A_152 : i32 to index
        %get3A_370 = arith.index_cast %add3A_368 : i32 to index
        %get3A_371 = arith.constant 0 : index
        %get3A_372 = tpu.vector_load %arg12[%get3A_369, %get3A_370, %get3A_371] {strides = array<i32>} : memref<2x400x32xbf16, #tpu.memory_space<vmem>>, vector<32xbf16>,
        %mul3A_373 = arith.mulf %get3A_372, %pack3A_364 : vector<32xbf16>
        %mul3A_374 = arith.constant 16 : i32
        %mul3A_375 = arith.muli %scan3A_198, %mul3A_374 : i32
        %add3A_376 = arith.constant 7 : i32
        %add3A_377 = arith.addi %mul3A_375, %add3A_376 : i32
        %swap3A_378 = arith.index_cast %rem3A_152 : i32 to index
        %swap3A_379 = arith.index_cast %add3A_377 : i32 to index
        %swap3A_380 = arith.constant 0 : index
        %swap3A_381 = tpu.vector_load %arg12[%swap3A_378, %swap3A_379, %swap3A_380] {strides = array<i32>} : memref<2x400x32xbf16, #tpu.memory_space<vmem>>, vector<32xbf16>,
        tpu.vector_store %arg12[%swap3A_378, %swap3A_379, %swap3A_380], %mul3A_373 {strides = array<i32>} : memref<2x400x32xbf16, #tpu.memory_space<vmem>>, vector<32xbf16>,
        %broadcast_in_dim3A_382 = arith.constant 8 : i32
        %broadcast_in_dim3A_383 = vector.broadcast %broadcast_in_dim3A_382 : i32 to vector<16xi32>
        %gather3A_384 = tpu.vector_load_idx %arg13[%broadcast_in_dim3A_383] : memref<16xf32, #tpu.memory_space<vmem>>[vector<16xi32>], vector<16xf32>,
        %pack3A_385 = tpu.pack_subelements %gather3A_384, %gather3A_384 {pack_format = #tpu.pack_format<interleaved>, positions = array<i32: 0, 1>} : vector<16xf32>, vector<16xf32> -> vector<32xbf16>
        %mul3A_386 = arith.constant 16 : i32
        %mul3A_387 = arith.muli %scan3A_198, %mul3A_386 : i32
        %add3A_388 = arith.constant 8 : i32
        %add3A_389 = arith.addi %mul3A_387, %add3A_388 : i32
        %get3A_390 = arith.index_cast %rem3A_152 : i32 to index
        %get3A_391 = arith.index_cast %add3A_389 : i32 to index
        %get3A_392 = arith.constant 0 : index
        %get3A_393 = tpu.vector_load %arg12[%get3A_390, %get3A_391, %get3A_392] {strides = array<i32>} : memref<2x400x32xbf16, #tpu.memory_space<vmem>>, vector<32xbf16>,
        %mul3A_394 = arith.mulf %get3A_393, %pack3A_385 : vector<32xbf16>
        %mul3A_395 = arith.constant 16 : i32
        %mul3A_396 = arith.muli %scan3A_198, %mul3A_395 : i32
        %add3A_397 = arith.constant 8 : i32
        %add3A_398 = arith.addi %mul3A_396, %add3A_397 : i32
        %swap3A_399 = arith.index_cast %rem3A_152 : i32 to index
        %swap3A_400 = arith.index_cast %add3A_398 : i32 to index
        %swap3A_401 = arith.constant 0 : index
        %swap3A_402 = tpu.vector_load %arg12[%swap3A_399, %swap3A_400, %swap3A_401] {strides = array<i32>} : memref<2x400x32xbf16, #tpu.memory_space<vmem>>, vector<32xbf16>,
        tpu.vector_store %arg12[%swap3A_399, %swap3A_400, %swap3A_401], %mul3A_394 {strides = array<i32>} : memref<2x400x32xbf16, #tpu.memory_space<vmem>>, vector<32xbf16>,
        %broadcast_in_dim3A_403 = arith.constant 9 : i32
        %broadcast_in_dim3A_404 = vector.broadcast %broadcast_in_dim3A_403 : i32 to vector<16xi32>
        %gather3A_405 = tpu.vector_load_idx %arg13[%broadcast_in_dim3A_404] : memref<16xf32, #tpu.memory_space<vmem>>[vector<16xi32>], vector<16xf32>,
        %pack3A_406 = tpu.pack_subelements %gather3A_405, %gather3A_405 {pack_format = #tpu.pack_format<interleaved>, positions = array<i32: 0, 1>} : vector<16xf32>, vector<16xf32> -> vector<32xbf16>
        %mul3A_407 = arith.constant 16 : i32
        %mul3A_408 = arith.muli %scan3A_198, %mul3A_407 : i32
        %add3A_409 = arith.constant 9 : i32
        %add3A_410 = arith.addi %mul3A_408, %add3A_409 : i32
        %get3A_411 = arith.index_cast %rem3A_152 : i32 to index
        %get3A_412 = arith.index_cast %add3A_410 : i32 to index
        %get3A_413 = arith.constant 0 : index
        %get3A_414 = tpu.vector_load %arg12[%get3A_411, %get3A_412, %get3A_413] {strides = array<i32>} : memref<2x400x32xbf16, #tpu.memory_space<vmem>>, vector<32xbf16>,
        %mul3A_415 = arith.mulf %get3A_414, %pack3A_406 : vector<32xbf16>
        %mul3A_416 = arith.constant 16 : i32
        %mul3A_417 = arith.muli %scan3A_198, %mul3A_416 : i32
        %add3A_418 = arith.constant 9 : i32
        %add3A_419 = arith.addi %mul3A_417, %add3A_418 : i32
        %swap3A_420 = arith.index_cast %rem3A_152 : i32 to index
        %swap3A_421 = arith.index_cast %add3A_419 : i32 to index
        %swap3A_422 = arith.constant 0 : index
        %swap3A_423 = tpu.vector_load %arg12[%swap3A_420, %swap3A_421, %swap3A_422] {strides = array<i32>} : memref<2x400x32xbf16, #tpu.memory_space<vmem>>, vector<32xbf16>,
        tpu.vector_store %arg12[%swap3A_420, %swap3A_421, %swap3A_422], %mul3A_415 {strides = array<i32>} : memref<2x400x32xbf16, #tpu.memory_space<vmem>>, vector<32xbf16>,
        %broadcast_in_dim3A_424 = arith.constant 10 : i32
        %broadcast_in_dim3A_425 = vector.broadcast %broadcast_in_dim3A_424 : i32 to vector<16xi32>
        %gather3A_426 = tpu.vector_load_idx %arg13[%broadcast_in_dim3A_425] : memref<16xf32, #tpu.memory_space<vmem>>[vector<16xi32>], vector<16xf32>,
        %pack3A_427 = tpu.pack_subelements %gather3A_426, %gather3A_426 {pack_format = #tpu.pack_format<interleaved>, positions = array<i32: 0, 1>} : vector<16xf32>, vector<16xf32> -> vector<32xbf16>
        %mul3A_428 = arith.constant 16 : i32
        %mul3A_429 = arith.muli %scan3A_198, %mul3A_428 : i32
        %add3A_430 = arith.constant 10 : i32
        %add3A_431 = arith.addi %mul3A_429, %add3A_430 : i32
        %get3A_432 = arith.index_cast %rem3A_152 : i32 to index
        %get3A_433 = arith.index_cast %add3A_431 : i32 to index
        %get3A_434 = arith.constant 0 : index
        %get3A_435 = tpu.vector_load %arg12[%get3A_432, %get3A_433, %get3A_434] {strides = array<i32>} : memref<2x400x32xbf16, #tpu.memory_space<vmem>>, vector<32xbf16>,
        %mul3A_436 = arith.mulf %get3A_435, %pack3A_427 : vector<32xbf16>
        %mul3A_437 = arith.constant 16 : i32
        %mul3A_438 = arith.muli %scan3A_198, %mul3A_437 : i32
        %add3A_439 = arith.constant 10 : i32
        %add3A_440 = arith.addi %mul3A_438, %add3A_439 : i32
        %swap3A_441 = arith.index_cast %rem3A_152 : i32 to index
        %swap3A_442 = arith.index_cast %add3A_440 : i32 to index
        %swap3A_443 = arith.constant 0 : index
        %swap3A_444 = tpu.vector_load %arg12[%swap3A_441, %swap3A_442, %swap3A_443] {strides = array<i32>} : memref<2x400x32xbf16, #tpu.memory_space<vmem>>, vector<32xbf16>,
        tpu.vector_store %arg12[%swap3A_441, %swap3A_442, %swap3A_443], %mul3A_436 {strides = array<i32>} : memref<2x400x32xbf16, #tpu.memory_space<vmem>>, vector<32xbf16>,
        %broadcast_in_dim3A_445 = arith.constant 11 : i32
        %broadcast_in_dim3A_446 = vector.broadcast %broadcast_in_dim3A_445 : i32 to vector<16xi32>
        %gather3A_447 = tpu.vector_load_idx %arg13[%broadcast_in_dim3A_446] : memref<16xf32, #tpu.memory_space<vmem>>[vector<16xi32>], vector<16xf32>,
        %pack3A_448 = tpu.pack_subelements %gather3A_447, %gather3A_447 {pack_format = #tpu.pack_format<interleaved>, positions = array<i32: 0, 1>} : vector<16xf32>, vector<16xf32> -> vector<32xbf16>
        %mul3A_449 = arith.constant 16 : i32
        %mul3A_450 = arith.muli %scan3A_198, %mul3A_449 : i32
        %add3A_451 = arith.constant 11 : i32
        %add3A_452 = arith.addi %mul3A_450, %add3A_451 : i32
        %get3A_453 = arith.index_cast %rem3A_152 : i32 to index
        %get3A_454 = arith.index_cast %add3A_452 : i32 to index
        %get3A_455 = arith.constant 0 : index
        %get3A_456 = tpu.vector_load %arg12[%get3A_453, %get3A_454, %get3A_455] {strides = array<i32>} : memref<2x400x32xbf16, #tpu.memory_space<vmem>>, vector<32xbf16>,
        %mul3A_457 = arith.mulf %get3A_456, %pack3A_448 : vector<32xbf16>
        %mul3A_458 = arith.constant 16 : i32
        %mul3A_459 = arith.muli %scan3A_198, %mul3A_458 : i32
        %add3A_460 = arith.constant 11 : i32
        %add3A_461 = arith.addi %mul3A_459, %add3A_460 : i32
        %swap3A_462 = arith.index_cast %rem3A_152 : i32 to index
        %swap3A_463 = arith.index_cast %add3A_461 : i32 to index
        %swap3A_464 = arith.constant 0 : index
        %swap3A_465 = tpu.vector_load %arg12[%swap3A_462, %swap3A_463, %swap3A_464] {strides = array<i32>} : memref<2x400x32xbf16, #tpu.memory_space<vmem>>, vector<32xbf16>,
        tpu.vector_store %arg12[%swap3A_462, %swap3A_463, %swap3A_464], %mul3A_457 {strides = array<i32>} : memref<2x400x32xbf16, #tpu.memory_space<vmem>>, vector<32xbf16>,
        %broadcast_in_dim3A_466 = arith.constant 12 : i32
        %broadcast_in_dim3A_467 = vector.broadcast %broadcast_in_dim3A_466 : i32 to vector<16xi32>
        %gather3A_468 = tpu.vector_load_idx %arg13[%broadcast_in_dim3A_467] : memref<16xf32, #tpu.memory_space<vmem>>[vector<16xi32>], vector<16xf32>,
        %pack3A_469 = tpu.pack_subelements %gather3A_468, %gather3A_468 {pack_format = #tpu.pack_format<interleaved>, positions = array<i32: 0, 1>} : vector<16xf32>, vector<16xf32> -> vector<32xbf16>
        %mul3A_470 = arith.constant 16 : i32
        %mul3A_471 = arith.muli %scan3A_198, %mul3A_470 : i32
        %add3A_472 = arith.constant 12 : i32
        %add3A_473 = arith.addi %mul3A_471, %add3A_472 : i32
        %get3A_474 = arith.index_cast %rem3A_152 : i32 to index
        %get3A_475 = arith.index_cast %add3A_473 : i32 to index
        %get3A_476 = arith.constant 0 : index
        %get3A_477 = tpu.vector_load %arg12[%get3A_474, %get3A_475, %get3A_476] {strides = array<i32>} : memref<2x400x32xbf16, #tpu.memory_space<vmem>>, vector<32xbf16>,
        %mul3A_478 = arith.mulf %get3A_477, %pack3A_469 : vector<32xbf16>
        %mul3A_479 = arith.constant 16 : i32
        %mul3A_480 = arith.muli %scan3A_198, %mul3A_479 : i32
        %add3A_481 = arith.constant 12 : i32
        %add3A_482 = arith.addi %mul3A_480, %add3A_481 : i32
        %swap3A_483 = arith.index_cast %rem3A_152 : i32 to index
        %swap3A_484 = arith.index_cast %add3A_482 : i32 to index
        %swap3A_485 = arith.constant 0 : index
        %swap3A_486 = tpu.vector_load %arg12[%swap3A_483, %swap3A_484, %swap3A_485] {strides = array<i32>} : memref<2x400x32xbf16, #tpu.memory_space<vmem>>, vector<32xbf16>,
        tpu.vector_store %arg12[%swap3A_483, %swap3A_484, %swap3A_485], %mul3A_478 {strides = array<i32>} : memref<2x400x32xbf16, #tpu.memory_space<vmem>>, vector<32xbf16>,
        %broadcast_in_dim3A_487 = arith.constant 13 : i32
        %broadcast_in_dim3A_488 = vector.broadcast %broadcast_in_dim3A_487 : i32 to vector<16xi32>
        %gather3A_489 = tpu.vector_load_idx %arg13[%broadcast_in_dim3A_488] : memref<16xf32, #tpu.memory_space<vmem>>[vector<16xi32>], vector<16xf32>,
        %pack3A_490 = tpu.pack_subelements %gather3A_489, %gather3A_489 {pack_format = #tpu.pack_format<interleaved>, positions = array<i32: 0, 1>} : vector<16xf32>, vector<16xf32> -> vector<32xbf16>
        %mul3A_491 = arith.constant 16 : i32
        %mul3A_492 = arith.muli %scan3A_198, %mul3A_491 : i32
        %add3A_493 = arith.constant 13 : i32
        %add3A_494 = arith.addi %mul3A_492, %add3A_493 : i32
        %get3A_495 = arith.index_cast %rem3A_152 : i32 to index
        %get3A_496 = arith.index_cast %add3A_494 : i32 to index
        %get3A_497 = arith.constant 0 : index
        %get3A_498 = tpu.vector_load %arg12[%get3A_495, %get3A_496, %get3A_497] {strides = array<i32>} : memref<2x400x32xbf16, #tpu.memory_space<vmem>>, vector<32xbf16>,
        %mul3A_499 = arith.mulf %get3A_498, %pack3A_490 : vector<32xbf16>
        %mul3A_500 = arith.constant 16 : i32
        %mul3A_501 = arith.muli %scan3A_198, %mul3A_500 : i32
        %add3A_502 = arith.constant 13 : i32
        %add3A_503 = arith.addi %mul3A_501, %add3A_502 : i32
        %swap3A_504 = arith.index_cast %rem3A_152 : i32 to index
        %swap3A_505 = arith.index_cast %add3A_503 : i32 to index
        %swap3A_506 = arith.constant 0 : index
        %swap3A_507 = tpu.vector_load %arg12[%swap3A_504, %swap3A_505, %swap3A_506] {strides = array<i32>} : memref<2x400x32xbf16, #tpu.memory_space<vmem>>, vector<32xbf16>,
        tpu.vector_store %arg12[%swap3A_504, %swap3A_505, %swap3A_506], %mul3A_499 {strides = array<i32>} : memref<2x400x32xbf16, #tpu.memory_space<vmem>>, vector<32xbf16>,
        %broadcast_in_dim3A_508 = arith.constant 14 : i32
        %broadcast_in_dim3A_509 = vector.broadcast %broadcast_in_dim3A_508 : i32 to vector<16xi32>
        %gather3A_510 = tpu.vector_load_idx %arg13[%broadcast_in_dim3A_509] : memref<16xf32, #tpu.memory_space<vmem>>[vector<16xi32>], vector<16xf32>,
        %pack3A_511 = tpu.pack_subelements %gather3A_510, %gather3A_510 {pack_format = #tpu.pack_format<interleaved>, positions = array<i32: 0, 1>} : vector<16xf32>, vector<16xf32> -> vector<32xbf16>
        %mul3A_512 = arith.constant 16 : i32
        %mul3A_513 = arith.muli %scan3A_198, %mul3A_512 : i32
        %add3A_514 = arith.constant 14 : i32
        %add3A_515 = arith.addi %mul3A_513, %add3A_514 : i32
        %get3A_516 = arith.index_cast %rem3A_152 : i32 to index
        %get3A_517 = arith.index_cast %add3A_515 : i32 to index
        %get3A_518 = arith.constant 0 : index
        %get3A_519 = tpu.vector_load %arg12[%get3A_516, %get3A_517, %get3A_518] {strides = array<i32>} : memref<2x400x32xbf16, #tpu.memory_space<vmem>>, vector<32xbf16>,
        %mul3A_520 = arith.mulf %get3A_519, %pack3A_511 : vector<32xbf16>
        %mul3A_521 = arith.constant 16 : i32
        %mul3A_522 = arith.muli %scan3A_198, %mul3A_521 : i32
        %add3A_523 = arith.constant 14 : i32
        %add3A_524 = arith.addi %mul3A_522, %add3A_523 : i32
        %swap3A_525 = arith.index_cast %rem3A_152 : i32 to index
        %swap3A_526 = arith.index_cast %add3A_524 : i32 to index
        %swap3A_527 = arith.constant 0 : index
        %swap3A_528 = tpu.vector_load %arg12[%swap3A_525, %swap3A_526, %swap3A_527] {strides = array<i32>} : memref<2x400x32xbf16, #tpu.memory_space<vmem>>, vector<32xbf16>,
        tpu.vector_store %arg12[%swap3A_525, %swap3A_526, %swap3A_527], %mul3A_520 {strides = array<i32>} : memref<2x400x32xbf16, #tpu.memory_space<vmem>>, vector<32xbf16>,
        %broadcast_in_dim3A_529 = arith.constant 15 : i32
        %broadcast_in_dim3A_530 = vector.broadcast %broadcast_in_dim3A_529 : i32 to vector<16xi32>
        %gather3A_531 = tpu.vector_load_idx %arg13[%broadcast_in_dim3A_530] : memref<16xf32, #tpu.memory_space<vmem>>[vector<16xi32>], vector<16xf32>,
        %pack3A_532 = tpu.pack_subelements %gather3A_531, %gather3A_531 {pack_format = #tpu.pack_format<interleaved>, positions = array<i32: 0, 1>} : vector<16xf32>, vector<16xf32> -> vector<32xbf16>
        %mul3A_533 = arith.constant 16 : i32
        %mul3A_534 = arith.muli %scan3A_198, %mul3A_533 : i32
        %add3A_535 = arith.constant 15 : i32
        %add3A_536 = arith.addi %mul3A_534, %add3A_535 : i32
        %get3A_537 = arith.index_cast %rem3A_152 : i32 to index
        %get3A_538 = arith.index_cast %add3A_536 : i32 to index
        %get3A_539 = arith.constant 0 : index
        %get3A_540 = tpu.vector_load %arg12[%get3A_537, %get3A_538, %get3A_539] {strides = array<i32>} : memref<2x400x32xbf16, #tpu.memory_space<vmem>>, vector<32xbf16>,
        %mul3A_541 = arith.mulf %get3A_540, %pack3A_532 : vector<32xbf16>
        %mul3A_542 = arith.constant 16 : i32
        %mul3A_543 = arith.muli %scan3A_198, %mul3A_542 : i32
        %add3A_544 = arith.constant 15 : i32
        %add3A_545 = arith.addi %mul3A_543, %add3A_544 : i32
        %swap3A_546 = arith.index_cast %rem3A_152 : i32 to index
        %swap3A_547 = arith.index_cast %add3A_545 : i32 to index
        %swap3A_548 = arith.constant 0 : index
        %swap3A_549 = tpu.vector_load %arg12[%swap3A_546, %swap3A_547, %swap3A_548] {strides = array<i32>} : memref<2x400x32xbf16, #tpu.memory_space<vmem>>, vector<32xbf16>,
        tpu.vector_store %arg12[%swap3A_546, %swap3A_547, %swap3A_548], %mul3A_541 {strides = array<i32>} : memref<2x400x32xbf16, #tpu.memory_space<vmem>>, vector<32xbf16>,
        %scan3A_550 = arith.constant 0 : i32
        scf.yield %scan3A_550 : i32
      }
      %scan3A_196 = arith.constant 25 : i32
      "tpu.region"() ({
        %run_scoped3A = tpu.sem_alloc : memref<!tpu.dma_semaphore, #tpu.memory_space<semaphore_mem>>
        %dma_start3A_198 = arith.constant 0 : i32
        %dma_start3A_199 = arith.constant 0 : i32
        %dma_start3A_200 = tpu.memref_slice %arg12[%rem3A_152, %dma_start3A_198, %dma_start3A_199] : memref<2x400x32xbf16, #tpu.memory_space<vmem>> -> memref<1x400x32xbf16, #tpu.memory_space<vmem>>
        %dma_start3A_201 = tpu.memref_squeeze %dma_start3A_200 : memref<1x400x32xbf16, #tpu.memory_space<vmem>> -> memref<400x32xbf16, #tpu.memory_space<vmem>>
        %dma_start3A_202 = arith.constant 0 : i32
        %dma_start3A_203 = tpu.memref_slice %arg10[%rem3A_154, %dma_start3A_202] : memref<3x400xi32, #tpu.memory_space<vmem>> -> memref<1x400xi32, #tpu.memory_space<vmem>>
        %dma_start3A_204 = tpu.memref_squeeze %dma_start3A_203 : memref<1x400xi32, #tpu.memory_space<vmem>> -> memref<400xi32, #tpu.memory_space<vmem>>
        %dma_start3A_205 = arith.constant 0 : i32
        %dma_start3A_206 = arith.constant 0 : i32
        %dma_start3A_207 = tpu.memref_slice %arg8[%dma_start3A_205, %dma_start3A_206] : memref<100096x32xbf16, #tpu.memory_space<vmem_shared>> -> memref<100096x32xbf16, #tpu.memory_space<vmem_shared>>
        tpu.enqueue_indirect_dma source(%dma_start3A_201 : memref<400x32xbf16, #tpu.memory_space<vmem>>) target(%dma_start3A_207 : memref<100096x32xbf16, #tpu.memory_space<vmem_shared>>) offsets(%dma_start3A_204 : memref<400xi32, #tpu.memory_space<vmem>>) semaphore(%run_scoped3A : memref<!tpu.dma_semaphore, #tpu.memory_space<semaphore_mem>>) {add = true}
        %dma_wait3A_208 = arith.constant 0 : i32
        %dma_wait3A_209 = arith.constant 0 : i32
        %dma_wait3A_210 = tpu.memref_slice %arg12[%rem3A_152, %dma_wait3A_208, %dma_wait3A_209] : memref<2x400x32xbf16, #tpu.memory_space<vmem>> -> memref<1x400x32xbf16, #tpu.memory_space<vmem>>
        %dma_wait3A_211 = tpu.memref_squeeze %dma_wait3A_210 : memref<1x400x32xbf16, #tpu.memory_space<vmem>> -> memref<400x32xbf16, #tpu.memory_space<vmem>>
        %dma_wait3A_212 = arith.constant 0 : i32
        %dma_wait3A_213 = tpu.memref_slice %arg10[%rem3A_154, %dma_wait3A_212] : memref<3x400xi32, #tpu.memory_space<vmem>> -> memref<1x400xi32, #tpu.memory_space<vmem>>
        %dma_wait3A_214 = tpu.memref_squeeze %dma_wait3A_213 : memref<1x400xi32, #tpu.memory_space<vmem>> -> memref<400xi32, #tpu.memory_space<vmem>>
        %dma_wait3A_215 = arith.constant 0 : i32
        %dma_wait3A_216 = arith.constant 0 : i32
        %dma_wait3A_217 = tpu.memref_slice %arg8[%dma_wait3A_215, %dma_wait3A_216] : memref<100096x32xbf16, #tpu.memory_space<vmem_shared>> -> memref<100096x32xbf16, #tpu.memory_space<vmem_shared>>
        tpu.wait_indirect_dma semaphore(%run_scoped3A : memref<!tpu.dma_semaphore, #tpu.memory_space<semaphore_mem>>) src(%dma_wait3A_211 : memref<400x32xbf16, #tpu.memory_space<vmem>>) dst(%dma_wait3A_217 : memref<100096x32xbf16, #tpu.memory_space<vmem_shared>>)
        tpu.yield
      }) : () -> ()
      %scan3A_197 = arith.constant 0 : i32
      scf.yield %scan3A_197 : i32
    }
    %scan3A_141 = arith.constant 250 : i32
    %barrier3A_142 = arith.constant 0 : index
    tpu.barrier barrier_id(%barrier3A_142)
    %mul3A_143 = arith.constant 6256 : i32
    %mul3A_144 = arith.muli %arg1, %mul3A_143 : i32
    %mul3A_145 = arith.constant 100096 : i32
    %mul3A_146 = arith.muli %arg0, %mul3A_145 : i32
    %mul3A_147 = arith.constant 6256 : i32
    %mul3A_148 = arith.muli %arg1, %mul3A_147 : i32
    %add3A_149 = arith.addi %mul3A_146, %mul3A_148 : i32
    "tpu.region"() ({
      %run_scoped3A = tpu.sem_alloc : memref<!tpu.dma_semaphore, #tpu.memory_space<semaphore_mem>>
      %dma_start3A_150 = arith.constant 0 : i32
      %dma_start3A_151 = tpu.memref_slice %arg7[%add3A_149, %dma_start3A_150] : memref<200192x32xbf16, #tpu.memory_space<hbm>> -> memref<6256x32xbf16, #tpu.memory_space<hbm>>
      %dma_start3A_152 = arith.constant 0 : i32
      %dma_start3A_153 = tpu.memref_slice %arg8[%mul3A_144, %dma_start3A_152] : memref<100096x32xbf16, #tpu.memory_space<vmem_shared>> -> memref<6256x32xbf16, #tpu.memory_space<vmem_shared>>
      tpu.enqueue_dma source(%dma_start3A_153 : memref<6256x32xbf16, #tpu.memory_space<vmem_shared>>) target(%dma_start3A_151 : memref<6256x32xbf16, #tpu.memory_space<hbm>>) target_semaphore(%run_scoped3A : memref<!tpu.dma_semaphore, #tpu.memory_space<semaphore_mem>>)
      %dma_wait3A_154 = arith.constant 0 : i32
      %dma_wait3A_155 = tpu.memref_slice %arg7[%add3A_149, %dma_wait3A_154] : memref<200192x32xbf16, #tpu.memory_space<hbm>> -> memref<6256x32xbf16, #tpu.memory_space<hbm>>
      %dma_wait3A_156 = arith.constant 0 : i32
      %dma_wait3A_157 = tpu.memref_slice %arg8[%mul3A_144, %dma_wait3A_156] : memref<100096x32xbf16, #tpu.memory_space<vmem_shared>> -> memref<6256x32xbf16, #tpu.memory_space<vmem_shared>>
      tpu.wait_dma2 semaphore(%run_scoped3A : memref<!tpu.dma_semaphore, #tpu.memory_space<semaphore_mem>>) src(%dma_wait3A_157 : memref<6256x32xbf16, #tpu.memory_space<vmem_shared>>) dst(%dma_wait3A_155 : memref<6256x32xbf16, #tpu.memory_space<hbm>>)
      tpu.yield
    }) : () -> ()
    return
  }
}

#map = affine_map<(d0, d1) -> (0)>
#map1 = affine_map<(d0, d1) -> (0, 0)>
module attributes {stable_mosaic.version = 14 : i64} {
  func.func @_sc_deg_body(%arg0: i32, %arg1: i32, %arg2: memref<3200000xi32, #tpu.memory_space<hbm>>, %arg3: memref<3200000xi32, #tpu.memory_space<hbm>>, %arg4: memref<3200000xf32, #tpu.memory_space<hbm>>, %arg5: memref<12512x16xf32, #tpu.memory_space<hbm>>, %arg6: memref<6256x16xf32, #tpu.memory_space<vmem>>, %arg7: memref<4000xi32, #tpu.memory_space<vmem>>, %arg8: memref<4000xi32, #tpu.memory_space<vmem>>, %arg9: memref<4000xf32, #tpu.memory_space<vmem>>, %arg10: memref<782xi32, #tpu.memory_space<vmem>>, %arg11: memref<391x16xf32, #tpu.memory_space<vmem>>, %arg12: memref<782x16xf32, #tpu.memory_space<vmem_shared>>) attributes {dimension_semantics = [#tpu.dimension_semantics<core_parallel>, #tpu.dimension_semantics<subcore_parallel>], iteration_bounds = array<i64: 2, 16>, scalar_prefetch = 0 : i64, scratch_operands = 7 : i64, tpu.core_type = #tpu.core_type<sc_vector_subcore>, window_params = [{transform_indices = #map}, {transform_indices = #map}, {transform_indices = #map}, {transform_indices = #map1}]} {
    %mul3A = arith.constant 2 : i32
    %mul3A_0 = arith.muli %arg1, %mul3A : i32
    %add3A = arith.addi %mul3A_0, %arg0 : i32
    %scan3A = arith.constant 0 : i32
    %scan3A_1 = arith.constant 0 : i32
    %scan3A_2 = arith.constant 6256 : i32
    %scan3A_3 = arith.addi %scan3A_1, %scan3A_2 : i32
    %scan3A_4 = arith.constant 1 : i32
    %scan3A_5 = scf.for %scan3A_134 = %scan3A_1 to %scan3A_3 step %scan3A_4 iter_args(%scan3A_135 = %scan3A) -> (i32)  : i32 {
      %broadcast_in_dim3A = arith.constant 0.000000e+00 : f32
      %broadcast_in_dim3A_136 = vector.broadcast %broadcast_in_dim3A : f32 to vector<16xf32>
      %swap3A_137 = arith.index_cast %scan3A_134 : i32 to index
      %swap3A_138 = arith.constant 0 : index
      %swap3A_139 = tpu.vector_load %arg6[%swap3A_137, %swap3A_138] {strides = array<i32>} : memref<6256x16xf32, #tpu.memory_space<vmem>>, vector<16xf32>,
      tpu.vector_store %arg6[%swap3A_137, %swap3A_138], %broadcast_in_dim3A_136 {strides = array<i32>} : memref<6256x16xf32, #tpu.memory_space<vmem>>, vector<16xf32>,
      %scan3A_140 = arith.constant 0 : i32
      scf.yield %scan3A_140 : i32
    }
    %scan3A_6 = arith.constant 6256 : i32
    %iota3A = tpu.iota {dimensions = array<i32: 0>} : vector<16xi32>
    %scan3A_7 = arith.constant 0 : i32
    %scan3A_8 = arith.constant 0 : i32
    %scan3A_9 = arith.constant 48 : i32
    %scan3A_10 = arith.addi %scan3A_8, %scan3A_9 : i32
    %scan3A_11 = arith.constant 1 : i32
    %scan3A_12 = scf.for %scan3A_134 = %scan3A_8 to %scan3A_10 step %scan3A_11 iter_args(%scan3A_135 = %scan3A_7) -> (i32)  : i32 {
      %mul3A_136 = arith.constant 16 : i32
      %mul3A_137 = arith.muli %scan3A_134, %mul3A_136 : i32
      %add3A_138 = vector.broadcast %mul3A_137 : i32 to vector<16xi32>
      %add3A_139 = arith.addi %add3A_138, %iota3A : vector<16xi32>
      %mul3A_140 = arith.constant 16 : i32
      %mul3A_141 = arith.muli %scan3A_134, %mul3A_140 : i32
      %swap3A_142 = arith.index_cast %mul3A_141 : i32 to index
      %swap3A_143 = tpu.vector_load %arg10[%swap3A_142] {strides = array<i32>} : memref<782xi32, #tpu.memory_space<vmem>>, vector<16xi32>,
      tpu.vector_store %arg10[%swap3A_142], %add3A_139 {strides = array<i32>} : memref<782xi32, #tpu.memory_space<vmem>>, vector<16xi32>,
      %scan3A_144 = arith.constant 0 : i32
      scf.yield %scan3A_144 : i32
    }
    %scan3A_13 = arith.constant 48 : i32
    %add3A_14 = arith.constant 766 : i32
    %add3A_15 = vector.broadcast %add3A_14 : i32 to vector<16xi32>
    %add3A_16 = arith.addi %add3A_15, %iota3A : vector<16xi32>
    %swap3A = arith.constant 766 : index
    %swap3A_17 = tpu.vector_load %arg10[%swap3A] {strides = array<i32>} : memref<782xi32, #tpu.memory_space<vmem>>, vector<16xi32>,
    tpu.vector_store %arg10[%swap3A], %add3A_16 {strides = array<i32>} : memref<782xi32, #tpu.memory_space<vmem>>, vector<16xi32>,
    %scan3A_18 = arith.constant 0 : i32
    %scan3A_19 = arith.constant 0 : i32
    %scan3A_20 = arith.constant 391 : i32
    %scan3A_21 = arith.addi %scan3A_19, %scan3A_20 : i32
    %scan3A_22 = arith.constant 1 : i32
    %scan3A_23 = scf.for %scan3A_134 = %scan3A_19 to %scan3A_21 step %scan3A_22 iter_args(%scan3A_135 = %scan3A_18) -> (i32)  : i32 {
      %broadcast_in_dim3A = arith.constant 0.000000e+00 : f32
      %broadcast_in_dim3A_136 = vector.broadcast %broadcast_in_dim3A : f32 to vector<16xf32>
      %swap3A_137 = arith.index_cast %scan3A_134 : i32 to index
      %swap3A_138 = arith.constant 0 : index
      %swap3A_139 = tpu.vector_load %arg11[%swap3A_137, %swap3A_138] {strides = array<i32>} : memref<391x16xf32, #tpu.memory_space<vmem>>, vector<16xf32>,
      tpu.vector_store %arg11[%swap3A_137, %swap3A_138], %broadcast_in_dim3A_136 {strides = array<i32>} : memref<391x16xf32, #tpu.memory_space<vmem>>, vector<16xf32>,
      %scan3A_140 = arith.constant 0 : i32
      scf.yield %scan3A_140 : i32
    }
    %scan3A_24 = arith.constant 391 : i32
    %mul3A_25 = arith.constant 100000 : i32
    %mul3A_26 = arith.muli %add3A, %mul3A_25 : i32
    %scan3A_27 = arith.constant 0 : i32
    %scan3A_28 = arith.constant 0 : i32
    %scan3A_29 = arith.constant 25 : i32
    %scan3A_30 = arith.addi %scan3A_28, %scan3A_29 : i32
    %scan3A_31 = arith.constant 1 : i32
    %scan3A_32 = scf.for %scan3A_134 = %scan3A_28 to %scan3A_30 step %scan3A_31 iter_args(%scan3A_135 = %scan3A_27) -> (i32)  : i32 {
      %mul3A_136 = arith.constant 4000 : i32
      %mul3A_137 = arith.muli %scan3A_134, %mul3A_136 : i32
      %add3A_138 = arith.addi %mul3A_26, %mul3A_137 : i32
      "tpu.region"() ({
        %run_scoped3A = tpu.sem_alloc : memref<!tpu.dma_semaphore, #tpu.memory_space<semaphore_mem>>
        %dma_start3A = tpu.memref_slice %arg2[%add3A_138] : memref<3200000xi32, #tpu.memory_space<hbm>> -> memref<4000xi32, #tpu.memory_space<hbm>>
        %dma_start3A_147 = tpu.memref_slice %arg2[%add3A_138] : memref<3200000xi32, #tpu.memory_space<hbm>> -> memref<4000xi32, #tpu.memory_space<hbm>>
        tpu.enqueue_dma source(%dma_start3A_147 : memref<4000xi32, #tpu.memory_space<hbm>>) target(%arg7 : memref<4000xi32, #tpu.memory_space<vmem>>) target_semaphore(%run_scoped3A : memref<!tpu.dma_semaphore, #tpu.memory_space<semaphore_mem>>)
        %dma_wait3A = tpu.memref_slice %arg2[%add3A_138] : memref<3200000xi32, #tpu.memory_space<hbm>> -> memref<4000xi32, #tpu.memory_space<hbm>>
        %dma_wait3A_148 = tpu.memref_slice %arg2[%add3A_138] : memref<3200000xi32, #tpu.memory_space<hbm>> -> memref<4000xi32, #tpu.memory_space<hbm>>
        tpu.wait_dma2 semaphore(%run_scoped3A : memref<!tpu.dma_semaphore, #tpu.memory_space<semaphore_mem>>) src(%dma_wait3A_148 : memref<4000xi32, #tpu.memory_space<hbm>>) dst(%arg7 : memref<4000xi32, #tpu.memory_space<vmem>>)
        tpu.yield
      }) : () -> ()
      "tpu.region"() ({
        %run_scoped3A = tpu.sem_alloc : memref<!tpu.dma_semaphore, #tpu.memory_space<semaphore_mem>>
        %dma_start3A = tpu.memref_slice %arg3[%add3A_138] : memref<3200000xi32, #tpu.memory_space<hbm>> -> memref<4000xi32, #tpu.memory_space<hbm>>
        %dma_start3A_147 = tpu.memref_slice %arg3[%add3A_138] : memref<3200000xi32, #tpu.memory_space<hbm>> -> memref<4000xi32, #tpu.memory_space<hbm>>
        tpu.enqueue_dma source(%dma_start3A_147 : memref<4000xi32, #tpu.memory_space<hbm>>) target(%arg8 : memref<4000xi32, #tpu.memory_space<vmem>>) target_semaphore(%run_scoped3A : memref<!tpu.dma_semaphore, #tpu.memory_space<semaphore_mem>>)
        %dma_wait3A = tpu.memref_slice %arg3[%add3A_138] : memref<3200000xi32, #tpu.memory_space<hbm>> -> memref<4000xi32, #tpu.memory_space<hbm>>
        %dma_wait3A_148 = tpu.memref_slice %arg3[%add3A_138] : memref<3200000xi32, #tpu.memory_space<hbm>> -> memref<4000xi32, #tpu.memory_space<hbm>>
        tpu.wait_dma2 semaphore(%run_scoped3A : memref<!tpu.dma_semaphore, #tpu.memory_space<semaphore_mem>>) src(%dma_wait3A_148 : memref<4000xi32, #tpu.memory_space<hbm>>) dst(%arg8 : memref<4000xi32, #tpu.memory_space<vmem>>)
        tpu.yield
      }) : () -> ()
      "tpu.region"() ({
        %run_scoped3A = tpu.sem_alloc : memref<!tpu.dma_semaphore, #tpu.memory_space<semaphore_mem>>
        %dma_start3A = tpu.memref_slice %arg4[%add3A_138] : memref<3200000xf32, #tpu.memory_space<hbm>> -> memref<4000xf32, #tpu.memory_space<hbm>>
        %dma_start3A_147 = tpu.memref_slice %arg4[%add3A_138] : memref<3200000xf32, #tpu.memory_space<hbm>> -> memref<4000xf32, #tpu.memory_space<hbm>>
        tpu.enqueue_dma source(%dma_start3A_147 : memref<4000xf32, #tpu.memory_space<hbm>>) target(%arg9 : memref<4000xf32, #tpu.memory_space<vmem>>) target_semaphore(%run_scoped3A : memref<!tpu.dma_semaphore, #tpu.memory_space<semaphore_mem>>)
        %dma_wait3A = tpu.memref_slice %arg4[%add3A_138] : memref<3200000xf32, #tpu.memory_space<hbm>> -> memref<4000xf32, #tpu.memory_space<hbm>>
        %dma_wait3A_148 = tpu.memref_slice %arg4[%add3A_138] : memref<3200000xf32, #tpu.memory_space<hbm>> -> memref<4000xf32, #tpu.memory_space<hbm>>
        tpu.wait_dma2 semaphore(%run_scoped3A : memref<!tpu.dma_semaphore, #tpu.memory_space<semaphore_mem>>) src(%dma_wait3A_148 : memref<4000xf32, #tpu.memory_space<hbm>>) dst(%arg9 : memref<4000xf32, #tpu.memory_space<vmem>>)
        tpu.yield
      }) : () -> ()
      %scan3A_139 = arith.constant 0 : i32
      %scan3A_140 = arith.constant 0 : i32
      %scan3A_141 = arith.constant 250 : i32
      %scan3A_142 = arith.addi %scan3A_140, %scan3A_141 : i32
      %scan3A_143 = arith.constant 1 : i32
      %scan3A_144 = scf.for %scan3A_147 = %scan3A_140 to %scan3A_142 step %scan3A_143 iter_args(%scan3A_148 = %scan3A_139) -> (i32)  : i32 {
        %mul3A_149 = arith.constant 16 : i32
        %mul3A_150 = arith.muli %scan3A_147, %mul3A_149 : i32
        %get3A = arith.index_cast %mul3A_150 : i32 to index
        %get3A_151 = tpu.vector_load %arg7[%get3A] {strides = array<i32>} : memref<4000xi32, #tpu.memory_space<vmem>>, vector<16xi32>,
        %mul3A_152 = arith.constant 16 : i32
        %mul3A_153 = arith.muli %scan3A_147, %mul3A_152 : i32
        %get3A_154 = arith.index_cast %mul3A_153 : i32 to index
        %get3A_155 = tpu.vector_load %arg8[%get3A_154] {strides = array<i32>} : memref<4000xi32, #tpu.memory_space<vmem>>, vector<16xi32>,
        %mul3A_156 = arith.constant 16 : i32
        %mul3A_157 = arith.muli %scan3A_147, %mul3A_156 : i32
        %get3A_158 = arith.index_cast %mul3A_157 : i32 to index
        %get3A_159 = tpu.vector_load %arg9[%get3A_158] {strides = array<i32>} : memref<4000xf32, #tpu.memory_space<vmem>>, vector<16xf32>,
        %ne3A = arith.cmpi ne, %get3A_151, %get3A_155 : vector<16xi32>
        %broadcast_in_dim3A = arith.constant 0.000000e+00 : f32
        %broadcast_in_dim3A_160 = vector.broadcast %broadcast_in_dim3A : f32 to vector<16xf32>
        %select_n3A = arith.select %ne3A, %get3A_159, %broadcast_in_dim3A_160 : vector<16xi1>, vector<16xf32>
        %shift_right_logical3A = arith.constant 4 : i32
        %shift_right_logical3A_161 = vector.broadcast %shift_right_logical3A : i32 to vector<16xi32>
        %shift_right_logical3A_162 = arith.shrui %get3A_151, %shift_right_logical3A_161 : vector<16xi32>
        %and3A = arith.constant 15 : i32
        %and3A_163 = vector.broadcast %and3A : i32 to vector<16xi32>
        %and3A_164 = arith.andi %get3A_151, %and3A_163 : vector<16xi32>
        tpu.vector_store_idx %arg6[%shift_right_logical3A_162, %and3A_164], %select_n3A {add = true} : memref<6256x16xf32, #tpu.memory_space<vmem>>[vector<16xi32>, vector<16xi32>], vector<16xf32>,
        %scan3A_165 = arith.constant 0 : i32
        scf.yield %scan3A_165 : i32
      }
      %scan3A_145 = arith.constant 250 : i32
      %scan3A_146 = arith.constant 0 : i32
      scf.yield %scan3A_146 : i32
    }
    %scan3A_33 = arith.constant 25 : i32
    %lt3A = arith.constant 2 : i32
    %lt3A_34 = arith.cmpi slt, %arg1, %lt3A : i32
    %convert_element_type3A = arith.extui %lt3A_34 : i1 to i32
    %cond3A = arith.constant 0 : i32
    %cond3A_35 = arith.cmpi ne, %convert_element_type3A, %cond3A : i32
    scf.if %cond3A_35 {
      %mul3A_134 = arith.constant 391 : i32
      %mul3A_135 = arith.muli %arg1, %mul3A_134 : i32
      "tpu.region"() ({
        %run_scoped3A = tpu.sem_alloc : memref<!tpu.dma_semaphore, #tpu.memory_space<semaphore_mem>>
        %dma_start3A = arith.constant 0 : i32
        %dma_start3A_136 = tpu.memref_slice %arg12[%mul3A_135, %dma_start3A] : memref<782x16xf32, #tpu.memory_space<vmem_shared>> -> memref<391x16xf32, #tpu.memory_space<vmem_shared>>
        %dma_start3A_137 = arith.constant 0 : i32
        %dma_start3A_138 = tpu.memref_slice %arg12[%mul3A_135, %dma_start3A_137] : memref<782x16xf32, #tpu.memory_space<vmem_shared>> -> memref<391x16xf32, #tpu.memory_space<vmem_shared>>
        tpu.enqueue_dma source(%arg11 : memref<391x16xf32, #tpu.memory_space<vmem>>) target(%dma_start3A_138 : memref<391x16xf32, #tpu.memory_space<vmem_shared>>) target_semaphore(%run_scoped3A : memref<!tpu.dma_semaphore, #tpu.memory_space<semaphore_mem>>)
        %dma_wait3A = arith.constant 0 : i32
        %dma_wait3A_139 = tpu.memref_slice %arg12[%mul3A_135, %dma_wait3A] : memref<782x16xf32, #tpu.memory_space<vmem_shared>> -> memref<391x16xf32, #tpu.memory_space<vmem_shared>>
        %dma_wait3A_140 = arith.constant 0 : i32
        %dma_wait3A_141 = tpu.memref_slice %arg12[%mul3A_135, %dma_wait3A_140] : memref<782x16xf32, #tpu.memory_space<vmem_shared>> -> memref<391x16xf32, #tpu.memory_space<vmem_shared>>
        tpu.wait_dma2 semaphore(%run_scoped3A : memref<!tpu.dma_semaphore, #tpu.memory_space<semaphore_mem>>) src(%arg11 : memref<391x16xf32, #tpu.memory_space<vmem>>) dst(%dma_wait3A_141 : memref<391x16xf32, #tpu.memory_space<vmem_shared>>)
        tpu.yield
      }) : () -> ()
    } else {
    }
    %barrier3A = arith.constant 0 : index
    tpu.barrier barrier_id(%barrier3A)
    "tpu.region"() ({
      %run_scoped3A = tpu.sem_alloc : memref<!tpu.dma_semaphore, #tpu.memory_space<semaphore_mem>>
      %dma_start3A = arith.constant 0 : i32
      %dma_start3A_134 = arith.constant 0 : i32
      %dma_start3A_135 = tpu.memref_slice %arg6[%dma_start3A, %dma_start3A_134] : memref<6256x16xf32, #tpu.memory_space<vmem>> -> memref<782x16xf32, #tpu.memory_space<vmem>>
      %dma_start3A_136 = arith.constant 0 : i32
      %dma_start3A_137 = arith.constant 0 : i32
      %dma_start3A_138 = tpu.memref_slice %arg12[%dma_start3A_136, %dma_start3A_137] : memref<782x16xf32, #tpu.memory_space<vmem_shared>> -> memref<782x16xf32, #tpu.memory_space<vmem_shared>>
      tpu.enqueue_indirect_dma source(%dma_start3A_135 : memref<782x16xf32, #tpu.memory_space<vmem>>) target(%dma_start3A_138 : memref<782x16xf32, #tpu.memory_space<vmem_shared>>) offsets(%arg10 : memref<782xi32, #tpu.memory_space<vmem>>) semaphore(%run_scoped3A : memref<!tpu.dma_semaphore, #tpu.memory_space<semaphore_mem>>) {add = true}
      %dma_wait3A = arith.constant 0 : i32
      %dma_wait3A_139 = arith.constant 0 : i32
      %dma_wait3A_140 = tpu.memref_slice %arg6[%dma_wait3A, %dma_wait3A_139] : memref<6256x16xf32, #tpu.memory_space<vmem>> -> memref<782x16xf32, #tpu.memory_space<vmem>>
      %dma_wait3A_141 = arith.constant 0 : i32
      %dma_wait3A_142 = arith.constant 0 : i32
      %dma_wait3A_143 = tpu.memref_slice %arg12[%dma_wait3A_141, %dma_wait3A_142] : memref<782x16xf32, #tpu.memory_space<vmem_shared>> -> memref<782x16xf32, #tpu.memory_space<vmem_shared>>
      tpu.wait_indirect_dma semaphore(%run_scoped3A : memref<!tpu.dma_semaphore, #tpu.memory_space<semaphore_mem>>) src(%dma_wait3A_140 : memref<782x16xf32, #tpu.memory_space<vmem>>) dst(%dma_wait3A_143 : memref<782x16xf32, #tpu.memory_space<vmem_shared>>)
      tpu.yield
    }) : () -> ()
    %barrier3A_36 = arith.constant 0 : index
    tpu.barrier barrier_id(%barrier3A_36)
    %lt3A_37 = arith.constant 2 : i32
    %lt3A_38 = arith.cmpi slt, %arg1, %lt3A_37 : i32
    %convert_element_type3A_39 = arith.extui %lt3A_38 : i1 to i32
    %cond3A_40 = arith.constant 0 : i32
    %cond3A_41 = arith.cmpi ne, %convert_element_type3A_39, %cond3A_40 : i32
    scf.if %cond3A_41 {
      %mul3A_134 = arith.constant 391 : i32
      %mul3A_135 = arith.muli %arg1, %mul3A_134 : i32
      %mul3A_136 = arith.constant 6256 : i32
      %mul3A_137 = arith.muli %arg0, %mul3A_136 : i32
      %add3A_138 = arith.constant 0 : i32
      %add3A_139 = arith.addi %mul3A_137, %add3A_138 : i32
      %mul3A_140 = arith.constant 391 : i32
      %mul3A_141 = arith.muli %arg1, %mul3A_140 : i32
      %add3A_142 = arith.addi %add3A_139, %mul3A_141 : i32
      "tpu.region"() ({
        %run_scoped3A = tpu.sem_alloc : memref<!tpu.dma_semaphore, #tpu.memory_space<semaphore_mem>>
        %dma_start3A = arith.constant 0 : i32
        %dma_start3A_143 = tpu.memref_slice %arg5[%add3A_142, %dma_start3A] : memref<12512x16xf32, #tpu.memory_space<hbm>> -> memref<391x16xf32, #tpu.memory_space<hbm>>
        %dma_start3A_144 = arith.constant 0 : i32
        %dma_start3A_145 = tpu.memref_slice %arg12[%mul3A_135, %dma_start3A_144] : memref<782x16xf32, #tpu.memory_space<vmem_shared>> -> memref<391x16xf32, #tpu.memory_space<vmem_shared>>
        tpu.enqueue_dma source(%dma_start3A_145 : memref<391x16xf32, #tpu.memory_space<vmem_shared>>) target(%dma_start3A_143 : memref<391x16xf32, #tpu.memory_space<hbm>>) target_semaphore(%run_scoped3A : memref<!tpu.dma_semaphore, #tpu.memory_space<semaphore_mem>>)
        %dma_wait3A = arith.constant 0 : i32
        %dma_wait3A_146 = tpu.memref_slice %arg5[%add3A_142, %dma_wait3A] : memref<12512x16xf32, #tpu.memory_space<hbm>> -> memref<391x16xf32, #tpu.memory_space<hbm>>
        %dma_wait3A_147 = arith.constant 0 : i32
        %dma_wait3A_148 = tpu.memref_slice %arg12[%mul3A_135, %dma_wait3A_147] : memref<782x16xf32, #tpu.memory_space<vmem_shared>> -> memref<391x16xf32, #tpu.memory_space<vmem_shared>>
        tpu.wait_dma2 semaphore(%run_scoped3A : memref<!tpu.dma_semaphore, #tpu.memory_space<semaphore_mem>>) src(%dma_wait3A_148 : memref<391x16xf32, #tpu.memory_space<vmem_shared>>) dst(%dma_wait3A_146 : memref<391x16xf32, #tpu.memory_space<hbm>>)
        tpu.yield
      }) : () -> ()
    } else {
    }
    %barrier3A_42 = arith.constant 0 : index
    tpu.barrier barrier_id(%barrier3A_42)
    %lt3A_43 = arith.constant 2 : i32
    %lt3A_44 = arith.cmpi slt, %arg1, %lt3A_43 : i32
    %convert_element_type3A_45 = arith.extui %lt3A_44 : i1 to i32
    %cond3A_46 = arith.constant 0 : i32
    %cond3A_47 = arith.cmpi ne, %convert_element_type3A_45, %cond3A_46 : i32
    scf.if %cond3A_47 {
      %mul3A_134 = arith.constant 391 : i32
      %mul3A_135 = arith.muli %arg1, %mul3A_134 : i32
      "tpu.region"() ({
        %run_scoped3A = tpu.sem_alloc : memref<!tpu.dma_semaphore, #tpu.memory_space<semaphore_mem>>
        %dma_start3A = arith.constant 0 : i32
        %dma_start3A_136 = tpu.memref_slice %arg12[%mul3A_135, %dma_start3A] : memref<782x16xf32, #tpu.memory_space<vmem_shared>> -> memref<391x16xf32, #tpu.memory_space<vmem_shared>>
        %dma_start3A_137 = arith.constant 0 : i32
        %dma_start3A_138 = tpu.memref_slice %arg12[%mul3A_135, %dma_start3A_137] : memref<782x16xf32, #tpu.memory_space<vmem_shared>> -> memref<391x16xf32, #tpu.memory_space<vmem_shared>>
        tpu.enqueue_dma source(%arg11 : memref<391x16xf32, #tpu.memory_space<vmem>>) target(%dma_start3A_138 : memref<391x16xf32, #tpu.memory_space<vmem_shared>>) target_semaphore(%run_scoped3A : memref<!tpu.dma_semaphore, #tpu.memory_space<semaphore_mem>>)
        %dma_wait3A = arith.constant 0 : i32
        %dma_wait3A_139 = tpu.memref_slice %arg12[%mul3A_135, %dma_wait3A] : memref<782x16xf32, #tpu.memory_space<vmem_shared>> -> memref<391x16xf32, #tpu.memory_space<vmem_shared>>
        %dma_wait3A_140 = arith.constant 0 : i32
        %dma_wait3A_141 = tpu.memref_slice %arg12[%mul3A_135, %dma_wait3A_140] : memref<782x16xf32, #tpu.memory_space<vmem_shared>> -> memref<391x16xf32, #tpu.memory_space<vmem_shared>>
        tpu.wait_dma2 semaphore(%run_scoped3A : memref<!tpu.dma_semaphore, #tpu.memory_space<semaphore_mem>>) src(%arg11 : memref<391x16xf32, #tpu.memory_space<vmem>>) dst(%dma_wait3A_141 : memref<391x16xf32, #tpu.memory_space<vmem_shared>>)
        tpu.yield
      }) : () -> ()
    } else {
    }
    %barrier3A_48 = arith.constant 0 : index
    tpu.barrier barrier_id(%barrier3A_48)
    "tpu.region"() ({
      %run_scoped3A = tpu.sem_alloc : memref<!tpu.dma_semaphore, #tpu.memory_space<semaphore_mem>>
      %dma_start3A = arith.constant 782 : i32
      %dma_start3A_134 = arith.constant 0 : i32
      %dma_start3A_135 = tpu.memref_slice %arg6[%dma_start3A, %dma_start3A_134] : memref<6256x16xf32, #tpu.memory_space<vmem>> -> memref<782x16xf32, #tpu.memory_space<vmem>>
      %dma_start3A_136 = arith.constant 0 : i32
      %dma_start3A_137 = arith.constant 0 : i32
      %dma_start3A_138 = tpu.memref_slice %arg12[%dma_start3A_136, %dma_start3A_137] : memref<782x16xf32, #tpu.memory_space<vmem_shared>> -> memref<782x16xf32, #tpu.memory_space<vmem_shared>>
      tpu.enqueue_indirect_dma source(%dma_start3A_135 : memref<782x16xf32, #tpu.memory_space<vmem>>) target(%dma_start3A_138 : memref<782x16xf32, #tpu.memory_space<vmem_shared>>) offsets(%arg10 : memref<782xi32, #tpu.memory_space<vmem>>) semaphore(%run_scoped3A : memref<!tpu.dma_semaphore, #tpu.memory_space<semaphore_mem>>) {add = true}
      %dma_wait3A = arith.constant 782 : i32
      %dma_wait3A_139 = arith.constant 0 : i32
      %dma_wait3A_140 = tpu.memref_slice %arg6[%dma_wait3A, %dma_wait3A_139] : memref<6256x16xf32, #tpu.memory_space<vmem>> -> memref<782x16xf32, #tpu.memory_space<vmem>>
      %dma_wait3A_141 = arith.constant 0 : i32
      %dma_wait3A_142 = arith.constant 0 : i32
      %dma_wait3A_143 = tpu.memref_slice %arg12[%dma_wait3A_141, %dma_wait3A_142] : memref<782x16xf32, #tpu.memory_space<vmem_shared>> -> memref<782x16xf32, #tpu.memory_space<vmem_shared>>
      tpu.wait_indirect_dma semaphore(%run_scoped3A : memref<!tpu.dma_semaphore, #tpu.memory_space<semaphore_mem>>) src(%dma_wait3A_140 : memref<782x16xf32, #tpu.memory_space<vmem>>) dst(%dma_wait3A_143 : memref<782x16xf32, #tpu.memory_space<vmem_shared>>)
      tpu.yield
    }) : () -> ()
    %barrier3A_49 = arith.constant 0 : index
    tpu.barrier barrier_id(%barrier3A_49)
    %lt3A_50 = arith.constant 2 : i32
    %lt3A_51 = arith.cmpi slt, %arg1, %lt3A_50 : i32
    %convert_element_type3A_52 = arith.extui %lt3A_51 : i1 to i32
    %cond3A_53 = arith.constant 0 : i32
    %cond3A_54 = arith.cmpi ne, %convert_element_type3A_52, %cond3A_53 : i32
    scf.if %cond3A_54 {
      %mul3A_134 = arith.constant 391 : i32
      %mul3A_135 = arith.muli %arg1, %mul3A_134 : i32
      %mul3A_136 = arith.constant 6256 : i32
      %mul3A_137 = arith.muli %arg0, %mul3A_136 : i32
      %add3A_138 = arith.constant 782 : i32
      %add3A_139 = arith.addi %mul3A_137, %add3A_138 : i32
      %mul3A_140 = arith.constant 391 : i32
      %mul3A_141 = arith.muli %arg1, %mul3A_140 : i32
      %add3A_142 = arith.addi %add3A_139, %mul3A_141 : i32
      "tpu.region"() ({
        %run_scoped3A = tpu.sem_alloc : memref<!tpu.dma_semaphore, #tpu.memory_space<semaphore_mem>>
        %dma_start3A = arith.constant 0 : i32
        %dma_start3A_143 = tpu.memref_slice %arg5[%add3A_142, %dma_start3A] : memref<12512x16xf32, #tpu.memory_space<hbm>> -> memref<391x16xf32, #tpu.memory_space<hbm>>
        %dma_start3A_144 = arith.constant 0 : i32
        %dma_start3A_145 = tpu.memref_slice %arg12[%mul3A_135, %dma_start3A_144] : memref<782x16xf32, #tpu.memory_space<vmem_shared>> -> memref<391x16xf32, #tpu.memory_space<vmem_shared>>
        tpu.enqueue_dma source(%dma_start3A_145 : memref<391x16xf32, #tpu.memory_space<vmem_shared>>) target(%dma_start3A_143 : memref<391x16xf32, #tpu.memory_space<hbm>>) target_semaphore(%run_scoped3A : memref<!tpu.dma_semaphore, #tpu.memory_space<semaphore_mem>>)
        %dma_wait3A = arith.constant 0 : i32
        %dma_wait3A_146 = tpu.memref_slice %arg5[%add3A_142, %dma_wait3A] : memref<12512x16xf32, #tpu.memory_space<hbm>> -> memref<391x16xf32, #tpu.memory_space<hbm>>
        %dma_wait3A_147 = arith.constant 0 : i32
        %dma_wait3A_148 = tpu.memref_slice %arg12[%mul3A_135, %dma_wait3A_147] : memref<782x16xf32, #tpu.memory_space<vmem_shared>> -> memref<391x16xf32, #tpu.memory_space<vmem_shared>>
        tpu.wait_dma2 semaphore(%run_scoped3A : memref<!tpu.dma_semaphore, #tpu.memory_space<semaphore_mem>>) src(%dma_wait3A_148 : memref<391x16xf32, #tpu.memory_space<vmem_shared>>) dst(%dma_wait3A_146 : memref<391x16xf32, #tpu.memory_space<hbm>>)
        tpu.yield
      }) : () -> ()
    } else {
    }
    %barrier3A_55 = arith.constant 0 : index
    tpu.barrier barrier_id(%barrier3A_55)
    %lt3A_56 = arith.constant 2 : i32
    %lt3A_57 = arith.cmpi slt, %arg1, %lt3A_56 : i32
    %convert_element_type3A_58 = arith.extui %lt3A_57 : i1 to i32
    %cond3A_59 = arith.constant 0 : i32
    %cond3A_60 = arith.cmpi ne, %convert_element_type3A_58, %cond3A_59 : i32
    scf.if %cond3A_60 {
      %mul3A_134 = arith.constant 391 : i32
      %mul3A_135 = arith.muli %arg1, %mul3A_134 : i32
      "tpu.region"() ({
        %run_scoped3A = tpu.sem_alloc : memref<!tpu.dma_semaphore, #tpu.memory_space<semaphore_mem>>
        %dma_start3A = arith.constant 0 : i32
        %dma_start3A_136 = tpu.memref_slice %arg12[%mul3A_135, %dma_start3A] : memref<782x16xf32, #tpu.memory_space<vmem_shared>> -> memref<391x16xf32, #tpu.memory_space<vmem_shared>>
        %dma_start3A_137 = arith.constant 0 : i32
        %dma_start3A_138 = tpu.memref_slice %arg12[%mul3A_135, %dma_start3A_137] : memref<782x16xf32, #tpu.memory_space<vmem_shared>> -> memref<391x16xf32, #tpu.memory_space<vmem_shared>>
        tpu.enqueue_dma source(%arg11 : memref<391x16xf32, #tpu.memory_space<vmem>>) target(%dma_start3A_138 : memref<391x16xf32, #tpu.memory_space<vmem_shared>>) target_semaphore(%run_scoped3A : memref<!tpu.dma_semaphore, #tpu.memory_space<semaphore_mem>>)
        %dma_wait3A = arith.constant 0 : i32
        %dma_wait3A_139 = tpu.memref_slice %arg12[%mul3A_135, %dma_wait3A] : memref<782x16xf32, #tpu.memory_space<vmem_shared>> -> memref<391x16xf32, #tpu.memory_space<vmem_shared>>
        %dma_wait3A_140 = arith.constant 0 : i32
        %dma_wait3A_141 = tpu.memref_slice %arg12[%mul3A_135, %dma_wait3A_140] : memref<782x16xf32, #tpu.memory_space<vmem_shared>> -> memref<391x16xf32, #tpu.memory_space<vmem_shared>>
        tpu.wait_dma2 semaphore(%run_scoped3A : memref<!tpu.dma_semaphore, #tpu.memory_space<semaphore_mem>>) src(%arg11 : memref<391x16xf32, #tpu.memory_space<vmem>>) dst(%dma_wait3A_141 : memref<391x16xf32, #tpu.memory_space<vmem_shared>>)
        tpu.yield
      }) : () -> ()
    } else {
    }
    %barrier3A_61 = arith.constant 0 : index
    tpu.barrier barrier_id(%barrier3A_61)
    "tpu.region"() ({
      %run_scoped3A = tpu.sem_alloc : memref<!tpu.dma_semaphore, #tpu.memory_space<semaphore_mem>>
      %dma_start3A = arith.constant 1564 : i32
      %dma_start3A_134 = arith.constant 0 : i32
      %dma_start3A_135 = tpu.memref_slice %arg6[%dma_start3A, %dma_start3A_134] : memref<6256x16xf32, #tpu.memory_space<vmem>> -> memref<782x16xf32, #tpu.memory_space<vmem>>
      %dma_start3A_136 = arith.constant 0 : i32
      %dma_start3A_137 = arith.constant 0 : i32
      %dma_start3A_138 = tpu.memref_slice %arg12[%dma_start3A_136, %dma_start3A_137] : memref<782x16xf32, #tpu.memory_space<vmem_shared>> -> memref<782x16xf32, #tpu.memory_space<vmem_shared>>
      tpu.enqueue_indirect_dma source(%dma_start3A_135 : memref<782x16xf32, #tpu.memory_space<vmem>>) target(%dma_start3A_138 : memref<782x16xf32, #tpu.memory_space<vmem_shared>>) offsets(%arg10 : memref<782xi32, #tpu.memory_space<vmem>>) semaphore(%run_scoped3A : memref<!tpu.dma_semaphore, #tpu.memory_space<semaphore_mem>>) {add = true}
      %dma_wait3A = arith.constant 1564 : i32
      %dma_wait3A_139 = arith.constant 0 : i32
      %dma_wait3A_140 = tpu.memref_slice %arg6[%dma_wait3A, %dma_wait3A_139] : memref<6256x16xf32, #tpu.memory_space<vmem>> -> memref<782x16xf32, #tpu.memory_space<vmem>>
      %dma_wait3A_141 = arith.constant 0 : i32
      %dma_wait3A_142 = arith.constant 0 : i32
      %dma_wait3A_143 = tpu.memref_slice %arg12[%dma_wait3A_141, %dma_wait3A_142] : memref<782x16xf32, #tpu.memory_space<vmem_shared>> -> memref<782x16xf32, #tpu.memory_space<vmem_shared>>
      tpu.wait_indirect_dma semaphore(%run_scoped3A : memref<!tpu.dma_semaphore, #tpu.memory_space<semaphore_mem>>) src(%dma_wait3A_140 : memref<782x16xf32, #tpu.memory_space<vmem>>) dst(%dma_wait3A_143 : memref<782x16xf32, #tpu.memory_space<vmem_shared>>)
      tpu.yield
    }) : () -> ()
    %barrier3A_62 = arith.constant 0 : index
    tpu.barrier barrier_id(%barrier3A_62)
    %lt3A_63 = arith.constant 2 : i32
    %lt3A_64 = arith.cmpi slt, %arg1, %lt3A_63 : i32
    %convert_element_type3A_65 = arith.extui %lt3A_64 : i1 to i32
    %cond3A_66 = arith.constant 0 : i32
    %cond3A_67 = arith.cmpi ne, %convert_element_type3A_65, %cond3A_66 : i32
    scf.if %cond3A_67 {
      %mul3A_134 = arith.constant 391 : i32
      %mul3A_135 = arith.muli %arg1, %mul3A_134 : i32
      %mul3A_136 = arith.constant 6256 : i32
      %mul3A_137 = arith.muli %arg0, %mul3A_136 : i32
      %add3A_138 = arith.constant 1564 : i32
      %add3A_139 = arith.addi %mul3A_137, %add3A_138 : i32
      %mul3A_140 = arith.constant 391 : i32
      %mul3A_141 = arith.muli %arg1, %mul3A_140 : i32
      %add3A_142 = arith.addi %add3A_139, %mul3A_141 : i32
      "tpu.region"() ({
        %run_scoped3A = tpu.sem_alloc : memref<!tpu.dma_semaphore, #tpu.memory_space<semaphore_mem>>
        %dma_start3A = arith.constant 0 : i32
        %dma_start3A_143 = tpu.memref_slice %arg5[%add3A_142, %dma_start3A] : memref<12512x16xf32, #tpu.memory_space<hbm>> -> memref<391x16xf32, #tpu.memory_space<hbm>>
        %dma_start3A_144 = arith.constant 0 : i32
        %dma_start3A_145 = tpu.memref_slice %arg12[%mul3A_135, %dma_start3A_144] : memref<782x16xf32, #tpu.memory_space<vmem_shared>> -> memref<391x16xf32, #tpu.memory_space<vmem_shared>>
        tpu.enqueue_dma source(%dma_start3A_145 : memref<391x16xf32, #tpu.memory_space<vmem_shared>>) target(%dma_start3A_143 : memref<391x16xf32, #tpu.memory_space<hbm>>) target_semaphore(%run_scoped3A : memref<!tpu.dma_semaphore, #tpu.memory_space<semaphore_mem>>)
        %dma_wait3A = arith.constant 0 : i32
        %dma_wait3A_146 = tpu.memref_slice %arg5[%add3A_142, %dma_wait3A] : memref<12512x16xf32, #tpu.memory_space<hbm>> -> memref<391x16xf32, #tpu.memory_space<hbm>>
        %dma_wait3A_147 = arith.constant 0 : i32
        %dma_wait3A_148 = tpu.memref_slice %arg12[%mul3A_135, %dma_wait3A_147] : memref<782x16xf32, #tpu.memory_space<vmem_shared>> -> memref<391x16xf32, #tpu.memory_space<vmem_shared>>
        tpu.wait_dma2 semaphore(%run_scoped3A : memref<!tpu.dma_semaphore, #tpu.memory_space<semaphore_mem>>) src(%dma_wait3A_148 : memref<391x16xf32, #tpu.memory_space<vmem_shared>>) dst(%dma_wait3A_146 : memref<391x16xf32, #tpu.memory_space<hbm>>)
        tpu.yield
      }) : () -> ()
    } else {
    }
    %barrier3A_68 = arith.constant 0 : index
    tpu.barrier barrier_id(%barrier3A_68)
    %lt3A_69 = arith.constant 2 : i32
    %lt3A_70 = arith.cmpi slt, %arg1, %lt3A_69 : i32
    %convert_element_type3A_71 = arith.extui %lt3A_70 : i1 to i32
    %cond3A_72 = arith.constant 0 : i32
    %cond3A_73 = arith.cmpi ne, %convert_element_type3A_71, %cond3A_72 : i32
    scf.if %cond3A_73 {
      %mul3A_134 = arith.constant 391 : i32
      %mul3A_135 = arith.muli %arg1, %mul3A_134 : i32
      "tpu.region"() ({
        %run_scoped3A = tpu.sem_alloc : memref<!tpu.dma_semaphore, #tpu.memory_space<semaphore_mem>>
        %dma_start3A = arith.constant 0 : i32
        %dma_start3A_136 = tpu.memref_slice %arg12[%mul3A_135, %dma_start3A] : memref<782x16xf32, #tpu.memory_space<vmem_shared>> -> memref<391x16xf32, #tpu.memory_space<vmem_shared>>
        %dma_start3A_137 = arith.constant 0 : i32
        %dma_start3A_138 = tpu.memref_slice %arg12[%mul3A_135, %dma_start3A_137] : memref<782x16xf32, #tpu.memory_space<vmem_shared>> -> memref<391x16xf32, #tpu.memory_space<vmem_shared>>
        tpu.enqueue_dma source(%arg11 : memref<391x16xf32, #tpu.memory_space<vmem>>) target(%dma_start3A_138 : memref<391x16xf32, #tpu.memory_space<vmem_shared>>) target_semaphore(%run_scoped3A : memref<!tpu.dma_semaphore, #tpu.memory_space<semaphore_mem>>)
        %dma_wait3A = arith.constant 0 : i32
        %dma_wait3A_139 = tpu.memref_slice %arg12[%mul3A_135, %dma_wait3A] : memref<782x16xf32, #tpu.memory_space<vmem_shared>> -> memref<391x16xf32, #tpu.memory_space<vmem_shared>>
        %dma_wait3A_140 = arith.constant 0 : i32
        %dma_wait3A_141 = tpu.memref_slice %arg12[%mul3A_135, %dma_wait3A_140] : memref<782x16xf32, #tpu.memory_space<vmem_shared>> -> memref<391x16xf32, #tpu.memory_space<vmem_shared>>
        tpu.wait_dma2 semaphore(%run_scoped3A : memref<!tpu.dma_semaphore, #tpu.memory_space<semaphore_mem>>) src(%arg11 : memref<391x16xf32, #tpu.memory_space<vmem>>) dst(%dma_wait3A_141 : memref<391x16xf32, #tpu.memory_space<vmem_shared>>)
        tpu.yield
      }) : () -> ()
    } else {
    }
    %barrier3A_74 = arith.constant 0 : index
    tpu.barrier barrier_id(%barrier3A_74)
    "tpu.region"() ({
      %run_scoped3A = tpu.sem_alloc : memref<!tpu.dma_semaphore, #tpu.memory_space<semaphore_mem>>
      %dma_start3A = arith.constant 2346 : i32
      %dma_start3A_134 = arith.constant 0 : i32
      %dma_start3A_135 = tpu.memref_slice %arg6[%dma_start3A, %dma_start3A_134] : memref<6256x16xf32, #tpu.memory_space<vmem>> -> memref<782x16xf32, #tpu.memory_space<vmem>>
      %dma_start3A_136 = arith.constant 0 : i32
      %dma_start3A_137 = arith.constant 0 : i32
      %dma_start3A_138 = tpu.memref_slice %arg12[%dma_start3A_136, %dma_start3A_137] : memref<782x16xf32, #tpu.memory_space<vmem_shared>> -> memref<782x16xf32, #tpu.memory_space<vmem_shared>>
      tpu.enqueue_indirect_dma source(%dma_start3A_135 : memref<782x16xf32, #tpu.memory_space<vmem>>) target(%dma_start3A_138 : memref<782x16xf32, #tpu.memory_space<vmem_shared>>) offsets(%arg10 : memref<782xi32, #tpu.memory_space<vmem>>) semaphore(%run_scoped3A : memref<!tpu.dma_semaphore, #tpu.memory_space<semaphore_mem>>) {add = true}
      %dma_wait3A = arith.constant 2346 : i32
      %dma_wait3A_139 = arith.constant 0 : i32
      %dma_wait3A_140 = tpu.memref_slice %arg6[%dma_wait3A, %dma_wait3A_139] : memref<6256x16xf32, #tpu.memory_space<vmem>> -> memref<782x16xf32, #tpu.memory_space<vmem>>
      %dma_wait3A_141 = arith.constant 0 : i32
      %dma_wait3A_142 = arith.constant 0 : i32
      %dma_wait3A_143 = tpu.memref_slice %arg12[%dma_wait3A_141, %dma_wait3A_142] : memref<782x16xf32, #tpu.memory_space<vmem_shared>> -> memref<782x16xf32, #tpu.memory_space<vmem_shared>>
      tpu.wait_indirect_dma semaphore(%run_scoped3A : memref<!tpu.dma_semaphore, #tpu.memory_space<semaphore_mem>>) src(%dma_wait3A_140 : memref<782x16xf32, #tpu.memory_space<vmem>>) dst(%dma_wait3A_143 : memref<782x16xf32, #tpu.memory_space<vmem_shared>>)
      tpu.yield
    }) : () -> ()
    %barrier3A_75 = arith.constant 0 : index
    tpu.barrier barrier_id(%barrier3A_75)
    %lt3A_76 = arith.constant 2 : i32
    %lt3A_77 = arith.cmpi slt, %arg1, %lt3A_76 : i32
    %convert_element_type3A_78 = arith.extui %lt3A_77 : i1 to i32
    %cond3A_79 = arith.constant 0 : i32
    %cond3A_80 = arith.cmpi ne, %convert_element_type3A_78, %cond3A_79 : i32
    scf.if %cond3A_80 {
      %mul3A_134 = arith.constant 391 : i32
      %mul3A_135 = arith.muli %arg1, %mul3A_134 : i32
      %mul3A_136 = arith.constant 6256 : i32
      %mul3A_137 = arith.muli %arg0, %mul3A_136 : i32
      %add3A_138 = arith.constant 2346 : i32
      %add3A_139 = arith.addi %mul3A_137, %add3A_138 : i32
      %mul3A_140 = arith.constant 391 : i32
      %mul3A_141 = arith.muli %arg1, %mul3A_140 : i32
      %add3A_142 = arith.addi %add3A_139, %mul3A_141 : i32
      "tpu.region"() ({
        %run_scoped3A = tpu.sem_alloc : memref<!tpu.dma_semaphore, #tpu.memory_space<semaphore_mem>>
        %dma_start3A = arith.constant 0 : i32
        %dma_start3A_143 = tpu.memref_slice %arg5[%add3A_142, %dma_start3A] : memref<12512x16xf32, #tpu.memory_space<hbm>> -> memref<391x16xf32, #tpu.memory_space<hbm>>
        %dma_start3A_144 = arith.constant 0 : i32
        %dma_start3A_145 = tpu.memref_slice %arg12[%mul3A_135, %dma_start3A_144] : memref<782x16xf32, #tpu.memory_space<vmem_shared>> -> memref<391x16xf32, #tpu.memory_space<vmem_shared>>
        tpu.enqueue_dma source(%dma_start3A_145 : memref<391x16xf32, #tpu.memory_space<vmem_shared>>) target(%dma_start3A_143 : memref<391x16xf32, #tpu.memory_space<hbm>>) target_semaphore(%run_scoped3A : memref<!tpu.dma_semaphore, #tpu.memory_space<semaphore_mem>>)
        %dma_wait3A = arith.constant 0 : i32
        %dma_wait3A_146 = tpu.memref_slice %arg5[%add3A_142, %dma_wait3A] : memref<12512x16xf32, #tpu.memory_space<hbm>> -> memref<391x16xf32, #tpu.memory_space<hbm>>
        %dma_wait3A_147 = arith.constant 0 : i32
        %dma_wait3A_148 = tpu.memref_slice %arg12[%mul3A_135, %dma_wait3A_147] : memref<782x16xf32, #tpu.memory_space<vmem_shared>> -> memref<391x16xf32, #tpu.memory_space<vmem_shared>>
        tpu.wait_dma2 semaphore(%run_scoped3A : memref<!tpu.dma_semaphore, #tpu.memory_space<semaphore_mem>>) src(%dma_wait3A_148 : memref<391x16xf32, #tpu.memory_space<vmem_shared>>) dst(%dma_wait3A_146 : memref<391x16xf32, #tpu.memory_space<hbm>>)
        tpu.yield
      }) : () -> ()
    } else {
    }
    %barrier3A_81 = arith.constant 0 : index
    tpu.barrier barrier_id(%barrier3A_81)
    %lt3A_82 = arith.constant 2 : i32
    %lt3A_83 = arith.cmpi slt, %arg1, %lt3A_82 : i32
    %convert_element_type3A_84 = arith.extui %lt3A_83 : i1 to i32
    %cond3A_85 = arith.constant 0 : i32
    %cond3A_86 = arith.cmpi ne, %convert_element_type3A_84, %cond3A_85 : i32
    scf.if %cond3A_86 {
      %mul3A_134 = arith.constant 391 : i32
      %mul3A_135 = arith.muli %arg1, %mul3A_134 : i32
      "tpu.region"() ({
        %run_scoped3A = tpu.sem_alloc : memref<!tpu.dma_semaphore, #tpu.memory_space<semaphore_mem>>
        %dma_start3A = arith.constant 0 : i32
        %dma_start3A_136 = tpu.memref_slice %arg12[%mul3A_135, %dma_start3A] : memref<782x16xf32, #tpu.memory_space<vmem_shared>> -> memref<391x16xf32, #tpu.memory_space<vmem_shared>>
        %dma_start3A_137 = arith.constant 0 : i32
        %dma_start3A_138 = tpu.memref_slice %arg12[%mul3A_135, %dma_start3A_137] : memref<782x16xf32, #tpu.memory_space<vmem_shared>> -> memref<391x16xf32, #tpu.memory_space<vmem_shared>>
        tpu.enqueue_dma source(%arg11 : memref<391x16xf32, #tpu.memory_space<vmem>>) target(%dma_start3A_138 : memref<391x16xf32, #tpu.memory_space<vmem_shared>>) target_semaphore(%run_scoped3A : memref<!tpu.dma_semaphore, #tpu.memory_space<semaphore_mem>>)
        %dma_wait3A = arith.constant 0 : i32
        %dma_wait3A_139 = tpu.memref_slice %arg12[%mul3A_135, %dma_wait3A] : memref<782x16xf32, #tpu.memory_space<vmem_shared>> -> memref<391x16xf32, #tpu.memory_space<vmem_shared>>
        %dma_wait3A_140 = arith.constant 0 : i32
        %dma_wait3A_141 = tpu.memref_slice %arg12[%mul3A_135, %dma_wait3A_140] : memref<782x16xf32, #tpu.memory_space<vmem_shared>> -> memref<391x16xf32, #tpu.memory_space<vmem_shared>>
        tpu.wait_dma2 semaphore(%run_scoped3A : memref<!tpu.dma_semaphore, #tpu.memory_space<semaphore_mem>>) src(%arg11 : memref<391x16xf32, #tpu.memory_space<vmem>>) dst(%dma_wait3A_141 : memref<391x16xf32, #tpu.memory_space<vmem_shared>>)
        tpu.yield
      }) : () -> ()
    } else {
    }
    %barrier3A_87 = arith.constant 0 : index
    tpu.barrier barrier_id(%barrier3A_87)
    "tpu.region"() ({
      %run_scoped3A = tpu.sem_alloc : memref<!tpu.dma_semaphore, #tpu.memory_space<semaphore_mem>>
      %dma_start3A = arith.constant 3128 : i32
      %dma_start3A_134 = arith.constant 0 : i32
      %dma_start3A_135 = tpu.memref_slice %arg6[%dma_start3A, %dma_start3A_134] : memref<6256x16xf32, #tpu.memory_space<vmem>> -> memref<782x16xf32, #tpu.memory_space<vmem>>
      %dma_start3A_136 = arith.constant 0 : i32
      %dma_start3A_137 = arith.constant 0 : i32
      %dma_start3A_138 = tpu.memref_slice %arg12[%dma_start3A_136, %dma_start3A_137] : memref<782x16xf32, #tpu.memory_space<vmem_shared>> -> memref<782x16xf32, #tpu.memory_space<vmem_shared>>
      tpu.enqueue_indirect_dma source(%dma_start3A_135 : memref<782x16xf32, #tpu.memory_space<vmem>>) target(%dma_start3A_138 : memref<782x16xf32, #tpu.memory_space<vmem_shared>>) offsets(%arg10 : memref<782xi32, #tpu.memory_space<vmem>>) semaphore(%run_scoped3A : memref<!tpu.dma_semaphore, #tpu.memory_space<semaphore_mem>>) {add = true}
      %dma_wait3A = arith.constant 3128 : i32
      %dma_wait3A_139 = arith.constant 0 : i32
      %dma_wait3A_140 = tpu.memref_slice %arg6[%dma_wait3A, %dma_wait3A_139] : memref<6256x16xf32, #tpu.memory_space<vmem>> -> memref<782x16xf32, #tpu.memory_space<vmem>>
      %dma_wait3A_141 = arith.constant 0 : i32
      %dma_wait3A_142 = arith.constant 0 : i32
      %dma_wait3A_143 = tpu.memref_slice %arg12[%dma_wait3A_141, %dma_wait3A_142] : memref<782x16xf32, #tpu.memory_space<vmem_shared>> -> memref<782x16xf32, #tpu.memory_space<vmem_shared>>
      tpu.wait_indirect_dma semaphore(%run_scoped3A : memref<!tpu.dma_semaphore, #tpu.memory_space<semaphore_mem>>) src(%dma_wait3A_140 : memref<782x16xf32, #tpu.memory_space<vmem>>) dst(%dma_wait3A_143 : memref<782x16xf32, #tpu.memory_space<vmem_shared>>)
      tpu.yield
    }) : () -> ()
    %barrier3A_88 = arith.constant 0 : index
    tpu.barrier barrier_id(%barrier3A_88)
    %lt3A_89 = arith.constant 2 : i32
    %lt3A_90 = arith.cmpi slt, %arg1, %lt3A_89 : i32
    %convert_element_type3A_91 = arith.extui %lt3A_90 : i1 to i32
    %cond3A_92 = arith.constant 0 : i32
    %cond3A_93 = arith.cmpi ne, %convert_element_type3A_91, %cond3A_92 : i32
    scf.if %cond3A_93 {
      %mul3A_134 = arith.constant 391 : i32
      %mul3A_135 = arith.muli %arg1, %mul3A_134 : i32
      %mul3A_136 = arith.constant 6256 : i32
      %mul3A_137 = arith.muli %arg0, %mul3A_136 : i32
      %add3A_138 = arith.constant 3128 : i32
      %add3A_139 = arith.addi %mul3A_137, %add3A_138 : i32
      %mul3A_140 = arith.constant 391 : i32
      %mul3A_141 = arith.muli %arg1, %mul3A_140 : i32
      %add3A_142 = arith.addi %add3A_139, %mul3A_141 : i32
      "tpu.region"() ({
        %run_scoped3A = tpu.sem_alloc : memref<!tpu.dma_semaphore, #tpu.memory_space<semaphore_mem>>
        %dma_start3A = arith.constant 0 : i32
        %dma_start3A_143 = tpu.memref_slice %arg5[%add3A_142, %dma_start3A] : memref<12512x16xf32, #tpu.memory_space<hbm>> -> memref<391x16xf32, #tpu.memory_space<hbm>>
        %dma_start3A_144 = arith.constant 0 : i32
        %dma_start3A_145 = tpu.memref_slice %arg12[%mul3A_135, %dma_start3A_144] : memref<782x16xf32, #tpu.memory_space<vmem_shared>> -> memref<391x16xf32, #tpu.memory_space<vmem_shared>>
        tpu.enqueue_dma source(%dma_start3A_145 : memref<391x16xf32, #tpu.memory_space<vmem_shared>>) target(%dma_start3A_143 : memref<391x16xf32, #tpu.memory_space<hbm>>) target_semaphore(%run_scoped3A : memref<!tpu.dma_semaphore, #tpu.memory_space<semaphore_mem>>)
        %dma_wait3A = arith.constant 0 : i32
        %dma_wait3A_146 = tpu.memref_slice %arg5[%add3A_142, %dma_wait3A] : memref<12512x16xf32, #tpu.memory_space<hbm>> -> memref<391x16xf32, #tpu.memory_space<hbm>>
        %dma_wait3A_147 = arith.constant 0 : i32
        %dma_wait3A_148 = tpu.memref_slice %arg12[%mul3A_135, %dma_wait3A_147] : memref<782x16xf32, #tpu.memory_space<vmem_shared>> -> memref<391x16xf32, #tpu.memory_space<vmem_shared>>
        tpu.wait_dma2 semaphore(%run_scoped3A : memref<!tpu.dma_semaphore, #tpu.memory_space<semaphore_mem>>) src(%dma_wait3A_148 : memref<391x16xf32, #tpu.memory_space<vmem_shared>>) dst(%dma_wait3A_146 : memref<391x16xf32, #tpu.memory_space<hbm>>)
        tpu.yield
      }) : () -> ()
    } else {
    }
    %barrier3A_94 = arith.constant 0 : index
    tpu.barrier barrier_id(%barrier3A_94)
    %lt3A_95 = arith.constant 2 : i32
    %lt3A_96 = arith.cmpi slt, %arg1, %lt3A_95 : i32
    %convert_element_type3A_97 = arith.extui %lt3A_96 : i1 to i32
    %cond3A_98 = arith.constant 0 : i32
    %cond3A_99 = arith.cmpi ne, %convert_element_type3A_97, %cond3A_98 : i32
    scf.if %cond3A_99 {
      %mul3A_134 = arith.constant 391 : i32
      %mul3A_135 = arith.muli %arg1, %mul3A_134 : i32
      "tpu.region"() ({
        %run_scoped3A = tpu.sem_alloc : memref<!tpu.dma_semaphore, #tpu.memory_space<semaphore_mem>>
        %dma_start3A = arith.constant 0 : i32
        %dma_start3A_136 = tpu.memref_slice %arg12[%mul3A_135, %dma_start3A] : memref<782x16xf32, #tpu.memory_space<vmem_shared>> -> memref<391x16xf32, #tpu.memory_space<vmem_shared>>
        %dma_start3A_137 = arith.constant 0 : i32
        %dma_start3A_138 = tpu.memref_slice %arg12[%mul3A_135, %dma_start3A_137] : memref<782x16xf32, #tpu.memory_space<vmem_shared>> -> memref<391x16xf32, #tpu.memory_space<vmem_shared>>
        tpu.enqueue_dma source(%arg11 : memref<391x16xf32, #tpu.memory_space<vmem>>) target(%dma_start3A_138 : memref<391x16xf32, #tpu.memory_space<vmem_shared>>) target_semaphore(%run_scoped3A : memref<!tpu.dma_semaphore, #tpu.memory_space<semaphore_mem>>)
        %dma_wait3A = arith.constant 0 : i32
        %dma_wait3A_139 = tpu.memref_slice %arg12[%mul3A_135, %dma_wait3A] : memref<782x16xf32, #tpu.memory_space<vmem_shared>> -> memref<391x16xf32, #tpu.memory_space<vmem_shared>>
        %dma_wait3A_140 = arith.constant 0 : i32
        %dma_wait3A_141 = tpu.memref_slice %arg12[%mul3A_135, %dma_wait3A_140] : memref<782x16xf32, #tpu.memory_space<vmem_shared>> -> memref<391x16xf32, #tpu.memory_space<vmem_shared>>
        tpu.wait_dma2 semaphore(%run_scoped3A : memref<!tpu.dma_semaphore, #tpu.memory_space<semaphore_mem>>) src(%arg11 : memref<391x16xf32, #tpu.memory_space<vmem>>) dst(%dma_wait3A_141 : memref<391x16xf32, #tpu.memory_space<vmem_shared>>)
        tpu.yield
      }) : () -> ()
    } else {
    }
    %barrier3A_100 = arith.constant 0 : index
    tpu.barrier barrier_id(%barrier3A_100)
    "tpu.region"() ({
      %run_scoped3A = tpu.sem_alloc : memref<!tpu.dma_semaphore, #tpu.memory_space<semaphore_mem>>
      %dma_start3A = arith.constant 3910 : i32
      %dma_start3A_134 = arith.constant 0 : i32
      %dma_start3A_135 = tpu.memref_slice %arg6[%dma_start3A, %dma_start3A_134] : memref<6256x16xf32, #tpu.memory_space<vmem>> -> memref<782x16xf32, #tpu.memory_space<vmem>>
      %dma_start3A_136 = arith.constant 0 : i32
      %dma_start3A_137 = arith.constant 0 : i32
      %dma_start3A_138 = tpu.memref_slice %arg12[%dma_start3A_136, %dma_start3A_137] : memref<782x16xf32, #tpu.memory_space<vmem_shared>> -> memref<782x16xf32, #tpu.memory_space<vmem_shared>>
      tpu.enqueue_indirect_dma source(%dma_start3A_135 : memref<782x16xf32, #tpu.memory_space<vmem>>) target(%dma_start3A_138 : memref<782x16xf32, #tpu.memory_space<vmem_shared>>) offsets(%arg10 : memref<782xi32, #tpu.memory_space<vmem>>) semaphore(%run_scoped3A : memref<!tpu.dma_semaphore, #tpu.memory_space<semaphore_mem>>) {add = true}
      %dma_wait3A = arith.constant 3910 : i32
      %dma_wait3A_139 = arith.constant 0 : i32
      %dma_wait3A_140 = tpu.memref_slice %arg6[%dma_wait3A, %dma_wait3A_139] : memref<6256x16xf32, #tpu.memory_space<vmem>> -> memref<782x16xf32, #tpu.memory_space<vmem>>
      %dma_wait3A_141 = arith.constant 0 : i32
      %dma_wait3A_142 = arith.constant 0 : i32
      %dma_wait3A_143 = tpu.memref_slice %arg12[%dma_wait3A_141, %dma_wait3A_142] : memref<782x16xf32, #tpu.memory_space<vmem_shared>> -> memref<782x16xf32, #tpu.memory_space<vmem_shared>>
      tpu.wait_indirect_dma semaphore(%run_scoped3A : memref<!tpu.dma_semaphore, #tpu.memory_space<semaphore_mem>>) src(%dma_wait3A_140 : memref<782x16xf32, #tpu.memory_space<vmem>>) dst(%dma_wait3A_143 : memref<782x16xf32, #tpu.memory_space<vmem_shared>>)
      tpu.yield
    }) : () -> ()
    %barrier3A_101 = arith.constant 0 : index
    tpu.barrier barrier_id(%barrier3A_101)
    %lt3A_102 = arith.constant 2 : i32
    %lt3A_103 = arith.cmpi slt, %arg1, %lt3A_102 : i32
    %convert_element_type3A_104 = arith.extui %lt3A_103 : i1 to i32
    %cond3A_105 = arith.constant 0 : i32
    %cond3A_106 = arith.cmpi ne, %convert_element_type3A_104, %cond3A_105 : i32
    scf.if %cond3A_106 {
      %mul3A_134 = arith.constant 391 : i32
      %mul3A_135 = arith.muli %arg1, %mul3A_134 : i32
      %mul3A_136 = arith.constant 6256 : i32
      %mul3A_137 = arith.muli %arg0, %mul3A_136 : i32
      %add3A_138 = arith.constant 3910 : i32
      %add3A_139 = arith.addi %mul3A_137, %add3A_138 : i32
      %mul3A_140 = arith.constant 391 : i32
      %mul3A_141 = arith.muli %arg1, %mul3A_140 : i32
      %add3A_142 = arith.addi %add3A_139, %mul3A_141 : i32
      "tpu.region"() ({
        %run_scoped3A = tpu.sem_alloc : memref<!tpu.dma_semaphore, #tpu.memory_space<semaphore_mem>>
        %dma_start3A = arith.constant 0 : i32
        %dma_start3A_143 = tpu.memref_slice %arg5[%add3A_142, %dma_start3A] : memref<12512x16xf32, #tpu.memory_space<hbm>> -> memref<391x16xf32, #tpu.memory_space<hbm>>
        %dma_start3A_144 = arith.constant 0 : i32
        %dma_start3A_145 = tpu.memref_slice %arg12[%mul3A_135, %dma_start3A_144] : memref<782x16xf32, #tpu.memory_space<vmem_shared>> -> memref<391x16xf32, #tpu.memory_space<vmem_shared>>
        tpu.enqueue_dma source(%dma_start3A_145 : memref<391x16xf32, #tpu.memory_space<vmem_shared>>) target(%dma_start3A_143 : memref<391x16xf32, #tpu.memory_space<hbm>>) target_semaphore(%run_scoped3A : memref<!tpu.dma_semaphore, #tpu.memory_space<semaphore_mem>>)
        %dma_wait3A = arith.constant 0 : i32
        %dma_wait3A_146 = tpu.memref_slice %arg5[%add3A_142, %dma_wait3A] : memref<12512x16xf32, #tpu.memory_space<hbm>> -> memref<391x16xf32, #tpu.memory_space<hbm>>
        %dma_wait3A_147 = arith.constant 0 : i32
        %dma_wait3A_148 = tpu.memref_slice %arg12[%mul3A_135, %dma_wait3A_147] : memref<782x16xf32, #tpu.memory_space<vmem_shared>> -> memref<391x16xf32, #tpu.memory_space<vmem_shared>>
        tpu.wait_dma2 semaphore(%run_scoped3A : memref<!tpu.dma_semaphore, #tpu.memory_space<semaphore_mem>>) src(%dma_wait3A_148 : memref<391x16xf32, #tpu.memory_space<vmem_shared>>) dst(%dma_wait3A_146 : memref<391x16xf32, #tpu.memory_space<hbm>>)
        tpu.yield
      }) : () -> ()
    } else {
    }
    %barrier3A_107 = arith.constant 0 : index
    tpu.barrier barrier_id(%barrier3A_107)
    %lt3A_108 = arith.constant 2 : i32
    %lt3A_109 = arith.cmpi slt, %arg1, %lt3A_108 : i32
    %convert_element_type3A_110 = arith.extui %lt3A_109 : i1 to i32
    %cond3A_111 = arith.constant 0 : i32
    %cond3A_112 = arith.cmpi ne, %convert_element_type3A_110, %cond3A_111 : i32
    scf.if %cond3A_112 {
      %mul3A_134 = arith.constant 391 : i32
      %mul3A_135 = arith.muli %arg1, %mul3A_134 : i32
      "tpu.region"() ({
        %run_scoped3A = tpu.sem_alloc : memref<!tpu.dma_semaphore, #tpu.memory_space<semaphore_mem>>
        %dma_start3A = arith.constant 0 : i32
        %dma_start3A_136 = tpu.memref_slice %arg12[%mul3A_135, %dma_start3A] : memref<782x16xf32, #tpu.memory_space<vmem_shared>> -> memref<391x16xf32, #tpu.memory_space<vmem_shared>>
        %dma_start3A_137 = arith.constant 0 : i32
        %dma_start3A_138 = tpu.memref_slice %arg12[%mul3A_135, %dma_start3A_137] : memref<782x16xf32, #tpu.memory_space<vmem_shared>> -> memref<391x16xf32, #tpu.memory_space<vmem_shared>>
        tpu.enqueue_dma source(%arg11 : memref<391x16xf32, #tpu.memory_space<vmem>>) target(%dma_start3A_138 : memref<391x16xf32, #tpu.memory_space<vmem_shared>>) target_semaphore(%run_scoped3A : memref<!tpu.dma_semaphore, #tpu.memory_space<semaphore_mem>>)
        %dma_wait3A = arith.constant 0 : i32
        %dma_wait3A_139 = tpu.memref_slice %arg12[%mul3A_135, %dma_wait3A] : memref<782x16xf32, #tpu.memory_space<vmem_shared>> -> memref<391x16xf32, #tpu.memory_space<vmem_shared>>
        %dma_wait3A_140 = arith.constant 0 : i32
        %dma_wait3A_141 = tpu.memref_slice %arg12[%mul3A_135, %dma_wait3A_140] : memref<782x16xf32, #tpu.memory_space<vmem_shared>> -> memref<391x16xf32, #tpu.memory_space<vmem_shared>>
        tpu.wait_dma2 semaphore(%run_scoped3A : memref<!tpu.dma_semaphore, #tpu.memory_space<semaphore_mem>>) src(%arg11 : memref<391x16xf32, #tpu.memory_space<vmem>>) dst(%dma_wait3A_141 : memref<391x16xf32, #tpu.memory_space<vmem_shared>>)
        tpu.yield
      }) : () -> ()
    } else {
    }
    %barrier3A_113 = arith.constant 0 : index
    tpu.barrier barrier_id(%barrier3A_113)
    "tpu.region"() ({
      %run_scoped3A = tpu.sem_alloc : memref<!tpu.dma_semaphore, #tpu.memory_space<semaphore_mem>>
      %dma_start3A = arith.constant 4692 : i32
      %dma_start3A_134 = arith.constant 0 : i32
      %dma_start3A_135 = tpu.memref_slice %arg6[%dma_start3A, %dma_start3A_134] : memref<6256x16xf32, #tpu.memory_space<vmem>> -> memref<782x16xf32, #tpu.memory_space<vmem>>
      %dma_start3A_136 = arith.constant 0 : i32
      %dma_start3A_137 = arith.constant 0 : i32
      %dma_start3A_138 = tpu.memref_slice %arg12[%dma_start3A_136, %dma_start3A_137] : memref<782x16xf32, #tpu.memory_space<vmem_shared>> -> memref<782x16xf32, #tpu.memory_space<vmem_shared>>
      tpu.enqueue_indirect_dma source(%dma_start3A_135 : memref<782x16xf32, #tpu.memory_space<vmem>>) target(%dma_start3A_138 : memref<782x16xf32, #tpu.memory_space<vmem_shared>>) offsets(%arg10 : memref<782xi32, #tpu.memory_space<vmem>>) semaphore(%run_scoped3A : memref<!tpu.dma_semaphore, #tpu.memory_space<semaphore_mem>>) {add = true}
      %dma_wait3A = arith.constant 4692 : i32
      %dma_wait3A_139 = arith.constant 0 : i32
      %dma_wait3A_140 = tpu.memref_slice %arg6[%dma_wait3A, %dma_wait3A_139] : memref<6256x16xf32, #tpu.memory_space<vmem>> -> memref<782x16xf32, #tpu.memory_space<vmem>>
      %dma_wait3A_141 = arith.constant 0 : i32
      %dma_wait3A_142 = arith.constant 0 : i32
      %dma_wait3A_143 = tpu.memref_slice %arg12[%dma_wait3A_141, %dma_wait3A_142] : memref<782x16xf32, #tpu.memory_space<vmem_shared>> -> memref<782x16xf32, #tpu.memory_space<vmem_shared>>
      tpu.wait_indirect_dma semaphore(%run_scoped3A : memref<!tpu.dma_semaphore, #tpu.memory_space<semaphore_mem>>) src(%dma_wait3A_140 : memref<782x16xf32, #tpu.memory_space<vmem>>) dst(%dma_wait3A_143 : memref<782x16xf32, #tpu.memory_space<vmem_shared>>)
      tpu.yield
    }) : () -> ()
    %barrier3A_114 = arith.constant 0 : index
    tpu.barrier barrier_id(%barrier3A_114)
    %lt3A_115 = arith.constant 2 : i32
    %lt3A_116 = arith.cmpi slt, %arg1, %lt3A_115 : i32
    %convert_element_type3A_117 = arith.extui %lt3A_116 : i1 to i32
    %cond3A_118 = arith.constant 0 : i32
    %cond3A_119 = arith.cmpi ne, %convert_element_type3A_117, %cond3A_118 : i32
    scf.if %cond3A_119 {
      %mul3A_134 = arith.constant 391 : i32
      %mul3A_135 = arith.muli %arg1, %mul3A_134 : i32
      %mul3A_136 = arith.constant 6256 : i32
      %mul3A_137 = arith.muli %arg0, %mul3A_136 : i32
      %add3A_138 = arith.constant 4692 : i32
      %add3A_139 = arith.addi %mul3A_137, %add3A_138 : i32
      %mul3A_140 = arith.constant 391 : i32
      %mul3A_141 = arith.muli %arg1, %mul3A_140 : i32
      %add3A_142 = arith.addi %add3A_139, %mul3A_141 : i32
      "tpu.region"() ({
        %run_scoped3A = tpu.sem_alloc : memref<!tpu.dma_semaphore, #tpu.memory_space<semaphore_mem>>
        %dma_start3A = arith.constant 0 : i32
        %dma_start3A_143 = tpu.memref_slice %arg5[%add3A_142, %dma_start3A] : memref<12512x16xf32, #tpu.memory_space<hbm>> -> memref<391x16xf32, #tpu.memory_space<hbm>>
        %dma_start3A_144 = arith.constant 0 : i32
        %dma_start3A_145 = tpu.memref_slice %arg12[%mul3A_135, %dma_start3A_144] : memref<782x16xf32, #tpu.memory_space<vmem_shared>> -> memref<391x16xf32, #tpu.memory_space<vmem_shared>>
        tpu.enqueue_dma source(%dma_start3A_145 : memref<391x16xf32, #tpu.memory_space<vmem_shared>>) target(%dma_start3A_143 : memref<391x16xf32, #tpu.memory_space<hbm>>) target_semaphore(%run_scoped3A : memref<!tpu.dma_semaphore, #tpu.memory_space<semaphore_mem>>)
        %dma_wait3A = arith.constant 0 : i32
        %dma_wait3A_146 = tpu.memref_slice %arg5[%add3A_142, %dma_wait3A] : memref<12512x16xf32, #tpu.memory_space<hbm>> -> memref<391x16xf32, #tpu.memory_space<hbm>>
        %dma_wait3A_147 = arith.constant 0 : i32
        %dma_wait3A_148 = tpu.memref_slice %arg12[%mul3A_135, %dma_wait3A_147] : memref<782x16xf32, #tpu.memory_space<vmem_shared>> -> memref<391x16xf32, #tpu.memory_space<vmem_shared>>
        tpu.wait_dma2 semaphore(%run_scoped3A : memref<!tpu.dma_semaphore, #tpu.memory_space<semaphore_mem>>) src(%dma_wait3A_148 : memref<391x16xf32, #tpu.memory_space<vmem_shared>>) dst(%dma_wait3A_146 : memref<391x16xf32, #tpu.memory_space<hbm>>)
        tpu.yield
      }) : () -> ()
    } else {
    }
    %barrier3A_120 = arith.constant 0 : index
    tpu.barrier barrier_id(%barrier3A_120)
    %lt3A_121 = arith.constant 2 : i32
    %lt3A_122 = arith.cmpi slt, %arg1, %lt3A_121 : i32
    %convert_element_type3A_123 = arith.extui %lt3A_122 : i1 to i32
    %cond3A_124 = arith.constant 0 : i32
    %cond3A_125 = arith.cmpi ne, %convert_element_type3A_123, %cond3A_124 : i32
    scf.if %cond3A_125 {
      %mul3A_134 = arith.constant 391 : i32
      %mul3A_135 = arith.muli %arg1, %mul3A_134 : i32
      "tpu.region"() ({
        %run_scoped3A = tpu.sem_alloc : memref<!tpu.dma_semaphore, #tpu.memory_space<semaphore_mem>>
        %dma_start3A = arith.constant 0 : i32
        %dma_start3A_136 = tpu.memref_slice %arg12[%mul3A_135, %dma_start3A] : memref<782x16xf32, #tpu.memory_space<vmem_shared>> -> memref<391x16xf32, #tpu.memory_space<vmem_shared>>
        %dma_start3A_137 = arith.constant 0 : i32
        %dma_start3A_138 = tpu.memref_slice %arg12[%mul3A_135, %dma_start3A_137] : memref<782x16xf32, #tpu.memory_space<vmem_shared>> -> memref<391x16xf32, #tpu.memory_space<vmem_shared>>
        tpu.enqueue_dma source(%arg11 : memref<391x16xf32, #tpu.memory_space<vmem>>) target(%dma_start3A_138 : memref<391x16xf32, #tpu.memory_space<vmem_shared>>) target_semaphore(%run_scoped3A : memref<!tpu.dma_semaphore, #tpu.memory_space<semaphore_mem>>)
        %dma_wait3A = arith.constant 0 : i32
        %dma_wait3A_139 = tpu.memref_slice %arg12[%mul3A_135, %dma_wait3A] : memref<782x16xf32, #tpu.memory_space<vmem_shared>> -> memref<391x16xf32, #tpu.memory_space<vmem_shared>>
        %dma_wait3A_140 = arith.constant 0 : i32
        %dma_wait3A_141 = tpu.memref_slice %arg12[%mul3A_135, %dma_wait3A_140] : memref<782x16xf32, #tpu.memory_space<vmem_shared>> -> memref<391x16xf32, #tpu.memory_space<vmem_shared>>
        tpu.wait_dma2 semaphore(%run_scoped3A : memref<!tpu.dma_semaphore, #tpu.memory_space<semaphore_mem>>) src(%arg11 : memref<391x16xf32, #tpu.memory_space<vmem>>) dst(%dma_wait3A_141 : memref<391x16xf32, #tpu.memory_space<vmem_shared>>)
        tpu.yield
      }) : () -> ()
    } else {
    }
    %barrier3A_126 = arith.constant 0 : index
    tpu.barrier barrier_id(%barrier3A_126)
    "tpu.region"() ({
      %run_scoped3A = tpu.sem_alloc : memref<!tpu.dma_semaphore, #tpu.memory_space<semaphore_mem>>
      %dma_start3A = arith.constant 5474 : i32
      %dma_start3A_134 = arith.constant 0 : i32
      %dma_start3A_135 = tpu.memref_slice %arg6[%dma_start3A, %dma_start3A_134] : memref<6256x16xf32, #tpu.memory_space<vmem>> -> memref<782x16xf32, #tpu.memory_space<vmem>>
      %dma_start3A_136 = arith.constant 0 : i32
      %dma_start3A_137 = arith.constant 0 : i32
      %dma_start3A_138 = tpu.memref_slice %arg12[%dma_start3A_136, %dma_start3A_137] : memref<782x16xf32, #tpu.memory_space<vmem_shared>> -> memref<782x16xf32, #tpu.memory_space<vmem_shared>>
      tpu.enqueue_indirect_dma source(%dma_start3A_135 : memref<782x16xf32, #tpu.memory_space<vmem>>) target(%dma_start3A_138 : memref<782x16xf32, #tpu.memory_space<vmem_shared>>) offsets(%arg10 : memref<782xi32, #tpu.memory_space<vmem>>) semaphore(%run_scoped3A : memref<!tpu.dma_semaphore, #tpu.memory_space<semaphore_mem>>) {add = true}
      %dma_wait3A = arith.constant 5474 : i32
      %dma_wait3A_139 = arith.constant 0 : i32
      %dma_wait3A_140 = tpu.memref_slice %arg6[%dma_wait3A, %dma_wait3A_139] : memref<6256x16xf32, #tpu.memory_space<vmem>> -> memref<782x16xf32, #tpu.memory_space<vmem>>
      %dma_wait3A_141 = arith.constant 0 : i32
      %dma_wait3A_142 = arith.constant 0 : i32
      %dma_wait3A_143 = tpu.memref_slice %arg12[%dma_wait3A_141, %dma_wait3A_142] : memref<782x16xf32, #tpu.memory_space<vmem_shared>> -> memref<782x16xf32, #tpu.memory_space<vmem_shared>>
      tpu.wait_indirect_dma semaphore(%run_scoped3A : memref<!tpu.dma_semaphore, #tpu.memory_space<semaphore_mem>>) src(%dma_wait3A_140 : memref<782x16xf32, #tpu.memory_space<vmem>>) dst(%dma_wait3A_143 : memref<782x16xf32, #tpu.memory_space<vmem_shared>>)
      tpu.yield
    }) : () -> ()
    %barrier3A_127 = arith.constant 0 : index
    tpu.barrier barrier_id(%barrier3A_127)
    %lt3A_128 = arith.constant 2 : i32
    %lt3A_129 = arith.cmpi slt, %arg1, %lt3A_128 : i32
    %convert_element_type3A_130 = arith.extui %lt3A_129 : i1 to i32
    %cond3A_131 = arith.constant 0 : i32
    %cond3A_132 = arith.cmpi ne, %convert_element_type3A_130, %cond3A_131 : i32
    scf.if %cond3A_132 {
      %mul3A_134 = arith.constant 391 : i32
      %mul3A_135 = arith.muli %arg1, %mul3A_134 : i32
      %mul3A_136 = arith.constant 6256 : i32
      %mul3A_137 = arith.muli %arg0, %mul3A_136 : i32
      %add3A_138 = arith.constant 5474 : i32
      %add3A_139 = arith.addi %mul3A_137, %add3A_138 : i32
      %mul3A_140 = arith.constant 391 : i32
      %mul3A_141 = arith.muli %arg1, %mul3A_140 : i32
      %add3A_142 = arith.addi %add3A_139, %mul3A_141 : i32
      "tpu.region"() ({
        %run_scoped3A = tpu.sem_alloc : memref<!tpu.dma_semaphore, #tpu.memory_space<semaphore_mem>>
        %dma_start3A = arith.constant 0 : i32
        %dma_start3A_143 = tpu.memref_slice %arg5[%add3A_142, %dma_start3A] : memref<12512x16xf32, #tpu.memory_space<hbm>> -> memref<391x16xf32, #tpu.memory_space<hbm>>
        %dma_start3A_144 = arith.constant 0 : i32
        %dma_start3A_145 = tpu.memref_slice %arg12[%mul3A_135, %dma_start3A_144] : memref<782x16xf32, #tpu.memory_space<vmem_shared>> -> memref<391x16xf32, #tpu.memory_space<vmem_shared>>
        tpu.enqueue_dma source(%dma_start3A_145 : memref<391x16xf32, #tpu.memory_space<vmem_shared>>) target(%dma_start3A_143 : memref<391x16xf32, #tpu.memory_space<hbm>>) target_semaphore(%run_scoped3A : memref<!tpu.dma_semaphore, #tpu.memory_space<semaphore_mem>>)
        %dma_wait3A = arith.constant 0 : i32
        %dma_wait3A_146 = tpu.memref_slice %arg5[%add3A_142, %dma_wait3A] : memref<12512x16xf32, #tpu.memory_space<hbm>> -> memref<391x16xf32, #tpu.memory_space<hbm>>
        %dma_wait3A_147 = arith.constant 0 : i32
        %dma_wait3A_148 = tpu.memref_slice %arg12[%mul3A_135, %dma_wait3A_147] : memref<782x16xf32, #tpu.memory_space<vmem_shared>> -> memref<391x16xf32, #tpu.memory_space<vmem_shared>>
        tpu.wait_dma2 semaphore(%run_scoped3A : memref<!tpu.dma_semaphore, #tpu.memory_space<semaphore_mem>>) src(%dma_wait3A_148 : memref<391x16xf32, #tpu.memory_space<vmem_shared>>) dst(%dma_wait3A_146 : memref<391x16xf32, #tpu.memory_space<hbm>>)
        tpu.yield
      }) : () -> ()
    } else {
    }
    %barrier3A_133 = arith.constant 0 : index
    tpu.barrier barrier_id(%barrier3A_133)
    return
  }
}

module attributes {stable_mosaic.version = 14 : i64} {
  func.func @_tc_a_body(%arg0: i32, %arg1: memref<2000x1xf32, #tpu.memory_space<vmem>>, %arg2: memref<2000x1xf32, #tpu.memory_space<vmem>>, %arg3: memref<2000x20xf32, #tpu.memory_space<vmem>>, %arg4: memref<20x32xf32, #tpu.memory_space<vmem>>, %arg5: memref<1x32xf32, #tpu.memory_space<vmem>>, %arg6: memref<2000x16xf32, #tpu.memory_space<vmem>>, %arg7: memref<2000x32xf32, #tpu.memory_space<vmem>>, %arg8: memref<2000x32xbf16, #tpu.memory_space<vmem>>) attributes {dimension_semantics = [#tpu.dimension_semantics<arbitrary>], iteration_bounds = array<i64: 50>, scalar_prefetch = 0 : i64, scratch_operands = 0 : i64, tpu.core_type = #tpu.core_type<tc>, window_params = [{transform_indices = @transform_0, window_bounds = array<i64: 2000, 1>}, {transform_indices = @transform_1, window_bounds = array<i64: 2000, 1>}, {transform_indices = @transform_2, window_bounds = array<i64: 2000, 20>}, {pipeline_mode = #tpu.pipeline_mode<synchronous>, transform_indices = @transform_3, window_bounds = array<i64: 20, 32>}, {pipeline_mode = #tpu.pipeline_mode<synchronous>, transform_indices = @transform_4, window_bounds = array<i64: 1, 32>}, {transform_indices = @transform_5, window_bounds = array<i64: 2000, 16>}, {transform_indices = @transform_6, window_bounds = array<i64: 2000, 32>}, {transform_indices = @transform_7, window_bounds = array<i64: 2000, 32>}]} {
    %get3A = arith.constant 0 : index
    %get3A_0 = arith.constant 0 : index
    %get3A_1 = vector.load %arg1[%get3A, %get3A_0] : memref<2000x1xf32, #tpu.memory_space<vmem>>, vector<2000x1xf32>
    %get3A_2 = arith.constant 0 : index
    %get3A_3 = arith.constant 0 : index
    %get3A_4 = vector.load %arg2[%get3A_2, %get3A_3] : memref<2000x1xf32, #tpu.memory_space<vmem>>, vector<2000x1xf32>
    %add3A = arith.addf %get3A_1, %get3A_4 : vector<2000x1xf32>
    %gt3A = arith.constant 0.000000e+00 : f32
    %gt3A_5 = vector.broadcast %gt3A : f32 to vector<2000x1xf32>
    %gt3A_6 = arith.cmpf ogt, %add3A, %gt3A_5 : vector<2000x1xf32>
    %jit3A = arith.constant 1.000000e+00 : f32
    %broadcast_in_dim3A = vector.broadcast %jit3A : f32 to vector<2000x1xf32>
    %select_n3A = arith.select %gt3A_6, %add3A, %broadcast_in_dim3A : vector<2000x1xi1>, vector<2000x1xf32>
    %gt3A_7 = arith.constant 0.000000e+00 : f32
    %gt3A_8 = vector.broadcast %gt3A_7 : f32 to vector<2000x1xf32>
    %gt3A_9 = arith.cmpf ogt, %add3A, %gt3A_8 : vector<2000x1xf32>
    %rsqrt3A = math.rsqrt %select_n3A : vector<2000x1xf32>
    %jit3A_10 = arith.constant 0.000000e+00 : f32
    %broadcast_in_dim3A_11 = vector.broadcast %jit3A_10 : f32 to vector<2000x1xf32>
    %select_n3A_12 = arith.select %gt3A_9, %rsqrt3A, %broadcast_in_dim3A_11 : vector<2000x1xi1>, vector<2000x1xf32>
    %get3A_13 = arith.constant 0 : index
    %get3A_14 = arith.constant 0 : index
    %get3A_15 = vector.load %arg3[%get3A_13, %get3A_14] : memref<2000x20xf32, #tpu.memory_space<vmem>>, vector<2000x20xf32>
    %get3A_16 = arith.constant 0 : index
    %get3A_17 = arith.constant 0 : index
    %get3A_18 = vector.load %arg4[%get3A_16, %get3A_17] : memref<20x32xf32, #tpu.memory_space<vmem>>, vector<20x32xf32>
    %dot_general3A = arith.constant dense<0.000000e+00> : vector<2000x32xf32>
    %dot_general3A_19 = tpu.matmul %get3A_15, %get3A_18, %dot_general3A {dimension_numbers = #tpu.dot_dimension_numbers<[1], [0], [0], [1], [0, 0, 1, 1], [], []>, transpose_lhs_hint = false} : vector<2000x20xf32>, vector<20x32xf32>, vector<2000x32xf32> -> vector<2000x32xf32>
    %get3A_20 = arith.constant 0 : index
    %get3A_21 = arith.constant 0 : index
    %get3A_22 = vector.load %arg5[%get3A_20, %get3A_21] : memref<1x32xf32, #tpu.memory_space<vmem>>, vector<1x32xf32>
    %add3A_23 = vector.broadcast %get3A_22 : vector<1x32xf32> to vector<2000x32xf32>
    %add3A_24 = arith.addf %dot_general3A_19, %add3A_23 : vector<2000x32xf32>
    %ge3A = arith.constant 0.000000e+00 : f32
    %ge3A_25 = vector.broadcast %ge3A : f32 to vector<2000x32xf32>
    %ge3A_26 = arith.cmpf oge, %add3A_24, %ge3A_25 : vector<2000x32xf32>
    %mul3A = arith.constant 0.00999999977 : f32
    %mul3A_27 = vector.broadcast %mul3A : f32 to vector<2000x32xf32>
    %mul3A_28 = arith.mulf %mul3A_27, %add3A_24 : vector<2000x32xf32>
    %select_n3A_29 = arith.select %ge3A_26, %add3A_24, %mul3A_28 : vector<2000x32xi1>, vector<2000x32xf32>
    %mul3A_30 = vector.broadcast %select_n3A_12 : vector<2000x1xf32> to vector<2000x32xf32>
    %mul3A_31 = arith.mulf %mul3A_30, %select_n3A_29 : vector<2000x32xf32>
    %broadcast_in_dim3A_32 = vector.shape_cast %select_n3A_12 : vector<2000x1xf32> to vector<2000x1xf32>
    %broadcast_in_dim3A_33 = vector.broadcast %broadcast_in_dim3A_32 : vector<2000x1xf32> to vector<2000x16xf32>
    %swap3A = arith.constant 0 : index
    %swap3A_34 = arith.constant 0 : index
    %swap3A_35 = vector.load %arg6[%swap3A, %swap3A_34] : memref<2000x16xf32, #tpu.memory_space<vmem>>, vector<2000x16xf32>
    tpu.vector_store %arg6[%swap3A, %swap3A_34], %broadcast_in_dim3A_33 {strides = array<i32>} : memref<2000x16xf32, #tpu.memory_space<vmem>>, vector<2000x16xf32>,
    %swap3A_36 = arith.constant 0 : index
    %swap3A_37 = arith.constant 0 : index
    %swap3A_38 = vector.load %arg7[%swap3A_36, %swap3A_37] : memref<2000x32xf32, #tpu.memory_space<vmem>>, vector<2000x32xf32>
    tpu.vector_store %arg7[%swap3A_36, %swap3A_37], %select_n3A_29 {strides = array<i32>} : memref<2000x32xf32, #tpu.memory_space<vmem>>, vector<2000x32xf32>,
    %convert_element_type3A = arith.truncf %mul3A_31 : vector<2000x32xf32> to vector<2000x32xbf16>
    %swap3A_39 = arith.constant 0 : index
    %swap3A_40 = arith.constant 0 : index
    %swap3A_41 = vector.load %arg8[%swap3A_39, %swap3A_40] : memref<2000x32xbf16, #tpu.memory_space<vmem>>, vector<2000x32xbf16>
    tpu.vector_store %arg8[%swap3A_39, %swap3A_40], %convert_element_type3A {strides = array<i32>} : memref<2000x32xbf16, #tpu.memory_space<vmem>>, vector<2000x32xbf16>,
    return
  }
  func.func @transform_0(%arg0: i32) -> (i32, i32) {
    %c0_i32 = arith.constant 0 : i32
    %c0_i32_0 = arith.constant 0 : i32
    return %arg0, %c0_i32 : i32, i32
  }
  func.func @transform_1(%arg0: i32) -> (i32, i32) {
    %c0_i32 = arith.constant 0 : i32
    %c0_i32_0 = arith.constant 0 : i32
    return %arg0, %c0_i32 : i32, i32
  }
  func.func @transform_2(%arg0: i32) -> (i32, i32) {
    %c0_i32 = arith.constant 0 : i32
    %c0_i32_0 = arith.constant 0 : i32
    return %arg0, %c0_i32 : i32, i32
  }
  func.func @transform_3(%arg0: i32) -> (i32, i32) {
    %c0_i32 = arith.constant 0 : i32
    %c0_i32_0 = arith.constant 0 : i32
    %c0_i32_1 = arith.constant 0 : i32
    return %c0_i32, %c0_i32_0 : i32, i32
  }
  func.func @transform_4(%arg0: i32) -> (i32, i32) {
    %c0_i32 = arith.constant 0 : i32
    %c0_i32_0 = arith.constant 0 : i32
    %c0_i32_1 = arith.constant 0 : i32
    return %c0_i32, %c0_i32_0 : i32, i32
  }
  func.func @transform_5(%arg0: i32) -> (i32, i32) {
    %c0_i32 = arith.constant 0 : i32
    %c0_i32_0 = arith.constant 0 : i32
    return %arg0, %c0_i32 : i32, i32
  }
  func.func @transform_6(%arg0: i32) -> (i32, i32) {
    %c0_i32 = arith.constant 0 : i32
    %c0_i32_0 = arith.constant 0 : i32
    return %arg0, %c0_i32 : i32, i32
  }
  func.func @transform_7(%arg0: i32) -> (i32, i32) {
    %c0_i32 = arith.constant 0 : i32
    %c0_i32_0 = arith.constant 0 : i32
    return %arg0, %c0_i32 : i32, i32
  }
}

module attributes {stable_mosaic.version = 14 : i64} {
  func.func @_tc_b_body(%arg0: i32, %arg1: memref<2000x32xf32, #tpu.memory_space<vmem>>, %arg2: memref<2000x32xbf16, #tpu.memory_space<vmem>>, %arg3: memref<2000x32xbf16, #tpu.memory_space<vmem>>, %arg4: memref<2000x16xf32, #tpu.memory_space<vmem>>, %arg5: memref<2000x1xf32, #tpu.memory_space<vmem>>, %arg6: memref<2000x1xf32, #tpu.memory_space<vmem>>, %arg7: memref<32x64xf32, #tpu.memory_space<vmem>>, %arg8: memref<32x64xf32, #tpu.memory_space<vmem>>, %arg9: memref<1x64xf32, #tpu.memory_space<vmem>>, %arg10: memref<64x2xf32, #tpu.memory_space<vmem>>, %arg11: memref<64x2xf32, #tpu.memory_space<vmem>>, %arg12: memref<1x2xf32, #tpu.memory_space<vmem>>, %arg13: memref<1x2xf32, #tpu.memory_space<vmem>>, %arg14: memref<8x128xf32, #tpu.memory_space<vmem>>) attributes {dimension_semantics = [#tpu.dimension_semantics<arbitrary>], iteration_bounds = array<i64: 50>, scalar_prefetch = 0 : i64, scratch_operands = 1 : i64, tpu.core_type = #tpu.core_type<tc>, window_params = [{transform_indices = @transform_0, window_bounds = array<i64: 2000, 32>}, {transform_indices = @transform_1, window_bounds = array<i64: 2000, 32>}, {transform_indices = @transform_2, window_bounds = array<i64: 2000, 32>}, {transform_indices = @transform_3, window_bounds = array<i64: 2000, 16>}, {transform_indices = @transform_4, window_bounds = array<i64: 2000, 1>}, {transform_indices = @transform_5, window_bounds = array<i64: 2000, 1>}, {pipeline_mode = #tpu.pipeline_mode<synchronous>, transform_indices = @transform_6, window_bounds = array<i64: 32, 64>}, {pipeline_mode = #tpu.pipeline_mode<synchronous>, transform_indices = @transform_7, window_bounds = array<i64: 32, 64>}, {pipeline_mode = #tpu.pipeline_mode<synchronous>, transform_indices = @transform_8, window_bounds = array<i64: 1, 64>}, {pipeline_mode = #tpu.pipeline_mode<synchronous>, transform_indices = @transform_9, window_bounds = array<i64: 64, 2>}, {pipeline_mode = #tpu.pipeline_mode<synchronous>, transform_indices = @transform_10, window_bounds = array<i64: 64, 2>}, {pipeline_mode = #tpu.pipeline_mode<synchronous>, transform_indices = @transform_11, window_bounds = array<i64: 1, 2>}, {pipeline_mode = #tpu.pipeline_mode<synchronous>, transform_indices = @transform_12, window_bounds = array<i64: 1, 2>}]} {
    %eq3A = arith.constant 0 : i32
    %eq3A_0 = arith.cmpi eq, %arg0, %eq3A : i32
    %convert_element_type3A = arith.extui %eq3A_0 : i1 to i32
    %cond3A = arith.constant 0 : i32
    %cond3A_1 = arith.cmpi ne, %convert_element_type3A, %cond3A : i32
    scf.if %cond3A_1 {
      %broadcast_in_dim3A_73 = arith.constant 0.000000e+00 : f32
      %broadcast_in_dim3A_74 = vector.broadcast %broadcast_in_dim3A_73 : f32 to vector<8x128xf32>
      %swap3A_75 = arith.constant 0 : index
      %swap3A_76 = arith.constant 0 : index
      %swap3A_77 = vector.load %arg14[%swap3A_75, %swap3A_76] : memref<8x128xf32, #tpu.memory_space<vmem>>, vector<8x128xf32>
      tpu.vector_store %arg14[%swap3A_75, %swap3A_76], %broadcast_in_dim3A_74 {strides = array<i32>} : memref<8x128xf32, #tpu.memory_space<vmem>>, vector<8x128xf32>,
    } else {
    }
    %get3A = arith.constant 0 : index
    %get3A_2 = arith.constant 0 : index
    %get3A_3 = vector.load %arg4[%get3A, %get3A_2] : memref<2000x16xf32, #tpu.memory_space<vmem>>, vector<2000x16xf32>
    %slice3A = vector.extract_strided_slice %get3A_3 {offsets = [0, 0], sizes = [2000, 1], strides = [1, 1]} : vector<2000x16xf32> to vector<2000x1xf32>
    %get3A_4 = arith.constant 0 : index
    %get3A_5 = arith.constant 0 : index
    %get3A_6 = vector.load %arg2[%get3A_4, %get3A_5] : memref<2000x32xbf16, #tpu.memory_space<vmem>>, vector<2000x32xbf16>
    %convert_element_type3A_7 = arith.extf %get3A_6 : vector<2000x32xbf16> to vector<2000x32xf32>
    %get3A_8 = arith.constant 0 : index
    %get3A_9 = arith.constant 0 : index
    %get3A_10 = vector.load %arg3[%get3A_8, %get3A_9] : memref<2000x32xbf16, #tpu.memory_space<vmem>>, vector<2000x32xbf16>
    %convert_element_type3A_11 = arith.extf %get3A_10 : vector<2000x32xbf16> to vector<2000x32xf32>
    %add3A = arith.addf %convert_element_type3A_7, %convert_element_type3A_11 : vector<2000x32xf32>
    %neg3A = arith.constant 0.000000e+00 : f32
    %neg3A_12 = vector.broadcast %neg3A : f32 to vector<2000x1xf32>
    %neg3A_13 = arith.subf %neg3A_12, %slice3A : vector<2000x1xf32>
    %mul3A = vector.broadcast %neg3A_13 : vector<2000x1xf32> to vector<2000x32xf32>
    %mul3A_14 = arith.mulf %add3A, %mul3A : vector<2000x32xf32>
    %get3A_15 = arith.constant 0 : index
    %get3A_16 = arith.constant 0 : index
    %get3A_17 = vector.load %arg1[%get3A_15, %get3A_16] : memref<2000x32xf32, #tpu.memory_space<vmem>>, vector<2000x32xf32>
    %get3A_18 = arith.constant 0 : index
    %get3A_19 = arith.constant 0 : index
    %get3A_20 = vector.load %arg7[%get3A_18, %get3A_19] : memref<32x64xf32, #tpu.memory_space<vmem>>, vector<32x64xf32>
    %dot_general3A = arith.constant dense<0.000000e+00> : vector<2000x64xf32>
    %dot_general3A_21 = tpu.matmul %get3A_17, %get3A_20, %dot_general3A {dimension_numbers = #tpu.dot_dimension_numbers<[1], [0], [0], [1], [0, 0, 1, 1], [], []>, transpose_lhs_hint = false} : vector<2000x32xf32>, vector<32x64xf32>, vector<2000x64xf32> -> vector<2000x64xf32>
    %get3A_22 = arith.constant 0 : index
    %get3A_23 = arith.constant 0 : index
    %get3A_24 = vector.load %arg8[%get3A_22, %get3A_23] : memref<32x64xf32, #tpu.memory_space<vmem>>, vector<32x64xf32>
    %dot_general3A_25 = arith.constant dense<0.000000e+00> : vector<2000x64xf32>
    %dot_general3A_26 = tpu.matmul %mul3A_14, %get3A_24, %dot_general3A_25 {dimension_numbers = #tpu.dot_dimension_numbers<[1], [0], [0], [1], [0, 0, 1, 1], [], []>, transpose_lhs_hint = false} : vector<2000x32xf32>, vector<32x64xf32>, vector<2000x64xf32> -> vector<2000x64xf32>
    %add3A_27 = arith.addf %dot_general3A_21, %dot_general3A_26 : vector<2000x64xf32>
    %get3A_28 = arith.constant 0 : index
    %get3A_29 = arith.constant 0 : index
    %get3A_30 = vector.load %arg9[%get3A_28, %get3A_29] : memref<1x64xf32, #tpu.memory_space<vmem>>, vector<1x64xf32>
    %add3A_31 = vector.broadcast %get3A_30 : vector<1x64xf32> to vector<2000x64xf32>
    %add3A_32 = arith.addf %add3A_27, %add3A_31 : vector<2000x64xf32>
    %ge3A = arith.constant 0.000000e+00 : f32
    %ge3A_33 = vector.broadcast %ge3A : f32 to vector<2000x64xf32>
    %ge3A_34 = arith.cmpf oge, %add3A_32, %ge3A_33 : vector<2000x64xf32>
    %mul3A_35 = arith.constant 0.00999999977 : f32
    %mul3A_36 = vector.broadcast %mul3A_35 : f32 to vector<2000x64xf32>
    %mul3A_37 = arith.mulf %mul3A_36, %add3A_32 : vector<2000x64xf32>
    %select_n3A = arith.select %ge3A_34, %add3A_32, %mul3A_37 : vector<2000x64xi1>, vector<2000x64xf32>
    %get3A_38 = arith.constant 0 : index
    %get3A_39 = arith.constant 0 : index
    %get3A_40 = vector.load %arg5[%get3A_38, %get3A_39] : memref<2000x1xf32, #tpu.memory_space<vmem>>, vector<2000x1xf32>
    %get3A_41 = arith.constant 0 : index
    %get3A_42 = arith.constant 0 : index
    %get3A_43 = vector.load %arg6[%get3A_41, %get3A_42] : memref<2000x1xf32, #tpu.memory_space<vmem>>, vector<2000x1xf32>
    %add3A_44 = arith.addf %get3A_40, %get3A_43 : vector<2000x1xf32>
    %neg3A_45 = arith.constant 0.000000e+00 : f32
    %neg3A_46 = vector.broadcast %neg3A_45 : f32 to vector<2000x1xf32>
    %neg3A_47 = arith.subf %neg3A_46, %slice3A : vector<2000x1xf32>
    %mul3A_48 = arith.mulf %neg3A_47, %add3A_44 : vector<2000x1xf32>
    %reduce_sum3A = arith.constant dense<0.000000e+00> : vector<64xf32>
    %reduce_sum3A_49 = vector.multi_reduction <add>, %select_n3A, %reduce_sum3A [0] : vector<2000x64xf32> to vector<64xf32>
    %broadcast_in_dim3A = vector.shape_cast %reduce_sum3A_49 : vector<64xf32> to vector<1x64xf32>
    %mul3A_50 = vector.broadcast %mul3A_48 : vector<2000x1xf32> to vector<2000x64xf32>
    %mul3A_51 = arith.mulf %mul3A_50, %select_n3A : vector<2000x64xf32>
    %reduce_sum3A_52 = arith.constant dense<0.000000e+00> : vector<64xf32>
    %reduce_sum3A_53 = vector.multi_reduction <add>, %mul3A_51, %reduce_sum3A_52 [0] : vector<2000x64xf32> to vector<64xf32>
    %broadcast_in_dim3A_54 = vector.shape_cast %reduce_sum3A_53 : vector<64xf32> to vector<1x64xf32>
    %get3A_55 = arith.constant 0 : index
    %get3A_56 = arith.constant 0 : index
    %get3A_57 = vector.load %arg14[%get3A_55, %get3A_56] : memref<8x128xf32, #tpu.memory_space<vmem>>, vector<1x64xf32>
    %add3A_58 = arith.addf %get3A_57, %broadcast_in_dim3A : vector<1x64xf32>
    %swap3A = arith.constant 0 : index
    %swap3A_59 = arith.constant 0 : index
    %swap3A_60 = vector.load %arg14[%swap3A, %swap3A_59] : memref<8x128xf32, #tpu.memory_space<vmem>>, vector<1x64xf32>
    tpu.vector_store %arg14[%swap3A, %swap3A_59], %add3A_58 {strides = array<i32>} : memref<8x128xf32, #tpu.memory_space<vmem>>, vector<1x64xf32>,
    %get3A_61 = arith.constant 1 : index
    %get3A_62 = arith.constant 0 : index
    %get3A_63 = vector.load %arg14[%get3A_61, %get3A_62] : memref<8x128xf32, #tpu.memory_space<vmem>>, vector<1x64xf32>
    %add3A_64 = arith.addf %get3A_63, %broadcast_in_dim3A_54 : vector<1x64xf32>
    %swap3A_65 = arith.constant 1 : index
    %swap3A_66 = arith.constant 0 : index
    %swap3A_67 = vector.load %arg14[%swap3A_65, %swap3A_66] : memref<8x128xf32, #tpu.memory_space<vmem>>, vector<1x64xf32>
    tpu.vector_store %arg14[%swap3A_65, %swap3A_66], %add3A_64 {strides = array<i32>} : memref<8x128xf32, #tpu.memory_space<vmem>>, vector<1x64xf32>,
    %eq3A_68 = arith.constant 49 : i32
    %eq3A_69 = arith.cmpi eq, %arg0, %eq3A_68 : i32
    %convert_element_type3A_70 = arith.extui %eq3A_69 : i1 to i32
    %cond3A_71 = arith.constant 0 : i32
    %cond3A_72 = arith.cmpi ne, %convert_element_type3A_70, %cond3A_71 : i32
    scf.if %cond3A_72 {
      %get3A_73 = arith.constant 0 : index
      %get3A_74 = arith.constant 0 : index
      %get3A_75 = vector.load %arg14[%get3A_73, %get3A_74] : memref<8x128xf32, #tpu.memory_space<vmem>>, vector<1x64xf32>
      %get3A_76 = arith.constant 1 : index
      %get3A_77 = arith.constant 0 : index
      %get3A_78 = vector.load %arg14[%get3A_76, %get3A_77] : memref<8x128xf32, #tpu.memory_space<vmem>>, vector<1x64xf32>
      %get3A_79 = arith.constant 0 : index
      %get3A_80 = arith.constant 0 : index
      %get3A_81 = vector.load %arg10[%get3A_79, %get3A_80] : memref<64x2xf32, #tpu.memory_space<vmem>>, vector<64x2xf32>
      %dot_general3A_82 = arith.constant dense<0.000000e+00> : vector<1x2xf32>
      %dot_general3A_83 = tpu.matmul %get3A_75, %get3A_81, %dot_general3A_82 {dimension_numbers = #tpu.dot_dimension_numbers<[1], [0], [0], [1], [0, 0, 1, 1], [], []>, transpose_lhs_hint = false} : vector<1x64xf32>, vector<64x2xf32>, vector<1x2xf32> -> vector<1x2xf32>
      %get3A_84 = arith.constant 0 : index
      %get3A_85 = arith.constant 0 : index
      %get3A_86 = vector.load %arg11[%get3A_84, %get3A_85] : memref<64x2xf32, #tpu.memory_space<vmem>>, vector<64x2xf32>
      %dot_general3A_87 = arith.constant dense<0.000000e+00> : vector<1x2xf32>
      %dot_general3A_88 = tpu.matmul %get3A_78, %get3A_86, %dot_general3A_87 {dimension_numbers = #tpu.dot_dimension_numbers<[1], [0], [0], [1], [0, 0, 1, 1], [], []>, transpose_lhs_hint = false} : vector<1x64xf32>, vector<64x2xf32>, vector<1x2xf32> -> vector<1x2xf32>
      %add3A_89 = arith.addf %dot_general3A_83, %dot_general3A_88 : vector<1x2xf32>
      %div3A = arith.constant 1.000000e+05 : f32
      %div3A_90 = vector.broadcast %div3A : f32 to vector<1x2xf32>
      %div3A_91 = arith.divf %add3A_89, %div3A_90 : vector<1x2xf32>
      %get3A_92 = arith.constant 0 : index
      %get3A_93 = arith.constant 0 : index
      %get3A_94 = vector.load %arg12[%get3A_92, %get3A_93] : memref<1x2xf32, #tpu.memory_space<vmem>>, vector<1x2xf32>
      %add3A_95 = arith.addf %div3A_91, %get3A_94 : vector<1x2xf32>
      %reduce_max3A = arith.constant dense<0xFF800000> : vector<1xf32>
      %reduce_max3A_96 = vector.multi_reduction <maximumf>, %add3A_95, %reduce_max3A [1] : vector<1x2xf32> to vector<1xf32>
      %broadcast_in_dim3A_97 = vector.shape_cast %reduce_max3A_96 : vector<1xf32> to vector<1x1xf32>
      %sub3A = vector.broadcast %broadcast_in_dim3A_97 : vector<1x1xf32> to vector<1x2xf32>
      %sub3A_98 = arith.subf %add3A_95, %sub3A : vector<1x2xf32>
      %exp3A = math.exp %sub3A_98 : vector<1x2xf32>
      %sub3A_99 = vector.broadcast %broadcast_in_dim3A_97 : vector<1x1xf32> to vector<1x2xf32>
      %sub3A_100 = arith.subf %add3A_95, %sub3A_99 : vector<1x2xf32>
      %reduce_sum3A_101 = arith.constant dense<0.000000e+00> : vector<1xf32>
      %reduce_sum3A_102 = vector.multi_reduction <add>, %exp3A, %reduce_sum3A_101 [1] : vector<1x2xf32> to vector<1xf32>
      %broadcast_in_dim3A_103 = vector.shape_cast %reduce_sum3A_102 : vector<1xf32> to vector<1x1xf32>
      %log3A = math.log %broadcast_in_dim3A_103 : vector<1x1xf32>
      %sub3A_104 = vector.broadcast %log3A : vector<1x1xf32> to vector<1x2xf32>
      %sub3A_105 = arith.subf %sub3A_100, %sub3A_104 : vector<1x2xf32>
      %swap3A_106 = arith.constant 0 : index
      %swap3A_107 = arith.constant 0 : index
      %swap3A_108 = vector.load %arg13[%swap3A_106, %swap3A_107] : memref<1x2xf32, #tpu.memory_space<vmem>>, vector<1x2xf32>
      tpu.vector_store %arg13[%swap3A_106, %swap3A_107], %sub3A_105 {strides = array<i32>} : memref<1x2xf32, #tpu.memory_space<vmem>>, vector<1x2xf32>,
    } else {
    }
    return
  }
  func.func @transform_0(%arg0: i32) -> (i32, i32) {
    %c0_i32 = arith.constant 0 : i32
    %c0_i32_0 = arith.constant 0 : i32
    return %arg0, %c0_i32 : i32, i32
  }
  func.func @transform_1(%arg0: i32) -> (i32, i32) {
    %c0_i32 = arith.constant 0 : i32
    %c0_i32_0 = arith.constant 0 : i32
    return %arg0, %c0_i32 : i32, i32
  }
  func.func @transform_2(%arg0: i32) -> (i32, i32) {
    %c0_i32 = arith.constant 0 : i32
    %c0_i32_0 = arith.constant 0 : i32
    return %arg0, %c0_i32 : i32, i32
  }
  func.func @transform_3(%arg0: i32) -> (i32, i32) {
    %c0_i32 = arith.constant 0 : i32
    %c0_i32_0 = arith.constant 0 : i32
    return %arg0, %c0_i32 : i32, i32
  }
  func.func @transform_4(%arg0: i32) -> (i32, i32) {
    %c0_i32 = arith.constant 0 : i32
    %c0_i32_0 = arith.constant 0 : i32
    return %arg0, %c0_i32 : i32, i32
  }
  func.func @transform_5(%arg0: i32) -> (i32, i32) {
    %c0_i32 = arith.constant 0 : i32
    %c0_i32_0 = arith.constant 0 : i32
    return %arg0, %c0_i32 : i32, i32
  }
  func.func @transform_6(%arg0: i32) -> (i32, i32) {
    %c0_i32 = arith.constant 0 : i32
    %c0_i32_0 = arith.constant 0 : i32
    %c0_i32_1 = arith.constant 0 : i32
    return %c0_i32, %c0_i32_0 : i32, i32
  }
  func.func @transform_7(%arg0: i32) -> (i32, i32) {
    %c0_i32 = arith.constant 0 : i32
    %c0_i32_0 = arith.constant 0 : i32
    %c0_i32_1 = arith.constant 0 : i32
    return %c0_i32, %c0_i32_0 : i32, i32
  }
  func.func @transform_8(%arg0: i32) -> (i32, i32) {
    %c0_i32 = arith.constant 0 : i32
    %c0_i32_0 = arith.constant 0 : i32
    %c0_i32_1 = arith.constant 0 : i32
    return %c0_i32, %c0_i32_0 : i32, i32
  }
  func.func @transform_9(%arg0: i32) -> (i32, i32) {
    %c0_i32 = arith.constant 0 : i32
    %c0_i32_0 = arith.constant 0 : i32
    %c0_i32_1 = arith.constant 0 : i32
    return %c0_i32, %c0_i32_0 : i32, i32
  }
  func.func @transform_10(%arg0: i32) -> (i32, i32) {
    %c0_i32 = arith.constant 0 : i32
    %c0_i32_0 = arith.constant 0 : i32
    %c0_i32_1 = arith.constant 0 : i32
    return %c0_i32, %c0_i32_0 : i32, i32
  }
  func.func @transform_11(%arg0: i32) -> (i32, i32) {
    %c0_i32 = arith.constant 0 : i32
    %c0_i32_0 = arith.constant 0 : i32
    %c0_i32_1 = arith.constant 0 : i32
    return %c0_i32, %c0_i32_0 : i32, i32
  }
  func.func @transform_12(%arg0: i32) -> (i32, i32) {
    %c0_i32 = arith.constant 0 : i32
    %c0_i32_0 = arith.constant 0 : i32
    %c0_i32_1 = arith.constant 0 : i32
    return %c0_i32, %c0_i32_0 : i32, i32
  }
}

</mosaic_0001>

<sc_bundles>
// kernel: kernel.10.cloned.1.call-start
scs
__scs_entry_jumppad:
0x0: {  	(pc) =	sbr.rel $0x88, $3  }
0x1: {  	(tag) =	ssettag $0x0;
	lr =	simm.s32 $0x1  }
0x2: {  	[smem:$0x3F96] =	sst lr;
	_ =	strace $0xD0000000  }
0x3: {  	_ = 	snop  }
0x4: {  	_ = 	snop  }
0x5: {  	_ = 	snop  }
0x6: {  	_ = 	snop  }
0x7: {  	_ = 	snop  }
__scs_overlays_trampoline_lowered:
0x8: {  	[smem:$0x3FA5] =	sst s0  }
0x9: {  	[smem:$0x3FA6] =	sst s1  }
0xa: {  	[smem:$0x3FA7] =	sst s2  }
0xb: {  	[smem:$0x3FA8] =	sst s3  }
0xc: {  	[smem:$0x3FA9] =	sst s4  }
0xd: {  	[smem:$0x3FAA] =	sst s5  }
0xe: {  	[smem:$0x3FAB] =	sst s6  }
0xf: {  	[smem:$0x3FAC] =	sst s7  }
0x10: {  	[smem:$0x3FAD] =	sst s8  }
0x11: {  	[smem:$0x3FAE] =	sst s9;
	s0 =	simm.s32 @!p0 $0x0  }
0x12: {  	s1 =	sld [smem:$0x3F94];
	s0 =	simm.s32 @p0 $0x1  }
0x13: {  	[smem:$0x3FAF] =	sst s0;
	s0 =	simm.s32 @!p1 $0x0  }
0x14: {  	s2 =	sld [smem:$0x3F93];
	s0 =	simm.s32 @p1 $0x1  }
0x15: {  	[smem:$0x3FB0] =	sst s0;
	s0 =	simm.s32 @!p2 $0x0  }
0x16: {  	s3 =	sld [smem:$0x3FDB];
	s0 =	simm.s32 @p2 $0x1  }
0x17: {  	s4 =	simm.s32 $0x1BF5;
	[smem:$0x3FB2] =	sst s0  }
0x18: {  	s0 =	sld [smem:$0x3F95];
	_ =	swait.ge [sflag:s4], $0x0  }
0x19: {  	s7 =	sld [smem:$0x3F96]  }
0x1a: {  	s8 =	sadd.s32 $0xFFFFE003, lr  }
0x1b: {  	s9 =	sadd.s32 $0xFFFFFEF7, lr;
	s5 =	simm.s32 $0xFFFFFFFF;
	p2 =	slt.u32 s8, $0xFFFFF086  }
0x1c: {  	p1 =	slt.u32 s9, $0xF7A;
	s5 =	simm.s32 @!p2 $0x0  }
0x1d: {  	s5 =	simm.s32 @p1 $0x1;
	p0 =	seq.s32 s7, s2  }
0x1e: {  	s7 =	smul.u32 @!p0 $0xF7A, s2;
	p2 =	seq.s32 @!p0 s5, $0x0  }
0x1f: {  	s9 =	smul.u32 $0xF7A, s1;
	s8 =	simm.s32 @!p0 $0x1BF5;
	p2 =	por !p2, p0  }
0x20: {  	[sflag:s8] =	ssyncset.s32 @!p0 $0xFFFFF086;
	s6 =	sadd.s32 @!p0 s3, s7;
	s7 =	simm.s32 @!p0 $0x108  }
0x21: {  	s3 =	sadd.s32 s3, s9;
	s6 =	sadd.s32 @!p0 $0x88, s6;
	s7 =	simm.s32 @p2 $0x1082  }
0x22: {  	[simem:s7], [sflag:s8] =	dma.local @!p0 [hbm:s6], $0xF7A  }
0x23: {  	s9 =	sor.u32 $0xD0000000, s2;
	s6 =	simm.s32 $0x108;
	_ =	swait.ge @!p0 [sflag:s8], $0x0  }
0x24: {  	s3 =	sadd.s32 $0x88, s3;
	s6 =	simm.s32 @!p1 $0x1082;
	[sflag:s4] =	ssyncset.s32 $0xFFFFF086  }
0x25: {  	[simem:s6], [sflag:s4] =	dma.local [hbm:s3], $0xF7A  }
0x26: {  	[smem:$0x3F96] =	sst s1;
	(tag) =	ssettag s2;
	_ =	strace s9  }
0x27: {  	s1 =	sld [smem:$0x3FA6]  }
0x28: {  	s2 =	sld [smem:$0x3FA7]  }
0x29: {  	s4 =	sld [smem:$0x3FA9]  }
0x2a: {  	p0 =	seq.s32 s5, $0x0;
	s5 =	sld [smem:$0x3FAA]  }
0x2b: {  	s6 =	sld [smem:$0x3FAB]  }
0x2c: {  	s7 =	sld [smem:$0x3FAC]  }
0x2d: {  	s3 =	simm.s32 $0x108;
	s8 =	sld [smem:$0x3FAD]  }
0x2e: {  	s3 =	simm.s32 @!p0 $0x1082;
	s9 =	sld [smem:$0x3FAE]  }
0x2f: {  	lr =	sadd.s32 s0, s3;
	s0 =	sld [smem:$0x3FA5]  }
0x30: {  	s3 =	sld [smem:$0x3FA8]  }
0x31: {  	[smem:$0x3FB1] =	sst s10  }
0x32: {  	s10 =	sld [smem:$0x3FAF];
	_ =	sdelay $0x3  }
0x33: {  	p0 =	seq.s32 s10, $0x1;
	s10 =	sld [smem:$0x3FB1];
	_ =	sdelay $0x3  }
0x34: {  	[smem:$0x3FB1] =	sst s10  }
0x35: {  	s10 =	sld [smem:$0x3FB0];
	_ =	sdelay $0x3  }
0x36: {  	p1 =	seq.s32 s10, $0x1;
	s10 =	sld [smem:$0x3FB1];
	_ =	sdelay $0x3  }
0x37: {  	[smem:$0x3FB1] =	sst s10  }
0x38: {  	s10 =	sld [smem:$0x3FB2]  }
0x39: {  	_ = 	snop;
	(pc) =	sbr.ind lr, $3  }
0x3a: {  	_ = 	snop  }
0x3b: {  	_ = 	snop  }
0x3c: {  	p2 =	seq.s32 s10, $0x1;
	s10 =	sld [smem:$0x3FB1]  }
0x3d: {  	_ =	shalt  }
0x3e: {  	_ =	shalt  }
0x3f: {  	_ =	shalt  }
0x40: {  	_ =	shalt  }
0x41: {  	_ =	shalt  }
0x42: {  	_ =	shalt  }
0x43: {  	_ =	shalt  }
0x44: {  	_ =	shalt  }
0x45: {  	_ =	shalt  }
0x46: {  	_ =	shalt  }
0x47: {  	_ =	shalt  }
0x48: {  	_ =	shalt  }
0x49: {  	_ =	shalt  }
0x4a: {  	_ =	shalt  }
0x4b: {  	_ =	shalt  }
0x4c: {  	_ =	shalt  }
0x4d: {  	_ =	shalt  }
0x4e: {  	_ =	shalt  }
0x4f: {  	_ =	shalt  }
0x50: {  	_ =	shalt  }
0x51: {  	_ =	shalt  }
0x52: {  	_ =	shalt  }
0x53: {  	_ =	shalt  }
0x54: {  	_ =	shalt  }
0x55: {  	_ =	shalt  }
0x56: {  	_ =	shalt  }
0x57: {  	_ =	shalt  }
0x58: {  	_ =	shalt  }
0x59: {  	_ =	shalt  }
0x5a: {  	_ =	shalt  }
0x5b: {  	_ =	shalt  }
0x5c: {  	_ =	shalt  }
0x5d: {  	_ =	shalt  }
0x5e: {  	_ =	shalt  }
0x5f: {  	_ =	shalt  }
0x60: {  	_ =	shalt  }
0x61: {  	_ =	shalt  }
0x62: {  	_ =	shalt  }
0x63: {  	_ =	shalt  }
0x64: {  	_ =	shalt  }
0x65: {  	_ =	shalt  }
0x66: {  	_ =	shalt  }
0x67: {  	_ =	shalt  }
0x68: {  	_ =	shalt  }
0x69: {  	_ =	shalt  }
0x6a: {  	_ =	shalt  }
0x6b: {  	_ =	shalt  }
0x6c: {  	_ =	shalt  }
0x6d: {  	_ =	shalt  }
0x6e: {  	_ =	shalt  }
0x6f: {  	_ =	shalt  }
0x70: {  	_ =	shalt  }
0x71: {  	_ =	shalt  }
0x72: {  	_ =	shalt  }
0x73: {  	_ =	shalt  }
0x74: {  	_ =	shalt  }
0x75: {  	_ =	shalt  }
0x76: {  	_ =	shalt  }
0x77: {  	_ =	shalt  }
0x78: {  	_ =	shalt  }
0x79: {  	_ =	shalt  }
0x7a: {  	_ =	shalt  }
0x7b: {  	_ =	shalt  }
0x7c: {  	_ =	shalt  }
0x7d: {  	_ =	shalt  }
0x7e: {  	_ =	shalt  }
0x7f: {  	_ =	shalt  }
0x80: {  	_ =	shalt  }
0x81: {  	_ =	shalt  }
0x82: {  	_ =	shalt  }
0x83: {  	_ =	shalt  }
0x84: {  	_ =	shalt  }
0x85: {  	_ =	shalt  }
0x86: {  	_ =	shalt  }
0x87: {  	_ =	shalt  }
.Lfunc_end0:
.L_simem_size_0:
called_computation.1_lowered:
.L_overlay_start_0:
0x88: {  	s2 =	sld [smem:$0x3FD9]  }
0x89: {  	s3 =	sld [smem:$0x3FFE];
	_ =	sdelay $0x1  }
0x8a: {  	s1 =	srdreg.scid  }
0x8b: {  	s0 =	sand.u32 $0x1, s1  }
0x8c: {  	s17 =	sshll.u32 s0, $0xA;
	s2 =	sadd.s32 s3, s2  }
0x8d: {  	s2 =	sadd.s32 s2, s17  }
0x8e: {  	[smem:$0x3FBD] =	sst s2  }
0x8f: {  	_ = 	snop  }
0x90: {  	s18 =	sld [smem:$0x3FC7];
	(tm) =	ssettm $0x1  }
0x91: {  	s19 =	sld [smem:$0x3FFB];
	_ =	sdelay $0x3  }
0x92: {  	_ =	strace s19  }
0x93: {  	s2 =	sld [smem:$0x3FFC];
	_ =	sdelay $0x3  }
0x94: {  	_ =	strace s2  }
0x95: {  	s2 =	sld [smem:$0x3FFD];
	_ =	sdelay $0x3  }
0x96: {  	_ =	strace s2  }
0x97: {  	_ =	strace $0x8FFFFFFF  }
0x98: {  	s20 =	sld [smem:$0x3FDB];
	_ =	sdelay $0x1  }
0x99: {  	s4 =	simm.s32 $_scs_section_size  }
0x9a: {  	s5 =	simm.s32 $_size__tile_overlayer_lowered;
	s6 =	simm.s32 $_tile_overlayer_lowered  }
0x9b: {  	s7 =	simm.s32 $0x1BFF;
	s21 =	sshll.u32 s6, $0x1;
	s4 =	sadd.s32 s4, s20  }
0x9c: {  	s22 =	simm.s32 $0x0;
	s5 =	sshll.u32 s5, $0x1;
	s6 =	sadd.s32 s21, s4  }
0x9d: {  	[timem:s22], [sflag:s7] =	dma.local [hbm:s6], s5  }
0x9e: {  	_ =	swait.ge [sflag:s7], s5  }
0x9f: {  	s5 =	ssub.s32 $0x0, s5;
	[sflag:s7] =	ssyncset.done $0x0  }
0xa0: {  	[sflag:s7] =	ssyncadd.s32 s5;
	_ =	sdelay $0x1  }
0xa1: {  	s23 =	simm.s32 $0x1B8B  }
0xa2: {  	_ =	swait.ge [sflag:s23], $0x1  }
0xa3: {  	[sflag:s23] =	ssyncset.done $0x0  }
0xa4: {  	[sflag:s23] =	ssyncadd.s32 $0xFFFFFFFF  }
0xa5: {  	s5 =	sld [smem:$0x0]  }
0xa6: {  	s6 =	sand.u32 $0xFFFFFFFE, s1  }
0xa7: {  	p0 =	sne.s32 s1, s6  }
0xa8: {  	s6 =	sshll.u32 @p0 s6, $0xE  }
0xa9: {  	s6 =	sadd.s32 @p0 $0x11B8D, s6;
	s7 =	sshll.u32 @p0 s5, $0x11  }
0xaa: {  	s6 =	sor.u32 @p0 s7, s6  }
0xab: {  	[sflag:s6] =	ssyncadd.remote.s32 @p0 $0x1;
	_ =	sdelay $0x1  }
0xac: {  	s6 =	simm.s32 @p0 $0x1B8D  }
0xad: {  	_ =	swait.eq @p0 [sflag:s6], $0x1  }
0xae: {  	[sflag:s6] =	ssyncadd.s32 @p0 $0xFFFFFFFF  }
0xaf: {  	s7 =	sshll.u32 @!p0 s1, $0xE  }
0xb0: {  	s7 =	sor.u32 @!p0 $0x4000, s7;
	s6 =	simm.s32 @!p0 $0x1B8D  }
0xb1: {  	s5 =	sshll.u32 @!p0 s5, $0x11;
	s7 =	sadd.s32 @!p0 $0x11B8D, s7;
	_ =	swait.eq @!p0 [sflag:s6], $0x1  }
0xb2: {  	s5 =	sor.u32 @!p0 s5, s7;
	[sflag:s6] =	ssyncadd.s32 @!p0 $0xFFFFFFFF  }
0xb3: {  	s25 =	simm.s32 $0x1B8E;
	s24 =	sld [smem:$0x3FFE];
	[sflag:s5] =	ssyncadd.remote.s32 @!p0 $0x1  }
0xb4: {  	s26 =	simm.s32 $execute0_lowered;
	[smem:$0x3FD2] =	sst s25  }
0xb5: {  	s6 =	sshll.u32 s26, $0x1;
	_ =	strace $0x8000004C;
	[dreg:$0x1] =	wrdreg $0xFFFFFFFF  }
0xb6: {  	s28 =	simm.s32 $_size_execute0_lowered;
	s4 =	sadd.s32 s4, s6;
	[dreg:$0x0] =	wrdreg $0x0  }
0xb7: {  	s6 =	sshll.u32 s28, $0x1;
	[dreg:$0x2] =	wrdreg s4  }
0xb8: {  	[dreg:$0x3] =	wrdreg s6  }
0xb9: {  	[dreg:$0x4] =	wrdreg $0xC0  }
0xba: {  	_ =	task [dreg:s22], $0x5FFFF  }
0xbb: {  	[dreg:$0x1] =	wrdreg $0xFFFFFFFF  }
0xbc: {  	[dreg:$0x0] =	wrdreg $0x60  }
0xbd: {  	[dreg:$0x2] =	wrdreg s24  }
0xbe: {  	[dreg:$0x3] =	wrdreg s18  }
0xbf: {  	[dreg:$0x4] =	wrdreg $0x0  }
0xc0: {  	[dreg:$0x5] =	wrdreg $0x9  }
0xc1: {  	_ =	task.clear_ibuf [dreg:s22], $0x6FFFF;
	_ =	strace $0x9000004C  }
0xc2: {  	s29 =	simm.s32 $0x9;
	_ =	strace $0x8000004E  }
0xc3: {  	_ =	swait.ge [sflag:s29], $0x1  }
0xc4: {  	[sflag:s29] =	ssyncadd.s32 $0xFFFFFFFF  }
0xc5: {  	_ =	strace $0x9000004E  }
0xc6: {  	_ =	sfence  }
0xc7: {  	s30 =	sld [smem:$0x0];
	_ =	sdelay $0x2  }
0xc8: {  	s31 =	sshll.u32 s1, $0xD;
	s1 =	sshrl.u32 s1, $0x2  }
0xc9: {  	s4 =	sand.u32 $0x4000, s31;
	s1 =	sadd.s32 s1, s30  }
0xca: {  	s0 =	sor.u32 s4, s0;
	s1 =	sshll.u32 s1, $0x11  }
0xcb: {  	s0 =	sor.u32 s1, s0  }
0xcc: {  	s0 =	sadd.s32 $0x8F2B, s0  }
0xcd: {  	[sflag:s0] =	ssyncadd.remote.s32 $0x1  }
0xce: {  	_ =	sfence.sel $0xFFFF  }
0xcf: {  	[dreg:$0x0] =	wrdreg $0xFFFFFFFF;
	(pc) =	sbr.abs _section_cstart, $3  }
0xd0: {  	[dreg:$0x1] =	wrdreg $0xFFFFFFFF  }
0xd1: {  	_ =	task.clear_ibuf [dreg:s22], $0x2FFFF;
	_ =	strace $0x9FFFFFFF  }
0xd2: {  	(tm) =	ssettm $0x7FFFFFFF  }
0xd3: {  	_ =	shalt  }
tec
execute0_lowered:
.L_overlay_start_1:
0x0: {  	(tag) =	ssettag $0x1  }
0x1: {  	s0 =	rddreg [dreg:$0x0]  }
0x2: {  	s1 =	rddreg [dreg:$0x1]  }
0x3: {  	s2 =	rddreg [dreg:$0x2];
	s4 =	simm.s32 $0x0;
	s3 =	srdreg.scid  }
0x4: {  	s13 =	stileid.u32;
	s28 =	simm.s32 $0x1C710;
	s29 =	simm.s32 $0x0  }
0x5: {  	[smem:$0x7FF] =	sst s4;
	s3 =	sand.u32 $0x1, s3;
	s8 =	smul.u32 $0x30E0, s13  }
0x6: {  	s5 =	sadd.s32 $0x66600, s0;
	s6 =	sadd.s32 $0x4A00, s0;
	s20 =	smul.u32 $0x186A0, s13  }
0x7: {  	s7 =	sadd.s32 $0x102400, s0;
	s11 =	sadd.s32 $0xFF200, s0;
	s12 =	smul.u32 $0x61C00, s13  }
0x8: {  	s23 =	sshll.u32 s13, $0x6;
	_ =	strace $0x8000004D;
	s9 =	smul.u32 $0x30E00, s3  }
0x9: {  	s10 =	smul.u32 $0x186A00, s3;
	[dreg:$0x4] =	wrdreg s11;
	s3 =	ssub.s32 $0x2, s3  }
0xa: {  	s21 =	sshrl.u32 s3, $0x1;
	s22 =	sshrl.u32 s12, $0x2;
	s8 =	sadd.s32 s8, s9  }
0xb: {  	s3 =	ssub.s32 s3, s21;
	s9 =	sadd.s32 s20, s10;
	s10 =	sor.u32 $0x1C06, s23  }
0xc: {  	s20 =	simm.s32 $0x6;
	s0 =	sadd.s32 s8, s0;
	s14 =	sshrl.u32 s9, $0x3  }
0xd: {  	s8 =	sadd.s32 s22, s2;
	s18 =	smax.u32 s3, $0x1;
	s24 =	sadd.s32 s5, s14  }
0xe: {  	v0 =	vimm.s32 $0x1;
	v1 =	vimm.s32 $0x2;
	v2 =	vimm.s32 $0x3;
	s25 =	sadd.s32 s6, s14;
	s26 =	sadd.s32 s1, s14;
	[dreg:$0x5] =	wrdreg s24  }
0xf: {  	v3 =	vimm.s32 $0x4;
	v4 =	vimm.s32 $0x5;
	v5 =	vimm.s32 $0x6;
	s16 =	sadd.s32 $0x32, s14;
	s17 =	sadd.s32 $0x133200, s0;
	[dreg:$0x6] =	wrdreg s25  }
0x10: {  	v6 =	vimm.s32 $0x7;
	v7 =	vimm.s32 $0x8;
	v8 =	vimm.s32 $0x9;
	s19 =	sshrl.u32 s8, $0x3;
	[dreg:$0x7] =	wrdreg s26;
	s30 =	sadd.s32 s5, s16  }
0x11: {  	v9 =	vimm.s32 $0xA;
	v10 =	vimm.s32 $0xB;
	v11 =	vimm.s32 $0xC;
	s31 =	sadd.s32 s6, s16;
	s16 =	sadd.s32 s1, s16;
	[dreg:$0x8] =	wrdreg s30  }
0x12: {  	v12 =	vimm.s32 $0xD;
	v13 =	vimm.s32 $0xE;
	v14 =	vimm.s32 $0xF;
	s24 =	simm.s32 $0x1;
	s25 =	simm.s32 $0x190;
	[dreg:$0x9] =	wrdreg s31  }
.LBB2_1:
0x13: {  	s0 =	rddreg [dreg:$0x4]  }
0x14: {  	[spmem:s19], [sflag:s10] =	dma.local [hbm:s0], $0x30E0  }
0x15: {  	_ =	swait.ge [sflag:s20], $0x30E0  }
0x16: {  	[sflag:s20] =	ssyncset.done $0x0  }
0x17: {  	[sflag:s20] =	ssyncadd.s32 $0xFFFFCF20  }
0x18: {  	[bflag:$0x0] =	sbarrier.arrive $0xFFFF  }
0x19: {  	s30 =	simm.s32 $0x18700;
	s13 =	rddreg [dreg:$0x5]  }
0x1a: {  	[tilespmem:s30], [sflag:$0x1] =	stream.linear.gather [hbm4b:s13+s4], $0x190, $0x38;
	[tilespmem:$0x1C720] =	vst v63  }
0x1b: {  	s31 =	simm.s32 $0x18BB0;
	s14 =	rddreg [dreg:$0x6]  }
0x1c: {  	[tilespmem:s31], [sflag:$0x1] =	stream.linear.gather [hbm4b:s14+s4], $0x190, $0x38;
	[tilespmem:$0x1C720] =	vst v63  }
0x1d: {  	s0 =	simm.s32 $0x19060;
	s3 =	rddreg [dreg:$0x7]  }
0x1e: {  	[tilespmem:s0], [sflag:$0x1] =	stream.linear.gather [hbm4b:s3+s4], $0x190, $0x38;
	[tilespmem:$0x1C720] =	vst v63  }
0x1f: {  	s8 =	simm.s32 $0x18890;
	s15 =	rddreg [dreg:$0x8]  }
0x20: {  	[tilespmem:s8], [sflag:$0x2] =	stream.linear.gather [hbm4b:s15+s4], $0x190, $0x38;
	[tilespmem:$0x1C720] =	vst v63  }
0x21: {  	s22 =	simm.s32 $0x18D40;
	s21 =	rddreg [dreg:$0x9]  }
0x22: {  	[tilespmem:s22], [sflag:$0x2] =	stream.linear.gather [hbm4b:s21+s4], $0x190, $0x38;
	[tilespmem:$0x1C720] =	vst v63  }
0x23: {  	s23 =	simm.s32 $0x191F0  }
0x24: {  	[tilespmem:s23], [sflag:$0x2] =	stream.linear.gather [hbm4b:s16+s4], $0x190, $0x38;
	[tilespmem:$0x1C720] =	vst v63  }
0x25: {  	_ =	swait.ge [sflag:s24], $0x190  }
0x26: {  	[sflag:s24] =	ssyncset.done $0x0  }
0x27: {  	[sflag:s24] =	ssyncadd.s32 $0xFFFFFE70  }
0x28: {  	_ =	swait.ge [sflag:s24], $0x190  }
0x29: {  	[sflag:s24] =	ssyncset.done $0x0  }
0x2a: {  	[sflag:s24] =	ssyncadd.s32 $0xFFFFFE70  }
0x2b: {  	_ =	swait.ge [sflag:s24], $0x190  }
0x2c: {  	s26 =	simm.s32 $0x19510;
	[sflag:s24] =	ssyncset.done $0x0  }
0x2d: {  	p0 =	por $0x0, $0x0;
	s3 =	simm.s32 $0x0;
	[sflag:s24] =	ssyncadd.s32 $0xFFFFFE70  }
0x2e: {  	[tilespmem:s26], [sflag:$0x4] =	stream.indirect.gather [hbm4b:s7+s25], $0x10, s30, s25, $0xb8;
	[tilespmem:$0x1C720] =	vst v63  }
.LBB2_2:
0x2f: {  	s8 =	smov.u32 s3  }
0x30: {  	s3 =	sadd.s32 $0x1, s3;
	p2 =	seq.s32 s8, $0xF9  }
0x31: {  	s21 =	sand.u32 @!p2 $0xFF, s3  }
0x32: {  	s21 =	smul.u32 @!p2 $0xAB, s21;
	_ =	sdelay $0x1  }
0x33: {  	s21 =	sshrl.u32 @!p2 s21, $0x9  }
0x34: {  	s21 =	smul.u32 @!p2 $0x3, s21;
	_ =	sdelay $0x1  }
0x35: {  	s21 =	ssub.s32 @!p2 s3, s21  }
0x36: {  	s22 =	smulhi.u32 $0xAAAAAAAB, s8;
	s21 =	sand.u32 @!p2 $0xFF, s21  }
0x37: {  	s26 =	sand.u32 @!p2 $0x1, s3;
	s23 =	sadd.s32 @!p2 $0x1, s21  }
0x38: {  	p1 =	sgt.u32 @!p2 s8, $0xF7;
	s22 =	sshrl.u32 s22, $0x1;
	_ =	swait.ge @!p2 [sflag:s23], $0x190  }
0x39: {  	p1 =	por p1, p2;
	s11 =	smul.u32 @!p2 $0x6400, s26;
	[sflag:s23] =	ssyncset.done @!p2 $0x0  }
0x3a: {  	s12 =	sadd.s32 @!p1 $0x2, s8;
	s22 =	smul.u32 $0xFFFFED40, s22;
	[sflag:s23] =	ssyncadd.s32 @!p2 $0xFFFFFE70  }
0x3b: {  	s13 =	smul.u32 @!p1 $0xAB, s12;
	_ =	swait.ge @!p2 [sflag:s23], $0x190  }
0x3c: {  	s11 =	sshrl.u32 @!p2 s11, $0x2;
	s21 =	smul.u32 @!p2 $0x640, s21;
	[sflag:s23] =	ssyncset.done @!p2 $0x0  }
0x3d: {  	s11 =	sadd.s32 @!p2 $0x19510, s11;
	s13 =	sshrl.u32 @!p1 s13, $0x9;
	[sflag:s23] =	ssyncadd.s32 @!p2 $0xFFFFFE70  }
0x3e: {  	s13 =	sand.u32 @!p1 $0x7F, s13;
	s21 =	sshrl.u32 @!p2 s21, $0x2;
	_ =	swait.ge @!p2 [sflag:s23], $0x190  }
0x3f: {  	s13 =	smul.u32 @!p1 $0x3, s13;
	s21 =	sadd.s32 @!p2 $0x18700, s21;
	[sflag:s23] =	ssyncset.done @!p2 $0x0  }
0x40: {  	[sflag:s23] =	ssyncadd.s32 @!p2 $0xFFFFFE70;
	s23 =	sor.u32 @!p2 $0x4, s26;
	s26 =	simm.s32 @!p2 $0x190  }
0x41: {  	[tilespmem:s11], [sflag:s23] =	stream.indirect.gather @!p2 [hbm4b:s7+s26], $0x10, s21, s26, $0xb8;
	[tilespmem:$0x1C720] =	vst v63  }
0x42: {  	s11 =	ssub.s32 @!p1 s12, s13;
	s12 =	smul.u32 @!p1 $0x190, s12  }
0x43: {  	s11 =	sand.u32 @!p1 $0xFF, s11  }
0x44: {  	s13 =	sshra.s32 s22, $0x2;
	s21 =	smul.u32 @!p1 $0x190, s11;
	s12 =	sadd.s32 @!p1 s9, s12  }
0x45: {  	s14 =	simm.s32 @!p1 $0x0;
	s23 =	sadd.s32 s13, s31;
	s12 =	sshrl.u32 @!p1 s12, $0x3  }
0x46: {  	s11 =	sadd.s32 @!p1 $0x1, s11;
	s22 =	sadd.s32 @!p1 $0x18700, s21;
	s26 =	sadd.s32 @!p1 s5, s12  }
0x47: {  	[tilespmem:s22], [sflag:s11] =	stream.linear.gather @!p1 [hbm4b:s26+s14], $0x190, $0x38;
	[tilespmem:$0x1C720] =	vst v63  }
0x48: {  	s15 =	sadd.s32 @!p1 s6, s12;
	s12 =	sadd.s32 @!p1 s1, s12;
	s22 =	sadd.s32 @!p1 $0x18BB0, s21  }
0x49: {  	[tilespmem:s22], [sflag:s11] =	stream.linear.gather @!p1 [hbm4b:s15+s14], $0x190, $0x38;
	[tilespmem:$0x1C720] =	vst v63  }
0x4a: {  	s26 =	sadd.s32 s13, s30;
	s22 =	sand.u32 $0x1, s8;
	s15 =	sadd.s32 @!p1 $0x19060, s21  }
0x4b: {  	v15 =	vmov s26;
	[tilespmem:s15], [sflag:s11] =	stream.linear.gather @!p1 [hbm4b:s12+s14], $0x190, $0x38;
	[tilespmem:$0x1C720] =	vst v63  }
0x4c: {  	v16 =	vmov s23;
	s12 =	sadd.s32 s13, s0;
	s13 =	sor.u32 $0x4, s22  }
0x4d: {  	_ =	swait.ge [sflag:s13], $0x1900;
	v17 =	vmov s12  }
0x4e: {  	[sflag:s13] =	ssyncset.done $0x0  }
0x4f: {  	s14 =	simm.s32 $0x0;
	[sflag:s13] =	ssyncadd.s32 $0xFFFFE700  }
0x50: {  	v18 =	vld.idx.msk [tilespmem:v15+s14+$0x0 ss:$0x1], $0xffff  }
0x51: {  	v19 =	vld.idx.msk [tilespmem:v16+s14+$0x0 ss:$0x1], $0xffff  }
0x52: {  	v20 =	vld.idx.msk [tilespmem:v17+s14+$0x0 ss:$0x1], $0xffff;
	_ =	sdelay $0x1  }
0x53: {  	s11 =	simm.s32 $0x1  }
0x54: {  	s11 =	simm.s32 @!p0 $0x0  }
0x55: {  	s11 =	smul.u32 $0x6400, s11;
	vm0 =	veq.s32 v18, v19  }
0x56: {  	v18 =	vsel vm0, $0x0, v20  }
0x57: {  	s11 =	sshrl.u32 s11, $0x2;
	[tilespmem:$0x1C710] =	vst v18  }
0x58: {  	s21 =	sadd.s32 $0x19590, s11;
	v18 =	vld.msk [tilespmem:s28+$0x0], $0xffff  }
0x59: {  	v19 =	vld [tilespmem:s21+$0xFFFFFF80];
	_ =	sdelay $0x3  }
0x5a: {  	v18 =	vpack.i.f32.bf16 v18, v18  }
0x5b: {  	v18 =	vmul.bf16 v19, v18;
	_ =	sdelay $0x1  }
0x5c: {  	[tilespmem:s21+$0xFFFFFF80] =	vst v18  }
0x5d: {  	v18 =	vld.idx.msk [tilespmem:v0+s28+$0x0], $0xffff  }
0x5e: {  	v19 =	vld [tilespmem:s21+$0xFFFFFF90];
	_ =	sdelay $0x3  }
0x5f: {  	v18 =	vpack.i.f32.bf16 v18, v18  }
0x60: {  	v18 =	vmul.bf16 v19, v18;
	_ =	sdelay $0x1  }
0x61: {  	[tilespmem:s21+$0xFFFFFF90] =	vst v18  }
0x62: {  	v18 =	vld.idx.msk [tilespmem:v1+s28+$0x0], $0xffff  }
0x63: {  	v19 =	vld [tilespmem:s21+$0xFFFFFFA0];
	_ =	sdelay $0x3  }
0x64: {  	v18 =	vpack.i.f32.bf16 v18, v18  }
0x65: {  	v18 =	vmul.bf16 v19, v18;
	_ =	sdelay $0x1  }
0x66: {  	[tilespmem:s21+$0xFFFFFFA0] =	vst v18  }
0x67: {  	v18 =	vld.idx.msk [tilespmem:v2+s28+$0x0], $0xffff  }
0x68: {  	v19 =	vld [tilespmem:s21+$0xFFFFFFB0];
	_ =	sdelay $0x3  }
0x69: {  	v18 =	vpack.i.f32.bf16 v18, v18  }
0x6a: {  	v18 =	vmul.bf16 v19, v18;
	_ =	sdelay $0x1  }
0x6b: {  	[tilespmem:s21+$0xFFFFFFB0] =	vst v18  }
0x6c: {  	v18 =	vld.idx.msk [tilespmem:v3+s28+$0x0], $0xffff  }
0x6d: {  	v19 =	vld [tilespmem:s21+$0xFFFFFFC0];
	_ =	sdelay $0x3  }
0x6e: {  	v18 =	vpack.i.f32.bf16 v18, v18  }
0x6f: {  	v18 =	vmul.bf16 v19, v18;
	_ =	sdelay $0x1  }
0x70: {  	[tilespmem:s21+$0xFFFFFFC0] =	vst v18  }
0x71: {  	v18 =	vld.idx.msk [tilespmem:v4+s28+$0x0], $0xffff  }
0x72: {  	v19 =	vld [tilespmem:s21+$0xFFFFFFD0];
	_ =	sdelay $0x3  }
0x73: {  	v18 =	vpack.i.f32.bf16 v18, v18  }
0x74: {  	v18 =	vmul.bf16 v19, v18;
	_ =	sdelay $0x1  }
0x75: {  	[tilespmem:s21+$0xFFFFFFD0] =	vst v18  }
0x76: {  	v18 =	vld.idx.msk [tilespmem:v5+s28+$0x0], $0xffff  }
0x77: {  	v19 =	vld [tilespmem:s21+$0xFFFFFFE0];
	_ =	sdelay $0x3  }
0x78: {  	v18 =	vpack.i.f32.bf16 v18, v18  }
0x79: {  	v18 =	vmul.bf16 v19, v18;
	_ =	sdelay $0x1  }
0x7a: {  	[tilespmem:s21+$0xFFFFFFE0] =	vst v18  }
0x7b: {  	v18 =	vld.idx.msk [tilespmem:v6+s28+$0x0], $0xffff  }
0x7c: {  	v19 =	vld [tilespmem:s21+$0xFFFFFFF0];
	_ =	sdelay $0x3  }
0x7d: {  	v18 =	vpack.i.f32.bf16 v18, v18  }
0x7e: {  	v18 =	vmul.bf16 v19, v18;
	_ =	sdelay $0x1  }
0x7f: {  	[tilespmem:s21+$0xFFFFFFF0] =	vst v18  }
0x80: {  	v18 =	vld.idx.msk [tilespmem:v7+s28+$0x0], $0xffff  }
0x81: {  	v19 =	vld [tilespmem:s21+$0x0];
	_ =	sdelay $0x3  }
0x82: {  	v18 =	vpack.i.f32.bf16 v18, v18  }
0x83: {  	v18 =	vmul.bf16 v19, v18;
	_ =	sdelay $0x1  }
0x84: {  	[tilespmem:s21+$0x0] =	vst v18  }
0x85: {  	v18 =	vld.idx.msk [tilespmem:v8+s28+$0x0], $0xffff  }
0x86: {  	v19 =	vld [tilespmem:s21+$0x10];
	_ =	sdelay $0x3  }
0x87: {  	v18 =	vpack.i.f32.bf16 v18, v18  }
0x88: {  	v18 =	vmul.bf16 v19, v18;
	_ =	sdelay $0x1  }
0x89: {  	[tilespmem:s21+$0x10] =	vst v18  }
0x8a: {  	v18 =	vld.idx.msk [tilespmem:v9+s28+$0x0], $0xffff  }
0x8b: {  	v19 =	vld [tilespmem:s21+$0x20];
	_ =	sdelay $0x3  }
0x8c: {  	v18 =	vpack.i.f32.bf16 v18, v18  }
0x8d: {  	v18 =	vmul.bf16 v19, v18;
	_ =	sdelay $0x1  }
0x8e: {  	[tilespmem:s21+$0x20] =	vst v18  }
0x8f: {  	v18 =	vld.idx.msk [tilespmem:v10+s28+$0x0], $0xffff  }
0x90: {  	v19 =	vld [tilespmem:s21+$0x30];
	_ =	sdelay $0x3  }
0x91: {  	v18 =	vpack.i.f32.bf16 v18, v18  }
0x92: {  	v18 =	vmul.bf16 v19, v18;
	_ =	sdelay $0x1  }
0x93: {  	[tilespmem:s21+$0x30] =	vst v18  }
0x94: {  	v18 =	vld.idx.msk [tilespmem:v11+s28+$0x0], $0xffff  }
0x95: {  	v19 =	vld [tilespmem:s21+$0x40];
	_ =	sdelay $0x3  }
0x96: {  	v18 =	vpack.i.f32.bf16 v18, v18  }
0x97: {  	v18 =	vmul.bf16 v19, v18;
	_ =	sdelay $0x1  }
0x98: {  	[tilespmem:s21+$0x40] =	vst v18  }
0x99: {  	v18 =	vld.idx.msk [tilespmem:v12+s28+$0x0], $0xffff  }
0x9a: {  	v19 =	vld [tilespmem:s21+$0x50];
	_ =	sdelay $0x3  }
0x9b: {  	v18 =	vpack.i.f32.bf16 v18, v18  }
0x9c: {  	v18 =	vmul.bf16 v19, v18;
	_ =	sdelay $0x1  }
0x9d: {  	[tilespmem:s21+$0x50] =	vst v18  }
0x9e: {  	v18 =	vld.idx.msk [tilespmem:v13+s28+$0x0], $0xffff  }
0x9f: {  	v19 =	vld [tilespmem:s21+$0x60];
	_ =	sdelay $0x3  }
0xa0: {  	v18 =	vpack.i.f32.bf16 v18, v18  }
0xa1: {  	v18 =	vmul.bf16 v19, v18  }
0xa2: {  	s15 =	smul.u32 $0xAB, s8  }
0xa3: {  	[tilespmem:s21+$0x60] =	vst v18  }
0xa4: {  	s11 =	sshrl.u32 s15, $0x9;
	v19 =	vld.idx.msk [tilespmem:v14+s28+$0x0], $0xffff  }
0xa5: {  	s23 =	smul.u32 $0x6400, s22;
	s11 =	sand.u32 $0x7F, s11  }
0xa6: {  	s11 =	smul.u32 $0x3, s11;
	v18 =	vld [tilespmem:s21+$0x70]  }
0xa7: {  	s26 =	sshrl.u32 s23, $0x2  }
0xa8: {  	s22 =	sadd.s32 $0x19510, s26;
	s8 =	ssub.s32 s8, s11  }
0xa9: {  	s26 =	smov.u32 s21;
	s23 =	sand.u32 $0xFF, s8;
	s8 =	simm.s32 $0x40;
	v19 =	vpack.i.f32.bf16 v19, v19  }
.LBB2_3:
0xaa: {  	p1 =	sne.s32 s8, $0x600  }
0xab: {  	v18 =	vmul.bf16 v18, v19;
	s21 =	sadd.s32 $0x100, s21;
	s11 =	smov.u32 s8;
	s8 =	sadd.s32 $0x40, s8  }
0xac: {  	s11 =	sshra.s32 s11, $0x2  }
0xad: {  	[tilespmem:s26+$0x70] =	vst v18;
	s26 =	smov.u32 s21  }
0xae: {  	v18 =	vld.idx.msk [tilespmem:v15+s11+$0x0 ss:$0x1], $0xffff  }
0xaf: {  	v19 =	vld.idx.msk [tilespmem:v16+s11+$0x0 ss:$0x1], $0xffff  }
0xb0: {  	v20 =	vld.idx.msk [tilespmem:v17+s11+$0x0 ss:$0x1], $0xffff;
	_ =	sdelay $0x4  }
0xb1: {  	vm0 =	veq.s32 v18, v19  }
0xb2: {  	v18 =	vsel vm0, $0x0, v20  }
0xb3: {  	[tilespmem:$0x1C710] =	vst v18  }
0xb4: {  	v18 =	vld.msk [tilespmem:s28+$0x0], $0xffff  }
0xb5: {  	v19 =	vld [tilespmem:s21+$0xFFFFFF80];
	_ =	sdelay $0x3  }
0xb6: {  	v18 =	vpack.i.f32.bf16 v18, v18  }
0xb7: {  	v18 =	vmul.bf16 v19, v18;
	_ =	sdelay $0x1  }
0xb8: {  	[tilespmem:s21+$0xFFFFFF80] =	vst v18  }
0xb9: {  	v18 =	vld.idx.msk [tilespmem:v0+s28+$0x0], $0xffff  }
0xba: {  	v19 =	vld [tilespmem:s21+$0xFFFFFF90];
	_ =	sdelay $0x4  }
0xbb: {  	v18 =	vpack.i.f32.bf16 v18, v18  }
0xbc: {  	v18 =	vmul.bf16 v19, v18;
	_ =	sdelay $0x1  }
0xbd: {  	[tilespmem:s21+$0xFFFFFF90] =	vst v18  }
0xbe: {  	v18 =	vld.idx.msk [tilespmem:v1+s28+$0x0], $0xffff  }
0xbf: {  	v19 =	vld [tilespmem:s21+$0xFFFFFFA0];
	_ =	sdelay $0x4  }
0xc0: {  	v18 =	vpack.i.f32.bf16 v18, v18  }
0xc1: {  	v18 =	vmul.bf16 v19, v18;
	_ =	sdelay $0x1  }
0xc2: {  	[tilespmem:s21+$0xFFFFFFA0] =	vst v18  }
0xc3: {  	v18 =	vld.idx.msk [tilespmem:v2+s28+$0x0], $0xffff  }
0xc4: {  	v19 =	vld [tilespmem:s21+$0xFFFFFFB0];
	_ =	sdelay $0x4  }
0xc5: {  	v18 =	vpack.i.f32.bf16 v18, v18  }
0xc6: {  	v18 =	vmul.bf16 v19, v18;
	_ =	sdelay $0x1  }
0xc7: {  	[tilespmem:s21+$0xFFFFFFB0] =	vst v18  }
0xc8: {  	v18 =	vld.idx.msk [tilespmem:v3+s28+$0x0], $0xffff  }
0xc9: {  	v19 =	vld [tilespmem:s21+$0xFFFFFFC0];
	_ =	sdelay $0x4  }
0xca: {  	v18 =	vpack.i.f32.bf16 v18, v18  }
0xcb: {  	v18 =	vmul.bf16 v19, v18;
	_ =	sdelay $0x1  }
0xcc: {  	[tilespmem:s21+$0xFFFFFFC0] =	vst v18  }
0xcd: {  	v18 =	vld.idx.msk [tilespmem:v4+s28+$0x0], $0xffff  }
0xce: {  	v19 =	vld [tilespmem:s21+$0xFFFFFFD0];
	_ =	sdelay $0x4  }
0xcf: {  	v18 =	vpack.i.f32.bf16 v18, v18  }
0xd0: {  	v18 =	vmul.bf16 v19, v18;
	_ =	sdelay $0x1  }
0xd1: {  	[tilespmem:s21+$0xFFFFFFD0] =	vst v18  }
0xd2: {  	v18 =	vld.idx.msk [tilespmem:v5+s28+$0x0], $0xffff  }
0xd3: {  	v19 =	vld [tilespmem:s21+$0xFFFFFFE0];
	_ =	sdelay $0x4  }
0xd4: {  	v18 =	vpack.i.f32.bf16 v18, v18  }
0xd5: {  	v18 =	vmul.bf16 v19, v18;
	_ =	sdelay $0x1  }
0xd6: {  	[tilespmem:s21+$0xFFFFFFE0] =	vst v18  }
0xd7: {  	v18 =	vld.idx.msk [tilespmem:v6+s28+$0x0], $0xffff  }
0xd8: {  	v19 =	vld [tilespmem:s21+$0xFFFFFFF0];
	_ =	sdelay $0x4  }
0xd9: {  	v18 =	vpack.i.f32.bf16 v18, v18  }
0xda: {  	v18 =	vmul.bf16 v19, v18;
	_ =	sdelay $0x1  }
0xdb: {  	[tilespmem:s21+$0xFFFFFFF0] =	vst v18  }
0xdc: {  	v18 =	vld.idx.msk [tilespmem:v7+s28+$0x0], $0xffff  }
0xdd: {  	v19 =	vld [tilespmem:s21+$0x0];
	_ =	sdelay $0x4  }
0xde: {  	v18 =	vpack.i.f32.bf16 v18, v18  }
0xdf: {  	v18 =	vmul.bf16 v19, v18;
	_ =	sdelay $0x1  }
0xe0: {  	[tilespmem:s21+$0x0] =	vst v18  }
0xe1: {  	v18 =	vld.idx.msk [tilespmem:v8+s28+$0x0], $0xffff  }
0xe2: {  	v19 =	vld [tilespmem:s21+$0x10];
	_ =	sdelay $0x4  }
0xe3: {  	v18 =	vpack.i.f32.bf16 v18, v18  }
0xe4: {  	v18 =	vmul.bf16 v19, v18;
	_ =	sdelay $0x1  }
0xe5: {  	[tilespmem:s21+$0x10] =	vst v18  }
0xe6: {  	v18 =	vld.idx.msk [tilespmem:v9+s28+$0x0], $0xffff  }
0xe7: {  	v19 =	vld [tilespmem:s21+$0x20];
	_ =	sdelay $0x4  }
0xe8: {  	v18 =	vpack.i.f32.bf16 v18, v18  }
0xe9: {  	v18 =	vmul.bf16 v19, v18;
	_ =	sdelay $0x1  }
0xea: {  	[tilespmem:s21+$0x20] =	vst v18  }
0xeb: {  	v18 =	vld.idx.msk [tilespmem:v10+s28+$0x0], $0xffff  }
0xec: {  	v19 =	vld [tilespmem:s21+$0x30];
	_ =	sdelay $0x4  }
0xed: {  	v18 =	vpack.i.f32.bf16 v18, v18  }
0xee: {  	v18 =	vmul.bf16 v19, v18;
	_ =	sdelay $0x1  }
0xef: {  	[tilespmem:s21+$0x30] =	vst v18  }
0xf0: {  	v18 =	vld.idx.msk [tilespmem:v11+s28+$0x0], $0xffff  }
0xf1: {  	v19 =	vld [tilespmem:s21+$0x40];
	_ =	sdelay $0x4  }
0xf2: {  	v18 =	vpack.i.f32.bf16 v18, v18  }
0xf3: {  	v18 =	vmul.bf16 v19, v18;
	_ =	sdelay $0x1  }
0xf4: {  	[tilespmem:s21+$0x40] =	vst v18  }
0xf5: {  	v18 =	vld.idx.msk [tilespmem:v12+s28+$0x0], $0xffff  }
0xf6: {  	v19 =	vld [tilespmem:s21+$0x50];
	_ =	sdelay $0x4  }
0xf7: {  	v18 =	vpack.i.f32.bf16 v18, v18  }
0xf8: {  	v18 =	vmul.bf16 v19, v18;
	_ =	sdelay $0x1  }
0xf9: {  	[tilespmem:s21+$0x50] =	vst v18  }
0xfa: {  	v18 =	vld.idx.msk [tilespmem:v13+s28+$0x0], $0xffff  }
0xfb: {  	v19 =	vld [tilespmem:s21+$0x60];
	_ =	sdelay $0x4  }
0xfc: {  	v18 =	vpack.i.f32.bf16 v18, v18  }
0xfd: {  	v18 =	vmul.bf16 v19, v18;
	_ =	sdelay $0x1  }
0xfe: {  	[tilespmem:s21+$0x60] =	vst v18  }
0xff: {  	v19 =	vld.idx.msk [tilespmem:v14+s28+$0x0], $0xffff  }
0x100: {  	v18 =	vld [tilespmem:s21+$0x70]  }
.Ltmp0:
0x101: {  	(pc) =	sbr.rel @p1 .LBB2_3-.Ltmp0, $2  }
0x102: {  	_ =	sdelay $0x2  }
0x103: {  	v19 =	vpack.i.f32.bf16 v19, v19  }
0x104: {  	s8 =	smul.u32 $0x640, s23  }
0x105: {  	v15 =	vmul.bf16 v18, v19  }
0x106: {  	p1 =	sne.s32 s3, $0xFA;
	s8 =	sshrl.u32 s8, $0x2  }
.Ltmp1:
0x107: {  	[tilespmem:s26+$0x70] =	vst v15;
	s8 =	sadd.s32 $0x18BB0, s8;
	(pc) =	sbr.rel @p1 .LBB2_2-.Ltmp1, $4  }
0x108: {  	[spmem:s2] =	stream.indirect.scatter.add.bf16 [tilespmem:s22], [sflag:$0x6], $0x10, s8, s25, $0xb8;
	[tilespmem:$0x1C720] =	vst v63  }
0x109: {  	_ =	swait.ge [sflag:s20], $0x1900  }
0x10a: {  	s0 =	sadd.s32 $0x190, s0;
	s31 =	sadd.s32 $0x190, s31;
	[sflag:s20] =	ssyncset.done $0x0  }
0x10b: {  	s30 =	sadd.s32 $0x190, s30;
	p0 =	por !p0, !p0;
	[sflag:s20] =	ssyncadd.s32 $0xFFFFE700  }
0x10c: {  	s29 =	sadd.s32 $0x1, s29  }
0x10d: {  	p0 =	sne.s32 s29, s18  }
.Ltmp2:
0x10e: {  	[bflag:$0x0] =	sbarrier.arrive $0xFFFF;
	(pc) =	sbr.rel @p0 .LBB2_1-.Ltmp2, $4  }
0x10f: {  	[hbm:s17], [sflag:s10] =	dma.local [spmem:s19], $0x30E0  }
0x110: {  	_ =	swait.ge [sflag:s20], $0x30E0  }
0x111: {  	[sflag:s20] =	ssyncset.done $0x0  }
0x112: {  	[sflag:s20] =	ssyncadd.s32 $0xFFFFCF20  }
0x113: {  	_ =	sfence.sel $0x180000  }
0x114: {  	[bflag:$0x0] =	sbarrier.arrive $0xFFFF  }
0x115: {  	_ =	strace $0x9000004D  }
0x116: {  	s0 =	stileid.u32;
	[bflag:$0x2] =	sbarrier.arrive $0xFFFF  }
0x117: {  	p0 =	sne.s32 s0, $0x0;
	s0 =	rddreg [dreg:$0x3]  }
0x118: {  	s0 =	sadd.s32 @!p0 $0x100000, s0  }
0x119: {  	[sflag:s0] =	ssyncadd.tile.s32 @!p0 $0x1;
	_ =	shalt  }
.Lfunc_end2:
_tile_overlayer_lowered:
.L_overlay_start_2:
0x11a: {  	(tag) =	ssettag $0x2  }
0x11b: {  	s0 =	rddreg [dreg:$0x0];
	s2 =	stileid.u32  }
0x11c: {  	s1 =	rddreg [dreg:$0x1];
	p0 =	sne.s32 s2, $0x0  }
0x11d: {  	s3 =	rddreg [dreg:$0x2];
	[bflag:$0x3] =	sbarrier.arrive $0xFFFF;
	s2 =	simm.s32 @!p0 $0x1C06  }
0x11e: {  	[timem:s3], [sflag:s2] =	dma.local @!p0 [hbm:s0], s1  }
0x11f: {  	s0 =	simm.s32 @!p0 $0x6  }
0x120: {  	_ =	swait.ge @!p0 [sflag:s0], s1  }
0x121: {  	s1 =	ssub.s32 @!p0 $0x0, s1;
	[sflag:s0] =	ssyncset.done @!p0 $0x0  }
0x122: {  	[sflag:s0] =	ssyncadd.s32 @!p0 s1  }
0x123: {  	[bflag:$0x3] =	sbarrier.arrive $0xFFFF  }
0x124: {  	_ =	shalt  }

// kernel: kernel.13.cloned.1.call-start
scs
__scs_entry_jumppad:
0x0: {  	(pc) =	sbr.rel $0x88, $3  }
0x1: {  	(tag) =	ssettag $0x0;
	lr =	simm.s32 $0x1  }
0x2: {  	[smem:$0x3F96] =	sst lr;
	_ =	strace $0xD0000000  }
0x3: {  	_ = 	snop  }
0x4: {  	_ = 	snop  }
0x5: {  	_ = 	snop  }
0x6: {  	_ = 	snop  }
0x7: {  	_ = 	snop  }
__scs_overlays_trampoline_lowered:
0x8: {  	[smem:$0x3FA5] =	sst s0  }
0x9: {  	[smem:$0x3FA6] =	sst s1  }
0xa: {  	[smem:$0x3FA7] =	sst s2  }
0xb: {  	[smem:$0x3FA8] =	sst s3  }
0xc: {  	[smem:$0x3FA9] =	sst s4  }
0xd: {  	[smem:$0x3FAA] =	sst s5  }
0xe: {  	[smem:$0x3FAB] =	sst s6  }
0xf: {  	[smem:$0x3FAC] =	sst s7  }
0x10: {  	[smem:$0x3FAD] =	sst s8  }
0x11: {  	[smem:$0x3FAE] =	sst s9;
	s0 =	simm.s32 @!p0 $0x0  }
0x12: {  	s1 =	sld [smem:$0x3F94];
	s0 =	simm.s32 @p0 $0x1  }
0x13: {  	[smem:$0x3FAF] =	sst s0;
	s0 =	simm.s32 @!p1 $0x0  }
0x14: {  	s2 =	sld [smem:$0x3F93];
	s0 =	simm.s32 @p1 $0x1  }
0x15: {  	[smem:$0x3FB0] =	sst s0;
	s0 =	simm.s32 @!p2 $0x0  }
0x16: {  	s3 =	sld [smem:$0x3FDB];
	s0 =	simm.s32 @p2 $0x1  }
0x17: {  	s4 =	simm.s32 $0x1BF5;
	[smem:$0x3FB2] =	sst s0  }
0x18: {  	s0 =	sld [smem:$0x3F95];
	_ =	swait.ge [sflag:s4], $0x0  }
0x19: {  	s7 =	sld [smem:$0x3F96]  }
0x1a: {  	s8 =	sadd.s32 $0xFFFFE003, lr  }
0x1b: {  	s9 =	sadd.s32 $0xFFFFFEF7, lr;
	s5 =	simm.s32 $0xFFFFFFFF;
	p2 =	slt.u32 s8, $0xFFFFF086  }
0x1c: {  	p1 =	slt.u32 s9, $0xF7A;
	s5 =	simm.s32 @!p2 $0x0  }
0x1d: {  	s5 =	simm.s32 @p1 $0x1;
	p0 =	seq.s32 s7, s2  }
0x1e: {  	s7 =	smul.u32 @!p0 $0xF7A, s2;
	p2 =	seq.s32 @!p0 s5, $0x0  }
0x1f: {  	s9 =	smul.u32 $0xF7A, s1;
	s8 =	simm.s32 @!p0 $0x1BF5;
	p2 =	por !p2, p0  }
0x20: {  	[sflag:s8] =	ssyncset.s32 @!p0 $0xFFFFF086;
	s6 =	sadd.s32 @!p0 s3, s7;
	s7 =	simm.s32 @!p0 $0x108  }
0x21: {  	s3 =	sadd.s32 s3, s9;
	s6 =	sadd.s32 @!p0 $0x88, s6;
	s7 =	simm.s32 @p2 $0x1082  }
0x22: {  	[simem:s7], [sflag:s8] =	dma.local @!p0 [hbm:s6], $0xF7A  }
0x23: {  	s9 =	sor.u32 $0xD0000000, s2;
	s6 =	simm.s32 $0x108;
	_ =	swait.ge @!p0 [sflag:s8], $0x0  }
0x24: {  	s3 =	sadd.s32 $0x88, s3;
	s6 =	simm.s32 @!p1 $0x1082;
	[sflag:s4] =	ssyncset.s32 $0xFFFFF086  }
0x25: {  	[simem:s6], [sflag:s4] =	dma.local [hbm:s3], $0xF7A  }
0x26: {  	[smem:$0x3F96] =	sst s1;
	(tag) =	ssettag s2;
	_ =	strace s9  }
0x27: {  	s1 =	sld [smem:$0x3FA6]  }
0x28: {  	s2 =	sld [smem:$0x3FA7]  }
0x29: {  	s4 =	sld [smem:$0x3FA9]  }
0x2a: {  	p0 =	seq.s32 s5, $0x0;
	s5 =	sld [smem:$0x3FAA]  }
0x2b: {  	s6 =	sld [smem:$0x3FAB]  }
0x2c: {  	s7 =	sld [smem:$0x3FAC]  }
0x2d: {  	s3 =	simm.s32 $0x108;
	s8 =	sld [smem:$0x3FAD]  }
0x2e: {  	s3 =	simm.s32 @!p0 $0x1082;
	s9 =	sld [smem:$0x3FAE]  }
0x2f: {  	lr =	sadd.s32 s0, s3;
	s0 =	sld [smem:$0x3FA5]  }
0x30: {  	s3 =	sld [smem:$0x3FA8]  }
0x31: {  	[smem:$0x3FB1] =	sst s10  }
0x32: {  	s10 =	sld [smem:$0x3FAF];
	_ =	sdelay $0x3  }
0x33: {  	p0 =	seq.s32 s10, $0x1;
	s10 =	sld [smem:$0x3FB1];
	_ =	sdelay $0x3  }
0x34: {  	[smem:$0x3FB1] =	sst s10  }
0x35: {  	s10 =	sld [smem:$0x3FB0];
	_ =	sdelay $0x3  }
0x36: {  	p1 =	seq.s32 s10, $0x1;
	s10 =	sld [smem:$0x3FB1];
	_ =	sdelay $0x3  }
0x37: {  	[smem:$0x3FB1] =	sst s10  }
0x38: {  	s10 =	sld [smem:$0x3FB2]  }
0x39: {  	_ = 	snop;
	(pc) =	sbr.ind lr, $3  }
0x3a: {  	_ = 	snop  }
0x3b: {  	_ = 	snop  }
0x3c: {  	p2 =	seq.s32 s10, $0x1;
	s10 =	sld [smem:$0x3FB1]  }
0x3d: {  	_ =	shalt  }
0x3e: {  	_ =	shalt  }
0x3f: {  	_ =	shalt  }
0x40: {  	_ =	shalt  }
0x41: {  	_ =	shalt  }
0x42: {  	_ =	shalt  }
0x43: {  	_ =	shalt  }
0x44: {  	_ =	shalt  }
0x45: {  	_ =	shalt  }
0x46: {  	_ =	shalt  }
0x47: {  	_ =	shalt  }
0x48: {  	_ =	shalt  }
0x49: {  	_ =	shalt  }
0x4a: {  	_ =	shalt  }
0x4b: {  	_ =	shalt  }
0x4c: {  	_ =	shalt  }
0x4d: {  	_ =	shalt  }
0x4e: {  	_ =	shalt  }
0x4f: {  	_ =	shalt  }
0x50: {  	_ =	shalt  }
0x51: {  	_ =	shalt  }
0x52: {  	_ =	shalt  }
0x53: {  	_ =	shalt  }
0x54: {  	_ =	shalt  }
0x55: {  	_ =	shalt  }
0x56: {  	_ =	shalt  }
0x57: {  	_ =	shalt  }
0x58: {  	_ =	shalt  }
0x59: {  	_ =	shalt  }
0x5a: {  	_ =	shalt  }
0x5b: {  	_ =	shalt  }
0x5c: {  	_ =	shalt  }
0x5d: {  	_ =	shalt  }
0x5e: {  	_ =	shalt  }
0x5f: {  	_ =	shalt  }
0x60: {  	_ =	shalt  }
0x61: {  	_ =	shalt  }
0x62: {  	_ =	shalt  }
0x63: {  	_ =	shalt  }
0x64: {  	_ =	shalt  }
0x65: {  	_ =	shalt  }
0x66: {  	_ =	shalt  }
0x67: {  	_ =	shalt  }
0x68: {  	_ =	shalt  }
0x69: {  	_ =	shalt  }
0x6a: {  	_ =	shalt  }
0x6b: {  	_ =	shalt  }
0x6c: {  	_ =	shalt  }
0x6d: {  	_ =	shalt  }
0x6e: {  	_ =	shalt  }
0x6f: {  	_ =	shalt  }
0x70: {  	_ =	shalt  }
0x71: {  	_ =	shalt  }
0x72: {  	_ =	shalt  }
0x73: {  	_ =	shalt  }
0x74: {  	_ =	shalt  }
0x75: {  	_ =	shalt  }
0x76: {  	_ =	shalt  }
0x77: {  	_ =	shalt  }
0x78: {  	_ =	shalt  }
0x79: {  	_ =	shalt  }
0x7a: {  	_ =	shalt  }
0x7b: {  	_ =	shalt  }
0x7c: {  	_ =	shalt  }
0x7d: {  	_ =	shalt  }
0x7e: {  	_ =	shalt  }
0x7f: {  	_ =	shalt  }
0x80: {  	_ =	shalt  }
0x81: {  	_ =	shalt  }
0x82: {  	_ =	shalt  }
0x83: {  	_ =	shalt  }
0x84: {  	_ =	shalt  }
0x85: {  	_ =	shalt  }
0x86: {  	_ =	shalt  }
0x87: {  	_ =	shalt  }
.Lfunc_end0:
.L_simem_size_0:
called_computation.2_lowered:
.L_overlay_start_0:
0x88: {  	s2 =	sld [smem:$0x3FD9]  }
0x89: {  	s3 =	sld [smem:$0x3FFE];
	_ =	sdelay $0x1  }
0x8a: {  	s1 =	srdreg.scid  }
0x8b: {  	s0 =	sand.u32 $0x1, s1  }
0x8c: {  	s17 =	sshll.u32 s0, $0xA;
	s2 =	sadd.s32 s3, s2  }
0x8d: {  	s2 =	sadd.s32 s2, s17  }
0x8e: {  	[smem:$0x3FBD] =	sst s2  }
0x8f: {  	_ = 	snop  }
0x90: {  	s2 =	sld [smem:$0x3FC7];
	(tm) =	ssettm $0x1  }
0x91: {  	s18 =	sld [smem:$0x3FFB];
	_ =	sdelay $0x3  }
0x92: {  	_ =	strace s18  }
0x93: {  	s3 =	sld [smem:$0x3FFC];
	_ =	sdelay $0x3  }
0x94: {  	_ =	strace s3  }
0x95: {  	s3 =	sld [smem:$0x3FFD];
	_ =	sdelay $0x3  }
0x96: {  	_ =	strace s3  }
0x97: {  	_ =	strace $0x8FFFFFFF  }
0x98: {  	s19 =	sld [smem:$0x3FDB];
	_ =	sdelay $0x1  }
0x99: {  	s4 =	simm.s32 $_scs_section_size  }
0x9a: {  	s5 =	simm.s32 $_size__tile_overlayer_lowered;
	s6 =	simm.s32 $_tile_overlayer_lowered  }
0x9b: {  	s22 =	simm.s32 $0x1BFF;
	s21 =	sshll.u32 s6, $0x1;
	s3 =	sadd.s32 s4, s19  }
0x9c: {  	s7 =	simm.s32 $0x0;
	s20 =	sshll.u32 s5, $0x1;
	s5 =	sadd.s32 s21, s3  }
0x9d: {  	[timem:s7], [sflag:s22] =	dma.local [hbm:s5], s20  }
0x9e: {  	_ =	swait.ge [sflag:s22], s20  }
0x9f: {  	s4 =	ssub.s32 $0x0, s20;
	[sflag:s22] =	ssyncset.done $0x0  }
0xa0: {  	[sflag:s22] =	ssyncadd.s32 s4;
	_ =	sdelay $0x1  }
0xa1: {  	s23 =	simm.s32 $0x1B8B  }
0xa2: {  	_ =	swait.ge [sflag:s23], $0x1  }
0xa3: {  	[sflag:s23] =	ssyncset.done $0x0  }
0xa4: {  	s25 =	simm.s32 $0x1B8E;
	s24 =	sld [smem:$0x3FFE];
	[sflag:s23] =	ssyncadd.s32 $0xFFFFFFFF  }
0xa5: {  	s26 =	simm.s32 $execute0_lowered;
	[smem:$0x3FD2] =	sst s25  }
0xa6: {  	s5 =	sshll.u32 s26, $0x1;
	_ =	strace $0x80000049;
	[dreg:$0x1] =	wrdreg $0xFFFFFFFF  }
0xa7: {  	s28 =	simm.s32 $_size_execute0_lowered;
	s3 =	sadd.s32 s3, s5;
	[dreg:$0x0] =	wrdreg $0x0  }
0xa8: {  	s5 =	sshll.u32 s28, $0x1;
	[dreg:$0x2] =	wrdreg s3  }
0xa9: {  	[dreg:$0x3] =	wrdreg s5  }
0xaa: {  	[dreg:$0x4] =	wrdreg $0xC0  }
0xab: {  	_ =	task [dreg:s7], $0x5FFFF  }
0xac: {  	[dreg:$0x1] =	wrdreg $0xFFFFFFFF  }
0xad: {  	[dreg:$0x0] =	wrdreg $0x60  }
0xae: {  	[dreg:$0x2] =	wrdreg s24  }
0xaf: {  	[dreg:$0x3] =	wrdreg s2  }
0xb0: {  	[dreg:$0x4] =	wrdreg $0x1E2900  }
0xb1: {  	[dreg:$0x5] =	wrdreg $0xA  }
0xb2: {  	_ =	task.clear_ibuf [dreg:s7], $0x6FFFF;
	_ =	strace $0x90000049  }
0xb3: {  	s29 =	simm.s32 $0xA;
	_ =	strace $0x8000004B  }
0xb4: {  	_ =	swait.ge [sflag:s29], $0x1  }
0xb5: {  	[sflag:s29] =	ssyncadd.s32 $0xFFFFFFFF  }
0xb6: {  	_ =	strace $0x9000004B  }
0xb7: {  	_ =	sfence  }
0xb8: {  	s30 =	sld [smem:$0x0];
	_ =	sdelay $0x2  }
0xb9: {  	s31 =	sshll.u32 s1, $0xD;
	s1 =	sshrl.u32 s1, $0x2  }
0xba: {  	s3 =	sand.u32 $0x4000, s31;
	s1 =	sadd.s32 s1, s30  }
0xbb: {  	s0 =	sor.u32 s3, s0;
	s1 =	sshll.u32 s1, $0x11  }
0xbc: {  	s0 =	sor.u32 s1, s0  }
0xbd: {  	s0 =	sadd.s32 $0x8F2B, s0  }
0xbe: {  	[sflag:s0] =	ssyncadd.remote.s32 $0x1  }
0xbf: {  	_ =	sfence.sel $0xFFFF  }
0xc0: {  	[dreg:$0x0] =	wrdreg $0xFFFFFFFF;
	(pc) =	sbr.abs _section_cstart, $3  }
0xc1: {  	[dreg:$0x1] =	wrdreg $0xFFFFFFFF  }
0xc2: {  	_ =	task.clear_ibuf [dreg:s7], $0x2FFFF;
	_ =	strace $0x9FFFFFFF  }
0xc3: {  	(tm) =	ssettm $0x7FFFFFFF  }
tec
execute0_lowered:
.L_overlay_start_1:
0x0: {  	(tag) =	ssettag $0x1  }
0x1: {  	s0 =	rddreg [dreg:$0x0]  }
0x2: {  	s1 =	rddreg [dreg:$0x1]  }
0x3: {  	s3 =	rddreg [dreg:$0x2];
	s4 =	simm.s32 $0x0  }
0x4: {  	s2 =	srdreg.scid;
	s16 =	stileid.u32;
	s29 =	simm.s32 $0x1  }
0x5: {  	s30 =	simm.s32 $0x0;
	s31 =	simm.s32 $0x0;
	s12 =	smul.u32 $0x61C0, s16  }
0x6: {  	[smem:$0x7FF] =	sst s4;
	s2 =	sand.u32 $0x1, s2;
	s14 =	smul.u32 $0x187, s16  }
0x7: {  	s5 =	sshll.u32 s16, $0x1;
	s6 =	sadd.s32 $0x4A00, s0;
	s24 =	smul.u32 $0x30E, s16  }
0x8: {  	s8 =	sadd.s32 $0xC8200, s0;
	s7 =	sor.u32 s2, s5;
	s20 =	smul.u32 $0x1870, s2  }
0x9: {  	_ =	strace $0x8000004A;
	s9 =	ssub.s32 $0x2, s2;
	s7 =	smul.u32 $0x186A0, s7  }
0xa: {  	s5 =	sadd.s32 $0x66600, s0;
	s2 =	smul.u32 $0x30E0, s2;
	s10 =	sshrl.u32 s9, $0x1  }
0xb: {  	s0 =	sadd.s32 $0xF9000, s0;
	s9 =	ssub.s32 s9, s10;
	s11 =	sshrl.u32 s7, $0x3  }
0xc: {  	s10 =	sadd.s32 s14, s20;
	s2 =	sadd.s32 s24, s2;
	s19 =	sadd.s32 s5, s11  }
0xd: {  	s10 =	sshll.u32 s10, $0x1;
	s13 =	sadd.s32 s6, s11;
	[dreg:$0x4] =	wrdreg s19  }
0xe: {  	s21 =	sadd.s32 $0x32, s11;
	s11 =	sadd.s32 s1, s11;
	[dreg:$0x5] =	wrdreg s13  }
0xf: {  	s10 =	sadd.s32 s0, s10;
	s0 =	sadd.s32 s0, s2;
	[dreg:$0x6] =	wrdreg s11  }
0x10: {  	p0 =	sgt.u32 s16, $0x1;
	s22 =	sadd.s32 s5, s21;
	[dreg:$0xa] =	wrdreg s0  }
0x11: {  	s12 =	sshrl.u32 s12, $0x2;
	s23 =	sadd.s32 s6, s21;
	[dreg:$0x7] =	wrdreg s22  }
0x12: {  	s15 =	sadd.s32 s12, s3;
	s13 =	sadd.s32 s1, s21;
	[dreg:$0x8] =	wrdreg s23  }
0x13: {  	s24 =	smax.u32 s9, $0x1;
	s25 =	sadd.s32 $0x61C, s10;
	[dreg:$0x9] =	wrdreg s13  }
0x14: {  	s26 =	sadd.s32 $0xC38, s10;
	s28 =	sadd.s32 $0x1254, s10;
	[dreg:$0xb] =	wrdreg s25  }
0x15: {  	s20 =	sadd.s32 $0x1870, s10;
	s21 =	sadd.s32 $0x1E8C, s10;
	[dreg:$0xc] =	wrdreg s26  }
0x16: {  	v0 =	vlaneseq.u32;
	s0 =	simm.s32 $0x30E;
	[dreg:$0xd] =	wrdreg s28;
	s22 =	sadd.s32 $0x24A8, s10  }
0x17: {  	v1 =	vimm.f32 $0.0e+00;
	v2 =	vadd.s32 $0x2FE, v0;
	v3 =	vmul.u32 $0x10, v0;
	s23 =	sadd.s32 $0x2AC4, s10;
	s25 =	simm.s32 $0x1C710;
	s26 =	simm.s32 $0x6  }
.LBB2_1:
0x18: {  	s2 =	simm.s32 $0x0  }
.LBB2_2:
0x19: {  	p1 =	sne.s32 s2, $0x61BC0  }
.Ltmp0:
0x1a: {  	_ = 	snop;
	(pc) =	sbr.rel @p1 .LBB2_2-.Ltmp0, $3  }
0x1b: {  	_ =	sdelay $0x1  }
0x1c: {  	s9 =	sshra.s32 s2, $0x2  }
0x1d: {  	s2 =	sadd.s32 $0x40, s2;
	[tilespmem:s9+$0x0] =	vst v1  }
0x1e: {  	s9 =	simm.s32 $0x0  }
0x1f: {  	s2 =	simm.s32 $0x1C710;
	v4 =	vor.u32 s9, v0  }
0x20: {  	s9 =	simm.s32 $0x10;
	[tilespmem:s2+$0x0] =	vst v4  }
.LBB2_4:
0x21: {  	p1 =	sne.s32 s9, $0x2F0  }
.Ltmp1:
0x22: {  	_ = 	snop;
	(pc) =	sbr.rel @p1 .LBB2_4-.Ltmp1, $3  }
0x23: {  	_ =	sdelay $0x1  }
0x24: {  	v4 =	vor.u32 s9, v0;
	s9 =	sadd.s32 $0x10, s9;
	s2 =	sadd.s32 $0x10, s2  }
0x25: {  	[tilespmem:s2+$0x0] =	vst v4  }
0x26: {  	[tilespmem:$0x1CA0E] =	vst v2;
	s2 =	simm.s32 $0x40;
	s9 =	simm.s32 $0x0  }
.LBB2_6:
0x27: {  	p1 =	sne.s32 s2, $0x6180;
	[tilespmem:s9+$0x1CA20] =	vst v1;
	s9 =	smov.u32 s2;
	s2 =	sadd.s32 $0x40, s2  }
.Ltmp2:
0x28: {  	(pc) =	sbr.rel @p1 .LBB2_6-.Ltmp2, $2  }
0x29: {  	_ =	sdelay $0x2  }
0x2a: {  	s9 =	sshra.s32 s9, $0x2  }
0x2b: {  	[tilespmem:s9+$0x1CA20] =	vst v1;
	s28 =	simm.s32 $0x18700;
	s2 =	rddreg [dreg:$0x4]  }
0x2c: {  	[tilespmem:s28], [sflag:$0x1] =	stream.linear.gather [hbm4b:s2+s31], $0x190, $0x38;
	[tilespmem:$0x1E5A0] =	vst v63  }
0x2d: {  	s11 =	rddreg [dreg:$0x5];
	s2 =	simm.s32 $0x18BB0  }
0x2e: {  	[tilespmem:s2], [sflag:$0x1] =	stream.linear.gather [hbm4b:s11+s31], $0x190, $0x38;
	[tilespmem:$0x1E5A0] =	vst v63  }
0x2f: {  	s9 =	simm.s32 $0x19060;
	s10 =	rddreg [dreg:$0x6]  }
0x30: {  	[tilespmem:s9], [sflag:$0x1] =	stream.linear.gather [hbm4b:s10+s31], $0x190, $0x38;
	[tilespmem:$0x1E5A0] =	vst v63  }
0x31: {  	s12 =	rddreg [dreg:$0x7];
	s11 =	simm.s32 $0x18890  }
0x32: {  	[tilespmem:s11], [sflag:$0x2] =	stream.linear.gather [hbm4b:s12+s31], $0x190, $0x38;
	[tilespmem:$0x1E5A0] =	vst v63  }
0x33: {  	s13 =	rddreg [dreg:$0x8];
	s14 =	simm.s32 $0x18D40  }
0x34: {  	[tilespmem:s14], [sflag:$0x2] =	stream.linear.gather [hbm4b:s13+s31], $0x190, $0x38;
	[tilespmem:$0x1E5A0] =	vst v63  }
0x35: {  	s16 =	rddreg [dreg:$0x9];
	s17 =	simm.s32 $0x191F0  }
0x36: {  	[tilespmem:s17], [sflag:$0x2] =	stream.linear.gather [hbm4b:s16+s31], $0x190, $0x38;
	[tilespmem:$0x1E5A0] =	vst v63  }
0x37: {  	_ =	swait.ge [sflag:s29], $0x190  }
0x38: {  	[sflag:s29] =	ssyncset.done $0x0  }
0x39: {  	[sflag:s29] =	ssyncadd.s32 $0xFFFFFE70  }
0x3a: {  	_ =	swait.ge [sflag:s29], $0x190  }
0x3b: {  	[sflag:s29] =	ssyncset.done $0x0  }
0x3c: {  	[sflag:s29] =	ssyncadd.s32 $0xFFFFFE70  }
0x3d: {  	_ =	swait.ge [sflag:s29], $0x190  }
0x3e: {  	s18 =	simm.s32 $0x190;
	[sflag:s29] =	ssyncset.done $0x0  }
0x3f: {  	s19 =	simm.s32 $0x19510;
	s10 =	simm.s32 $0x0;
	[sflag:s29] =	ssyncadd.s32 $0xFFFFFE70  }
0x40: {  	[tilespmem:s19], [sflag:$0x4] =	stream.indirect.gather [hbm4b:s8+s18], $0x10, s2, s18, $0xb8;
	[tilespmem:$0x1E5A0] =	vst v63  }
.LBB2_9:
0x41: {  	s11 =	smov.u32 s10  }
0x42: {  	s10 =	sadd.s32 $0x1, s10;
	p2 =	seq.s32 s11, $0xF9  }
0x43: {  	s12 =	sand.u32 @!p2 $0xFF, s10  }
0x44: {  	s12 =	smul.u32 @!p2 $0xAB, s12;
	_ =	sdelay $0x1  }
0x45: {  	s12 =	sshrl.u32 @!p2 s12, $0x9  }
0x46: {  	s12 =	smul.u32 @!p2 $0x3, s12;
	_ =	sdelay $0x1  }
0x47: {  	s12 =	ssub.s32 @!p2 s10, s12  }
0x48: {  	s12 =	sand.u32 @!p2 $0xFF, s12  }
0x49: {  	s13 =	sadd.s32 @!p2 $0x1, s12  }
0x4a: {  	_ =	swait.ge @!p2 [sflag:s13], $0x190  }
0x4b: {  	p1 =	sgt.u32 @!p2 s11, $0xF7;
	[sflag:s13] =	ssyncset.done @!p2 $0x0  }
0x4c: {  	s14 =	sand.u32 @!p2 $0x1, s10;
	p1 =	por p1, p2;
	[sflag:s13] =	ssyncadd.s32 @!p2 $0xFFFFFE70  }
0x4d: {  	s16 =	smul.u32 @!p2 $0x6400, s14;
	s17 =	sadd.s32 @!p1 $0x2, s11;
	_ =	swait.ge @!p2 [sflag:s13], $0x190  }
0x4e: {  	s18 =	smul.u32 @!p1 $0xAB, s17;
	[sflag:s13] =	ssyncset.done @!p2 $0x0  }
0x4f: {  	s12 =	smul.u32 @!p2 $0x640, s12;
	[sflag:s13] =	ssyncadd.s32 @!p2 $0xFFFFFE70  }
0x50: {  	s14 =	sor.u32 @!p2 $0x4, s14;
	s16 =	sshrl.u32 @!p2 s16, $0x2;
	_ =	swait.ge @!p2 [sflag:s13], $0x190  }
0x51: {  	s18 =	sshrl.u32 @!p1 s18, $0x9;
	s12 =	sshrl.u32 @!p2 s12, $0x2;
	[sflag:s13] =	ssyncset.done @!p2 $0x0  }
0x52: {  	[sflag:s13] =	ssyncadd.s32 @!p2 $0xFFFFFE70;
	s13 =	sadd.s32 @!p2 $0x19510, s16;
	s16 =	sand.u32 @!p1 $0x7F, s18  }
0x53: {  	s12 =	sadd.s32 @!p2 $0x18BB0, s12;
	s18 =	simm.s32 @!p2 $0x190;
	s16 =	smul.u32 @!p1 $0x3, s16  }
0x54: {  	[tilespmem:s13], [sflag:s14] =	stream.indirect.gather @!p2 [hbm4b:s8+s18], $0x10, s12, s18, $0xb8;
	[tilespmem:$0x1E5A0] =	vst v63  }
0x55: {  	s13 =	smul.u32 @!p1 $0x190, s17;
	s12 =	ssub.s32 @!p1 s17, s16  }
0x56: {  	s12 =	sand.u32 @!p1 $0xFF, s12  }
0x57: {  	s13 =	sadd.s32 @!p1 s7, s13;
	s14 =	smul.u32 @!p1 $0x190, s12  }
0x58: {  	s19 =	simm.s32 @!p1 $0x0;
	s16 =	smulhi.u32 $0xAAAAAAAB, s11;
	s13 =	sshrl.u32 @!p1 s13, $0x3  }
0x59: {  	s12 =	sadd.s32 @!p1 $0x1, s12;
	s18 =	sadd.s32 @!p1 s5, s13;
	s17 =	sadd.s32 @!p1 $0x18700, s14  }
0x5a: {  	[tilespmem:s17], [sflag:s12] =	stream.linear.gather @!p1 [hbm4b:s18+s19], $0x190, $0x38;
	[tilespmem:$0x1E5A0] =	vst v63  }
0x5b: {  	s16 =	sshrl.u32 s16, $0x1;
	s17 =	sadd.s32 @!p1 $0x18BB0, s14;
	s18 =	sadd.s32 @!p1 s6, s13  }
0x5c: {  	[tilespmem:s17], [sflag:s12] =	stream.linear.gather @!p1 [hbm4b:s18+s19], $0x190, $0x38;
	[tilespmem:$0x1E5A0] =	vst v63  }
0x5d: {  	s13 =	sadd.s32 @!p1 s1, s13;
	s18 =	sand.u32 $0x1, s11;
	s11 =	sadd.s32 @!p1 $0x19060, s14  }
0x5e: {  	[tilespmem:s11], [sflag:s12] =	stream.linear.gather @!p1 [hbm4b:s13+s19], $0x190, $0x38;
	[tilespmem:$0x1E5A0] =	vst v63  }
0x5f: {  	s14 =	sor.u32 $0x4, s18;
	s13 =	smul.u32 $0xFFFFED40, s16  }
0x60: {  	_ =	swait.ge [sflag:s14], $0x1900  }
0x61: {  	s16 =	sshra.s32 s13, $0x2;
	[sflag:s14] =	ssyncset.done $0x0  }
0x62: {  	v4 =	vmov s31;
	s11 =	sadd.s32 s16, s2;
	[sflag:s14] =	ssyncadd.s32 $0xFFFFE700  }
0x63: {  	v6 =	vshll.u32 v4, $0x4;
	s12 =	sadd.s32 s16, s28;
	v5 =	vld [tilespmem:s11+$0x0]  }
0x64: {  	v6 =	vor.u32 v3, v6;
	v4 =	vld [tilespmem:s12+$0x0]  }
0x65: {  	s18 =	smul.u32 $0x6400, s18;
	_ =	sdelay $0x1  }
0x66: {  	s13 =	sadd.s32 s16, s9;
	s14 =	sshrl.u32 s18, $0x2  }
0x67: {  	v7 =	vld [tilespmem:s13+$0x0];
	s14 =	sadd.s32 $0x19510, s14  }
0x68: {  	s19 =	simm.s32 $0x10;
	vm0 =	veq.s32 v4, v5;
	v5 =	vld.idx.msk [tilespmem:v6+s14+$0x0], $0xffff  }
0x69: {  	v8 =	vmov s19  }
0x6a: {  	v8 =	vshll.u32 v8, $0x4  }
0x6b: {  	v6 =	vor.u32 v3, v8  }
0x6c: {  	s16 =	simm.s32 $0x20;
	v7 =	vsel vm0, $0x0, v7  }
.LBB2_10:
0x6d: {  	p1 =	seq.s32 s16, $0x180;
	v5 =	vmul.f32 v5, v7;
	_ =	sdelay $0x1  }
0x6e: {  	[tilespmem:v4+s4+$0x0] =	vst.idx.add.f32.msk $0xffff, v5  }
0x6f: {  	s11 =	sadd.s32 $0x10, s11;
	v5 =	vld.idx.msk [tilespmem:v6+s14+$0x0], $0xffff  }
0x70: {  	s12 =	sadd.s32 $0x10, s12;
	v7 =	vld [tilespmem:s11+$0x0]  }
0x71: {  	s13 =	sadd.s32 $0x10, s13;
	v4 =	vld [tilespmem:s12+$0x0]  }
0x72: {  	v8 =	vld [tilespmem:s13+$0x0]  }
.Ltmp3:
0x73: {  	(pc) =	sbr.rel @!p1 .LBB2_10-.Ltmp3, $4  }
0x74: {  	v6 =	vmov s16  }
0x75: {  	v6 =	vshll.u32 v6, $0x4  }
0x76: {  	v6 =	vor.u32 v3, v6;
	vm0 =	veq.s32 v4, v7  }
0x77: {  	s16 =	sadd.s32 $0x10, s16;
	v7 =	vsel vm0, $0x0, v8  }
0x78: {  	_ =	sdelay $0x1  }
0x79: {  	v5 =	vmul.f32 v5, v7;
	_ =	sdelay $0x1  }
0x7a: {  	s11 =	sadd.s32 $0x10, s11;
	[tilespmem:v4+s4+$0x0] =	vst.idx.add.f32.msk $0xffff, v5  }
0x7b: {  	s18 =	sadd.s32 $0x10, s12;
	v4 =	vld [tilespmem:s11+$0x0]  }
0x7c: {  	s19 =	sadd.s32 $0x10, s13;
	v5 =	vld [tilespmem:s18+$0x0]  }
0x7d: {  	v63 =	vld [tilespmem:s19+$0x0]  }
0x7e: {  	v6 =	vld.idx.msk [tilespmem:v6+s14+$0x0], $0xffff;
	_ =	sdelay $0x2  }
0x7f: {  	vm0 =	veq.s32 v5, v4  }
0x80: {  	v4 =	vsel vm0, $0x0, v63  }
0x81: {  	v4 =	vmul.f32 v6, v4;
	_ =	sdelay $0x1  }
0x82: {  	[tilespmem:v5+s4+$0x0] =	vst.idx.add.f32.msk $0xffff, v4  }
0x83: {  	p1 =	seq.s32 s10, $0xFA  }
.Ltmp4:
0x84: {  	_ = 	snop;
	(pc) =	sbr.rel @!p1 .LBB2_9-.Ltmp4, $2  }
0x85: {  	_ =	sdelay $0x2  }
0x86: {  	s28 =	sadd.s32 $0x190, s28;
	s2 =	sadd.s32 $0x190, s2;
	s9 =	sadd.s32 $0x190, s9  }
0x87: {  	s9 =	simm.s32 @!p0 $0x1CA20;
	s2 =	simm.s32 @!p0 $0x6  }
0x88: {  	[spmem:s15] =	stream.linear.scatter @!p0 [tilespmem:s9], [sflag:$0x6], $0x1870, $0x38;
	[tilespmem:$0x1E5A0] =	vst v63  }
0x89: {  	_ =	swait.ge @!p0 [sflag:s2], $0x1870  }
0x8a: {  	[sflag:s2] =	ssyncset.done @!p0 $0x0  }
0x8b: {  	[sflag:s2] =	ssyncadd.s32 @!p0 $0xFFFFE790  }
0x8c: {  	[bflag:$0x0] =	sbarrier.arrive $0xFFFF  }
0x8d: {  	[spmem:s3] =	stream.indirect.scatter.add.f32 [tilespmem:s4], [sflag:$0x6], $0x10, s25, s0, $0xb8;
	[tilespmem:$0x1E5A0] =	vst v63  }
0x8e: {  	_ =	swait.ge [sflag:s26], $0x30E0  }
0x8f: {  	[sflag:s26] =	ssyncset.done $0x0  }
0x90: {  	[sflag:s26] =	ssyncadd.s32 $0xFFFFCF20  }
0x91: {  	s10 =	stileid.u32;
	[bflag:$0x0] =	sbarrier.arrive $0xFFFF  }
0x92: {  	s10 =	sshll.u32 @!p0 s10, $0x6;
	[bflag:$0x0] =	sbarrier.arrive @p0 $0xFFFF  }
0x93: {  	s28 =	sshrl.u32 @!p0 s15, $0x3;
	s10 =	sor.u32 @!p0 $0x1C06, s10;
	s11 =	rddreg [dreg:$0xa]  }
0x94: {  	[hbm:s11], [sflag:s10] =	dma.local @!p0 [spmem:s28], $0x30E  }
0x95: {  	_ =	swait.ge @!p0 [sflag:s2], $0x30E  }
0x96: {  	[sflag:s2] =	ssyncset.done @!p0 $0x0  }
0x97: {  	[sflag:s2] =	ssyncadd.s32 @!p0 $0xFFFFFCF2  }
0x98: {  	[bflag:$0x0] =	sbarrier.arrive @!p0 $0xFFFF  }
0x99: {  	[spmem:s15] =	stream.linear.scatter @!p0 [tilespmem:s9], [sflag:$0x6], $0x1870, $0x38;
	[tilespmem:$0x1E5A0] =	vst v63  }
0x9a: {  	_ =	swait.ge @!p0 [sflag:s2], $0x1870  }
0x9b: {  	[sflag:s2] =	ssyncset.done @!p0 $0x0  }
0x9c: {  	[sflag:s2] =	ssyncadd.s32 @!p0 $0xFFFFE790  }
0x9d: {  	s12 =	simm.s32 $0x30E0;
	[bflag:$0x0] =	sbarrier.arrive $0xFFFF  }
0x9e: {  	[spmem:s3] =	stream.indirect.scatter.add.f32 [tilespmem:s12], [sflag:$0x6], $0x10, s25, s0, $0xb8;
	[tilespmem:$0x1E5A0] =	vst v63  }
0x9f: {  	_ =	swait.ge [sflag:s26], $0x30E0  }
0xa0: {  	[sflag:s26] =	ssyncset.done $0x0  }
0xa1: {  	[sflag:s26] =	ssyncadd.s32 $0xFFFFCF20  }
0xa2: {  	[bflag:$0x0] =	sbarrier.arrive $0xFFFF  }
0xa3: {  	[bflag:$0x0] =	sbarrier.arrive @p0 $0xFFFF  }
0xa4: {  	s11 =	rddreg [dreg:$0xb]  }
0xa5: {  	[hbm:s11], [sflag:s10] =	dma.local @!p0 [spmem:s28], $0x30E  }
0xa6: {  	_ =	swait.ge @!p0 [sflag:s2], $0x30E  }
0xa7: {  	[sflag:s2] =	ssyncset.done @!p0 $0x0  }
0xa8: {  	[sflag:s2] =	ssyncadd.s32 @!p0 $0xFFFFFCF2  }
0xa9: {  	[bflag:$0x0] =	sbarrier.arrive @!p0 $0xFFFF  }
0xaa: {  	[spmem:s15] =	stream.linear.scatter @!p0 [tilespmem:s9], [sflag:$0x6], $0x1870, $0x38;
	[tilespmem:$0x1E5A0] =	vst v63  }
0xab: {  	_ =	swait.ge @!p0 [sflag:s2], $0x1870  }
0xac: {  	[sflag:s2] =	ssyncset.done @!p0 $0x0  }
0xad: {  	[sflag:s2] =	ssyncadd.s32 @!p0 $0xFFFFE790  }
0xae: {  	s13 =	simm.s32 $0x61C0;
	[bflag:$0x0] =	sbarrier.arrive $0xFFFF  }
0xaf: {  	[spmem:s3] =	stream.indirect.scatter.add.f32 [tilespmem:s13], [sflag:$0x6], $0x10, s25, s0, $0xb8;
	[tilespmem:$0x1E5A0] =	vst v63  }
0xb0: {  	_ =	swait.ge [sflag:s26], $0x30E0  }
0xb1: {  	[sflag:s26] =	ssyncset.done $0x0  }
0xb2: {  	[sflag:s26] =	ssyncadd.s32 $0xFFFFCF20  }
0xb3: {  	[bflag:$0x0] =	sbarrier.arrive $0xFFFF  }
0xb4: {  	[bflag:$0x0] =	sbarrier.arrive @p0 $0xFFFF  }
0xb5: {  	s11 =	rddreg [dreg:$0xc]  }
0xb6: {  	[hbm:s11], [sflag:s10] =	dma.local @!p0 [spmem:s28], $0x30E  }
0xb7: {  	_ =	swait.ge @!p0 [sflag:s2], $0x30E  }
0xb8: {  	[sflag:s2] =	ssyncset.done @!p0 $0x0  }
0xb9: {  	[sflag:s2] =	ssyncadd.s32 @!p0 $0xFFFFFCF2  }
0xba: {  	[bflag:$0x0] =	sbarrier.arrive @!p0 $0xFFFF  }
0xbb: {  	[spmem:s15] =	stream.linear.scatter @!p0 [tilespmem:s9], [sflag:$0x6], $0x1870, $0x38;
	[tilespmem:$0x1E5A0] =	vst v63  }
0xbc: {  	_ =	swait.ge @!p0 [sflag:s2], $0x1870  }
0xbd: {  	[sflag:s2] =	ssyncset.done @!p0 $0x0  }
0xbe: {  	[sflag:s2] =	ssyncadd.s32 @!p0 $0xFFFFE790  }
0xbf: {  	s14 =	simm.s32 $0x92A0;
	[bflag:$0x0] =	sbarrier.arrive $0xFFFF  }
0xc0: {  	[spmem:s3] =	stream.indirect.scatter.add.f32 [tilespmem:s14], [sflag:$0x6], $0x10, s25, s0, $0xb8;
	[tilespmem:$0x1E5A0] =	vst v63  }
0xc1: {  	_ =	swait.ge [sflag:s26], $0x30E0  }
0xc2: {  	[sflag:s26] =	ssyncset.done $0x0  }
0xc3: {  	[sflag:s26] =	ssyncadd.s32 $0xFFFFCF20  }
0xc4: {  	[bflag:$0x0] =	sbarrier.arrive $0xFFFF  }
0xc5: {  	[bflag:$0x0] =	sbarrier.arrive @p0 $0xFFFF  }
0xc6: {  	s11 =	rddreg [dreg:$0xd]  }
0xc7: {  	[hbm:s11], [sflag:s10] =	dma.local @!p0 [spmem:s28], $0x30E  }
0xc8: {  	_ =	swait.ge @!p0 [sflag:s2], $0x30E  }
0xc9: {  	[sflag:s2] =	ssyncset.done @!p0 $0x0  }
0xca: {  	[sflag:s2] =	ssyncadd.s32 @!p0 $0xFFFFFCF2  }
0xcb: {  	[bflag:$0x0] =	sbarrier.arrive @!p0 $0xFFFF  }
0xcc: {  	[spmem:s15] =	stream.linear.scatter @!p0 [tilespmem:s9], [sflag:$0x6], $0x1870, $0x38;
	[tilespmem:$0x1E5A0] =	vst v63  }
0xcd: {  	_ =	swait.ge @!p0 [sflag:s2], $0x1870  }
0xce: {  	[sflag:s2] =	ssyncset.done @!p0 $0x0  }
0xcf: {  	[sflag:s2] =	ssyncadd.s32 @!p0 $0xFFFFE790  }
0xd0: {  	s16 =	simm.s32 $0xC380;
	[bflag:$0x0] =	sbarrier.arrive $0xFFFF  }
0xd1: {  	[spmem:s3] =	stream.indirect.scatter.add.f32 [tilespmem:s16], [sflag:$0x6], $0x10, s25, s0, $0xb8;
	[tilespmem:$0x1E5A0] =	vst v63  }
0xd2: {  	_ =	swait.ge [sflag:s26], $0x30E0  }
0xd3: {  	[sflag:s26] =	ssyncset.done $0x0  }
0xd4: {  	[sflag:s26] =	ssyncadd.s32 $0xFFFFCF20  }
0xd5: {  	[bflag:$0x0] =	sbarrier.arrive $0xFFFF  }
0xd6: {  	[bflag:$0x0] =	sbarrier.arrive @p0 $0xFFFF  }
0xd7: {  	[hbm:s20], [sflag:s10] =	dma.local @!p0 [spmem:s28], $0x30E  }
0xd8: {  	_ =	swait.ge @!p0 [sflag:s2], $0x30E  }
0xd9: {  	[sflag:s2] =	ssyncset.done @!p0 $0x0  }
0xda: {  	[sflag:s2] =	ssyncadd.s32 @!p0 $0xFFFFFCF2  }
0xdb: {  	[bflag:$0x0] =	sbarrier.arrive @!p0 $0xFFFF  }
0xdc: {  	[spmem:s15] =	stream.linear.scatter @!p0 [tilespmem:s9], [sflag:$0x6], $0x1870, $0x38;
	[tilespmem:$0x1E5A0] =	vst v63  }
0xdd: {  	_ =	swait.ge @!p0 [sflag:s2], $0x1870  }
0xde: {  	[sflag:s2] =	ssyncset.done @!p0 $0x0  }
0xdf: {  	[sflag:s2] =	ssyncadd.s32 @!p0 $0xFFFFE790  }
0xe0: {  	s17 =	simm.s32 $0xF460;
	[bflag:$0x0] =	sbarrier.arrive $0xFFFF  }
0xe1: {  	[spmem:s3] =	stream.indirect.scatter.add.f32 [tilespmem:s17], [sflag:$0x6], $0x10, s25, s0, $0xb8;
	[tilespmem:$0x1E5A0] =	vst v63  }
0xe2: {  	_ =	swait.ge [sflag:s26], $0x30E0  }
0xe3: {  	[sflag:s26] =	ssyncset.done $0x0  }
0xe4: {  	[sflag:s26] =	ssyncadd.s32 $0xFFFFCF20  }
0xe5: {  	[bflag:$0x0] =	sbarrier.arrive $0xFFFF  }
0xe6: {  	[bflag:$0x0] =	sbarrier.arrive @p0 $0xFFFF  }
0xe7: {  	[hbm:s21], [sflag:s10] =	dma.local @!p0 [spmem:s28], $0x30E  }
0xe8: {  	_ =	swait.ge @!p0 [sflag:s2], $0x30E  }
0xe9: {  	[sflag:s2] =	ssyncset.done @!p0 $0x0  }
0xea: {  	[sflag:s2] =	ssyncadd.s32 @!p0 $0xFFFFFCF2  }
0xeb: {  	[bflag:$0x0] =	sbarrier.arrive @!p0 $0xFFFF  }
0xec: {  	[spmem:s15] =	stream.linear.scatter @!p0 [tilespmem:s9], [sflag:$0x6], $0x1870, $0x38;
	[tilespmem:$0x1E5A0] =	vst v63  }
0xed: {  	_ =	swait.ge @!p0 [sflag:s2], $0x1870  }
0xee: {  	[sflag:s2] =	ssyncset.done @!p0 $0x0  }
0xef: {  	[sflag:s2] =	ssyncadd.s32 @!p0 $0xFFFFE790  }
0xf0: {  	s18 =	simm.s32 $0x12540;
	[bflag:$0x0] =	sbarrier.arrive $0xFFFF  }
0xf1: {  	[spmem:s3] =	stream.indirect.scatter.add.f32 [tilespmem:s18], [sflag:$0x6], $0x10, s25, s0, $0xb8;
	[tilespmem:$0x1E5A0] =	vst v63  }
0xf2: {  	_ =	swait.ge [sflag:s26], $0x30E0  }
0xf3: {  	[sflag:s26] =	ssyncset.done $0x0  }
0xf4: {  	[sflag:s26] =	ssyncadd.s32 $0xFFFFCF20  }
0xf5: {  	[bflag:$0x0] =	sbarrier.arrive $0xFFFF  }
0xf6: {  	[bflag:$0x0] =	sbarrier.arrive @p0 $0xFFFF  }
0xf7: {  	[hbm:s22], [sflag:s10] =	dma.local @!p0 [spmem:s28], $0x30E  }
0xf8: {  	_ =	swait.ge @!p0 [sflag:s2], $0x30E  }
0xf9: {  	[sflag:s2] =	ssyncset.done @!p0 $0x0  }
0xfa: {  	[sflag:s2] =	ssyncadd.s32 @!p0 $0xFFFFFCF2  }
0xfb: {  	[bflag:$0x0] =	sbarrier.arrive @!p0 $0xFFFF  }
0xfc: {  	[spmem:s15] =	stream.linear.scatter @!p0 [tilespmem:s9], [sflag:$0x6], $0x1870, $0x38;
	[tilespmem:$0x1E5A0] =	vst v63  }
0xfd: {  	_ =	swait.ge @!p0 [sflag:s2], $0x1870  }
0xfe: {  	[sflag:s2] =	ssyncset.done @!p0 $0x0  }
0xff: {  	[sflag:s2] =	ssyncadd.s32 @!p0 $0xFFFFE790  }
0x100: {  	s19 =	simm.s32 $0x15620;
	[bflag:$0x0] =	sbarrier.arrive $0xFFFF  }
0x101: {  	[spmem:s3] =	stream.indirect.scatter.add.f32 [tilespmem:s19], [sflag:$0x6], $0x10, s25, s0, $0xb8;
	[tilespmem:$0x1E5A0] =	vst v63  }
0x102: {  	_ =	swait.ge [sflag:s26], $0x30E0  }
0x103: {  	[sflag:s26] =	ssyncset.done $0x0  }
0x104: {  	s30 =	sadd.s32 $0x1, s30;
	[sflag:s26] =	ssyncadd.s32 $0xFFFFCF20  }
0x105: {  	p1 =	sne.s32 s30, s24;
	[bflag:$0x0] =	sbarrier.arrive $0xFFFF  }
0x106: {  	[hbm:s23], [sflag:s10] =	dma.local @!p0 [spmem:s28], $0x30E  }
.Ltmp5:
0x107: {  	_ =	swait.ge @!p0 [sflag:s2], $0x30E;
	(pc) =	sbr.rel @p1 .LBB2_1-.Ltmp5, $3  }
0x108: {  	[sflag:s2] =	ssyncset.done @!p0 $0x0  }
0x109: {  	[sflag:s2] =	ssyncadd.s32 @!p0 $0xFFFFFCF2  }
0x10a: {  	[bflag:$0x0] =	sbarrier.arrive $0xFFFF;
	_ =	sdelay $0x1  }
0x10b: {  	_ =	sfence.sel $0x180000  }
0x10c: {  	[bflag:$0x0] =	sbarrier.arrive $0xFFFF  }
0x10d: {  	_ =	strace $0x9000004A  }
0x10e: {  	s0 =	stileid.u32;
	[bflag:$0x2] =	sbarrier.arrive $0xFFFF  }
0x10f: {  	p0 =	sne.s32 s0, $0x0;
	s0 =	rddreg [dreg:$0x3]  }
0x110: {  	s0 =	sadd.s32 @!p0 $0x100000, s0  }
0x111: {  	[sflag:s0] =	ssyncadd.tile.s32 @!p0 $0x1;
	_ =	shalt  }
.Lfunc_end2:
_tile_overlayer_lowered:
.L_overlay_start_2:
0x112: {  	(tag) =	ssettag $0x2  }
0x113: {  	s0 =	rddreg [dreg:$0x0];
	s2 =	stileid.u32  }
0x114: {  	s1 =	rddreg [dreg:$0x1];
	p0 =	sne.s32 s2, $0x0  }
0x115: {  	s3 =	rddreg [dreg:$0x2];
	[bflag:$0x3] =	sbarrier.arrive $0xFFFF;
	s2 =	simm.s32 @!p0 $0x1C06  }
0x116: {  	[timem:s3], [sflag:s2] =	dma.local @!p0 [hbm:s0], s1  }
0x117: {  	s0 =	simm.s32 @!p0 $0x6  }
0x118: {  	_ =	swait.ge @!p0 [sflag:s0], s1  }
0x119: {  	s1 =	ssub.s32 @!p0 $0x0, s1;
	[sflag:s0] =	ssyncset.done @!p0 $0x0  }
0x11a: {  	[sflag:s0] =	ssyncadd.s32 @!p0 s1  }
0x11b: {  	[bflag:$0x3] =	sbarrier.arrive $0xFFFF  }
0x11c: {  	_ =	shalt  }

// kernel: kernel.7.cloned.1.call-start
scs
__scs_entry_jumppad:
0x0: {  	(pc) =	sbr.rel $0x88, $3  }
0x1: {  	(tag) =	ssettag $0x0;
	lr =	simm.s32 $0x1  }
0x2: {  	[smem:$0x3F96] =	sst lr;
	_ =	strace $0xD0000000  }
0x3: {  	_ = 	snop  }
0x4: {  	_ = 	snop  }
0x5: {  	_ = 	snop  }
0x6: {  	_ = 	snop  }
0x7: {  	_ = 	snop  }
__scs_overlays_trampoline_lowered:
0x8: {  	[smem:$0x3FA5] =	sst s0  }
0x9: {  	[smem:$0x3FA6] =	sst s1  }
0xa: {  	[smem:$0x3FA7] =	sst s2  }
0xb: {  	[smem:$0x3FA8] =	sst s3  }
0xc: {  	[smem:$0x3FA9] =	sst s4  }
0xd: {  	[smem:$0x3FAA] =	sst s5  }
0xe: {  	[smem:$0x3FAB] =	sst s6  }
0xf: {  	[smem:$0x3FAC] =	sst s7  }
0x10: {  	[smem:$0x3FAD] =	sst s8  }
0x11: {  	[smem:$0x3FAE] =	sst s9;
	s0 =	simm.s32 @!p0 $0x0  }
0x12: {  	s1 =	sld [smem:$0x3F94];
	s0 =	simm.s32 @p0 $0x1  }
0x13: {  	[smem:$0x3FAF] =	sst s0;
	s0 =	simm.s32 @!p1 $0x0  }
0x14: {  	s2 =	sld [smem:$0x3F93];
	s0 =	simm.s32 @p1 $0x1  }
0x15: {  	[smem:$0x3FB0] =	sst s0;
	s0 =	simm.s32 @!p2 $0x0  }
0x16: {  	s3 =	sld [smem:$0x3FDB];
	s0 =	simm.s32 @p2 $0x1  }
0x17: {  	s4 =	simm.s32 $0x1BF5;
	[smem:$0x3FB2] =	sst s0  }
0x18: {  	s0 =	sld [smem:$0x3F95];
	_ =	swait.ge [sflag:s4], $0x0  }
0x19: {  	s7 =	sld [smem:$0x3F96]  }
0x1a: {  	s8 =	sadd.s32 $0xFFFFE003, lr  }
0x1b: {  	s9 =	sadd.s32 $0xFFFFFEF7, lr;
	s5 =	simm.s32 $0xFFFFFFFF;
	p2 =	slt.u32 s8, $0xFFFFF086  }
0x1c: {  	p1 =	slt.u32 s9, $0xF7A;
	s5 =	simm.s32 @!p2 $0x0  }
0x1d: {  	s5 =	simm.s32 @p1 $0x1;
	p0 =	seq.s32 s7, s2  }
0x1e: {  	s7 =	smul.u32 @!p0 $0xF7A, s2;
	p2 =	seq.s32 @!p0 s5, $0x0  }
0x1f: {  	s9 =	smul.u32 $0xF7A, s1;
	s8 =	simm.s32 @!p0 $0x1BF5;
	p2 =	por !p2, p0  }
0x20: {  	[sflag:s8] =	ssyncset.s32 @!p0 $0xFFFFF086;
	s6 =	sadd.s32 @!p0 s3, s7;
	s7 =	simm.s32 @!p0 $0x108  }
0x21: {  	s3 =	sadd.s32 s3, s9;
	s6 =	sadd.s32 @!p0 $0x88, s6;
	s7 =	simm.s32 @p2 $0x1082  }
0x22: {  	[simem:s7], [sflag:s8] =	dma.local @!p0 [hbm:s6], $0xF7A  }
0x23: {  	s9 =	sor.u32 $0xD0000000, s2;
	s6 =	simm.s32 $0x108;
	_ =	swait.ge @!p0 [sflag:s8], $0x0  }
0x24: {  	s3 =	sadd.s32 $0x88, s3;
	s6 =	simm.s32 @!p1 $0x1082;
	[sflag:s4] =	ssyncset.s32 $0xFFFFF086  }
0x25: {  	[simem:s6], [sflag:s4] =	dma.local [hbm:s3], $0xF7A  }
0x26: {  	[smem:$0x3F96] =	sst s1;
	(tag) =	ssettag s2;
	_ =	strace s9  }
0x27: {  	s1 =	sld [smem:$0x3FA6]  }
0x28: {  	s2 =	sld [smem:$0x3FA7]  }
0x29: {  	s4 =	sld [smem:$0x3FA9]  }
0x2a: {  	p0 =	seq.s32 s5, $0x0;
	s5 =	sld [smem:$0x3FAA]  }
0x2b: {  	s6 =	sld [smem:$0x3FAB]  }
0x2c: {  	s7 =	sld [smem:$0x3FAC]  }
0x2d: {  	s3 =	simm.s32 $0x108;
	s8 =	sld [smem:$0x3FAD]  }
0x2e: {  	s3 =	simm.s32 @!p0 $0x1082;
	s9 =	sld [smem:$0x3FAE]  }
0x2f: {  	lr =	sadd.s32 s0, s3;
	s0 =	sld [smem:$0x3FA5]  }
0x30: {  	s3 =	sld [smem:$0x3FA8]  }
0x31: {  	[smem:$0x3FB1] =	sst s10  }
0x32: {  	s10 =	sld [smem:$0x3FAF];
	_ =	sdelay $0x3  }
0x33: {  	p0 =	seq.s32 s10, $0x1;
	s10 =	sld [smem:$0x3FB1];
	_ =	sdelay $0x3  }
0x34: {  	[smem:$0x3FB1] =	sst s10  }
0x35: {  	s10 =	sld [smem:$0x3FB0];
	_ =	sdelay $0x3  }
0x36: {  	p1 =	seq.s32 s10, $0x1;
	s10 =	sld [smem:$0x3FB1];
	_ =	sdelay $0x3  }
0x37: {  	[smem:$0x3FB1] =	sst s10  }
0x38: {  	s10 =	sld [smem:$0x3FB2]  }
0x39: {  	_ = 	snop;
	(pc) =	sbr.ind lr, $3  }
0x3a: {  	_ = 	snop  }
0x3b: {  	_ = 	snop  }
0x3c: {  	p2 =	seq.s32 s10, $0x1;
	s10 =	sld [smem:$0x3FB1]  }
0x3d: {  	_ =	shalt  }
0x3e: {  	_ =	shalt  }
0x3f: {  	_ =	shalt  }
0x40: {  	_ =	shalt  }
0x41: {  	_ =	shalt  }
0x42: {  	_ =	shalt  }
0x43: {  	_ =	shalt  }
0x44: {  	_ =	shalt  }
0x45: {  	_ =	shalt  }
0x46: {  	_ =	shalt  }
0x47: {  	_ =	shalt  }
0x48: {  	_ =	shalt  }
0x49: {  	_ =	shalt  }
0x4a: {  	_ =	shalt  }
0x4b: {  	_ =	shalt  }
0x4c: {  	_ =	shalt  }
0x4d: {  	_ =	shalt  }
0x4e: {  	_ =	shalt  }
0x4f: {  	_ =	shalt  }
0x50: {  	_ =	shalt  }
0x51: {  	_ =	shalt  }
0x52: {  	_ =	shalt  }
0x53: {  	_ =	shalt  }
0x54: {  	_ =	shalt  }
0x55: {  	_ =	shalt  }
0x56: {  	_ =	shalt  }
0x57: {  	_ =	shalt  }
0x58: {  	_ =	shalt  }
0x59: {  	_ =	shalt  }
0x5a: {  	_ =	shalt  }
0x5b: {  	_ =	shalt  }
0x5c: {  	_ =	shalt  }
0x5d: {  	_ =	shalt  }
0x5e: {  	_ =	shalt  }
0x5f: {  	_ =	shalt  }
0x60: {  	_ =	shalt  }
0x61: {  	_ =	shalt  }
0x62: {  	_ =	shalt  }
0x63: {  	_ =	shalt  }
0x64: {  	_ =	shalt  }
0x65: {  	_ =	shalt  }
0x66: {  	_ =	shalt  }
0x67: {  	_ =	shalt  }
0x68: {  	_ =	shalt  }
0x69: {  	_ =	shalt  }
0x6a: {  	_ =	shalt  }
0x6b: {  	_ =	shalt  }
0x6c: {  	_ =	shalt  }
0x6d: {  	_ =	shalt  }
0x6e: {  	_ =	shalt  }
0x6f: {  	_ =	shalt  }
0x70: {  	_ =	shalt  }
0x71: {  	_ =	shalt  }
0x72: {  	_ =	shalt  }
0x73: {  	_ =	shalt  }
0x74: {  	_ =	shalt  }
0x75: {  	_ =	shalt  }
0x76: {  	_ =	shalt  }
0x77: {  	_ =	shalt  }
0x78: {  	_ =	shalt  }
0x79: {  	_ =	shalt  }
0x7a: {  	_ =	shalt  }
0x7b: {  	_ =	shalt  }
0x7c: {  	_ =	shalt  }
0x7d: {  	_ =	shalt  }
0x7e: {  	_ =	shalt  }
0x7f: {  	_ =	shalt  }
0x80: {  	_ =	shalt  }
0x81: {  	_ =	shalt  }
0x82: {  	_ =	shalt  }
0x83: {  	_ =	shalt  }
0x84: {  	_ =	shalt  }
0x85: {  	_ =	shalt  }
0x86: {  	_ =	shalt  }
0x87: {  	_ =	shalt  }
.Lfunc_end0:
.L_simem_size_0:
called_computation_lowered:
.L_overlay_start_0:
0x88: {  	s2 =	sld [smem:$0x3FD9]  }
0x89: {  	s3 =	sld [smem:$0x3FFE];
	_ =	sdelay $0x1  }
0x8a: {  	s1 =	srdreg.scid  }
0x8b: {  	s0 =	sand.u32 $0x1, s1  }
0x8c: {  	s17 =	sshll.u32 s0, $0xA;
	s2 =	sadd.s32 s3, s2  }
0x8d: {  	s2 =	sadd.s32 s2, s17  }
0x8e: {  	[smem:$0x3FBD] =	sst s2  }
0x8f: {  	_ = 	snop  }
0x90: {  	s2 =	sld [smem:$0x3FC7];
	(tm) =	ssettm $0x1  }
0x91: {  	s18 =	sld [smem:$0x3FFB];
	_ =	sdelay $0x3  }
0x92: {  	_ =	strace s18  }
0x93: {  	s3 =	sld [smem:$0x3FFC];
	_ =	sdelay $0x3  }
0x94: {  	_ =	strace s3  }
0x95: {  	s3 =	sld [smem:$0x3FFD];
	_ =	sdelay $0x3  }
0x96: {  	_ =	strace s3  }
0x97: {  	_ =	strace $0x8FFFFFFF  }
0x98: {  	s19 =	sld [smem:$0x3FDB];
	_ =	sdelay $0x1  }
0x99: {  	s4 =	simm.s32 $_scs_section_size  }
0x9a: {  	s5 =	simm.s32 $_size__tile_overlayer_lowered;
	s6 =	simm.s32 $_tile_overlayer_lowered  }
0x9b: {  	s22 =	simm.s32 $0x1BFF;
	s21 =	sshll.u32 s6, $0x1;
	s3 =	sadd.s32 s4, s19  }
0x9c: {  	s7 =	simm.s32 $0x0;
	s20 =	sshll.u32 s5, $0x1;
	s5 =	sadd.s32 s21, s3  }
0x9d: {  	[timem:s7], [sflag:s22] =	dma.local [hbm:s5], s20  }
0x9e: {  	_ =	swait.ge [sflag:s22], s20  }
0x9f: {  	s4 =	ssub.s32 $0x0, s20;
	[sflag:s22] =	ssyncset.done $0x0  }
0xa0: {  	[sflag:s22] =	ssyncadd.s32 s4;
	_ =	sdelay $0x1  }
0xa1: {  	s23 =	simm.s32 $0x1B8B  }
0xa2: {  	_ =	swait.ge [sflag:s23], $0x1  }
0xa3: {  	[sflag:s23] =	ssyncset.done $0x0  }
0xa4: {  	s25 =	simm.s32 $0x1B8E;
	s24 =	sld [smem:$0x3FFE];
	[sflag:s23] =	ssyncadd.s32 $0xFFFFFFFF  }
0xa5: {  	s26 =	simm.s32 $execute0_lowered;
	[smem:$0x3FD2] =	sst s25  }
0xa6: {  	s5 =	sshll.u32 s26, $0x1;
	_ =	strace $0x80000046;
	[dreg:$0x1] =	wrdreg $0xFFFFFFFF  }
0xa7: {  	s28 =	simm.s32 $_size_execute0_lowered;
	s3 =	sadd.s32 s3, s5;
	[dreg:$0x0] =	wrdreg $0x0  }
0xa8: {  	s5 =	sshll.u32 s28, $0x1;
	[dreg:$0x2] =	wrdreg s3  }
0xa9: {  	[dreg:$0x3] =	wrdreg s5  }
0xaa: {  	[dreg:$0x4] =	wrdreg $0xC0  }
0xab: {  	_ =	task [dreg:s7], $0x5FFFF  }
0xac: {  	[dreg:$0x1] =	wrdreg $0xFFFFFFFF  }
0xad: {  	[dreg:$0x0] =	wrdreg $0x60  }
0xae: {  	[dreg:$0x2] =	wrdreg s24  }
0xaf: {  	[dreg:$0x3] =	wrdreg s2  }
0xb0: {  	[dreg:$0x4] =	wrdreg $0x1D1600  }
0xb1: {  	[dreg:$0x5] =	wrdreg $0x9  }
0xb2: {  	_ =	task.clear_ibuf [dreg:s7], $0x6FFFF;
	_ =	strace $0x90000046  }
0xb3: {  	s29 =	simm.s32 $0x9;
	_ =	strace $0x80000048  }
0xb4: {  	_ =	swait.ge [sflag:s29], $0x1  }
0xb5: {  	[sflag:s29] =	ssyncadd.s32 $0xFFFFFFFF  }
0xb6: {  	_ =	strace $0x90000048  }
0xb7: {  	_ =	sfence  }
0xb8: {  	s30 =	sld [smem:$0x0];
	_ =	sdelay $0x2  }
0xb9: {  	s31 =	sshll.u32 s1, $0xD;
	s1 =	sshrl.u32 s1, $0x2  }
0xba: {  	s3 =	sand.u32 $0x4000, s31;
	s1 =	sadd.s32 s1, s30  }
0xbb: {  	s0 =	sor.u32 s3, s0;
	s1 =	sshll.u32 s1, $0x11  }
0xbc: {  	s0 =	sor.u32 s1, s0  }
0xbd: {  	s0 =	sadd.s32 $0x8F2B, s0  }
0xbe: {  	[sflag:s0] =	ssyncadd.remote.s32 $0x1  }
0xbf: {  	_ =	sfence.sel $0xFFFF  }
0xc0: {  	[dreg:$0x0] =	wrdreg $0xFFFFFFFF;
	(pc) =	sbr.abs _section_cstart, $3  }
0xc1: {  	[dreg:$0x1] =	wrdreg $0xFFFFFFFF  }
0xc2: {  	_ =	task.clear_ibuf [dreg:s7], $0x2FFFF;
	_ =	strace $0x9FFFFFFF  }
0xc3: {  	(tm) =	ssettm $0x7FFFFFFF  }
tec
execute0_lowered:
.L_overlay_start_1:
0x0: {  	(tag) =	ssettag $0x1  }
0x1: {  	s0 =	rddreg [dreg:$0x0]  }
0x2: {  	s1 =	rddreg [dreg:$0x1]  }
0x3: {  	s2 =	rddreg [dreg:$0x2]  }
0x4: {  	s4 =	simm.s32 $0x0;
	s6 =	srdreg.scid;
	s3 =	stileid.u32  }
0x5: {  	s18 =	simm.s32 $0x18700;
	s19 =	simm.s32 $0x1;
	s20 =	simm.s32 $0x196A0  }
0x6: {  	s21 =	simm.s32 $0x1A640;
	s22 =	simm.s32 $0x30E;
	s23 =	simm.s32 $0x1B5E0  }
0x7: {  	s30 =	simm.s32 $0x12540;
	s31 =	simm.s32 $0x15620;
	[smem:$0x7FF] =	sst s4  }
0x8: {  	s5 =	sadd.s32 $0x66600, s0;
	s7 =	sand.u32 $0x1, s6;
	s8 =	smul.u32 $0x61C0, s3  }
0x9: {  	s6 =	sadd.s32 $0x4A00, s0;
	s0 =	sadd.s32 $0xC8200, s0;
	s12 =	smul.u32 $0x187, s3  }
0xa: {  	s26 =	sshll.u32 s3, $0x1;
	s29 =	smul.u32 $0x30E, s3;
	p0 =	sgt.u32 s3, $0x1  }
0xb: {  	_ =	strace $0x80000047;
	s9 =	ssub.s32 $0x2, s7;
	s10 =	smul.u32 $0x1870, s7  }
0xc: {  	s28 =	smul.u32 $0x30E0, s7;
	s7 =	sor.u32 s7, s26;
	s11 =	sshrl.u32 s9, $0x1  }
0xd: {  	s7 =	smul.u32 $0x186A0, s7;
	s8 =	sshrl.u32 s8, $0x2;
	s10 =	sadd.s32 s12, s10  }
0xe: {  	s17 =	ssub.s32 s9, s11;
	s9 =	sadd.s32 s29, s28;
	s10 =	sshll.u32 s10, $0x1  }
0xf: {  	s8 =	sadd.s32 s8, s2;
	s9 =	sadd.s32 s0, s9;
	s16 =	sadd.s32 s0, s10  }
0x10: {  	s17 =	smax.u32 s17, $0x1;
	s0 =	simm.s32 $0x0;
	s10 =	sadd.s32 $0x61C, s16  }
0x11: {  	v0 =	vlaneseq.u32;
	s11 =	sadd.s32 $0xC38, s16;
	s12 =	sadd.s32 $0x1254, s16;
	s13 =	sadd.s32 $0x1870, s16  }
0x12: {  	v1 =	vimm.f32 $0.0e+00;
	v2 =	vadd.s32 $0x2FE, v0;
	s14 =	sadd.s32 $0x1E8C, s16;
	s15 =	sadd.s32 $0x24A8, s16;
	s16 =	sadd.s32 $0x2AC4, s16  }
.LBB2_1:
0x13: {  	s24 =	simm.s32 $0x0  }
.LBB2_2:
0x14: {  	p1 =	sne.s32 s24, $0x61BC0  }
.Ltmp0:
0x15: {  	_ = 	snop;
	(pc) =	sbr.rel @p1 .LBB2_2-.Ltmp0, $3  }
0x16: {  	_ =	sdelay $0x1  }
0x17: {  	s25 =	sshra.s32 s24, $0x2  }
0x18: {  	s24 =	sadd.s32 $0x40, s24;
	[tilespmem:s25+$0x0] =	vst v1  }
0x19: {  	s25 =	simm.s32 $0x0  }
0x1a: {  	s24 =	simm.s32 $0x1B5E0;
	v3 =	vor.u32 s25, v0  }
0x1b: {  	s25 =	simm.s32 $0x10;
	[tilespmem:s24+$0x0] =	vst v3  }
.LBB2_4:
0x1c: {  	p1 =	sne.s32 s25, $0x2F0  }
.Ltmp1:
0x1d: {  	_ = 	snop;
	(pc) =	sbr.rel @p1 .LBB2_4-.Ltmp1, $3  }
0x1e: {  	_ =	sdelay $0x1  }
0x1f: {  	v3 =	vor.u32 s25, v0;
	s25 =	sadd.s32 $0x10, s25;
	s24 =	sadd.s32 $0x10, s24  }
0x20: {  	[tilespmem:s24+$0x0] =	vst v3  }
0x21: {  	[tilespmem:$0x1B8DE] =	vst v2;
	s24 =	simm.s32 $0x0;
	s25 =	simm.s32 $0x40;
	s26 =	simm.s32 $0x0  }
.LBB2_6:
0x22: {  	p1 =	sne.s32 s25, $0x6180;
	[tilespmem:s26+$0x1B8F0] =	vst v1;
	s26 =	smov.u32 s25;
	s25 =	sadd.s32 $0x40, s25  }
.Ltmp2:
0x23: {  	(pc) =	sbr.rel @p1 .LBB2_6-.Ltmp2, $2  }
0x24: {  	_ =	sdelay $0x2  }
0x25: {  	s26 =	sshra.s32 s26, $0x2  }
0x26: {  	[tilespmem:s26+$0x1B8F0] =	vst v1  }
.LBB2_8:
0x27: {  	s25 =	smul.u32 $0xFA0, s24;
	_ =	sdelay $0x1  }
0x28: {  	s25 =	sadd.s32 s7, s25  }
0x29: {  	s25 =	sshrl.u32 s25, $0x3  }
0x2a: {  	s28 =	simm.s32 $0x0;
	s26 =	sadd.s32 s5, s25  }
0x2b: {  	[tilespmem:s18], [sflag:$0x1] =	stream.linear.gather [hbm4b:s26+s28], $0xFA0, $0x38;
	[tilespmem:$0x1D470] =	vst v63  }
0x2c: {  	_ =	swait.ge [sflag:s19], $0xFA0  }
0x2d: {  	[sflag:s19] =	ssyncset.done $0x0  }
0x2e: {  	s29 =	sadd.s32 s6, s25;
	[sflag:s19] =	ssyncadd.s32 $0xFFFFF060  }
0x2f: {  	[tilespmem:s20], [sflag:$0x1] =	stream.linear.gather [hbm4b:s29+s28], $0xFA0, $0x38;
	[tilespmem:$0x1D470] =	vst v63  }
0x30: {  	_ =	swait.ge [sflag:s19], $0xFA0  }
0x31: {  	[sflag:s19] =	ssyncset.done $0x0  }
0x32: {  	s25 =	sadd.s32 s1, s25;
	[sflag:s19] =	ssyncadd.s32 $0xFFFFF060  }
0x33: {  	[tilespmem:s21], [sflag:$0x1] =	stream.linear.gather [hbm4b:s25+s28], $0xFA0, $0x38;
	[tilespmem:$0x1D470] =	vst v63  }
0x34: {  	_ =	swait.ge [sflag:s19], $0xFA0  }
0x35: {  	[sflag:s19] =	ssyncset.done $0x0  }
0x36: {  	s26 =	simm.s32 $0x0;
	s25 =	simm.s32 $0x40;
	[sflag:s19] =	ssyncadd.s32 $0xFFFFF060  }
.LBB2_9:
0x37: {  	p1 =	sne.s32 s25, $0x3E40;
	v3 =	vld [tilespmem:s26+$0x18700]  }
0x38: {  	v4 =	vld [tilespmem:s26+$0x196A0]  }
0x39: {  	v5 =	vld [tilespmem:s26+$0x1A640];
	_ =	sdelay $0x1  }
.Ltmp3:
0x3a: {  	(pc) =	sbr.rel @p1 .LBB2_9-.Ltmp3, $4  }
0x3b: {  	_ = 	snop  }
0x3c: {  	vm0 =	veq.s32 v3, v4  }
0x3d: {  	v4 =	vsel vm0, $0x0, v5  }
0x3e: {  	s26 =	sshra.s32 s25, $0x2;
	s25 =	sadd.s32 $0x40, s25;
	[tilespmem:v3+s4+$0x0] =	vst.idx.add.f32.msk $0xffff, v4  }
0x3f: {  	v3 =	vld [tilespmem:s26+$0x18700]  }
0x40: {  	v4 =	vld [tilespmem:s26+$0x196A0]  }
0x41: {  	v5 =	vld [tilespmem:s26+$0x1A640];
	s24 =	sadd.s32 $0x1, s24  }
0x42: {  	p1 =	sne.s32 s24, $0x19  }
.Ltmp4:
0x43: {  	_ = 	snop;
	(pc) =	sbr.rel @p1 .LBB2_8-.Ltmp4, $4  }
0x44: {  	_ = 	snop  }
0x45: {  	vm0 =	veq.s32 v3, v4  }
0x46: {  	v4 =	vsel vm0, $0x0, v5  }
0x47: {  	[tilespmem:v3+s4+$0x0] =	vst.idx.add.f32.msk $0xffff, v4  }
0x48: {  	[bflag:$0x0] =	sbarrier.arrive @p0 $0xFFFF  }
0x49: {  	s24 =	simm.s32 @p0 $0x30E;
	s25 =	simm.s32 @p0 $0x1B5E0;
	s26 =	simm.s32 @p0 $0x0  }
0x4a: {  	[spmem:s2] =	stream.indirect.scatter.add.f32 @p0 [tilespmem:s26], [sflag:$0x1], $0x10, s25, s24, $0xb8;
	[tilespmem:$0x1D470] =	vst v63  }
0x4b: {  	s24 =	simm.s32 @p0 $0x1  }
0x4c: {  	_ =	swait.ge @p0 [sflag:s24], $0x30E0  }
0x4d: {  	[sflag:s24] =	ssyncset.done @p0 $0x0  }
0x4e: {  	[sflag:s24] =	ssyncadd.s32 @p0 $0xFFFFCF20  }
0x4f: {  	[bflag:$0x0] =	sbarrier.arrive @p0 $0xFFFF  }
0x50: {  	s25 =	simm.s32 @!p0 $0x1B8F0;
	s24 =	simm.s32 @!p0 $0x1;
	[bflag:$0x0] =	sbarrier.arrive @p0 $0xFFFF  }
0x51: {  	[spmem:s8] =	stream.linear.scatter @!p0 [tilespmem:s25], [sflag:$0x1], $0x1870, $0x38;
	[tilespmem:$0x1D470] =	vst v63  }
0x52: {  	_ =	swait.ge @!p0 [sflag:s24], $0x1870  }
0x53: {  	[sflag:s24] =	ssyncset.done @!p0 $0x0  }
0x54: {  	s28 =	simm.s32 @!p0 $0x1B5E0;
	[sflag:s24] =	ssyncadd.s32 @!p0 $0xFFFFE790  }
0x55: {  	s29 =	simm.s32 @!p0 $0x0;
	s26 =	simm.s32 @!p0 $0x30E;
	[bflag:$0x0] =	sbarrier.arrive @!p0 $0xFFFF  }
0x56: {  	[spmem:s2] =	stream.indirect.scatter.add.f32 @!p0 [tilespmem:s29], [sflag:$0x1], $0x10, s28, s26, $0xb8;
	[tilespmem:$0x1D470] =	vst v63  }
0x57: {  	_ =	swait.ge @!p0 [sflag:s24], $0x30E0  }
0x58: {  	[sflag:s24] =	ssyncset.done @!p0 $0x0  }
0x59: {  	s26 =	sshll.u32 @!p0 s3, $0x6;
	[sflag:s24] =	ssyncadd.s32 @!p0 $0xFFFFCF20  }
0x5a: {  	s28 =	sshrl.u32 @!p0 s8, $0x3;
	s26 =	sor.u32 @!p0 $0x1C01, s26;
	[bflag:$0x0] =	sbarrier.arrive @!p0 $0xFFFF  }
0x5b: {  	[hbm:s9], [sflag:s26] =	dma.local @!p0 [spmem:s28], $0x30E  }
0x5c: {  	_ =	swait.ge @!p0 [sflag:s24], $0x30E  }
0x5d: {  	[sflag:s24] =	ssyncset.done @!p0 $0x0  }
0x5e: {  	[sflag:s24] =	ssyncadd.s32 @!p0 $0xFFFFFCF2  }
0x5f: {  	[bflag:$0x0] =	sbarrier.arrive @!p0 $0xFFFF  }
0x60: {  	[spmem:s8] =	stream.linear.scatter @!p0 [tilespmem:s25], [sflag:$0x1], $0x1870, $0x38;
	[tilespmem:$0x1D470] =	vst v63  }
0x61: {  	_ =	swait.ge @!p0 [sflag:s24], $0x1870  }
0x62: {  	[sflag:s24] =	ssyncset.done @!p0 $0x0  }
0x63: {  	[sflag:s24] =	ssyncadd.s32 @!p0 $0xFFFFE790  }
0x64: {  	s29 =	simm.s32 $0x30E0;
	[bflag:$0x0] =	sbarrier.arrive $0xFFFF  }
0x65: {  	[spmem:s2] =	stream.indirect.scatter.add.f32 [tilespmem:s29], [sflag:$0x1], $0x10, s23, s22, $0xb8;
	[tilespmem:$0x1D470] =	vst v63  }
0x66: {  	_ =	swait.ge [sflag:s19], $0x30E0  }
0x67: {  	[sflag:s19] =	ssyncset.done $0x0  }
0x68: {  	[sflag:s19] =	ssyncadd.s32 $0xFFFFCF20  }
0x69: {  	[bflag:$0x0] =	sbarrier.arrive $0xFFFF  }
0x6a: {  	[bflag:$0x0] =	sbarrier.arrive @p0 $0xFFFF  }
0x6b: {  	[hbm:s10], [sflag:s26] =	dma.local @!p0 [spmem:s28], $0x30E  }
0x6c: {  	_ =	swait.ge @!p0 [sflag:s24], $0x30E  }
0x6d: {  	[sflag:s24] =	ssyncset.done @!p0 $0x0  }
0x6e: {  	[sflag:s24] =	ssyncadd.s32 @!p0 $0xFFFFFCF2  }
0x6f: {  	[bflag:$0x0] =	sbarrier.arrive @!p0 $0xFFFF  }
0x70: {  	[spmem:s8] =	stream.linear.scatter @!p0 [tilespmem:s25], [sflag:$0x1], $0x1870, $0x38;
	[tilespmem:$0x1D470] =	vst v63  }
0x71: {  	_ =	swait.ge @!p0 [sflag:s24], $0x1870  }
0x72: {  	[sflag:s24] =	ssyncset.done @!p0 $0x0  }
0x73: {  	[sflag:s24] =	ssyncadd.s32 @!p0 $0xFFFFE790  }
0x74: {  	s29 =	simm.s32 $0x61C0;
	[bflag:$0x0] =	sbarrier.arrive $0xFFFF  }
0x75: {  	[spmem:s2] =	stream.indirect.scatter.add.f32 [tilespmem:s29], [sflag:$0x1], $0x10, s23, s22, $0xb8;
	[tilespmem:$0x1D470] =	vst v63  }
0x76: {  	_ =	swait.ge [sflag:s19], $0x30E0  }
0x77: {  	[sflag:s19] =	ssyncset.done $0x0  }
0x78: {  	[sflag:s19] =	ssyncadd.s32 $0xFFFFCF20  }
0x79: {  	[bflag:$0x0] =	sbarrier.arrive $0xFFFF  }
0x7a: {  	[bflag:$0x0] =	sbarrier.arrive @p0 $0xFFFF  }
0x7b: {  	[hbm:s11], [sflag:s26] =	dma.local @!p0 [spmem:s28], $0x30E  }
0x7c: {  	_ =	swait.ge @!p0 [sflag:s24], $0x30E  }
0x7d: {  	[sflag:s24] =	ssyncset.done @!p0 $0x0  }
0x7e: {  	[sflag:s24] =	ssyncadd.s32 @!p0 $0xFFFFFCF2  }
0x7f: {  	[bflag:$0x0] =	sbarrier.arrive @!p0 $0xFFFF  }
0x80: {  	[spmem:s8] =	stream.linear.scatter @!p0 [tilespmem:s25], [sflag:$0x1], $0x1870, $0x38;
	[tilespmem:$0x1D470] =	vst v63  }
0x81: {  	_ =	swait.ge @!p0 [sflag:s24], $0x1870  }
0x82: {  	[sflag:s24] =	ssyncset.done @!p0 $0x0  }
0x83: {  	[sflag:s24] =	ssyncadd.s32 @!p0 $0xFFFFE790  }
0x84: {  	s29 =	simm.s32 $0x92A0;
	[bflag:$0x0] =	sbarrier.arrive $0xFFFF  }
0x85: {  	[spmem:s2] =	stream.indirect.scatter.add.f32 [tilespmem:s29], [sflag:$0x1], $0x10, s23, s22, $0xb8;
	[tilespmem:$0x1D470] =	vst v63  }
0x86: {  	_ =	swait.ge [sflag:s19], $0x30E0  }
0x87: {  	[sflag:s19] =	ssyncset.done $0x0  }
0x88: {  	[sflag:s19] =	ssyncadd.s32 $0xFFFFCF20  }
0x89: {  	[bflag:$0x0] =	sbarrier.arrive $0xFFFF  }
0x8a: {  	[bflag:$0x0] =	sbarrier.arrive @p0 $0xFFFF  }
0x8b: {  	[hbm:s12], [sflag:s26] =	dma.local @!p0 [spmem:s28], $0x30E  }
0x8c: {  	_ =	swait.ge @!p0 [sflag:s24], $0x30E  }
0x8d: {  	[sflag:s24] =	ssyncset.done @!p0 $0x0  }
0x8e: {  	[sflag:s24] =	ssyncadd.s32 @!p0 $0xFFFFFCF2  }
0x8f: {  	[bflag:$0x0] =	sbarrier.arrive @!p0 $0xFFFF  }
0x90: {  	[spmem:s8] =	stream.linear.scatter @!p0 [tilespmem:s25], [sflag:$0x1], $0x1870, $0x38;
	[tilespmem:$0x1D470] =	vst v63  }
0x91: {  	_ =	swait.ge @!p0 [sflag:s24], $0x1870  }
0x92: {  	[sflag:s24] =	ssyncset.done @!p0 $0x0  }
0x93: {  	[sflag:s24] =	ssyncadd.s32 @!p0 $0xFFFFE790  }
0x94: {  	s29 =	simm.s32 $0xC380;
	[bflag:$0x0] =	sbarrier.arrive $0xFFFF  }
0x95: {  	[spmem:s2] =	stream.indirect.scatter.add.f32 [tilespmem:s29], [sflag:$0x1], $0x10, s23, s22, $0xb8;
	[tilespmem:$0x1D470] =	vst v63  }
0x96: {  	_ =	swait.ge [sflag:s19], $0x30E0  }
0x97: {  	[sflag:s19] =	ssyncset.done $0x0  }
0x98: {  	[sflag:s19] =	ssyncadd.s32 $0xFFFFCF20  }
0x99: {  	[bflag:$0x0] =	sbarrier.arrive $0xFFFF  }
0x9a: {  	[bflag:$0x0] =	sbarrier.arrive @p0 $0xFFFF  }
0x9b: {  	[hbm:s13], [sflag:s26] =	dma.local @!p0 [spmem:s28], $0x30E  }
0x9c: {  	_ =	swait.ge @!p0 [sflag:s24], $0x30E  }
0x9d: {  	[sflag:s24] =	ssyncset.done @!p0 $0x0  }
0x9e: {  	[sflag:s24] =	ssyncadd.s32 @!p0 $0xFFFFFCF2  }
0x9f: {  	[bflag:$0x0] =	sbarrier.arrive @!p0 $0xFFFF  }
0xa0: {  	[spmem:s8] =	stream.linear.scatter @!p0 [tilespmem:s25], [sflag:$0x1], $0x1870, $0x38;
	[tilespmem:$0x1D470] =	vst v63  }
0xa1: {  	_ =	swait.ge @!p0 [sflag:s24], $0x1870  }
0xa2: {  	[sflag:s24] =	ssyncset.done @!p0 $0x0  }
0xa3: {  	[sflag:s24] =	ssyncadd.s32 @!p0 $0xFFFFE790  }
0xa4: {  	s29 =	simm.s32 $0xF460;
	[bflag:$0x0] =	sbarrier.arrive $0xFFFF  }
0xa5: {  	[spmem:s2] =	stream.indirect.scatter.add.f32 [tilespmem:s29], [sflag:$0x1], $0x10, s23, s22, $0xb8;
	[tilespmem:$0x1D470] =	vst v63  }
0xa6: {  	_ =	swait.ge [sflag:s19], $0x30E0  }
0xa7: {  	[sflag:s19] =	ssyncset.done $0x0  }
0xa8: {  	[sflag:s19] =	ssyncadd.s32 $0xFFFFCF20  }
0xa9: {  	[bflag:$0x0] =	sbarrier.arrive $0xFFFF  }
0xaa: {  	[bflag:$0x0] =	sbarrier.arrive @p0 $0xFFFF  }
0xab: {  	[hbm:s14], [sflag:s26] =	dma.local @!p0 [spmem:s28], $0x30E  }
0xac: {  	_ =	swait.ge @!p0 [sflag:s24], $0x30E  }
0xad: {  	[sflag:s24] =	ssyncset.done @!p0 $0x0  }
0xae: {  	[sflag:s24] =	ssyncadd.s32 @!p0 $0xFFFFFCF2  }
0xaf: {  	[bflag:$0x0] =	sbarrier.arrive @!p0 $0xFFFF  }
0xb0: {  	[spmem:s8] =	stream.linear.scatter @!p0 [tilespmem:s25], [sflag:$0x1], $0x1870, $0x38;
	[tilespmem:$0x1D470] =	vst v63  }
0xb1: {  	_ =	swait.ge @!p0 [sflag:s24], $0x1870  }
0xb2: {  	[sflag:s24] =	ssyncset.done @!p0 $0x0  }
0xb3: {  	[sflag:s24] =	ssyncadd.s32 @!p0 $0xFFFFE790  }
0xb4: {  	[bflag:$0x0] =	sbarrier.arrive $0xFFFF  }
0xb5: {  	[spmem:s2] =	stream.indirect.scatter.add.f32 [tilespmem:s30], [sflag:$0x1], $0x10, s23, s22, $0xb8;
	[tilespmem:$0x1D470] =	vst v63  }
0xb6: {  	_ =	swait.ge [sflag:s19], $0x30E0  }
0xb7: {  	[sflag:s19] =	ssyncset.done $0x0  }
0xb8: {  	[sflag:s19] =	ssyncadd.s32 $0xFFFFCF20  }
0xb9: {  	[bflag:$0x0] =	sbarrier.arrive $0xFFFF  }
0xba: {  	[bflag:$0x0] =	sbarrier.arrive @p0 $0xFFFF  }
0xbb: {  	[hbm:s15], [sflag:s26] =	dma.local @!p0 [spmem:s28], $0x30E  }
0xbc: {  	_ =	swait.ge @!p0 [sflag:s24], $0x30E  }
0xbd: {  	[sflag:s24] =	ssyncset.done @!p0 $0x0  }
0xbe: {  	[sflag:s24] =	ssyncadd.s32 @!p0 $0xFFFFFCF2  }
0xbf: {  	[bflag:$0x0] =	sbarrier.arrive @!p0 $0xFFFF  }
0xc0: {  	[spmem:s8] =	stream.linear.scatter @!p0 [tilespmem:s25], [sflag:$0x1], $0x1870, $0x38;
	[tilespmem:$0x1D470] =	vst v63  }
0xc1: {  	_ =	swait.ge @!p0 [sflag:s24], $0x1870  }
0xc2: {  	[sflag:s24] =	ssyncset.done @!p0 $0x0  }
0xc3: {  	[sflag:s24] =	ssyncadd.s32 @!p0 $0xFFFFE790  }
0xc4: {  	[bflag:$0x0] =	sbarrier.arrive $0xFFFF  }
0xc5: {  	[spmem:s2] =	stream.indirect.scatter.add.f32 [tilespmem:s31], [sflag:$0x1], $0x10, s23, s22, $0xb8;
	[tilespmem:$0x1D470] =	vst v63  }
0xc6: {  	_ =	swait.ge [sflag:s19], $0x30E0  }
0xc7: {  	[sflag:s19] =	ssyncset.done $0x0  }
0xc8: {  	s0 =	sadd.s32 $0x1, s0;
	[sflag:s19] =	ssyncadd.s32 $0xFFFFCF20  }
0xc9: {  	p1 =	sne.s32 s0, s17;
	[bflag:$0x0] =	sbarrier.arrive $0xFFFF  }
0xca: {  	[hbm:s16], [sflag:s26] =	dma.local @!p0 [spmem:s28], $0x30E  }
.Ltmp5:
0xcb: {  	_ =	swait.ge @!p0 [sflag:s24], $0x30E;
	(pc) =	sbr.rel @p1 .LBB2_1-.Ltmp5, $3  }
0xcc: {  	[sflag:s24] =	ssyncset.done @!p0 $0x0  }
0xcd: {  	[sflag:s24] =	ssyncadd.s32 @!p0 $0xFFFFFCF2  }
0xce: {  	[bflag:$0x0] =	sbarrier.arrive $0xFFFF;
	_ =	sdelay $0x1  }
0xcf: {  	_ =	sfence.sel $0x180000  }
0xd0: {  	[bflag:$0x0] =	sbarrier.arrive $0xFFFF  }
0xd1: {  	_ =	strace $0x90000047  }
0xd2: {  	[bflag:$0x2] =	sbarrier.arrive $0xFFFF  }
0xd3: {  	p0 =	sne.s32 s3, $0x0;
	s0 =	rddreg [dreg:$0x3]  }
0xd4: {  	s0 =	sadd.s32 @!p0 $0x100000, s0  }
0xd5: {  	[sflag:s0] =	ssyncadd.tile.s32 @!p0 $0x1;
	_ =	shalt  }
.Lfunc_end2:
_tile_overlayer_lowered:
.L_overlay_start_2:
0xd6: {  	(tag) =	ssettag $0x2  }
0xd7: {  	s0 =	rddreg [dreg:$0x0];
	s2 =	stileid.u32  }
0xd8: {  	s1 =	rddreg [dreg:$0x1];
	p0 =	sne.s32 s2, $0x0  }
0xd9: {  	s3 =	rddreg [dreg:$0x2];
	[bflag:$0x3] =	sbarrier.arrive $0xFFFF;
	s2 =	simm.s32 @!p0 $0x1C01  }
0xda: {  	[timem:s3], [sflag:s2] =	dma.local @!p0 [hbm:s0], s1  }
0xdb: {  	s0 =	simm.s32 @!p0 $0x1  }
0xdc: {  	_ =	swait.ge @!p0 [sflag:s0], s1  }
0xdd: {  	s1 =	ssub.s32 @!p0 $0x0, s1;
	[sflag:s0] =	ssyncset.done @!p0 $0x0  }
0xde: {  	[sflag:s0] =	ssyncadd.s32 @!p0 s1  }
0xdf: {  	[bflag:$0x3] =	sbarrier.arrive $0xFFFF  }
0xe0: {  	_ =	shalt  }

</sc_bundles>
